<compile_context>
chip_gen: v7x
topology: tpu7x:2x2x1
jax: 0.10.2.dev20260603
libtpu: 0.0.44.dev20260713+nightly
codegen_flags: <defaults>
</compile_context>

<pallas_src>
import functools

import jax
import jax.numpy as jnp
from jax import lax
from jax.experimental import pallas as pl
from jax.experimental.pallas import tpu as pltpu
from jax.experimental.pallas import tpu_sc as plsc

N_NODES = 50000
N_EDGES = 800000
LATENT = 64

_NC = 2
_NS = 16
_NW = _NC * _NS

_EP = 819200

_GW = 128
_GROWS = _EP // _GW
_GROWS_W = _GROWS // _NW
_GCH = 8
_GH = 2
_TW = 2 * LATENT


def _mesh():
  return plsc.VectorSubcoreMesh(core_axis_name="c", subcore_axis_name="s",
                                num_cores=_NC, num_subcores=_NS)


def _gather2(table, dsti, srci):

  @functools.partial(
      pl.kernel,
      out_type=(jax.ShapeDtypeStruct((_EP, _TW), jnp.float32),
                jax.ShapeDtypeStruct((_EP, _TW), jnp.float32)),
      mesh=_mesh(),
      scratch_types=[
          pltpu.VMEM((_GCH, _GW), jnp.int32),
          pltpu.VMEM((_GCH, _GW), jnp.int32),
          pltpu.VMEM((_GH * _GW, _TW), jnp.float32),
          pltpu.VMEM((_GH * _GW, _TW), jnp.float32),
          pltpu.SemaphoreType.DMA,
          pltpu.SemaphoreType.DMA,
      ],
  )
  def k(table_h, dsti_h, srci_h, outd_h, outs_h, idxd, idxs, rowsd, rowss,
        semd, sems):
    wid = lax.axis_index("s") * _NC + lax.axis_index("c")
    row0 = wid * _GROWS_W

    def body(i, carry):
      r = row0 + i * _GCH
      pltpu.sync_copy(dsti_h.at[pl.ds(r, _GCH)], idxd)
      pltpu.sync_copy(srci_h.at[pl.ds(r, _GCH)], idxs)
      for h in range(_GCH // _GH):
        cps = []
        for j in range(_GH):
          row = h * _GH + j
          cps.append(pltpu.async_copy(
              table_h.at[idxd.at[row]], rowsd.at[pl.ds(j * _GW, _GW)], semd))
          cps.append(pltpu.async_copy(
              table_h.at[idxs.at[row]], rowss.at[pl.ds(j * _GW, _GW)], sems))
        for cp in cps:
          cp.wait()
        e0 = (r + h * _GH) * _GW
        pltpu.sync_copy(rowsd, outd_h.at[pl.ds(e0, _GH * _GW)])
        pltpu.sync_copy(rowss, outs_h.at[pl.ds(e0, _GH * _GW)])
      return carry

    lax.fori_loop(0, _GROWS_W // _GCH, body, 0)

  return k(table, dsti, srci)



def _fnet_tc(parts, p, residual=None, block=2000, logical=None):
  m = parts[0].shape[0]
  dims = [q.shape[1] for q in parts]
  n = len(parts)
  if logical is None:
    logical = dims
  w_in = p["in"]["W"]
  ws, off = [], 0
  for dd, lg in zip(dims, logical):
    w = w_in[off:off + lg]
    if dd > lg:
      w = jnp.concatenate([w, jnp.zeros((dd - lg, w.shape[1]), w.dtype)])
    ws.append(w)
    off += lg
  rb = p["res"][0]
  has_ln = "ln" in p
  out_dim = p["out"]["W"].shape[1]
  nres = 1 if residual is not None else 0

  def body(*refs):
    part_refs = refs[:n]
    pos = n
    res_ref = refs[pos] if nres else None
    pos += nres
    w_refs = refs[pos:pos + n]
    pos += n
    b_in, wr1, br1, wr2, br2, wo, bo = refs[pos:pos + 7]
    pos += 7
    if has_ln:
      g_ref, bl_ref = refs[pos:pos + 2]
    out_ref = refs[-1]

    dot = lambda a, b: jnp.dot(a, b, preferred_element_type=jnp.float32)
    acc = dot(part_refs[0][...], w_refs[0][...]) + b_in[...]
    for t in range(1, n):
      acc = acc + dot(part_refs[t][...], w_refs[t][...])
    h = jnp.maximum(acc, 0.0)
    h2 = jnp.maximum(dot(h, wr1[...]) + br1[...], 0.0)
    h2 = jnp.maximum(dot(h2, wr2[...]) + br2[...], 0.0)
    h = h + h2
    o = dot(h, wo[...]) + bo[...]
    if has_ln:
      mu = jnp.mean(o, axis=1, keepdims=True)
      var = jnp.mean((o - mu) * (o - mu), axis=1, keepdims=True)
      o = (o - mu) * lax.rsqrt(var + 1e-5) * g_ref[...] + bl_ref[...]
    if nres:
      o = res_ref[...] + o
    out_ref[...] = o

  row2 = lambda a: a.reshape(1, -1)
  weights = list(ws) + [row2(p["in"]["b"]),
                        rb["l1"]["W"], row2(rb["l1"]["b"]),
                        rb["l2"]["W"], row2(rb["l2"]["b"]),
                        p["out"]["W"], row2(p["out"]["b"])]
  if has_ln:
    weights += [row2(p["ln"]["g"]), row2(p["ln"]["b"])]

  in_specs = [pl.BlockSpec((block, dd), lambda i: (i, 0)) for dd in dims]
  if nres:
    in_specs.append(pl.BlockSpec((block, LATENT), lambda i: (i, 0)))
  for w in weights:
    in_specs.append(pl.BlockSpec(w.shape, lambda i: (0, 0)))

  args = list(parts) + ([residual] if nres else []) + weights
  return pl.pallas_call(
      body,
      grid=(m // block,),
      in_specs=in_specs,
      out_specs=pl.BlockSpec((block, out_dim), lambda i: (i, 0)),
      out_shape=jax.ShapeDtypeStruct((m, out_dim), jnp.float32),
  )(*args)


def kernel(x, edge_attr, params, edge_index):
  src = edge_index[0]
  dst = edge_index[1]
  pad = _EP - N_EDGES
  dst_g = jnp.concatenate([dst, jnp.zeros((pad,), jnp.int32)])
  src_g = jnp.concatenate([src, jnp.zeros((pad,), jnp.int32)])
  dsti_g = dst_g.reshape(_GROWS, _GW)
  srci_g = src_g.reshape(_GROWS, _GW)
  dsti_s = jnp.concatenate([dst, jnp.full((pad,), N_NODES, jnp.int32)])
  ea_p = jnp.concatenate([edge_attr,
                          jnp.zeros((pad, edge_attr.shape[1]), jnp.float32)])

  zcols = jnp.zeros((N_NODES, LATENT), jnp.float32)

  node_latents = _fnet_tc([x], params["node_enc"])
  edge_latents = _fnet_tc([ea_p], params["edge_enc"], block=1600)
  for lp in params["proc"]:
    table = jnp.concatenate([node_latents, zcols], axis=1)
    gd, gs = _gather2(table, dsti_g, srci_g)
    new_edge = _fnet_tc([gd, gs, edge_latents], lp["edge"],
                        residual=edge_latents, block=1600,
                        logical=[LATENT, LATENT, LATENT])
    agg = jax.ops.segment_sum(new_edge, dsti_s, num_segments=N_NODES)
    node_latents = _fnet_tc([node_latents, agg], lp["node"],
                            residual=node_latents)
    edge_latents = new_edge
  return _fnet_tc([node_latents], params["dec"])

# --- scband reference (transcript-rebuilt; emitter-appended) ---
"""Pipeline reference for scband-custom-graph-net-26439818674255 (READ-ONLY COPY).

The authoritative reference and input builder live on the scoring server;
editing this copy changes nothing except your own understanding.
"""

import jax, jax.numpy as jnp
import numpy as np

N_NODES = 50000
N_EDGES = 800000
NODE_DIM = 16
EDGE_DIM = 8
LATENT = 64
OUT_DIM = 3
ENC_LAYERS = 1
PROC_LAYERS = 1
MP = 2


def _lin(key, fan_in, fan_out):
    k1, k2 = jax.random.split(key)
    s = 1.0 / np.sqrt(fan_in)
    return {"W": jax.random.uniform(k1, (fan_in, fan_out), jnp.float32, -s, s),
            "b": jax.random.uniform(k2, (fan_out,), jnp.float32, -s, s)}


def _fnet(key, in_dim, layers_count, out_dim, layer_norm):
    keys = jax.random.split(key, 2 * layers_count + 2)
    p = {"in": _lin(keys[0], in_dim, LATENT),
         "res": [{"l1": _lin(keys[1 + 2 * i], LATENT, LATENT),
                  "l2": _lin(keys[2 + 2 * i], LATENT, LATENT)} for i in range(layers_count)],
         "out": _lin(keys[-1], LATENT, out_dim)}
    if layer_norm:
        p["ln"] = {"g": jnp.ones((out_dim,), jnp.float32), "b": jnp.zeros((out_dim,), jnp.float32)}
    return p


def _apply_fnet(p, x):
    # BasicBlock(in->latent, relu)
    h = jax.nn.relu(x @ p["in"]["W"] + p["in"]["b"])
    # ResidualBlocks with skip connections (dropout disabled / eval mode)
    for rb in p["res"]:
        h0 = h
        h = jax.nn.relu(h @ rb["l1"]["W"] + rb["l1"]["b"])
        h = jax.nn.relu(h @ rb["l2"]["W"] + rb["l2"]["b"])
        h = h0 + h
    # final BasicBlock (no activation)
    out = h @ p["out"]["W"] + p["out"]["b"]
    if "ln" in p:
        mu = jnp.mean(out, axis=-1, keepdims=True)
        var = jnp.var(out, axis=-1, keepdims=True)
        out = (out - mu) / jnp.sqrt(var + 1e-5) * p["ln"]["g"] + p["ln"]["b"]
    return out


def _forward(x, edge_attr, params, edge_index):
    src = edge_index[0]  # x_j (source / message sender)
    dst = edge_index[1]  # x_i (target / aggregation index), PyG default flow
    node_latents = _apply_fnet(params["node_enc"], x)
    edge_latents = _apply_fnet(params["edge_enc"], edge_attr)
    for lp in params["proc"]:
        # message: hstack(node_latents_i, node_latents_j, edge_latents)
        edge_inputs = jnp.concatenate([jnp.take(node_latents, dst, axis=0),
                                       jnp.take(node_latents, src, axis=0),
                                       edge_latents], axis=1)
        new_edge_latents = edge_latents + _apply_fnet(lp["edge"], edge_inputs)
        # attention_heads_count is None -> alpha = 1.0
        weighted_edge_latents = new_edge_latents
        # aggregate: scatter_sum over dst index
        aggregated = jax.ops.segment_sum(weighted_edge_latents, dst, num_segments=node_latents.shape[0])
        # update
        node_inputs = jnp.concatenate([node_latents, aggregated], axis=1)
        node_latents = node_latents + _apply_fnet(lp["node"], node_inputs)
        edge_latents = new_edge_latents
    return _apply_fnet(params["dec"], node_latents)


def setup_inputs(seed: int = 0):
    key = jax.random.key(seed)
    ks = jax.random.split(key, 8)
    x = jax.random.normal(ks[0], (N_NODES, NODE_DIM), jnp.float32)
    edge_attr = jax.random.normal(ks[1], (N_EDGES, EDGE_DIM), jnp.float32)
    edge_index = jax.random.randint(ks[2], (2, N_EDGES), 0, N_NODES, jnp.int32)
    params = {
        "node_enc": _fnet(ks[3], NODE_DIM, ENC_LAYERS, LATENT, True),
        "edge_enc": _fnet(ks[4], EDGE_DIM, ENC_LAYERS, LATENT, True),
        "proc": [{"edge": _fnet(jax.random.fold_in(ks[5], i), 3 * LATENT, PROC_LAYERS, LATENT, True),
                  "node": _fnet(jax.random.fold_in(ks[6], i), 2 * LATENT, PROC_LAYERS, LATENT, True)}
                 for i in range(MP)],
        "dec": _fnet(ks[7], LATENT, 1, OUT_DIM, False),
    }
    return {"x": x, "edge_attr": edge_attr, "params": params, "edge_index": edge_index}


def reference(x, edge_attr, params, edge_index):
    return _forward(x, edge_attr, params, edge_index)

if __name__ == "__main__":
    import jax
    _d = setup_inputs()
    print(jax.jit(kernel)(*tuple(_d.values())))

</pallas_src>

<mosaic_0001>
#map = affine_map<(d0, d1) -> (0, 0)>
module attributes {stable_mosaic.version = 14 : i64} {
  func.func @k(%arg0: i32, %arg1: i32, %arg2: memref<50000x128xf32, #tpu.memory_space<hbm>>, %arg3: memref<6400x128xi32, #tpu.memory_space<hbm>>, %arg4: memref<6400x128xi32, #tpu.memory_space<hbm>>, %arg5: memref<819200x128xf32, #tpu.memory_space<hbm>>, %arg6: memref<819200x128xf32, #tpu.memory_space<hbm>>, %arg7: memref<8x128xi32, #tpu.memory_space<vmem>>, %arg8: memref<8x128xi32, #tpu.memory_space<vmem>>, %arg9: memref<256x128xf32, #tpu.memory_space<vmem>>, %arg10: memref<256x128xf32, #tpu.memory_space<vmem>>, %arg11: memref<!tpu.dma_semaphore, #tpu.memory_space<semaphore_mem>>, %arg12: memref<!tpu.dma_semaphore, #tpu.memory_space<semaphore_mem>>) attributes {dimension_semantics = [#tpu.dimension_semantics<core_parallel>, #tpu.dimension_semantics<subcore_parallel>], iteration_bounds = array<i64: 2, 16>, scalar_prefetch = 0 : i64, scratch_operands = 6 : i64, tpu.core_type = #tpu.core_type<sc_vector_subcore>, window_params = [{transform_indices = #map}, {transform_indices = #map}, {transform_indices = #map}, {transform_indices = #map}, {transform_indices = #map}]} {
    %mul3A = arith.constant 2 : i32
    %mul3A_0 = arith.muli %arg1, %mul3A : i32
    %add3A = arith.addi %mul3A_0, %arg0 : i32
    %mul3A_1 = arith.constant 200 : i32
    %mul3A_2 = arith.muli %add3A, %mul3A_1 : i32
    %scan3A = arith.constant 0 : i32
    %scan3A_3 = arith.constant 0 : i32
    %scan3A_4 = arith.constant 25 : i32
    %scan3A_5 = arith.addi %scan3A_3, %scan3A_4 : i32
    %scan3A_6 = arith.constant 1 : i32
    scf.for %scan3A_8 = %scan3A_3 to %scan3A_5 step %scan3A_6  : i32 {
      %mul3A_9 = arith.constant 8 : i32
      %mul3A_10 = arith.muli %scan3A_8, %mul3A_9 : i32
      %add3A_11 = arith.addi %mul3A_2, %mul3A_10 : i32
      "tpu.region"() ({
        %run_scoped3A = tpu.sem_alloc : memref<!tpu.dma_semaphore, #tpu.memory_space<semaphore_mem>>
        %dma_start3A_346 = arith.constant 0 : i32
        %dma_start3A_347 = tpu.memref_slice %arg3[%add3A_11, %dma_start3A_346] : memref<6400x128xi32, #tpu.memory_space<hbm>> -> memref<8x128xi32, #tpu.memory_space<hbm>>
        %dma_start3A_348 = arith.constant 0 : i32
        %dma_start3A_349 = tpu.memref_slice %arg3[%add3A_11, %dma_start3A_348] : memref<6400x128xi32, #tpu.memory_space<hbm>> -> memref<8x128xi32, #tpu.memory_space<hbm>>
        tpu.enqueue_dma source(%dma_start3A_349 : memref<8x128xi32, #tpu.memory_space<hbm>>) target(%arg7 : memref<8x128xi32, #tpu.memory_space<vmem>>) target_semaphore(%run_scoped3A : memref<!tpu.dma_semaphore, #tpu.memory_space<semaphore_mem>>)
        %dma_wait3A_350 = arith.constant 0 : i32
        %dma_wait3A_351 = tpu.memref_slice %arg3[%add3A_11, %dma_wait3A_350] : memref<6400x128xi32, #tpu.memory_space<hbm>> -> memref<8x128xi32, #tpu.memory_space<hbm>>
        %dma_wait3A_352 = arith.constant 0 : i32
        %dma_wait3A_353 = tpu.memref_slice %arg3[%add3A_11, %dma_wait3A_352] : memref<6400x128xi32, #tpu.memory_space<hbm>> -> memref<8x128xi32, #tpu.memory_space<hbm>>
        tpu.wait_dma2 semaphore(%run_scoped3A : memref<!tpu.dma_semaphore, #tpu.memory_space<semaphore_mem>>) src(%dma_wait3A_353 : memref<8x128xi32, #tpu.memory_space<hbm>>) dst(%arg7 : memref<8x128xi32, #tpu.memory_space<vmem>>)
        tpu.yield
      }) : () -> ()
      "tpu.region"() ({
        %run_scoped3A = tpu.sem_alloc : memref<!tpu.dma_semaphore, #tpu.memory_space<semaphore_mem>>
        %dma_start3A_346 = arith.constant 0 : i32
        %dma_start3A_347 = tpu.memref_slice %arg4[%add3A_11, %dma_start3A_346] : memref<6400x128xi32, #tpu.memory_space<hbm>> -> memref<8x128xi32, #tpu.memory_space<hbm>>
        %dma_start3A_348 = arith.constant 0 : i32
        %dma_start3A_349 = tpu.memref_slice %arg4[%add3A_11, %dma_start3A_348] : memref<6400x128xi32, #tpu.memory_space<hbm>> -> memref<8x128xi32, #tpu.memory_space<hbm>>
        tpu.enqueue_dma source(%dma_start3A_349 : memref<8x128xi32, #tpu.memory_space<hbm>>) target(%arg8 : memref<8x128xi32, #tpu.memory_space<vmem>>) target_semaphore(%run_scoped3A : memref<!tpu.dma_semaphore, #tpu.memory_space<semaphore_mem>>)
        %dma_wait3A_350 = arith.constant 0 : i32
        %dma_wait3A_351 = tpu.memref_slice %arg4[%add3A_11, %dma_wait3A_350] : memref<6400x128xi32, #tpu.memory_space<hbm>> -> memref<8x128xi32, #tpu.memory_space<hbm>>
        %dma_wait3A_352 = arith.constant 0 : i32
        %dma_wait3A_353 = tpu.memref_slice %arg4[%add3A_11, %dma_wait3A_352] : memref<6400x128xi32, #tpu.memory_space<hbm>> -> memref<8x128xi32, #tpu.memory_space<hbm>>
        tpu.wait_dma2 semaphore(%run_scoped3A : memref<!tpu.dma_semaphore, #tpu.memory_space<semaphore_mem>>) src(%dma_wait3A_353 : memref<8x128xi32, #tpu.memory_space<hbm>>) dst(%arg8 : memref<8x128xi32, #tpu.memory_space<vmem>>)
        tpu.yield
      }) : () -> ()
      %dma_start3A = arith.constant 0 : i32
      %dma_start3A_12 = arith.constant 0 : i32
      %dma_start3A_13 = arith.constant 0 : i32
      %dma_start3A_14 = tpu.memref_slice %arg9[%dma_start3A_12, %dma_start3A_13] : memref<256x128xf32, #tpu.memory_space<vmem>> -> memref<128x128xf32, #tpu.memory_space<vmem>>
      %dma_start3A_15 = arith.constant 0 : i32
      %dma_start3A_16 = tpu.memref_slice %arg7[%dma_start3A, %dma_start3A_15] : memref<8x128xi32, #tpu.memory_space<vmem>> -> memref<1x128xi32, #tpu.memory_space<vmem>>
      %dma_start3A_17 = tpu.memref_squeeze %dma_start3A_16 : memref<1x128xi32, #tpu.memory_space<vmem>> -> memref<128xi32, #tpu.memory_space<vmem>>
      %dma_start3A_18 = arith.constant 0 : i32
      %dma_start3A_19 = arith.constant 0 : i32
      %dma_start3A_20 = tpu.memref_slice %arg2[%dma_start3A_18, %dma_start3A_19] : memref<50000x128xf32, #tpu.memory_space<hbm>> -> memref<50000x128xf32, #tpu.memory_space<hbm>>
      tpu.enqueue_indirect_dma source(%dma_start3A_20 : memref<50000x128xf32, #tpu.memory_space<hbm>>) target(%dma_start3A_14 : memref<128x128xf32, #tpu.memory_space<vmem>>) offsets(%dma_start3A_17 : memref<128xi32, #tpu.memory_space<vmem>>) semaphore(%arg11 : memref<!tpu.dma_semaphore, #tpu.memory_space<semaphore_mem>>)
      %dma_start3A_21 = arith.constant 0 : i32
      %dma_start3A_22 = arith.constant 0 : i32
      %dma_start3A_23 = arith.constant 0 : i32
      %dma_start3A_24 = tpu.memref_slice %arg10[%dma_start3A_22, %dma_start3A_23] : memref<256x128xf32, #tpu.memory_space<vmem>> -> memref<128x128xf32, #tpu.memory_space<vmem>>
      %dma_start3A_25 = arith.constant 0 : i32
      %dma_start3A_26 = tpu.memref_slice %arg8[%dma_start3A_21, %dma_start3A_25] : memref<8x128xi32, #tpu.memory_space<vmem>> -> memref<1x128xi32, #tpu.memory_space<vmem>>
      %dma_start3A_27 = tpu.memref_squeeze %dma_start3A_26 : memref<1x128xi32, #tpu.memory_space<vmem>> -> memref<128xi32, #tpu.memory_space<vmem>>
      %dma_start3A_28 = arith.constant 0 : i32
      %dma_start3A_29 = arith.constant 0 : i32
      %dma_start3A_30 = tpu.memref_slice %arg2[%dma_start3A_28, %dma_start3A_29] : memref<50000x128xf32, #tpu.memory_space<hbm>> -> memref<50000x128xf32, #tpu.memory_space<hbm>>
      tpu.enqueue_indirect_dma source(%dma_start3A_30 : memref<50000x128xf32, #tpu.memory_space<hbm>>) target(%dma_start3A_24 : memref<128x128xf32, #tpu.memory_space<vmem>>) offsets(%dma_start3A_27 : memref<128xi32, #tpu.memory_space<vmem>>) semaphore(%arg12 : memref<!tpu.dma_semaphore, #tpu.memory_space<semaphore_mem>>)
      %dma_start3A_31 = arith.constant 1 : i32
      %dma_start3A_32 = arith.constant 128 : i32
      %dma_start3A_33 = arith.constant 0 : i32
      %dma_start3A_34 = tpu.memref_slice %arg9[%dma_start3A_32, %dma_start3A_33] : memref<256x128xf32, #tpu.memory_space<vmem>> -> memref<128x128xf32, #tpu.memory_space<vmem>>
      %dma_start3A_35 = arith.constant 0 : i32
      %dma_start3A_36 = tpu.memref_slice %arg7[%dma_start3A_31, %dma_start3A_35] : memref<8x128xi32, #tpu.memory_space<vmem>> -> memref<1x128xi32, #tpu.memory_space<vmem>>
      %dma_start3A_37 = tpu.memref_squeeze %dma_start3A_36 : memref<1x128xi32, #tpu.memory_space<vmem>> -> memref<128xi32, #tpu.memory_space<vmem>>
      %dma_start3A_38 = arith.constant 0 : i32
      %dma_start3A_39 = arith.constant 0 : i32
      %dma_start3A_40 = tpu.memref_slice %arg2[%dma_start3A_38, %dma_start3A_39] : memref<50000x128xf32, #tpu.memory_space<hbm>> -> memref<50000x128xf32, #tpu.memory_space<hbm>>
      tpu.enqueue_indirect_dma source(%dma_start3A_40 : memref<50000x128xf32, #tpu.memory_space<hbm>>) target(%dma_start3A_34 : memref<128x128xf32, #tpu.memory_space<vmem>>) offsets(%dma_start3A_37 : memref<128xi32, #tpu.memory_space<vmem>>) semaphore(%arg11 : memref<!tpu.dma_semaphore, #tpu.memory_space<semaphore_mem>>)
      %dma_start3A_41 = arith.constant 1 : i32
      %dma_start3A_42 = arith.constant 128 : i32
      %dma_start3A_43 = arith.constant 0 : i32
      %dma_start3A_44 = tpu.memref_slice %arg10[%dma_start3A_42, %dma_start3A_43] : memref<256x128xf32, #tpu.memory_space<vmem>> -> memref<128x128xf32, #tpu.memory_space<vmem>>
      %dma_start3A_45 = arith.constant 0 : i32
      %dma_start3A_46 = tpu.memref_slice %arg8[%dma_start3A_41, %dma_start3A_45] : memref<8x128xi32, #tpu.memory_space<vmem>> -> memref<1x128xi32, #tpu.memory_space<vmem>>
      %dma_start3A_47 = tpu.memref_squeeze %dma_start3A_46 : memref<1x128xi32, #tpu.memory_space<vmem>> -> memref<128xi32, #tpu.memory_space<vmem>>
      %dma_start3A_48 = arith.constant 0 : i32
      %dma_start3A_49 = arith.constant 0 : i32
      %dma_start3A_50 = tpu.memref_slice %arg2[%dma_start3A_48, %dma_start3A_49] : memref<50000x128xf32, #tpu.memory_space<hbm>> -> memref<50000x128xf32, #tpu.memory_space<hbm>>
      tpu.enqueue_indirect_dma source(%dma_start3A_50 : memref<50000x128xf32, #tpu.memory_space<hbm>>) target(%dma_start3A_44 : memref<128x128xf32, #tpu.memory_space<vmem>>) offsets(%dma_start3A_47 : memref<128xi32, #tpu.memory_space<vmem>>) semaphore(%arg12 : memref<!tpu.dma_semaphore, #tpu.memory_space<semaphore_mem>>)
      %dma_wait3A = arith.constant 0 : i32
      %dma_wait3A_51 = arith.constant 0 : i32
      %dma_wait3A_52 = arith.constant 0 : i32
      %dma_wait3A_53 = tpu.memref_slice %arg9[%dma_wait3A_51, %dma_wait3A_52] : memref<256x128xf32, #tpu.memory_space<vmem>> -> memref<128x128xf32, #tpu.memory_space<vmem>>
      %dma_wait3A_54 = arith.constant 0 : i32
      %dma_wait3A_55 = tpu.memref_slice %arg7[%dma_wait3A, %dma_wait3A_54] : memref<8x128xi32, #tpu.memory_space<vmem>> -> memref<1x128xi32, #tpu.memory_space<vmem>>
      %dma_wait3A_56 = tpu.memref_squeeze %dma_wait3A_55 : memref<1x128xi32, #tpu.memory_space<vmem>> -> memref<128xi32, #tpu.memory_space<vmem>>
      %dma_wait3A_57 = arith.constant 0 : i32
      %dma_wait3A_58 = arith.constant 0 : i32
      %dma_wait3A_59 = tpu.memref_slice %arg2[%dma_wait3A_57, %dma_wait3A_58] : memref<50000x128xf32, #tpu.memory_space<hbm>> -> memref<50000x128xf32, #tpu.memory_space<hbm>>
      tpu.wait_indirect_dma semaphore(%arg11 : memref<!tpu.dma_semaphore, #tpu.memory_space<semaphore_mem>>) src(%dma_wait3A_59 : memref<50000x128xf32, #tpu.memory_space<hbm>>) dst(%dma_wait3A_53 : memref<128x128xf32, #tpu.memory_space<vmem>>)
      %dma_wait3A_60 = arith.constant 0 : i32
      %dma_wait3A_61 = arith.constant 0 : i32
      %dma_wait3A_62 = arith.constant 0 : i32
      %dma_wait3A_63 = tpu.memref_slice %arg10[%dma_wait3A_61, %dma_wait3A_62] : memref<256x128xf32, #tpu.memory_space<vmem>> -> memref<128x128xf32, #tpu.memory_space<vmem>>
      %dma_wait3A_64 = arith.constant 0 : i32
      %dma_wait3A_65 = tpu.memref_slice %arg8[%dma_wait3A_60, %dma_wait3A_64] : memref<8x128xi32, #tpu.memory_space<vmem>> -> memref<1x128xi32, #tpu.memory_space<vmem>>
      %dma_wait3A_66 = tpu.memref_squeeze %dma_wait3A_65 : memref<1x128xi32, #tpu.memory_space<vmem>> -> memref<128xi32, #tpu.memory_space<vmem>>
      %dma_wait3A_67 = arith.constant 0 : i32
      %dma_wait3A_68 = arith.constant 0 : i32
      %dma_wait3A_69 = tpu.memref_slice %arg2[%dma_wait3A_67, %dma_wait3A_68] : memref<50000x128xf32, #tpu.memory_space<hbm>> -> memref<50000x128xf32, #tpu.memory_space<hbm>>
      tpu.wait_indirect_dma semaphore(%arg12 : memref<!tpu.dma_semaphore, #tpu.memory_space<semaphore_mem>>) src(%dma_wait3A_69 : memref<50000x128xf32, #tpu.memory_space<hbm>>) dst(%dma_wait3A_63 : memref<128x128xf32, #tpu.memory_space<vmem>>)
      %dma_wait3A_70 = arith.constant 1 : i32
      %dma_wait3A_71 = arith.constant 128 : i32
      %dma_wait3A_72 = arith.constant 0 : i32
      %dma_wait3A_73 = tpu.memref_slice %arg9[%dma_wait3A_71, %dma_wait3A_72] : memref<256x128xf32, #tpu.memory_space<vmem>> -> memref<128x128xf32, #tpu.memory_space<vmem>>
      %dma_wait3A_74 = arith.constant 0 : i32
      %dma_wait3A_75 = tpu.memref_slice %arg7[%dma_wait3A_70, %dma_wait3A_74] : memref<8x128xi32, #tpu.memory_space<vmem>> -> memref<1x128xi32, #tpu.memory_space<vmem>>
      %dma_wait3A_76 = tpu.memref_squeeze %dma_wait3A_75 : memref<1x128xi32, #tpu.memory_space<vmem>> -> memref<128xi32, #tpu.memory_space<vmem>>
      %dma_wait3A_77 = arith.constant 0 : i32
      %dma_wait3A_78 = arith.constant 0 : i32
      %dma_wait3A_79 = tpu.memref_slice %arg2[%dma_wait3A_77, %dma_wait3A_78] : memref<50000x128xf32, #tpu.memory_space<hbm>> -> memref<50000x128xf32, #tpu.memory_space<hbm>>
      tpu.wait_indirect_dma semaphore(%arg11 : memref<!tpu.dma_semaphore, #tpu.memory_space<semaphore_mem>>) src(%dma_wait3A_79 : memref<50000x128xf32, #tpu.memory_space<hbm>>) dst(%dma_wait3A_73 : memref<128x128xf32, #tpu.memory_space<vmem>>)
      %dma_wait3A_80 = arith.constant 1 : i32
      %dma_wait3A_81 = arith.constant 128 : i32
      %dma_wait3A_82 = arith.constant 0 : i32
      %dma_wait3A_83 = tpu.memref_slice %arg10[%dma_wait3A_81, %dma_wait3A_82] : memref<256x128xf32, #tpu.memory_space<vmem>> -> memref<128x128xf32, #tpu.memory_space<vmem>>
      %dma_wait3A_84 = arith.constant 0 : i32
      %dma_wait3A_85 = tpu.memref_slice %arg8[%dma_wait3A_80, %dma_wait3A_84] : memref<8x128xi32, #tpu.memory_space<vmem>> -> memref<1x128xi32, #tpu.memory_space<vmem>>
      %dma_wait3A_86 = tpu.memref_squeeze %dma_wait3A_85 : memref<1x128xi32, #tpu.memory_space<vmem>> -> memref<128xi32, #tpu.memory_space<vmem>>
      %dma_wait3A_87 = arith.constant 0 : i32
      %dma_wait3A_88 = arith.constant 0 : i32
      %dma_wait3A_89 = tpu.memref_slice %arg2[%dma_wait3A_87, %dma_wait3A_88] : memref<50000x128xf32, #tpu.memory_space<hbm>> -> memref<50000x128xf32, #tpu.memory_space<hbm>>
      tpu.wait_indirect_dma semaphore(%arg12 : memref<!tpu.dma_semaphore, #tpu.memory_space<semaphore_mem>>) src(%dma_wait3A_89 : memref<50000x128xf32, #tpu.memory_space<hbm>>) dst(%dma_wait3A_83 : memref<128x128xf32, #tpu.memory_space<vmem>>)
      %add3A_90 = arith.constant 0 : i32
      %add3A_91 = arith.addi %add3A_11, %add3A_90 : i32
      %mul3A_92 = arith.constant 128 : i32
      %mul3A_93 = arith.muli %add3A_91, %mul3A_92 : i32
      "tpu.region"() ({
        %run_scoped3A = tpu.sem_alloc : memref<!tpu.dma_semaphore, #tpu.memory_space<semaphore_mem>>
        %dma_start3A_346 = arith.constant 0 : i32
        %dma_start3A_347 = tpu.memref_slice %arg5[%mul3A_93, %dma_start3A_346] : memref<819200x128xf32, #tpu.memory_space<hbm>> -> memref<256x128xf32, #tpu.memory_space<hbm>>
        %dma_start3A_348 = arith.constant 0 : i32
        %dma_start3A_349 = tpu.memref_slice %arg5[%mul3A_93, %dma_start3A_348] : memref<819200x128xf32, #tpu.memory_space<hbm>> -> memref<256x128xf32, #tpu.memory_space<hbm>>
        tpu.enqueue_dma source(%arg9 : memref<256x128xf32, #tpu.memory_space<vmem>>) target(%dma_start3A_349 : memref<256x128xf32, #tpu.memory_space<hbm>>) target_semaphore(%run_scoped3A : memref<!tpu.dma_semaphore, #tpu.memory_space<semaphore_mem>>)
        %dma_wait3A_350 = arith.constant 0 : i32
        %dma_wait3A_351 = tpu.memref_slice %arg5[%mul3A_93, %dma_wait3A_350] : memref<819200x128xf32, #tpu.memory_space<hbm>> -> memref<256x128xf32, #tpu.memory_space<hbm>>
        %dma_wait3A_352 = arith.constant 0 : i32
        %dma_wait3A_353 = tpu.memref_slice %arg5[%mul3A_93, %dma_wait3A_352] : memref<819200x128xf32, #tpu.memory_space<hbm>> -> memref<256x128xf32, #tpu.memory_space<hbm>>
        tpu.wait_dma2 semaphore(%run_scoped3A : memref<!tpu.dma_semaphore, #tpu.memory_space<semaphore_mem>>) src(%arg9 : memref<256x128xf32, #tpu.memory_space<vmem>>) dst(%dma_wait3A_353 : memref<256x128xf32, #tpu.memory_space<hbm>>)
        tpu.yield
      }) : () -> ()
      "tpu.region"() ({
        %run_scoped3A = tpu.sem_alloc : memref<!tpu.dma_semaphore, #tpu.memory_space<semaphore_mem>>
        %dma_start3A_346 = arith.constant 0 : i32
        %dma_start3A_347 = tpu.memref_slice %arg6[%mul3A_93, %dma_start3A_346] : memref<819200x128xf32, #tpu.memory_space<hbm>> -> memref<256x128xf32, #tpu.memory_space<hbm>>
        %dma_start3A_348 = arith.constant 0 : i32
        %dma_start3A_349 = tpu.memref_slice %arg6[%mul3A_93, %dma_start3A_348] : memref<819200x128xf32, #tpu.memory_space<hbm>> -> memref<256x128xf32, #tpu.memory_space<hbm>>
        tpu.enqueue_dma source(%arg10 : memref<256x128xf32, #tpu.memory_space<vmem>>) target(%dma_start3A_349 : memref<256x128xf32, #tpu.memory_space<hbm>>) target_semaphore(%run_scoped3A : memref<!tpu.dma_semaphore, #tpu.memory_space<semaphore_mem>>)
        %dma_wait3A_350 = arith.constant 0 : i32
        %dma_wait3A_351 = tpu.memref_slice %arg6[%mul3A_93, %dma_wait3A_350] : memref<819200x128xf32, #tpu.memory_space<hbm>> -> memref<256x128xf32, #tpu.memory_space<hbm>>
        %dma_wait3A_352 = arith.constant 0 : i32
        %dma_wait3A_353 = tpu.memref_slice %arg6[%mul3A_93, %dma_wait3A_352] : memref<819200x128xf32, #tpu.memory_space<hbm>> -> memref<256x128xf32, #tpu.memory_space<hbm>>
        tpu.wait_dma2 semaphore(%run_scoped3A : memref<!tpu.dma_semaphore, #tpu.memory_space<semaphore_mem>>) src(%arg10 : memref<256x128xf32, #tpu.memory_space<vmem>>) dst(%dma_wait3A_353 : memref<256x128xf32, #tpu.memory_space<hbm>>)
        tpu.yield
      }) : () -> ()
      %dma_start3A_94 = arith.constant 2 : i32
      %dma_start3A_95 = arith.constant 0 : i32
      %dma_start3A_96 = arith.constant 0 : i32
      %dma_start3A_97 = tpu.memref_slice %arg9[%dma_start3A_95, %dma_start3A_96] : memref<256x128xf32, #tpu.memory_space<vmem>> -> memref<128x128xf32, #tpu.memory_space<vmem>>
      %dma_start3A_98 = arith.constant 0 : i32
      %dma_start3A_99 = tpu.memref_slice %arg7[%dma_start3A_94, %dma_start3A_98] : memref<8x128xi32, #tpu.memory_space<vmem>> -> memref<1x128xi32, #tpu.memory_space<vmem>>
      %dma_start3A_100 = tpu.memref_squeeze %dma_start3A_99 : memref<1x128xi32, #tpu.memory_space<vmem>> -> memref<128xi32, #tpu.memory_space<vmem>>
      %dma_start3A_101 = arith.constant 0 : i32
      %dma_start3A_102 = arith.constant 0 : i32
      %dma_start3A_103 = tpu.memref_slice %arg2[%dma_start3A_101, %dma_start3A_102] : memref<50000x128xf32, #tpu.memory_space<hbm>> -> memref<50000x128xf32, #tpu.memory_space<hbm>>
      tpu.enqueue_indirect_dma source(%dma_start3A_103 : memref<50000x128xf32, #tpu.memory_space<hbm>>) target(%dma_start3A_97 : memref<128x128xf32, #tpu.memory_space<vmem>>) offsets(%dma_start3A_100 : memref<128xi32, #tpu.memory_space<vmem>>) semaphore(%arg11 : memref<!tpu.dma_semaphore, #tpu.memory_space<semaphore_mem>>)
      %dma_start3A_104 = arith.constant 2 : i32
      %dma_start3A_105 = arith.constant 0 : i32
      %dma_start3A_106 = arith.constant 0 : i32
      %dma_start3A_107 = tpu.memref_slice %arg10[%dma_start3A_105, %dma_start3A_106] : memref<256x128xf32, #tpu.memory_space<vmem>> -> memref<128x128xf32, #tpu.memory_space<vmem>>
      %dma_start3A_108 = arith.constant 0 : i32
      %dma_start3A_109 = tpu.memref_slice %arg8[%dma_start3A_104, %dma_start3A_108] : memref<8x128xi32, #tpu.memory_space<vmem>> -> memref<1x128xi32, #tpu.memory_space<vmem>>
      %dma_start3A_110 = tpu.memref_squeeze %dma_start3A_109 : memref<1x128xi32, #tpu.memory_space<vmem>> -> memref<128xi32, #tpu.memory_space<vmem>>
      %dma_start3A_111 = arith.constant 0 : i32
      %dma_start3A_112 = arith.constant 0 : i32
      %dma_start3A_113 = tpu.memref_slice %arg2[%dma_start3A_111, %dma_start3A_112] : memref<50000x128xf32, #tpu.memory_space<hbm>> -> memref<50000x128xf32, #tpu.memory_space<hbm>>
      tpu.enqueue_indirect_dma source(%dma_start3A_113 : memref<50000x128xf32, #tpu.memory_space<hbm>>) target(%dma_start3A_107 : memref<128x128xf32, #tpu.memory_space<vmem>>) offsets(%dma_start3A_110 : memref<128xi32, #tpu.memory_space<vmem>>) semaphore(%arg12 : memref<!tpu.dma_semaphore, #tpu.memory_space<semaphore_mem>>)
      %dma_start3A_114 = arith.constant 3 : i32
      %dma_start3A_115 = arith.constant 128 : i32
      %dma_start3A_116 = arith.constant 0 : i32
      %dma_start3A_117 = tpu.memref_slice %arg9[%dma_start3A_115, %dma_start3A_116] : memref<256x128xf32, #tpu.memory_space<vmem>> -> memref<128x128xf32, #tpu.memory_space<vmem>>
      %dma_start3A_118 = arith.constant 0 : i32
      %dma_start3A_119 = tpu.memref_slice %arg7[%dma_start3A_114, %dma_start3A_118] : memref<8x128xi32, #tpu.memory_space<vmem>> -> memref<1x128xi32, #tpu.memory_space<vmem>>
      %dma_start3A_120 = tpu.memref_squeeze %dma_start3A_119 : memref<1x128xi32, #tpu.memory_space<vmem>> -> memref<128xi32, #tpu.memory_space<vmem>>
      %dma_start3A_121 = arith.constant 0 : i32
      %dma_start3A_122 = arith.constant 0 : i32
      %dma_start3A_123 = tpu.memref_slice %arg2[%dma_start3A_121, %dma_start3A_122] : memref<50000x128xf32, #tpu.memory_space<hbm>> -> memref<50000x128xf32, #tpu.memory_space<hbm>>
      tpu.enqueue_indirect_dma source(%dma_start3A_123 : memref<50000x128xf32, #tpu.memory_space<hbm>>) target(%dma_start3A_117 : memref<128x128xf32, #tpu.memory_space<vmem>>) offsets(%dma_start3A_120 : memref<128xi32, #tpu.memory_space<vmem>>) semaphore(%arg11 : memref<!tpu.dma_semaphore, #tpu.memory_space<semaphore_mem>>)
      %dma_start3A_124 = arith.constant 3 : i32
      %dma_start3A_125 = arith.constant 128 : i32
      %dma_start3A_126 = arith.constant 0 : i32
      %dma_start3A_127 = tpu.memref_slice %arg10[%dma_start3A_125, %dma_start3A_126] : memref<256x128xf32, #tpu.memory_space<vmem>> -> memref<128x128xf32, #tpu.memory_space<vmem>>
      %dma_start3A_128 = arith.constant 0 : i32
      %dma_start3A_129 = tpu.memref_slice %arg8[%dma_start3A_124, %dma_start3A_128] : memref<8x128xi32, #tpu.memory_space<vmem>> -> memref<1x128xi32, #tpu.memory_space<vmem>>
      %dma_start3A_130 = tpu.memref_squeeze %dma_start3A_129 : memref<1x128xi32, #tpu.memory_space<vmem>> -> memref<128xi32, #tpu.memory_space<vmem>>
      %dma_start3A_131 = arith.constant 0 : i32
      %dma_start3A_132 = arith.constant 0 : i32
      %dma_start3A_133 = tpu.memref_slice %arg2[%dma_start3A_131, %dma_start3A_132] : memref<50000x128xf32, #tpu.memory_space<hbm>> -> memref<50000x128xf32, #tpu.memory_space<hbm>>
      tpu.enqueue_indirect_dma source(%dma_start3A_133 : memref<50000x128xf32, #tpu.memory_space<hbm>>) target(%dma_start3A_127 : memref<128x128xf32, #tpu.memory_space<vmem>>) offsets(%dma_start3A_130 : memref<128xi32, #tpu.memory_space<vmem>>) semaphore(%arg12 : memref<!tpu.dma_semaphore, #tpu.memory_space<semaphore_mem>>)
      %dma_wait3A_134 = arith.constant 2 : i32
      %dma_wait3A_135 = arith.constant 0 : i32
      %dma_wait3A_136 = arith.constant 0 : i32
      %dma_wait3A_137 = tpu.memref_slice %arg9[%dma_wait3A_135, %dma_wait3A_136] : memref<256x128xf32, #tpu.memory_space<vmem>> -> memref<128x128xf32, #tpu.memory_space<vmem>>
      %dma_wait3A_138 = arith.constant 0 : i32
      %dma_wait3A_139 = tpu.memref_slice %arg7[%dma_wait3A_134, %dma_wait3A_138] : memref<8x128xi32, #tpu.memory_space<vmem>> -> memref<1x128xi32, #tpu.memory_space<vmem>>
      %dma_wait3A_140 = tpu.memref_squeeze %dma_wait3A_139 : memref<1x128xi32, #tpu.memory_space<vmem>> -> memref<128xi32, #tpu.memory_space<vmem>>
      %dma_wait3A_141 = arith.constant 0 : i32
      %dma_wait3A_142 = arith.constant 0 : i32
      %dma_wait3A_143 = tpu.memref_slice %arg2[%dma_wait3A_141, %dma_wait3A_142] : memref<50000x128xf32, #tpu.memory_space<hbm>> -> memref<50000x128xf32, #tpu.memory_space<hbm>>
      tpu.wait_indirect_dma semaphore(%arg11 : memref<!tpu.dma_semaphore, #tpu.memory_space<semaphore_mem>>) src(%dma_wait3A_143 : memref<50000x128xf32, #tpu.memory_space<hbm>>) dst(%dma_wait3A_137 : memref<128x128xf32, #tpu.memory_space<vmem>>)
      %dma_wait3A_144 = arith.constant 2 : i32
      %dma_wait3A_145 = arith.constant 0 : i32
      %dma_wait3A_146 = arith.constant 0 : i32
      %dma_wait3A_147 = tpu.memref_slice %arg10[%dma_wait3A_145, %dma_wait3A_146] : memref<256x128xf32, #tpu.memory_space<vmem>> -> memref<128x128xf32, #tpu.memory_space<vmem>>
      %dma_wait3A_148 = arith.constant 0 : i32
      %dma_wait3A_149 = tpu.memref_slice %arg8[%dma_wait3A_144, %dma_wait3A_148] : memref<8x128xi32, #tpu.memory_space<vmem>> -> memref<1x128xi32, #tpu.memory_space<vmem>>
      %dma_wait3A_150 = tpu.memref_squeeze %dma_wait3A_149 : memref<1x128xi32, #tpu.memory_space<vmem>> -> memref<128xi32, #tpu.memory_space<vmem>>
      %dma_wait3A_151 = arith.constant 0 : i32
      %dma_wait3A_152 = arith.constant 0 : i32
      %dma_wait3A_153 = tpu.memref_slice %arg2[%dma_wait3A_151, %dma_wait3A_152] : memref<50000x128xf32, #tpu.memory_space<hbm>> -> memref<50000x128xf32, #tpu.memory_space<hbm>>
      tpu.wait_indirect_dma semaphore(%arg12 : memref<!tpu.dma_semaphore, #tpu.memory_space<semaphore_mem>>) src(%dma_wait3A_153 : memref<50000x128xf32, #tpu.memory_space<hbm>>) dst(%dma_wait3A_147 : memref<128x128xf32, #tpu.memory_space<vmem>>)
      %dma_wait3A_154 = arith.constant 3 : i32
      %dma_wait3A_155 = arith.constant 128 : i32
      %dma_wait3A_156 = arith.constant 0 : i32
      %dma_wait3A_157 = tpu.memref_slice %arg9[%dma_wait3A_155, %dma_wait3A_156] : memref<256x128xf32, #tpu.memory_space<vmem>> -> memref<128x128xf32, #tpu.memory_space<vmem>>
      %dma_wait3A_158 = arith.constant 0 : i32
      %dma_wait3A_159 = tpu.memref_slice %arg7[%dma_wait3A_154, %dma_wait3A_158] : memref<8x128xi32, #tpu.memory_space<vmem>> -> memref<1x128xi32, #tpu.memory_space<vmem>>
      %dma_wait3A_160 = tpu.memref_squeeze %dma_wait3A_159 : memref<1x128xi32, #tpu.memory_space<vmem>> -> memref<128xi32, #tpu.memory_space<vmem>>
      %dma_wait3A_161 = arith.constant 0 : i32
      %dma_wait3A_162 = arith.constant 0 : i32
      %dma_wait3A_163 = tpu.memref_slice %arg2[%dma_wait3A_161, %dma_wait3A_162] : memref<50000x128xf32, #tpu.memory_space<hbm>> -> memref<50000x128xf32, #tpu.memory_space<hbm>>
      tpu.wait_indirect_dma semaphore(%arg11 : memref<!tpu.dma_semaphore, #tpu.memory_space<semaphore_mem>>) src(%dma_wait3A_163 : memref<50000x128xf32, #tpu.memory_space<hbm>>) dst(%dma_wait3A_157 : memref<128x128xf32, #tpu.memory_space<vmem>>)
      %dma_wait3A_164 = arith.constant 3 : i32
      %dma_wait3A_165 = arith.constant 128 : i32
      %dma_wait3A_166 = arith.constant 0 : i32
      %dma_wait3A_167 = tpu.memref_slice %arg10[%dma_wait3A_165, %dma_wait3A_166] : memref<256x128xf32, #tpu.memory_space<vmem>> -> memref<128x128xf32, #tpu.memory_space<vmem>>
      %dma_wait3A_168 = arith.constant 0 : i32
      %dma_wait3A_169 = tpu.memref_slice %arg8[%dma_wait3A_164, %dma_wait3A_168] : memref<8x128xi32, #tpu.memory_space<vmem>> -> memref<1x128xi32, #tpu.memory_space<vmem>>
      %dma_wait3A_170 = tpu.memref_squeeze %dma_wait3A_169 : memref<1x128xi32, #tpu.memory_space<vmem>> -> memref<128xi32, #tpu.memory_space<vmem>>
      %dma_wait3A_171 = arith.constant 0 : i32
      %dma_wait3A_172 = arith.constant 0 : i32
      %dma_wait3A_173 = tpu.memref_slice %arg2[%dma_wait3A_171, %dma_wait3A_172] : memref<50000x128xf32, #tpu.memory_space<hbm>> -> memref<50000x128xf32, #tpu.memory_space<hbm>>
      tpu.wait_indirect_dma semaphore(%arg12 : memref<!tpu.dma_semaphore, #tpu.memory_space<semaphore_mem>>) src(%dma_wait3A_173 : memref<50000x128xf32, #tpu.memory_space<hbm>>) dst(%dma_wait3A_167 : memref<128x128xf32, #tpu.memory_space<vmem>>)
      %add3A_174 = arith.constant 2 : i32
      %add3A_175 = arith.addi %add3A_11, %add3A_174 : i32
      %mul3A_176 = arith.constant 128 : i32
      %mul3A_177 = arith.muli %add3A_175, %mul3A_176 : i32
      "tpu.region"() ({
        %run_scoped3A = tpu.sem_alloc : memref<!tpu.dma_semaphore, #tpu.memory_space<semaphore_mem>>
        %dma_start3A_346 = arith.constant 0 : i32
        %dma_start3A_347 = tpu.memref_slice %arg5[%mul3A_177, %dma_start3A_346] : memref<819200x128xf32, #tpu.memory_space<hbm>> -> memref<256x128xf32, #tpu.memory_space<hbm>>
        %dma_start3A_348 = arith.constant 0 : i32
        %dma_start3A_349 = tpu.memref_slice %arg5[%mul3A_177, %dma_start3A_348] : memref<819200x128xf32, #tpu.memory_space<hbm>> -> memref<256x128xf32, #tpu.memory_space<hbm>>
        tpu.enqueue_dma source(%arg9 : memref<256x128xf32, #tpu.memory_space<vmem>>) target(%dma_start3A_349 : memref<256x128xf32, #tpu.memory_space<hbm>>) target_semaphore(%run_scoped3A : memref<!tpu.dma_semaphore, #tpu.memory_space<semaphore_mem>>)
        %dma_wait3A_350 = arith.constant 0 : i32
        %dma_wait3A_351 = tpu.memref_slice %arg5[%mul3A_177, %dma_wait3A_350] : memref<819200x128xf32, #tpu.memory_space<hbm>> -> memref<256x128xf32, #tpu.memory_space<hbm>>
        %dma_wait3A_352 = arith.constant 0 : i32
        %dma_wait3A_353 = tpu.memref_slice %arg5[%mul3A_177, %dma_wait3A_352] : memref<819200x128xf32, #tpu.memory_space<hbm>> -> memref<256x128xf32, #tpu.memory_space<hbm>>
        tpu.wait_dma2 semaphore(%run_scoped3A : memref<!tpu.dma_semaphore, #tpu.memory_space<semaphore_mem>>) src(%arg9 : memref<256x128xf32, #tpu.memory_space<vmem>>) dst(%dma_wait3A_353 : memref<256x128xf32, #tpu.memory_space<hbm>>)
        tpu.yield
      }) : () -> ()
      "tpu.region"() ({
        %run_scoped3A = tpu.sem_alloc : memref<!tpu.dma_semaphore, #tpu.memory_space<semaphore_mem>>
        %dma_start3A_346 = arith.constant 0 : i32
        %dma_start3A_347 = tpu.memref_slice %arg6[%mul3A_177, %dma_start3A_346] : memref<819200x128xf32, #tpu.memory_space<hbm>> -> memref<256x128xf32, #tpu.memory_space<hbm>>
        %dma_start3A_348 = arith.constant 0 : i32
        %dma_start3A_349 = tpu.memref_slice %arg6[%mul3A_177, %dma_start3A_348] : memref<819200x128xf32, #tpu.memory_space<hbm>> -> memref<256x128xf32, #tpu.memory_space<hbm>>
        tpu.enqueue_dma source(%arg10 : memref<256x128xf32, #tpu.memory_space<vmem>>) target(%dma_start3A_349 : memref<256x128xf32, #tpu.memory_space<hbm>>) target_semaphore(%run_scoped3A : memref<!tpu.dma_semaphore, #tpu.memory_space<semaphore_mem>>)
        %dma_wait3A_350 = arith.constant 0 : i32
        %dma_wait3A_351 = tpu.memref_slice %arg6[%mul3A_177, %dma_wait3A_350] : memref<819200x128xf32, #tpu.memory_space<hbm>> -> memref<256x128xf32, #tpu.memory_space<hbm>>
        %dma_wait3A_352 = arith.constant 0 : i32
        %dma_wait3A_353 = tpu.memref_slice %arg6[%mul3A_177, %dma_wait3A_352] : memref<819200x128xf32, #tpu.memory_space<hbm>> -> memref<256x128xf32, #tpu.memory_space<hbm>>
        tpu.wait_dma2 semaphore(%run_scoped3A : memref<!tpu.dma_semaphore, #tpu.memory_space<semaphore_mem>>) src(%arg10 : memref<256x128xf32, #tpu.memory_space<vmem>>) dst(%dma_wait3A_353 : memref<256x128xf32, #tpu.memory_space<hbm>>)
        tpu.yield
      }) : () -> ()
      %dma_start3A_178 = arith.constant 4 : i32
      %dma_start3A_179 = arith.constant 0 : i32
      %dma_start3A_180 = arith.constant 0 : i32
      %dma_start3A_181 = tpu.memref_slice %arg9[%dma_start3A_179, %dma_start3A_180] : memref<256x128xf32, #tpu.memory_space<vmem>> -> memref<128x128xf32, #tpu.memory_space<vmem>>
      %dma_start3A_182 = arith.constant 0 : i32
      %dma_start3A_183 = tpu.memref_slice %arg7[%dma_start3A_178, %dma_start3A_182] : memref<8x128xi32, #tpu.memory_space<vmem>> -> memref<1x128xi32, #tpu.memory_space<vmem>>
      %dma_start3A_184 = tpu.memref_squeeze %dma_start3A_183 : memref<1x128xi32, #tpu.memory_space<vmem>> -> memref<128xi32, #tpu.memory_space<vmem>>
      %dma_start3A_185 = arith.constant 0 : i32
      %dma_start3A_186 = arith.constant 0 : i32
      %dma_start3A_187 = tpu.memref_slice %arg2[%dma_start3A_185, %dma_start3A_186] : memref<50000x128xf32, #tpu.memory_space<hbm>> -> memref<50000x128xf32, #tpu.memory_space<hbm>>
      tpu.enqueue_indirect_dma source(%dma_start3A_187 : memref<50000x128xf32, #tpu.memory_space<hbm>>) target(%dma_start3A_181 : memref<128x128xf32, #tpu.memory_space<vmem>>) offsets(%dma_start3A_184 : memref<128xi32, #tpu.memory_space<vmem>>) semaphore(%arg11 : memref<!tpu.dma_semaphore, #tpu.memory_space<semaphore_mem>>)
      %dma_start3A_188 = arith.constant 4 : i32
      %dma_start3A_189 = arith.constant 0 : i32
      %dma_start3A_190 = arith.constant 0 : i32
      %dma_start3A_191 = tpu.memref_slice %arg10[%dma_start3A_189, %dma_start3A_190] : memref<256x128xf32, #tpu.memory_space<vmem>> -> memref<128x128xf32, #tpu.memory_space<vmem>>
      %dma_start3A_192 = arith.constant 0 : i32
      %dma_start3A_193 = tpu.memref_slice %arg8[%dma_start3A_188, %dma_start3A_192] : memref<8x128xi32, #tpu.memory_space<vmem>> -> memref<1x128xi32, #tpu.memory_space<vmem>>
      %dma_start3A_194 = tpu.memref_squeeze %dma_start3A_193 : memref<1x128xi32, #tpu.memory_space<vmem>> -> memref<128xi32, #tpu.memory_space<vmem>>
      %dma_start3A_195 = arith.constant 0 : i32
      %dma_start3A_196 = arith.constant 0 : i32
      %dma_start3A_197 = tpu.memref_slice %arg2[%dma_start3A_195, %dma_start3A_196] : memref<50000x128xf32, #tpu.memory_space<hbm>> -> memref<50000x128xf32, #tpu.memory_space<hbm>>
      tpu.enqueue_indirect_dma source(%dma_start3A_197 : memref<50000x128xf32, #tpu.memory_space<hbm>>) target(%dma_start3A_191 : memref<128x128xf32, #tpu.memory_space<vmem>>) offsets(%dma_start3A_194 : memref<128xi32, #tpu.memory_space<vmem>>) semaphore(%arg12 : memref<!tpu.dma_semaphore, #tpu.memory_space<semaphore_mem>>)
      %dma_start3A_198 = arith.constant 5 : i32
      %dma_start3A_199 = arith.constant 128 : i32
      %dma_start3A_200 = arith.constant 0 : i32
      %dma_start3A_201 = tpu.memref_slice %arg9[%dma_start3A_199, %dma_start3A_200] : memref<256x128xf32, #tpu.memory_space<vmem>> -> memref<128x128xf32, #tpu.memory_space<vmem>>
      %dma_start3A_202 = arith.constant 0 : i32
      %dma_start3A_203 = tpu.memref_slice %arg7[%dma_start3A_198, %dma_start3A_202] : memref<8x128xi32, #tpu.memory_space<vmem>> -> memref<1x128xi32, #tpu.memory_space<vmem>>
      %dma_start3A_204 = tpu.memref_squeeze %dma_start3A_203 : memref<1x128xi32, #tpu.memory_space<vmem>> -> memref<128xi32, #tpu.memory_space<vmem>>
      %dma_start3A_205 = arith.constant 0 : i32
      %dma_start3A_206 = arith.constant 0 : i32
      %dma_start3A_207 = tpu.memref_slice %arg2[%dma_start3A_205, %dma_start3A_206] : memref<50000x128xf32, #tpu.memory_space<hbm>> -> memref<50000x128xf32, #tpu.memory_space<hbm>>
      tpu.enqueue_indirect_dma source(%dma_start3A_207 : memref<50000x128xf32, #tpu.memory_space<hbm>>) target(%dma_start3A_201 : memref<128x128xf32, #tpu.memory_space<vmem>>) offsets(%dma_start3A_204 : memref<128xi32, #tpu.memory_space<vmem>>) semaphore(%arg11 : memref<!tpu.dma_semaphore, #tpu.memory_space<semaphore_mem>>)
      %dma_start3A_208 = arith.constant 5 : i32
      %dma_start3A_209 = arith.constant 128 : i32
      %dma_start3A_210 = arith.constant 0 : i32
      %dma_start3A_211 = tpu.memref_slice %arg10[%dma_start3A_209, %dma_start3A_210] : memref<256x128xf32, #tpu.memory_space<vmem>> -> memref<128x128xf32, #tpu.memory_space<vmem>>
      %dma_start3A_212 = arith.constant 0 : i32
      %dma_start3A_213 = tpu.memref_slice %arg8[%dma_start3A_208, %dma_start3A_212] : memref<8x128xi32, #tpu.memory_space<vmem>> -> memref<1x128xi32, #tpu.memory_space<vmem>>
      %dma_start3A_214 = tpu.memref_squeeze %dma_start3A_213 : memref<1x128xi32, #tpu.memory_space<vmem>> -> memref<128xi32, #tpu.memory_space<vmem>>
      %dma_start3A_215 = arith.constant 0 : i32
      %dma_start3A_216 = arith.constant 0 : i32
      %dma_start3A_217 = tpu.memref_slice %arg2[%dma_start3A_215, %dma_start3A_216] : memref<50000x128xf32, #tpu.memory_space<hbm>> -> memref<50000x128xf32, #tpu.memory_space<hbm>>
      tpu.enqueue_indirect_dma source(%dma_start3A_217 : memref<50000x128xf32, #tpu.memory_space<hbm>>) target(%dma_start3A_211 : memref<128x128xf32, #tpu.memory_space<vmem>>) offsets(%dma_start3A_214 : memref<128xi32, #tpu.memory_space<vmem>>) semaphore(%arg12 : memref<!tpu.dma_semaphore, #tpu.memory_space<semaphore_mem>>)
      %dma_wait3A_218 = arith.constant 4 : i32
      %dma_wait3A_219 = arith.constant 0 : i32
      %dma_wait3A_220 = arith.constant 0 : i32
      %dma_wait3A_221 = tpu.memref_slice %arg9[%dma_wait3A_219, %dma_wait3A_220] : memref<256x128xf32, #tpu.memory_space<vmem>> -> memref<128x128xf32, #tpu.memory_space<vmem>>
      %dma_wait3A_222 = arith.constant 0 : i32
      %dma_wait3A_223 = tpu.memref_slice %arg7[%dma_wait3A_218, %dma_wait3A_222] : memref<8x128xi32, #tpu.memory_space<vmem>> -> memref<1x128xi32, #tpu.memory_space<vmem>>
      %dma_wait3A_224 = tpu.memref_squeeze %dma_wait3A_223 : memref<1x128xi32, #tpu.memory_space<vmem>> -> memref<128xi32, #tpu.memory_space<vmem>>
      %dma_wait3A_225 = arith.constant 0 : i32
      %dma_wait3A_226 = arith.constant 0 : i32
      %dma_wait3A_227 = tpu.memref_slice %arg2[%dma_wait3A_225, %dma_wait3A_226] : memref<50000x128xf32, #tpu.memory_space<hbm>> -> memref<50000x128xf32, #tpu.memory_space<hbm>>
      tpu.wait_indirect_dma semaphore(%arg11 : memref<!tpu.dma_semaphore, #tpu.memory_space<semaphore_mem>>) src(%dma_wait3A_227 : memref<50000x128xf32, #tpu.memory_space<hbm>>) dst(%dma_wait3A_221 : memref<128x128xf32, #tpu.memory_space<vmem>>)
      %dma_wait3A_228 = arith.constant 4 : i32
      %dma_wait3A_229 = arith.constant 0 : i32
      %dma_wait3A_230 = arith.constant 0 : i32
      %dma_wait3A_231 = tpu.memref_slice %arg10[%dma_wait3A_229, %dma_wait3A_230] : memref<256x128xf32, #tpu.memory_space<vmem>> -> memref<128x128xf32, #tpu.memory_space<vmem>>
      %dma_wait3A_232 = arith.constant 0 : i32
      %dma_wait3A_233 = tpu.memref_slice %arg8[%dma_wait3A_228, %dma_wait3A_232] : memref<8x128xi32, #tpu.memory_space<vmem>> -> memref<1x128xi32, #tpu.memory_space<vmem>>
      %dma_wait3A_234 = tpu.memref_squeeze %dma_wait3A_233 : memref<1x128xi32, #tpu.memory_space<vmem>> -> memref<128xi32, #tpu.memory_space<vmem>>
      %dma_wait3A_235 = arith.constant 0 : i32
      %dma_wait3A_236 = arith.constant 0 : i32
      %dma_wait3A_237 = tpu.memref_slice %arg2[%dma_wait3A_235, %dma_wait3A_236] : memref<50000x128xf32, #tpu.memory_space<hbm>> -> memref<50000x128xf32, #tpu.memory_space<hbm>>
      tpu.wait_indirect_dma semaphore(%arg12 : memref<!tpu.dma_semaphore, #tpu.memory_space<semaphore_mem>>) src(%dma_wait3A_237 : memref<50000x128xf32, #tpu.memory_space<hbm>>) dst(%dma_wait3A_231 : memref<128x128xf32, #tpu.memory_space<vmem>>)
      %dma_wait3A_238 = arith.constant 5 : i32
      %dma_wait3A_239 = arith.constant 128 : i32
      %dma_wait3A_240 = arith.constant 0 : i32
      %dma_wait3A_241 = tpu.memref_slice %arg9[%dma_wait3A_239, %dma_wait3A_240] : memref<256x128xf32, #tpu.memory_space<vmem>> -> memref<128x128xf32, #tpu.memory_space<vmem>>
      %dma_wait3A_242 = arith.constant 0 : i32
      %dma_wait3A_243 = tpu.memref_slice %arg7[%dma_wait3A_238, %dma_wait3A_242] : memref<8x128xi32, #tpu.memory_space<vmem>> -> memref<1x128xi32, #tpu.memory_space<vmem>>
      %dma_wait3A_244 = tpu.memref_squeeze %dma_wait3A_243 : memref<1x128xi32, #tpu.memory_space<vmem>> -> memref<128xi32, #tpu.memory_space<vmem>>
      %dma_wait3A_245 = arith.constant 0 : i32
      %dma_wait3A_246 = arith.constant 0 : i32
      %dma_wait3A_247 = tpu.memref_slice %arg2[%dma_wait3A_245, %dma_wait3A_246] : memref<50000x128xf32, #tpu.memory_space<hbm>> -> memref<50000x128xf32, #tpu.memory_space<hbm>>
      tpu.wait_indirect_dma semaphore(%arg11 : memref<!tpu.dma_semaphore, #tpu.memory_space<semaphore_mem>>) src(%dma_wait3A_247 : memref<50000x128xf32, #tpu.memory_space<hbm>>) dst(%dma_wait3A_241 : memref<128x128xf32, #tpu.memory_space<vmem>>)
      %dma_wait3A_248 = arith.constant 5 : i32
      %dma_wait3A_249 = arith.constant 128 : i32
      %dma_wait3A_250 = arith.constant 0 : i32
      %dma_wait3A_251 = tpu.memref_slice %arg10[%dma_wait3A_249, %dma_wait3A_250] : memref<256x128xf32, #tpu.memory_space<vmem>> -> memref<128x128xf32, #tpu.memory_space<vmem>>
      %dma_wait3A_252 = arith.constant 0 : i32
      %dma_wait3A_253 = tpu.memref_slice %arg8[%dma_wait3A_248, %dma_wait3A_252] : memref<8x128xi32, #tpu.memory_space<vmem>> -> memref<1x128xi32, #tpu.memory_space<vmem>>
      %dma_wait3A_254 = tpu.memref_squeeze %dma_wait3A_253 : memref<1x128xi32, #tpu.memory_space<vmem>> -> memref<128xi32, #tpu.memory_space<vmem>>
      %dma_wait3A_255 = arith.constant 0 : i32
      %dma_wait3A_256 = arith.constant 0 : i32
      %dma_wait3A_257 = tpu.memref_slice %arg2[%dma_wait3A_255, %dma_wait3A_256] : memref<50000x128xf32, #tpu.memory_space<hbm>> -> memref<50000x128xf32, #tpu.memory_space<hbm>>
      tpu.wait_indirect_dma semaphore(%arg12 : memref<!tpu.dma_semaphore, #tpu.memory_space<semaphore_mem>>) src(%dma_wait3A_257 : memref<50000x128xf32, #tpu.memory_space<hbm>>) dst(%dma_wait3A_251 : memref<128x128xf32, #tpu.memory_space<vmem>>)
      %add3A_258 = arith.constant 4 : i32
      %add3A_259 = arith.addi %add3A_11, %add3A_258 : i32
      %mul3A_260 = arith.constant 128 : i32
      %mul3A_261 = arith.muli %add3A_259, %mul3A_260 : i32
      "tpu.region"() ({
        %run_scoped3A = tpu.sem_alloc : memref<!tpu.dma_semaphore, #tpu.memory_space<semaphore_mem>>
        %dma_start3A_346 = arith.constant 0 : i32
        %dma_start3A_347 = tpu.memref_slice %arg5[%mul3A_261, %dma_start3A_346] : memref<819200x128xf32, #tpu.memory_space<hbm>> -> memref<256x128xf32, #tpu.memory_space<hbm>>
        %dma_start3A_348 = arith.constant 0 : i32
        %dma_start3A_349 = tpu.memref_slice %arg5[%mul3A_261, %dma_start3A_348] : memref<819200x128xf32, #tpu.memory_space<hbm>> -> memref<256x128xf32, #tpu.memory_space<hbm>>
        tpu.enqueue_dma source(%arg9 : memref<256x128xf32, #tpu.memory_space<vmem>>) target(%dma_start3A_349 : memref<256x128xf32, #tpu.memory_space<hbm>>) target_semaphore(%run_scoped3A : memref<!tpu.dma_semaphore, #tpu.memory_space<semaphore_mem>>)
        %dma_wait3A_350 = arith.constant 0 : i32
        %dma_wait3A_351 = tpu.memref_slice %arg5[%mul3A_261, %dma_wait3A_350] : memref<819200x128xf32, #tpu.memory_space<hbm>> -> memref<256x128xf32, #tpu.memory_space<hbm>>
        %dma_wait3A_352 = arith.constant 0 : i32
        %dma_wait3A_353 = tpu.memref_slice %arg5[%mul3A_261, %dma_wait3A_352] : memref<819200x128xf32, #tpu.memory_space<hbm>> -> memref<256x128xf32, #tpu.memory_space<hbm>>
        tpu.wait_dma2 semaphore(%run_scoped3A : memref<!tpu.dma_semaphore, #tpu.memory_space<semaphore_mem>>) src(%arg9 : memref<256x128xf32, #tpu.memory_space<vmem>>) dst(%dma_wait3A_353 : memref<256x128xf32, #tpu.memory_space<hbm>>)
        tpu.yield
      }) : () -> ()
      "tpu.region"() ({
        %run_scoped3A = tpu.sem_alloc : memref<!tpu.dma_semaphore, #tpu.memory_space<semaphore_mem>>
        %dma_start3A_346 = arith.constant 0 : i32
        %dma_start3A_347 = tpu.memref_slice %arg6[%mul3A_261, %dma_start3A_346] : memref<819200x128xf32, #tpu.memory_space<hbm>> -> memref<256x128xf32, #tpu.memory_space<hbm>>
        %dma_start3A_348 = arith.constant 0 : i32
        %dma_start3A_349 = tpu.memref_slice %arg6[%mul3A_261, %dma_start3A_348] : memref<819200x128xf32, #tpu.memory_space<hbm>> -> memref<256x128xf32, #tpu.memory_space<hbm>>
        tpu.enqueue_dma source(%arg10 : memref<256x128xf32, #tpu.memory_space<vmem>>) target(%dma_start3A_349 : memref<256x128xf32, #tpu.memory_space<hbm>>) target_semaphore(%run_scoped3A : memref<!tpu.dma_semaphore, #tpu.memory_space<semaphore_mem>>)
        %dma_wait3A_350 = arith.constant 0 : i32
        %dma_wait3A_351 = tpu.memref_slice %arg6[%mul3A_261, %dma_wait3A_350] : memref<819200x128xf32, #tpu.memory_space<hbm>> -> memref<256x128xf32, #tpu.memory_space<hbm>>
        %dma_wait3A_352 = arith.constant 0 : i32
        %dma_wait3A_353 = tpu.memref_slice %arg6[%mul3A_261, %dma_wait3A_352] : memref<819200x128xf32, #tpu.memory_space<hbm>> -> memref<256x128xf32, #tpu.memory_space<hbm>>
        tpu.wait_dma2 semaphore(%run_scoped3A : memref<!tpu.dma_semaphore, #tpu.memory_space<semaphore_mem>>) src(%arg10 : memref<256x128xf32, #tpu.memory_space<vmem>>) dst(%dma_wait3A_353 : memref<256x128xf32, #tpu.memory_space<hbm>>)
        tpu.yield
      }) : () -> ()
      %dma_start3A_262 = arith.constant 6 : i32
      %dma_start3A_263 = arith.constant 0 : i32
      %dma_start3A_264 = arith.constant 0 : i32
      %dma_start3A_265 = tpu.memref_slice %arg9[%dma_start3A_263, %dma_start3A_264] : memref<256x128xf32, #tpu.memory_space<vmem>> -> memref<128x128xf32, #tpu.memory_space<vmem>>
      %dma_start3A_266 = arith.constant 0 : i32
      %dma_start3A_267 = tpu.memref_slice %arg7[%dma_start3A_262, %dma_start3A_266] : memref<8x128xi32, #tpu.memory_space<vmem>> -> memref<1x128xi32, #tpu.memory_space<vmem>>
      %dma_start3A_268 = tpu.memref_squeeze %dma_start3A_267 : memref<1x128xi32, #tpu.memory_space<vmem>> -> memref<128xi32, #tpu.memory_space<vmem>>
      %dma_start3A_269 = arith.constant 0 : i32
      %dma_start3A_270 = arith.constant 0 : i32
      %dma_start3A_271 = tpu.memref_slice %arg2[%dma_start3A_269, %dma_start3A_270] : memref<50000x128xf32, #tpu.memory_space<hbm>> -> memref<50000x128xf32, #tpu.memory_space<hbm>>
      tpu.enqueue_indirect_dma source(%dma_start3A_271 : memref<50000x128xf32, #tpu.memory_space<hbm>>) target(%dma_start3A_265 : memref<128x128xf32, #tpu.memory_space<vmem>>) offsets(%dma_start3A_268 : memref<128xi32, #tpu.memory_space<vmem>>) semaphore(%arg11 : memref<!tpu.dma_semaphore, #tpu.memory_space<semaphore_mem>>)
      %dma_start3A_272 = arith.constant 6 : i32
      %dma_start3A_273 = arith.constant 0 : i32
      %dma_start3A_274 = arith.constant 0 : i32
      %dma_start3A_275 = tpu.memref_slice %arg10[%dma_start3A_273, %dma_start3A_274] : memref<256x128xf32, #tpu.memory_space<vmem>> -> memref<128x128xf32, #tpu.memory_space<vmem>>
      %dma_start3A_276 = arith.constant 0 : i32
      %dma_start3A_277 = tpu.memref_slice %arg8[%dma_start3A_272, %dma_start3A_276] : memref<8x128xi32, #tpu.memory_space<vmem>> -> memref<1x128xi32, #tpu.memory_space<vmem>>
      %dma_start3A_278 = tpu.memref_squeeze %dma_start3A_277 : memref<1x128xi32, #tpu.memory_space<vmem>> -> memref<128xi32, #tpu.memory_space<vmem>>
      %dma_start3A_279 = arith.constant 0 : i32
      %dma_start3A_280 = arith.constant 0 : i32
      %dma_start3A_281 = tpu.memref_slice %arg2[%dma_start3A_279, %dma_start3A_280] : memref<50000x128xf32, #tpu.memory_space<hbm>> -> memref<50000x128xf32, #tpu.memory_space<hbm>>
      tpu.enqueue_indirect_dma source(%dma_start3A_281 : memref<50000x128xf32, #tpu.memory_space<hbm>>) target(%dma_start3A_275 : memref<128x128xf32, #tpu.memory_space<vmem>>) offsets(%dma_start3A_278 : memref<128xi32, #tpu.memory_space<vmem>>) semaphore(%arg12 : memref<!tpu.dma_semaphore, #tpu.memory_space<semaphore_mem>>)
      %dma_start3A_282 = arith.constant 7 : i32
      %dma_start3A_283 = arith.constant 128 : i32
      %dma_start3A_284 = arith.constant 0 : i32
      %dma_start3A_285 = tpu.memref_slice %arg9[%dma_start3A_283, %dma_start3A_284] : memref<256x128xf32, #tpu.memory_space<vmem>> -> memref<128x128xf32, #tpu.memory_space<vmem>>
      %dma_start3A_286 = arith.constant 0 : i32
      %dma_start3A_287 = tpu.memref_slice %arg7[%dma_start3A_282, %dma_start3A_286] : memref<8x128xi32, #tpu.memory_space<vmem>> -> memref<1x128xi32, #tpu.memory_space<vmem>>
      %dma_start3A_288 = tpu.memref_squeeze %dma_start3A_287 : memref<1x128xi32, #tpu.memory_space<vmem>> -> memref<128xi32, #tpu.memory_space<vmem>>
      %dma_start3A_289 = arith.constant 0 : i32
      %dma_start3A_290 = arith.constant 0 : i32
      %dma_start3A_291 = tpu.memref_slice %arg2[%dma_start3A_289, %dma_start3A_290] : memref<50000x128xf32, #tpu.memory_space<hbm>> -> memref<50000x128xf32, #tpu.memory_space<hbm>>
      tpu.enqueue_indirect_dma source(%dma_start3A_291 : memref<50000x128xf32, #tpu.memory_space<hbm>>) target(%dma_start3A_285 : memref<128x128xf32, #tpu.memory_space<vmem>>) offsets(%dma_start3A_288 : memref<128xi32, #tpu.memory_space<vmem>>) semaphore(%arg11 : memref<!tpu.dma_semaphore, #tpu.memory_space<semaphore_mem>>)
      %dma_start3A_292 = arith.constant 7 : i32
      %dma_start3A_293 = arith.constant 128 : i32
      %dma_start3A_294 = arith.constant 0 : i32
      %dma_start3A_295 = tpu.memref_slice %arg10[%dma_start3A_293, %dma_start3A_294] : memref<256x128xf32, #tpu.memory_space<vmem>> -> memref<128x128xf32, #tpu.memory_space<vmem>>
      %dma_start3A_296 = arith.constant 0 : i32
      %dma_start3A_297 = tpu.memref_slice %arg8[%dma_start3A_292, %dma_start3A_296] : memref<8x128xi32, #tpu.memory_space<vmem>> -> memref<1x128xi32, #tpu.memory_space<vmem>>
      %dma_start3A_298 = tpu.memref_squeeze %dma_start3A_297 : memref<1x128xi32, #tpu.memory_space<vmem>> -> memref<128xi32, #tpu.memory_space<vmem>>
      %dma_start3A_299 = arith.constant 0 : i32
      %dma_start3A_300 = arith.constant 0 : i32
      %dma_start3A_301 = tpu.memref_slice %arg2[%dma_start3A_299, %dma_start3A_300] : memref<50000x128xf32, #tpu.memory_space<hbm>> -> memref<50000x128xf32, #tpu.memory_space<hbm>>
      tpu.enqueue_indirect_dma source(%dma_start3A_301 : memref<50000x128xf32, #tpu.memory_space<hbm>>) target(%dma_start3A_295 : memref<128x128xf32, #tpu.memory_space<vmem>>) offsets(%dma_start3A_298 : memref<128xi32, #tpu.memory_space<vmem>>) semaphore(%arg12 : memref<!tpu.dma_semaphore, #tpu.memory_space<semaphore_mem>>)
      %dma_wait3A_302 = arith.constant 6 : i32
      %dma_wait3A_303 = arith.constant 0 : i32
      %dma_wait3A_304 = arith.constant 0 : i32
      %dma_wait3A_305 = tpu.memref_slice %arg9[%dma_wait3A_303, %dma_wait3A_304] : memref<256x128xf32, #tpu.memory_space<vmem>> -> memref<128x128xf32, #tpu.memory_space<vmem>>
      %dma_wait3A_306 = arith.constant 0 : i32
      %dma_wait3A_307 = tpu.memref_slice %arg7[%dma_wait3A_302, %dma_wait3A_306] : memref<8x128xi32, #tpu.memory_space<vmem>> -> memref<1x128xi32, #tpu.memory_space<vmem>>
      %dma_wait3A_308 = tpu.memref_squeeze %dma_wait3A_307 : memref<1x128xi32, #tpu.memory_space<vmem>> -> memref<128xi32, #tpu.memory_space<vmem>>
      %dma_wait3A_309 = arith.constant 0 : i32
      %dma_wait3A_310 = arith.constant 0 : i32
      %dma_wait3A_311 = tpu.memref_slice %arg2[%dma_wait3A_309, %dma_wait3A_310] : memref<50000x128xf32, #tpu.memory_space<hbm>> -> memref<50000x128xf32, #tpu.memory_space<hbm>>
      tpu.wait_indirect_dma semaphore(%arg11 : memref<!tpu.dma_semaphore, #tpu.memory_space<semaphore_mem>>) src(%dma_wait3A_311 : memref<50000x128xf32, #tpu.memory_space<hbm>>) dst(%dma_wait3A_305 : memref<128x128xf32, #tpu.memory_space<vmem>>)
      %dma_wait3A_312 = arith.constant 6 : i32
      %dma_wait3A_313 = arith.constant 0 : i32
      %dma_wait3A_314 = arith.constant 0 : i32
      %dma_wait3A_315 = tpu.memref_slice %arg10[%dma_wait3A_313, %dma_wait3A_314] : memref<256x128xf32, #tpu.memory_space<vmem>> -> memref<128x128xf32, #tpu.memory_space<vmem>>
      %dma_wait3A_316 = arith.constant 0 : i32
      %dma_wait3A_317 = tpu.memref_slice %arg8[%dma_wait3A_312, %dma_wait3A_316] : memref<8x128xi32, #tpu.memory_space<vmem>> -> memref<1x128xi32, #tpu.memory_space<vmem>>
      %dma_wait3A_318 = tpu.memref_squeeze %dma_wait3A_317 : memref<1x128xi32, #tpu.memory_space<vmem>> -> memref<128xi32, #tpu.memory_space<vmem>>
      %dma_wait3A_319 = arith.constant 0 : i32
      %dma_wait3A_320 = arith.constant 0 : i32
      %dma_wait3A_321 = tpu.memref_slice %arg2[%dma_wait3A_319, %dma_wait3A_320] : memref<50000x128xf32, #tpu.memory_space<hbm>> -> memref<50000x128xf32, #tpu.memory_space<hbm>>
      tpu.wait_indirect_dma semaphore(%arg12 : memref<!tpu.dma_semaphore, #tpu.memory_space<semaphore_mem>>) src(%dma_wait3A_321 : memref<50000x128xf32, #tpu.memory_space<hbm>>) dst(%dma_wait3A_315 : memref<128x128xf32, #tpu.memory_space<vmem>>)
      %dma_wait3A_322 = arith.constant 7 : i32
      %dma_wait3A_323 = arith.constant 128 : i32
      %dma_wait3A_324 = arith.constant 0 : i32
      %dma_wait3A_325 = tpu.memref_slice %arg9[%dma_wait3A_323, %dma_wait3A_324] : memref<256x128xf32, #tpu.memory_space<vmem>> -> memref<128x128xf32, #tpu.memory_space<vmem>>
      %dma_wait3A_326 = arith.constant 0 : i32
      %dma_wait3A_327 = tpu.memref_slice %arg7[%dma_wait3A_322, %dma_wait3A_326] : memref<8x128xi32, #tpu.memory_space<vmem>> -> memref<1x128xi32, #tpu.memory_space<vmem>>
      %dma_wait3A_328 = tpu.memref_squeeze %dma_wait3A_327 : memref<1x128xi32, #tpu.memory_space<vmem>> -> memref<128xi32, #tpu.memory_space<vmem>>
      %dma_wait3A_329 = arith.constant 0 : i32
      %dma_wait3A_330 = arith.constant 0 : i32
      %dma_wait3A_331 = tpu.memref_slice %arg2[%dma_wait3A_329, %dma_wait3A_330] : memref<50000x128xf32, #tpu.memory_space<hbm>> -> memref<50000x128xf32, #tpu.memory_space<hbm>>
      tpu.wait_indirect_dma semaphore(%arg11 : memref<!tpu.dma_semaphore, #tpu.memory_space<semaphore_mem>>) src(%dma_wait3A_331 : memref<50000x128xf32, #tpu.memory_space<hbm>>) dst(%dma_wait3A_325 : memref<128x128xf32, #tpu.memory_space<vmem>>)
      %dma_wait3A_332 = arith.constant 7 : i32
      %dma_wait3A_333 = arith.constant 128 : i32
      %dma_wait3A_334 = arith.constant 0 : i32
      %dma_wait3A_335 = tpu.memref_slice %arg10[%dma_wait3A_333, %dma_wait3A_334] : memref<256x128xf32, #tpu.memory_space<vmem>> -> memref<128x128xf32, #tpu.memory_space<vmem>>
      %dma_wait3A_336 = arith.constant 0 : i32
      %dma_wait3A_337 = tpu.memref_slice %arg8[%dma_wait3A_332, %dma_wait3A_336] : memref<8x128xi32, #tpu.memory_space<vmem>> -> memref<1x128xi32, #tpu.memory_space<vmem>>
      %dma_wait3A_338 = tpu.memref_squeeze %dma_wait3A_337 : memref<1x128xi32, #tpu.memory_space<vmem>> -> memref<128xi32, #tpu.memory_space<vmem>>
      %dma_wait3A_339 = arith.constant 0 : i32
      %dma_wait3A_340 = arith.constant 0 : i32
      %dma_wait3A_341 = tpu.memref_slice %arg2[%dma_wait3A_339, %dma_wait3A_340] : memref<50000x128xf32, #tpu.memory_space<hbm>> -> memref<50000x128xf32, #tpu.memory_space<hbm>>
      tpu.wait_indirect_dma semaphore(%arg12 : memref<!tpu.dma_semaphore, #tpu.memory_space<semaphore_mem>>) src(%dma_wait3A_341 : memref<50000x128xf32, #tpu.memory_space<hbm>>) dst(%dma_wait3A_335 : memref<128x128xf32, #tpu.memory_space<vmem>>)
      %add3A_342 = arith.constant 6 : i32
      %add3A_343 = arith.addi %add3A_11, %add3A_342 : i32
      %mul3A_344 = arith.constant 128 : i32
      %mul3A_345 = arith.muli %add3A_343, %mul3A_344 : i32
      "tpu.region"() ({
        %run_scoped3A = tpu.sem_alloc : memref<!tpu.dma_semaphore, #tpu.memory_space<semaphore_mem>>
        %dma_start3A_346 = arith.constant 0 : i32
        %dma_start3A_347 = tpu.memref_slice %arg5[%mul3A_345, %dma_start3A_346] : memref<819200x128xf32, #tpu.memory_space<hbm>> -> memref<256x128xf32, #tpu.memory_space<hbm>>
        %dma_start3A_348 = arith.constant 0 : i32
        %dma_start3A_349 = tpu.memref_slice %arg5[%mul3A_345, %dma_start3A_348] : memref<819200x128xf32, #tpu.memory_space<hbm>> -> memref<256x128xf32, #tpu.memory_space<hbm>>
        tpu.enqueue_dma source(%arg9 : memref<256x128xf32, #tpu.memory_space<vmem>>) target(%dma_start3A_349 : memref<256x128xf32, #tpu.memory_space<hbm>>) target_semaphore(%run_scoped3A : memref<!tpu.dma_semaphore, #tpu.memory_space<semaphore_mem>>)
        %dma_wait3A_350 = arith.constant 0 : i32
        %dma_wait3A_351 = tpu.memref_slice %arg5[%mul3A_345, %dma_wait3A_350] : memref<819200x128xf32, #tpu.memory_space<hbm>> -> memref<256x128xf32, #tpu.memory_space<hbm>>
        %dma_wait3A_352 = arith.constant 0 : i32
        %dma_wait3A_353 = tpu.memref_slice %arg5[%mul3A_345, %dma_wait3A_352] : memref<819200x128xf32, #tpu.memory_space<hbm>> -> memref<256x128xf32, #tpu.memory_space<hbm>>
        tpu.wait_dma2 semaphore(%run_scoped3A : memref<!tpu.dma_semaphore, #tpu.memory_space<semaphore_mem>>) src(%arg9 : memref<256x128xf32, #tpu.memory_space<vmem>>) dst(%dma_wait3A_353 : memref<256x128xf32, #tpu.memory_space<hbm>>)
        tpu.yield
      }) : () -> ()
      "tpu.region"() ({
        %run_scoped3A = tpu.sem_alloc : memref<!tpu.dma_semaphore, #tpu.memory_space<semaphore_mem>>
        %dma_start3A_346 = arith.constant 0 : i32
        %dma_start3A_347 = tpu.memref_slice %arg6[%mul3A_345, %dma_start3A_346] : memref<819200x128xf32, #tpu.memory_space<hbm>> -> memref<256x128xf32, #tpu.memory_space<hbm>>
        %dma_start3A_348 = arith.constant 0 : i32
        %dma_start3A_349 = tpu.memref_slice %arg6[%mul3A_345, %dma_start3A_348] : memref<819200x128xf32, #tpu.memory_space<hbm>> -> memref<256x128xf32, #tpu.memory_space<hbm>>
        tpu.enqueue_dma source(%arg10 : memref<256x128xf32, #tpu.memory_space<vmem>>) target(%dma_start3A_349 : memref<256x128xf32, #tpu.memory_space<hbm>>) target_semaphore(%run_scoped3A : memref<!tpu.dma_semaphore, #tpu.memory_space<semaphore_mem>>)
        %dma_wait3A_350 = arith.constant 0 : i32
        %dma_wait3A_351 = tpu.memref_slice %arg6[%mul3A_345, %dma_wait3A_350] : memref<819200x128xf32, #tpu.memory_space<hbm>> -> memref<256x128xf32, #tpu.memory_space<hbm>>
        %dma_wait3A_352 = arith.constant 0 : i32
        %dma_wait3A_353 = tpu.memref_slice %arg6[%mul3A_345, %dma_wait3A_352] : memref<819200x128xf32, #tpu.memory_space<hbm>> -> memref<256x128xf32, #tpu.memory_space<hbm>>
        tpu.wait_dma2 semaphore(%run_scoped3A : memref<!tpu.dma_semaphore, #tpu.memory_space<semaphore_mem>>) src(%arg10 : memref<256x128xf32, #tpu.memory_space<vmem>>) dst(%dma_wait3A_353 : memref<256x128xf32, #tpu.memory_space<hbm>>)
        tpu.yield
      }) : () -> ()
    }
    %scan3A_7 = arith.constant 25 : i32
    return
  }
}

#map = affine_map<(d0, d1) -> (0, 0)>
module attributes {stable_mosaic.version = 14 : i64} {
  func.func @k(%arg0: i32, %arg1: i32, %arg2: memref<50000x128xf32, #tpu.memory_space<hbm>>, %arg3: memref<6400x128xi32, #tpu.memory_space<hbm>>, %arg4: memref<6400x128xi32, #tpu.memory_space<hbm>>, %arg5: memref<819200x128xf32, #tpu.memory_space<hbm>>, %arg6: memref<819200x128xf32, #tpu.memory_space<hbm>>, %arg7: memref<8x128xi32, #tpu.memory_space<vmem>>, %arg8: memref<8x128xi32, #tpu.memory_space<vmem>>, %arg9: memref<256x128xf32, #tpu.memory_space<vmem>>, %arg10: memref<256x128xf32, #tpu.memory_space<vmem>>, %arg11: memref<!tpu.dma_semaphore, #tpu.memory_space<semaphore_mem>>, %arg12: memref<!tpu.dma_semaphore, #tpu.memory_space<semaphore_mem>>) attributes {dimension_semantics = [#tpu.dimension_semantics<core_parallel>, #tpu.dimension_semantics<subcore_parallel>], iteration_bounds = array<i64: 2, 16>, scalar_prefetch = 0 : i64, scratch_operands = 6 : i64, tpu.core_type = #tpu.core_type<sc_vector_subcore>, window_params = [{transform_indices = #map}, {transform_indices = #map}, {transform_indices = #map}, {transform_indices = #map}, {transform_indices = #map}]} {
    %mul3A = arith.constant 2 : i32
    %mul3A_0 = arith.muli %arg1, %mul3A : i32
    %add3A = arith.addi %mul3A_0, %arg0 : i32
    %mul3A_1 = arith.constant 200 : i32
    %mul3A_2 = arith.muli %add3A, %mul3A_1 : i32
    %scan3A = arith.constant 0 : i32
    %scan3A_3 = arith.constant 0 : i32
    %scan3A_4 = arith.constant 25 : i32
    %scan3A_5 = arith.addi %scan3A_3, %scan3A_4 : i32
    %scan3A_6 = arith.constant 1 : i32
    scf.for %scan3A_8 = %scan3A_3 to %scan3A_5 step %scan3A_6  : i32 {
      %mul3A_9 = arith.constant 8 : i32
      %mul3A_10 = arith.muli %scan3A_8, %mul3A_9 : i32
      %add3A_11 = arith.addi %mul3A_2, %mul3A_10 : i32
      "tpu.region"() ({
        %run_scoped3A = tpu.sem_alloc : memref<!tpu.dma_semaphore, #tpu.memory_space<semaphore_mem>>
        %dma_start3A_346 = arith.constant 0 : i32
        %dma_start3A_347 = tpu.memref_slice %arg3[%add3A_11, %dma_start3A_346] : memref<6400x128xi32, #tpu.memory_space<hbm>> -> memref<8x128xi32, #tpu.memory_space<hbm>>
        %dma_start3A_348 = arith.constant 0 : i32
        %dma_start3A_349 = tpu.memref_slice %arg3[%add3A_11, %dma_start3A_348] : memref<6400x128xi32, #tpu.memory_space<hbm>> -> memref<8x128xi32, #tpu.memory_space<hbm>>
        tpu.enqueue_dma source(%dma_start3A_349 : memref<8x128xi32, #tpu.memory_space<hbm>>) target(%arg7 : memref<8x128xi32, #tpu.memory_space<vmem>>) target_semaphore(%run_scoped3A : memref<!tpu.dma_semaphore, #tpu.memory_space<semaphore_mem>>)
        %dma_wait3A_350 = arith.constant 0 : i32
        %dma_wait3A_351 = tpu.memref_slice %arg3[%add3A_11, %dma_wait3A_350] : memref<6400x128xi32, #tpu.memory_space<hbm>> -> memref<8x128xi32, #tpu.memory_space<hbm>>
        %dma_wait3A_352 = arith.constant 0 : i32
        %dma_wait3A_353 = tpu.memref_slice %arg3[%add3A_11, %dma_wait3A_352] : memref<6400x128xi32, #tpu.memory_space<hbm>> -> memref<8x128xi32, #tpu.memory_space<hbm>>
        tpu.wait_dma2 semaphore(%run_scoped3A : memref<!tpu.dma_semaphore, #tpu.memory_space<semaphore_mem>>) src(%dma_wait3A_353 : memref<8x128xi32, #tpu.memory_space<hbm>>) dst(%arg7 : memref<8x128xi32, #tpu.memory_space<vmem>>)
        tpu.yield
      }) : () -> ()
      "tpu.region"() ({
        %run_scoped3A = tpu.sem_alloc : memref<!tpu.dma_semaphore, #tpu.memory_space<semaphore_mem>>
        %dma_start3A_346 = arith.constant 0 : i32
        %dma_start3A_347 = tpu.memref_slice %arg4[%add3A_11, %dma_start3A_346] : memref<6400x128xi32, #tpu.memory_space<hbm>> -> memref<8x128xi32, #tpu.memory_space<hbm>>
        %dma_start3A_348 = arith.constant 0 : i32
        %dma_start3A_349 = tpu.memref_slice %arg4[%add3A_11, %dma_start3A_348] : memref<6400x128xi32, #tpu.memory_space<hbm>> -> memref<8x128xi32, #tpu.memory_space<hbm>>
        tpu.enqueue_dma source(%dma_start3A_349 : memref<8x128xi32, #tpu.memory_space<hbm>>) target(%arg8 : memref<8x128xi32, #tpu.memory_space<vmem>>) target_semaphore(%run_scoped3A : memref<!tpu.dma_semaphore, #tpu.memory_space<semaphore_mem>>)
        %dma_wait3A_350 = arith.constant 0 : i32
        %dma_wait3A_351 = tpu.memref_slice %arg4[%add3A_11, %dma_wait3A_350] : memref<6400x128xi32, #tpu.memory_space<hbm>> -> memref<8x128xi32, #tpu.memory_space<hbm>>
        %dma_wait3A_352 = arith.constant 0 : i32
        %dma_wait3A_353 = tpu.memref_slice %arg4[%add3A_11, %dma_wait3A_352] : memref<6400x128xi32, #tpu.memory_space<hbm>> -> memref<8x128xi32, #tpu.memory_space<hbm>>
        tpu.wait_dma2 semaphore(%run_scoped3A : memref<!tpu.dma_semaphore, #tpu.memory_space<semaphore_mem>>) src(%dma_wait3A_353 : memref<8x128xi32, #tpu.memory_space<hbm>>) dst(%arg8 : memref<8x128xi32, #tpu.memory_space<vmem>>)
        tpu.yield
      }) : () -> ()
      %dma_start3A = arith.constant 0 : i32
      %dma_start3A_12 = arith.constant 0 : i32
      %dma_start3A_13 = arith.constant 0 : i32
      %dma_start3A_14 = tpu.memref_slice %arg9[%dma_start3A_12, %dma_start3A_13] : memref<256x128xf32, #tpu.memory_space<vmem>> -> memref<128x128xf32, #tpu.memory_space<vmem>>
      %dma_start3A_15 = arith.constant 0 : i32
      %dma_start3A_16 = tpu.memref_slice %arg7[%dma_start3A, %dma_start3A_15] : memref<8x128xi32, #tpu.memory_space<vmem>> -> memref<1x128xi32, #tpu.memory_space<vmem>>
      %dma_start3A_17 = tpu.memref_squeeze %dma_start3A_16 : memref<1x128xi32, #tpu.memory_space<vmem>> -> memref<128xi32, #tpu.memory_space<vmem>>
      %dma_start3A_18 = arith.constant 0 : i32
      %dma_start3A_19 = arith.constant 0 : i32
      %dma_start3A_20 = tpu.memref_slice %arg2[%dma_start3A_18, %dma_start3A_19] : memref<50000x128xf32, #tpu.memory_space<hbm>> -> memref<50000x128xf32, #tpu.memory_space<hbm>>
      tpu.enqueue_indirect_dma source(%dma_start3A_20 : memref<50000x128xf32, #tpu.memory_space<hbm>>) target(%dma_start3A_14 : memref<128x128xf32, #tpu.memory_space<vmem>>) offsets(%dma_start3A_17 : memref<128xi32, #tpu.memory_space<vmem>>) semaphore(%arg11 : memref<!tpu.dma_semaphore, #tpu.memory_space<semaphore_mem>>)
      %dma_start3A_21 = arith.constant 0 : i32
      %dma_start3A_22 = arith.constant 0 : i32
      %dma_start3A_23 = arith.constant 0 : i32
      %dma_start3A_24 = tpu.memref_slice %arg10[%dma_start3A_22, %dma_start3A_23] : memref<256x128xf32, #tpu.memory_space<vmem>> -> memref<128x128xf32, #tpu.memory_space<vmem>>
      %dma_start3A_25 = arith.constant 0 : i32
      %dma_start3A_26 = tpu.memref_slice %arg8[%dma_start3A_21, %dma_start3A_25] : memref<8x128xi32, #tpu.memory_space<vmem>> -> memref<1x128xi32, #tpu.memory_space<vmem>>
      %dma_start3A_27 = tpu.memref_squeeze %dma_start3A_26 : memref<1x128xi32, #tpu.memory_space<vmem>> -> memref<128xi32, #tpu.memory_space<vmem>>
      %dma_start3A_28 = arith.constant 0 : i32
      %dma_start3A_29 = arith.constant 0 : i32
      %dma_start3A_30 = tpu.memref_slice %arg2[%dma_start3A_28, %dma_start3A_29] : memref<50000x128xf32, #tpu.memory_space<hbm>> -> memref<50000x128xf32, #tpu.memory_space<hbm>>
      tpu.enqueue_indirect_dma source(%dma_start3A_30 : memref<50000x128xf32, #tpu.memory_space<hbm>>) target(%dma_start3A_24 : memref<128x128xf32, #tpu.memory_space<vmem>>) offsets(%dma_start3A_27 : memref<128xi32, #tpu.memory_space<vmem>>) semaphore(%arg12 : memref<!tpu.dma_semaphore, #tpu.memory_space<semaphore_mem>>)
      %dma_start3A_31 = arith.constant 1 : i32
      %dma_start3A_32 = arith.constant 128 : i32
      %dma_start3A_33 = arith.constant 0 : i32
      %dma_start3A_34 = tpu.memref_slice %arg9[%dma_start3A_32, %dma_start3A_33] : memref<256x128xf32, #tpu.memory_space<vmem>> -> memref<128x128xf32, #tpu.memory_space<vmem>>
      %dma_start3A_35 = arith.constant 0 : i32
      %dma_start3A_36 = tpu.memref_slice %arg7[%dma_start3A_31, %dma_start3A_35] : memref<8x128xi32, #tpu.memory_space<vmem>> -> memref<1x128xi32, #tpu.memory_space<vmem>>
      %dma_start3A_37 = tpu.memref_squeeze %dma_start3A_36 : memref<1x128xi32, #tpu.memory_space<vmem>> -> memref<128xi32, #tpu.memory_space<vmem>>
      %dma_start3A_38 = arith.constant 0 : i32
      %dma_start3A_39 = arith.constant 0 : i32
      %dma_start3A_40 = tpu.memref_slice %arg2[%dma_start3A_38, %dma_start3A_39] : memref<50000x128xf32, #tpu.memory_space<hbm>> -> memref<50000x128xf32, #tpu.memory_space<hbm>>
      tpu.enqueue_indirect_dma source(%dma_start3A_40 : memref<50000x128xf32, #tpu.memory_space<hbm>>) target(%dma_start3A_34 : memref<128x128xf32, #tpu.memory_space<vmem>>) offsets(%dma_start3A_37 : memref<128xi32, #tpu.memory_space<vmem>>) semaphore(%arg11 : memref<!tpu.dma_semaphore, #tpu.memory_space<semaphore_mem>>)
      %dma_start3A_41 = arith.constant 1 : i32
      %dma_start3A_42 = arith.constant 128 : i32
      %dma_start3A_43 = arith.constant 0 : i32
      %dma_start3A_44 = tpu.memref_slice %arg10[%dma_start3A_42, %dma_start3A_43] : memref<256x128xf32, #tpu.memory_space<vmem>> -> memref<128x128xf32, #tpu.memory_space<vmem>>
      %dma_start3A_45 = arith.constant 0 : i32
      %dma_start3A_46 = tpu.memref_slice %arg8[%dma_start3A_41, %dma_start3A_45] : memref<8x128xi32, #tpu.memory_space<vmem>> -> memref<1x128xi32, #tpu.memory_space<vmem>>
      %dma_start3A_47 = tpu.memref_squeeze %dma_start3A_46 : memref<1x128xi32, #tpu.memory_space<vmem>> -> memref<128xi32, #tpu.memory_space<vmem>>
      %dma_start3A_48 = arith.constant 0 : i32
      %dma_start3A_49 = arith.constant 0 : i32
      %dma_start3A_50 = tpu.memref_slice %arg2[%dma_start3A_48, %dma_start3A_49] : memref<50000x128xf32, #tpu.memory_space<hbm>> -> memref<50000x128xf32, #tpu.memory_space<hbm>>
      tpu.enqueue_indirect_dma source(%dma_start3A_50 : memref<50000x128xf32, #tpu.memory_space<hbm>>) target(%dma_start3A_44 : memref<128x128xf32, #tpu.memory_space<vmem>>) offsets(%dma_start3A_47 : memref<128xi32, #tpu.memory_space<vmem>>) semaphore(%arg12 : memref<!tpu.dma_semaphore, #tpu.memory_space<semaphore_mem>>)
      %dma_wait3A = arith.constant 0 : i32
      %dma_wait3A_51 = arith.constant 0 : i32
      %dma_wait3A_52 = arith.constant 0 : i32
      %dma_wait3A_53 = tpu.memref_slice %arg9[%dma_wait3A_51, %dma_wait3A_52] : memref<256x128xf32, #tpu.memory_space<vmem>> -> memref<128x128xf32, #tpu.memory_space<vmem>>
      %dma_wait3A_54 = arith.constant 0 : i32
      %dma_wait3A_55 = tpu.memref_slice %arg7[%dma_wait3A, %dma_wait3A_54] : memref<8x128xi32, #tpu.memory_space<vmem>> -> memref<1x128xi32, #tpu.memory_space<vmem>>
      %dma_wait3A_56 = tpu.memref_squeeze %dma_wait3A_55 : memref<1x128xi32, #tpu.memory_space<vmem>> -> memref<128xi32, #tpu.memory_space<vmem>>
      %dma_wait3A_57 = arith.constant 0 : i32
      %dma_wait3A_58 = arith.constant 0 : i32
      %dma_wait3A_59 = tpu.memref_slice %arg2[%dma_wait3A_57, %dma_wait3A_58] : memref<50000x128xf32, #tpu.memory_space<hbm>> -> memref<50000x128xf32, #tpu.memory_space<hbm>>
      tpu.wait_indirect_dma semaphore(%arg11 : memref<!tpu.dma_semaphore, #tpu.memory_space<semaphore_mem>>) src(%dma_wait3A_59 : memref<50000x128xf32, #tpu.memory_space<hbm>>) dst(%dma_wait3A_53 : memref<128x128xf32, #tpu.memory_space<vmem>>)
      %dma_wait3A_60 = arith.constant 0 : i32
      %dma_wait3A_61 = arith.constant 0 : i32
      %dma_wait3A_62 = arith.constant 0 : i32
      %dma_wait3A_63 = tpu.memref_slice %arg10[%dma_wait3A_61, %dma_wait3A_62] : memref<256x128xf32, #tpu.memory_space<vmem>> -> memref<128x128xf32, #tpu.memory_space<vmem>>
      %dma_wait3A_64 = arith.constant 0 : i32
      %dma_wait3A_65 = tpu.memref_slice %arg8[%dma_wait3A_60, %dma_wait3A_64] : memref<8x128xi32, #tpu.memory_space<vmem>> -> memref<1x128xi32, #tpu.memory_space<vmem>>
      %dma_wait3A_66 = tpu.memref_squeeze %dma_wait3A_65 : memref<1x128xi32, #tpu.memory_space<vmem>> -> memref<128xi32, #tpu.memory_space<vmem>>
      %dma_wait3A_67 = arith.constant 0 : i32
      %dma_wait3A_68 = arith.constant 0 : i32
      %dma_wait3A_69 = tpu.memref_slice %arg2[%dma_wait3A_67, %dma_wait3A_68] : memref<50000x128xf32, #tpu.memory_space<hbm>> -> memref<50000x128xf32, #tpu.memory_space<hbm>>
      tpu.wait_indirect_dma semaphore(%arg12 : memref<!tpu.dma_semaphore, #tpu.memory_space<semaphore_mem>>) src(%dma_wait3A_69 : memref<50000x128xf32, #tpu.memory_space<hbm>>) dst(%dma_wait3A_63 : memref<128x128xf32, #tpu.memory_space<vmem>>)
      %dma_wait3A_70 = arith.constant 1 : i32
      %dma_wait3A_71 = arith.constant 128 : i32
      %dma_wait3A_72 = arith.constant 0 : i32
      %dma_wait3A_73 = tpu.memref_slice %arg9[%dma_wait3A_71, %dma_wait3A_72] : memref<256x128xf32, #tpu.memory_space<vmem>> -> memref<128x128xf32, #tpu.memory_space<vmem>>
      %dma_wait3A_74 = arith.constant 0 : i32
      %dma_wait3A_75 = tpu.memref_slice %arg7[%dma_wait3A_70, %dma_wait3A_74] : memref<8x128xi32, #tpu.memory_space<vmem>> -> memref<1x128xi32, #tpu.memory_space<vmem>>
      %dma_wait3A_76 = tpu.memref_squeeze %dma_wait3A_75 : memref<1x128xi32, #tpu.memory_space<vmem>> -> memref<128xi32, #tpu.memory_space<vmem>>
      %dma_wait3A_77 = arith.constant 0 : i32
      %dma_wait3A_78 = arith.constant 0 : i32
      %dma_wait3A_79 = tpu.memref_slice %arg2[%dma_wait3A_77, %dma_wait3A_78] : memref<50000x128xf32, #tpu.memory_space<hbm>> -> memref<50000x128xf32, #tpu.memory_space<hbm>>
      tpu.wait_indirect_dma semaphore(%arg11 : memref<!tpu.dma_semaphore, #tpu.memory_space<semaphore_mem>>) src(%dma_wait3A_79 : memref<50000x128xf32, #tpu.memory_space<hbm>>) dst(%dma_wait3A_73 : memref<128x128xf32, #tpu.memory_space<vmem>>)
      %dma_wait3A_80 = arith.constant 1 : i32
      %dma_wait3A_81 = arith.constant 128 : i32
      %dma_wait3A_82 = arith.constant 0 : i32
      %dma_wait3A_83 = tpu.memref_slice %arg10[%dma_wait3A_81, %dma_wait3A_82] : memref<256x128xf32, #tpu.memory_space<vmem>> -> memref<128x128xf32, #tpu.memory_space<vmem>>
      %dma_wait3A_84 = arith.constant 0 : i32
      %dma_wait3A_85 = tpu.memref_slice %arg8[%dma_wait3A_80, %dma_wait3A_84] : memref<8x128xi32, #tpu.memory_space<vmem>> -> memref<1x128xi32, #tpu.memory_space<vmem>>
      %dma_wait3A_86 = tpu.memref_squeeze %dma_wait3A_85 : memref<1x128xi32, #tpu.memory_space<vmem>> -> memref<128xi32, #tpu.memory_space<vmem>>
      %dma_wait3A_87 = arith.constant 0 : i32
      %dma_wait3A_88 = arith.constant 0 : i32
      %dma_wait3A_89 = tpu.memref_slice %arg2[%dma_wait3A_87, %dma_wait3A_88] : memref<50000x128xf32, #tpu.memory_space<hbm>> -> memref<50000x128xf32, #tpu.memory_space<hbm>>
      tpu.wait_indirect_dma semaphore(%arg12 : memref<!tpu.dma_semaphore, #tpu.memory_space<semaphore_mem>>) src(%dma_wait3A_89 : memref<50000x128xf32, #tpu.memory_space<hbm>>) dst(%dma_wait3A_83 : memref<128x128xf32, #tpu.memory_space<vmem>>)
      %add3A_90 = arith.constant 0 : i32
      %add3A_91 = arith.addi %add3A_11, %add3A_90 : i32
      %mul3A_92 = arith.constant 128 : i32
      %mul3A_93 = arith.muli %add3A_91, %mul3A_92 : i32
      "tpu.region"() ({
        %run_scoped3A = tpu.sem_alloc : memref<!tpu.dma_semaphore, #tpu.memory_space<semaphore_mem>>
        %dma_start3A_346 = arith.constant 0 : i32
        %dma_start3A_347 = tpu.memref_slice %arg5[%mul3A_93, %dma_start3A_346] : memref<819200x128xf32, #tpu.memory_space<hbm>> -> memref<256x128xf32, #tpu.memory_space<hbm>>
        %dma_start3A_348 = arith.constant 0 : i32
        %dma_start3A_349 = tpu.memref_slice %arg5[%mul3A_93, %dma_start3A_348] : memref<819200x128xf32, #tpu.memory_space<hbm>> -> memref<256x128xf32, #tpu.memory_space<hbm>>
        tpu.enqueue_dma source(%arg9 : memref<256x128xf32, #tpu.memory_space<vmem>>) target(%dma_start3A_349 : memref<256x128xf32, #tpu.memory_space<hbm>>) target_semaphore(%run_scoped3A : memref<!tpu.dma_semaphore, #tpu.memory_space<semaphore_mem>>)
        %dma_wait3A_350 = arith.constant 0 : i32
        %dma_wait3A_351 = tpu.memref_slice %arg5[%mul3A_93, %dma_wait3A_350] : memref<819200x128xf32, #tpu.memory_space<hbm>> -> memref<256x128xf32, #tpu.memory_space<hbm>>
        %dma_wait3A_352 = arith.constant 0 : i32
        %dma_wait3A_353 = tpu.memref_slice %arg5[%mul3A_93, %dma_wait3A_352] : memref<819200x128xf32, #tpu.memory_space<hbm>> -> memref<256x128xf32, #tpu.memory_space<hbm>>
        tpu.wait_dma2 semaphore(%run_scoped3A : memref<!tpu.dma_semaphore, #tpu.memory_space<semaphore_mem>>) src(%arg9 : memref<256x128xf32, #tpu.memory_space<vmem>>) dst(%dma_wait3A_353 : memref<256x128xf32, #tpu.memory_space<hbm>>)
        tpu.yield
      }) : () -> ()
      "tpu.region"() ({
        %run_scoped3A = tpu.sem_alloc : memref<!tpu.dma_semaphore, #tpu.memory_space<semaphore_mem>>
        %dma_start3A_346 = arith.constant 0 : i32
        %dma_start3A_347 = tpu.memref_slice %arg6[%mul3A_93, %dma_start3A_346] : memref<819200x128xf32, #tpu.memory_space<hbm>> -> memref<256x128xf32, #tpu.memory_space<hbm>>
        %dma_start3A_348 = arith.constant 0 : i32
        %dma_start3A_349 = tpu.memref_slice %arg6[%mul3A_93, %dma_start3A_348] : memref<819200x128xf32, #tpu.memory_space<hbm>> -> memref<256x128xf32, #tpu.memory_space<hbm>>
        tpu.enqueue_dma source(%arg10 : memref<256x128xf32, #tpu.memory_space<vmem>>) target(%dma_start3A_349 : memref<256x128xf32, #tpu.memory_space<hbm>>) target_semaphore(%run_scoped3A : memref<!tpu.dma_semaphore, #tpu.memory_space<semaphore_mem>>)
        %dma_wait3A_350 = arith.constant 0 : i32
        %dma_wait3A_351 = tpu.memref_slice %arg6[%mul3A_93, %dma_wait3A_350] : memref<819200x128xf32, #tpu.memory_space<hbm>> -> memref<256x128xf32, #tpu.memory_space<hbm>>
        %dma_wait3A_352 = arith.constant 0 : i32
        %dma_wait3A_353 = tpu.memref_slice %arg6[%mul3A_93, %dma_wait3A_352] : memref<819200x128xf32, #tpu.memory_space<hbm>> -> memref<256x128xf32, #tpu.memory_space<hbm>>
        tpu.wait_dma2 semaphore(%run_scoped3A : memref<!tpu.dma_semaphore, #tpu.memory_space<semaphore_mem>>) src(%arg10 : memref<256x128xf32, #tpu.memory_space<vmem>>) dst(%dma_wait3A_353 : memref<256x128xf32, #tpu.memory_space<hbm>>)
        tpu.yield
      }) : () -> ()
      %dma_start3A_94 = arith.constant 2 : i32
      %dma_start3A_95 = arith.constant 0 : i32
      %dma_start3A_96 = arith.constant 0 : i32
      %dma_start3A_97 = tpu.memref_slice %arg9[%dma_start3A_95, %dma_start3A_96] : memref<256x128xf32, #tpu.memory_space<vmem>> -> memref<128x128xf32, #tpu.memory_space<vmem>>
      %dma_start3A_98 = arith.constant 0 : i32
      %dma_start3A_99 = tpu.memref_slice %arg7[%dma_start3A_94, %dma_start3A_98] : memref<8x128xi32, #tpu.memory_space<vmem>> -> memref<1x128xi32, #tpu.memory_space<vmem>>
      %dma_start3A_100 = tpu.memref_squeeze %dma_start3A_99 : memref<1x128xi32, #tpu.memory_space<vmem>> -> memref<128xi32, #tpu.memory_space<vmem>>
      %dma_start3A_101 = arith.constant 0 : i32
      %dma_start3A_102 = arith.constant 0 : i32
      %dma_start3A_103 = tpu.memref_slice %arg2[%dma_start3A_101, %dma_start3A_102] : memref<50000x128xf32, #tpu.memory_space<hbm>> -> memref<50000x128xf32, #tpu.memory_space<hbm>>
      tpu.enqueue_indirect_dma source(%dma_start3A_103 : memref<50000x128xf32, #tpu.memory_space<hbm>>) target(%dma_start3A_97 : memref<128x128xf32, #tpu.memory_space<vmem>>) offsets(%dma_start3A_100 : memref<128xi32, #tpu.memory_space<vmem>>) semaphore(%arg11 : memref<!tpu.dma_semaphore, #tpu.memory_space<semaphore_mem>>)
      %dma_start3A_104 = arith.constant 2 : i32
      %dma_start3A_105 = arith.constant 0 : i32
      %dma_start3A_106 = arith.constant 0 : i32
      %dma_start3A_107 = tpu.memref_slice %arg10[%dma_start3A_105, %dma_start3A_106] : memref<256x128xf32, #tpu.memory_space<vmem>> -> memref<128x128xf32, #tpu.memory_space<vmem>>
      %dma_start3A_108 = arith.constant 0 : i32
      %dma_start3A_109 = tpu.memref_slice %arg8[%dma_start3A_104, %dma_start3A_108] : memref<8x128xi32, #tpu.memory_space<vmem>> -> memref<1x128xi32, #tpu.memory_space<vmem>>
      %dma_start3A_110 = tpu.memref_squeeze %dma_start3A_109 : memref<1x128xi32, #tpu.memory_space<vmem>> -> memref<128xi32, #tpu.memory_space<vmem>>
      %dma_start3A_111 = arith.constant 0 : i32
      %dma_start3A_112 = arith.constant 0 : i32
      %dma_start3A_113 = tpu.memref_slice %arg2[%dma_start3A_111, %dma_start3A_112] : memref<50000x128xf32, #tpu.memory_space<hbm>> -> memref<50000x128xf32, #tpu.memory_space<hbm>>
      tpu.enqueue_indirect_dma source(%dma_start3A_113 : memref<50000x128xf32, #tpu.memory_space<hbm>>) target(%dma_start3A_107 : memref<128x128xf32, #tpu.memory_space<vmem>>) offsets(%dma_start3A_110 : memref<128xi32, #tpu.memory_space<vmem>>) semaphore(%arg12 : memref<!tpu.dma_semaphore, #tpu.memory_space<semaphore_mem>>)
      %dma_start3A_114 = arith.constant 3 : i32
      %dma_start3A_115 = arith.constant 128 : i32
      %dma_start3A_116 = arith.constant 0 : i32
      %dma_start3A_117 = tpu.memref_slice %arg9[%dma_start3A_115, %dma_start3A_116] : memref<256x128xf32, #tpu.memory_space<vmem>> -> memref<128x128xf32, #tpu.memory_space<vmem>>
      %dma_start3A_118 = arith.constant 0 : i32
      %dma_start3A_119 = tpu.memref_slice %arg7[%dma_start3A_114, %dma_start3A_118] : memref<8x128xi32, #tpu.memory_space<vmem>> -> memref<1x128xi32, #tpu.memory_space<vmem>>
      %dma_start3A_120 = tpu.memref_squeeze %dma_start3A_119 : memref<1x128xi32, #tpu.memory_space<vmem>> -> memref<128xi32, #tpu.memory_space<vmem>>
      %dma_start3A_121 = arith.constant 0 : i32
      %dma_start3A_122 = arith.constant 0 : i32
      %dma_start3A_123 = tpu.memref_slice %arg2[%dma_start3A_121, %dma_start3A_122] : memref<50000x128xf32, #tpu.memory_space<hbm>> -> memref<50000x128xf32, #tpu.memory_space<hbm>>
      tpu.enqueue_indirect_dma source(%dma_start3A_123 : memref<50000x128xf32, #tpu.memory_space<hbm>>) target(%dma_start3A_117 : memref<128x128xf32, #tpu.memory_space<vmem>>) offsets(%dma_start3A_120 : memref<128xi32, #tpu.memory_space<vmem>>) semaphore(%arg11 : memref<!tpu.dma_semaphore, #tpu.memory_space<semaphore_mem>>)
      %dma_start3A_124 = arith.constant 3 : i32
      %dma_start3A_125 = arith.constant 128 : i32
      %dma_start3A_126 = arith.constant 0 : i32
      %dma_start3A_127 = tpu.memref_slice %arg10[%dma_start3A_125, %dma_start3A_126] : memref<256x128xf32, #tpu.memory_space<vmem>> -> memref<128x128xf32, #tpu.memory_space<vmem>>
      %dma_start3A_128 = arith.constant 0 : i32
      %dma_start3A_129 = tpu.memref_slice %arg8[%dma_start3A_124, %dma_start3A_128] : memref<8x128xi32, #tpu.memory_space<vmem>> -> memref<1x128xi32, #tpu.memory_space<vmem>>
      %dma_start3A_130 = tpu.memref_squeeze %dma_start3A_129 : memref<1x128xi32, #tpu.memory_space<vmem>> -> memref<128xi32, #tpu.memory_space<vmem>>
      %dma_start3A_131 = arith.constant 0 : i32
      %dma_start3A_132 = arith.constant 0 : i32
      %dma_start3A_133 = tpu.memref_slice %arg2[%dma_start3A_131, %dma_start3A_132] : memref<50000x128xf32, #tpu.memory_space<hbm>> -> memref<50000x128xf32, #tpu.memory_space<hbm>>
      tpu.enqueue_indirect_dma source(%dma_start3A_133 : memref<50000x128xf32, #tpu.memory_space<hbm>>) target(%dma_start3A_127 : memref<128x128xf32, #tpu.memory_space<vmem>>) offsets(%dma_start3A_130 : memref<128xi32, #tpu.memory_space<vmem>>) semaphore(%arg12 : memref<!tpu.dma_semaphore, #tpu.memory_space<semaphore_mem>>)
      %dma_wait3A_134 = arith.constant 2 : i32
      %dma_wait3A_135 = arith.constant 0 : i32
      %dma_wait3A_136 = arith.constant 0 : i32
      %dma_wait3A_137 = tpu.memref_slice %arg9[%dma_wait3A_135, %dma_wait3A_136] : memref<256x128xf32, #tpu.memory_space<vmem>> -> memref<128x128xf32, #tpu.memory_space<vmem>>
      %dma_wait3A_138 = arith.constant 0 : i32
      %dma_wait3A_139 = tpu.memref_slice %arg7[%dma_wait3A_134, %dma_wait3A_138] : memref<8x128xi32, #tpu.memory_space<vmem>> -> memref<1x128xi32, #tpu.memory_space<vmem>>
      %dma_wait3A_140 = tpu.memref_squeeze %dma_wait3A_139 : memref<1x128xi32, #tpu.memory_space<vmem>> -> memref<128xi32, #tpu.memory_space<vmem>>
      %dma_wait3A_141 = arith.constant 0 : i32
      %dma_wait3A_142 = arith.constant 0 : i32
      %dma_wait3A_143 = tpu.memref_slice %arg2[%dma_wait3A_141, %dma_wait3A_142] : memref<50000x128xf32, #tpu.memory_space<hbm>> -> memref<50000x128xf32, #tpu.memory_space<hbm>>
      tpu.wait_indirect_dma semaphore(%arg11 : memref<!tpu.dma_semaphore, #tpu.memory_space<semaphore_mem>>) src(%dma_wait3A_143 : memref<50000x128xf32, #tpu.memory_space<hbm>>) dst(%dma_wait3A_137 : memref<128x128xf32, #tpu.memory_space<vmem>>)
      %dma_wait3A_144 = arith.constant 2 : i32
      %dma_wait3A_145 = arith.constant 0 : i32
      %dma_wait3A_146 = arith.constant 0 : i32
      %dma_wait3A_147 = tpu.memref_slice %arg10[%dma_wait3A_145, %dma_wait3A_146] : memref<256x128xf32, #tpu.memory_space<vmem>> -> memref<128x128xf32, #tpu.memory_space<vmem>>
      %dma_wait3A_148 = arith.constant 0 : i32
      %dma_wait3A_149 = tpu.memref_slice %arg8[%dma_wait3A_144, %dma_wait3A_148] : memref<8x128xi32, #tpu.memory_space<vmem>> -> memref<1x128xi32, #tpu.memory_space<vmem>>
      %dma_wait3A_150 = tpu.memref_squeeze %dma_wait3A_149 : memref<1x128xi32, #tpu.memory_space<vmem>> -> memref<128xi32, #tpu.memory_space<vmem>>
      %dma_wait3A_151 = arith.constant 0 : i32
      %dma_wait3A_152 = arith.constant 0 : i32
      %dma_wait3A_153 = tpu.memref_slice %arg2[%dma_wait3A_151, %dma_wait3A_152] : memref<50000x128xf32, #tpu.memory_space<hbm>> -> memref<50000x128xf32, #tpu.memory_space<hbm>>
      tpu.wait_indirect_dma semaphore(%arg12 : memref<!tpu.dma_semaphore, #tpu.memory_space<semaphore_mem>>) src(%dma_wait3A_153 : memref<50000x128xf32, #tpu.memory_space<hbm>>) dst(%dma_wait3A_147 : memref<128x128xf32, #tpu.memory_space<vmem>>)
      %dma_wait3A_154 = arith.constant 3 : i32
      %dma_wait3A_155 = arith.constant 128 : i32
      %dma_wait3A_156 = arith.constant 0 : i32
      %dma_wait3A_157 = tpu.memref_slice %arg9[%dma_wait3A_155, %dma_wait3A_156] : memref<256x128xf32, #tpu.memory_space<vmem>> -> memref<128x128xf32, #tpu.memory_space<vmem>>
      %dma_wait3A_158 = arith.constant 0 : i32
      %dma_wait3A_159 = tpu.memref_slice %arg7[%dma_wait3A_154, %dma_wait3A_158] : memref<8x128xi32, #tpu.memory_space<vmem>> -> memref<1x128xi32, #tpu.memory_space<vmem>>
      %dma_wait3A_160 = tpu.memref_squeeze %dma_wait3A_159 : memref<1x128xi32, #tpu.memory_space<vmem>> -> memref<128xi32, #tpu.memory_space<vmem>>
      %dma_wait3A_161 = arith.constant 0 : i32
      %dma_wait3A_162 = arith.constant 0 : i32
      %dma_wait3A_163 = tpu.memref_slice %arg2[%dma_wait3A_161, %dma_wait3A_162] : memref<50000x128xf32, #tpu.memory_space<hbm>> -> memref<50000x128xf32, #tpu.memory_space<hbm>>
      tpu.wait_indirect_dma semaphore(%arg11 : memref<!tpu.dma_semaphore, #tpu.memory_space<semaphore_mem>>) src(%dma_wait3A_163 : memref<50000x128xf32, #tpu.memory_space<hbm>>) dst(%dma_wait3A_157 : memref<128x128xf32, #tpu.memory_space<vmem>>)
      %dma_wait3A_164 = arith.constant 3 : i32
      %dma_wait3A_165 = arith.constant 128 : i32
      %dma_wait3A_166 = arith.constant 0 : i32
      %dma_wait3A_167 = tpu.memref_slice %arg10[%dma_wait3A_165, %dma_wait3A_166] : memref<256x128xf32, #tpu.memory_space<vmem>> -> memref<128x128xf32, #tpu.memory_space<vmem>>
      %dma_wait3A_168 = arith.constant 0 : i32
      %dma_wait3A_169 = tpu.memref_slice %arg8[%dma_wait3A_164, %dma_wait3A_168] : memref<8x128xi32, #tpu.memory_space<vmem>> -> memref<1x128xi32, #tpu.memory_space<vmem>>
      %dma_wait3A_170 = tpu.memref_squeeze %dma_wait3A_169 : memref<1x128xi32, #tpu.memory_space<vmem>> -> memref<128xi32, #tpu.memory_space<vmem>>
      %dma_wait3A_171 = arith.constant 0 : i32
      %dma_wait3A_172 = arith.constant 0 : i32
      %dma_wait3A_173 = tpu.memref_slice %arg2[%dma_wait3A_171, %dma_wait3A_172] : memref<50000x128xf32, #tpu.memory_space<hbm>> -> memref<50000x128xf32, #tpu.memory_space<hbm>>
      tpu.wait_indirect_dma semaphore(%arg12 : memref<!tpu.dma_semaphore, #tpu.memory_space<semaphore_mem>>) src(%dma_wait3A_173 : memref<50000x128xf32, #tpu.memory_space<hbm>>) dst(%dma_wait3A_167 : memref<128x128xf32, #tpu.memory_space<vmem>>)
      %add3A_174 = arith.constant 2 : i32
      %add3A_175 = arith.addi %add3A_11, %add3A_174 : i32
      %mul3A_176 = arith.constant 128 : i32
      %mul3A_177 = arith.muli %add3A_175, %mul3A_176 : i32
      "tpu.region"() ({
        %run_scoped3A = tpu.sem_alloc : memref<!tpu.dma_semaphore, #tpu.memory_space<semaphore_mem>>
        %dma_start3A_346 = arith.constant 0 : i32
        %dma_start3A_347 = tpu.memref_slice %arg5[%mul3A_177, %dma_start3A_346] : memref<819200x128xf32, #tpu.memory_space<hbm>> -> memref<256x128xf32, #tpu.memory_space<hbm>>
        %dma_start3A_348 = arith.constant 0 : i32
        %dma_start3A_349 = tpu.memref_slice %arg5[%mul3A_177, %dma_start3A_348] : memref<819200x128xf32, #tpu.memory_space<hbm>> -> memref<256x128xf32, #tpu.memory_space<hbm>>
        tpu.enqueue_dma source(%arg9 : memref<256x128xf32, #tpu.memory_space<vmem>>) target(%dma_start3A_349 : memref<256x128xf32, #tpu.memory_space<hbm>>) target_semaphore(%run_scoped3A : memref<!tpu.dma_semaphore, #tpu.memory_space<semaphore_mem>>)
        %dma_wait3A_350 = arith.constant 0 : i32
        %dma_wait3A_351 = tpu.memref_slice %arg5[%mul3A_177, %dma_wait3A_350] : memref<819200x128xf32, #tpu.memory_space<hbm>> -> memref<256x128xf32, #tpu.memory_space<hbm>>
        %dma_wait3A_352 = arith.constant 0 : i32
        %dma_wait3A_353 = tpu.memref_slice %arg5[%mul3A_177, %dma_wait3A_352] : memref<819200x128xf32, #tpu.memory_space<hbm>> -> memref<256x128xf32, #tpu.memory_space<hbm>>
        tpu.wait_dma2 semaphore(%run_scoped3A : memref<!tpu.dma_semaphore, #tpu.memory_space<semaphore_mem>>) src(%arg9 : memref<256x128xf32, #tpu.memory_space<vmem>>) dst(%dma_wait3A_353 : memref<256x128xf32, #tpu.memory_space<hbm>>)
        tpu.yield
      }) : () -> ()
      "tpu.region"() ({
        %run_scoped3A = tpu.sem_alloc : memref<!tpu.dma_semaphore, #tpu.memory_space<semaphore_mem>>
        %dma_start3A_346 = arith.constant 0 : i32
        %dma_start3A_347 = tpu.memref_slice %arg6[%mul3A_177, %dma_start3A_346] : memref<819200x128xf32, #tpu.memory_space<hbm>> -> memref<256x128xf32, #tpu.memory_space<hbm>>
        %dma_start3A_348 = arith.constant 0 : i32
        %dma_start3A_349 = tpu.memref_slice %arg6[%mul3A_177, %dma_start3A_348] : memref<819200x128xf32, #tpu.memory_space<hbm>> -> memref<256x128xf32, #tpu.memory_space<hbm>>
        tpu.enqueue_dma source(%arg10 : memref<256x128xf32, #tpu.memory_space<vmem>>) target(%dma_start3A_349 : memref<256x128xf32, #tpu.memory_space<hbm>>) target_semaphore(%run_scoped3A : memref<!tpu.dma_semaphore, #tpu.memory_space<semaphore_mem>>)
        %dma_wait3A_350 = arith.constant 0 : i32
        %dma_wait3A_351 = tpu.memref_slice %arg6[%mul3A_177, %dma_wait3A_350] : memref<819200x128xf32, #tpu.memory_space<hbm>> -> memref<256x128xf32, #tpu.memory_space<hbm>>
        %dma_wait3A_352 = arith.constant 0 : i32
        %dma_wait3A_353 = tpu.memref_slice %arg6[%mul3A_177, %dma_wait3A_352] : memref<819200x128xf32, #tpu.memory_space<hbm>> -> memref<256x128xf32, #tpu.memory_space<hbm>>
        tpu.wait_dma2 semaphore(%run_scoped3A : memref<!tpu.dma_semaphore, #tpu.memory_space<semaphore_mem>>) src(%arg10 : memref<256x128xf32, #tpu.memory_space<vmem>>) dst(%dma_wait3A_353 : memref<256x128xf32, #tpu.memory_space<hbm>>)
        tpu.yield
      }) : () -> ()
      %dma_start3A_178 = arith.constant 4 : i32
      %dma_start3A_179 = arith.constant 0 : i32
      %dma_start3A_180 = arith.constant 0 : i32
      %dma_start3A_181 = tpu.memref_slice %arg9[%dma_start3A_179, %dma_start3A_180] : memref<256x128xf32, #tpu.memory_space<vmem>> -> memref<128x128xf32, #tpu.memory_space<vmem>>
      %dma_start3A_182 = arith.constant 0 : i32
      %dma_start3A_183 = tpu.memref_slice %arg7[%dma_start3A_178, %dma_start3A_182] : memref<8x128xi32, #tpu.memory_space<vmem>> -> memref<1x128xi32, #tpu.memory_space<vmem>>
      %dma_start3A_184 = tpu.memref_squeeze %dma_start3A_183 : memref<1x128xi32, #tpu.memory_space<vmem>> -> memref<128xi32, #tpu.memory_space<vmem>>
      %dma_start3A_185 = arith.constant 0 : i32
      %dma_start3A_186 = arith.constant 0 : i32
      %dma_start3A_187 = tpu.memref_slice %arg2[%dma_start3A_185, %dma_start3A_186] : memref<50000x128xf32, #tpu.memory_space<hbm>> -> memref<50000x128xf32, #tpu.memory_space<hbm>>
      tpu.enqueue_indirect_dma source(%dma_start3A_187 : memref<50000x128xf32, #tpu.memory_space<hbm>>) target(%dma_start3A_181 : memref<128x128xf32, #tpu.memory_space<vmem>>) offsets(%dma_start3A_184 : memref<128xi32, #tpu.memory_space<vmem>>) semaphore(%arg11 : memref<!tpu.dma_semaphore, #tpu.memory_space<semaphore_mem>>)
      %dma_start3A_188 = arith.constant 4 : i32
      %dma_start3A_189 = arith.constant 0 : i32
      %dma_start3A_190 = arith.constant 0 : i32
      %dma_start3A_191 = tpu.memref_slice %arg10[%dma_start3A_189, %dma_start3A_190] : memref<256x128xf32, #tpu.memory_space<vmem>> -> memref<128x128xf32, #tpu.memory_space<vmem>>
      %dma_start3A_192 = arith.constant 0 : i32
      %dma_start3A_193 = tpu.memref_slice %arg8[%dma_start3A_188, %dma_start3A_192] : memref<8x128xi32, #tpu.memory_space<vmem>> -> memref<1x128xi32, #tpu.memory_space<vmem>>
      %dma_start3A_194 = tpu.memref_squeeze %dma_start3A_193 : memref<1x128xi32, #tpu.memory_space<vmem>> -> memref<128xi32, #tpu.memory_space<vmem>>
      %dma_start3A_195 = arith.constant 0 : i32
      %dma_start3A_196 = arith.constant 0 : i32
      %dma_start3A_197 = tpu.memref_slice %arg2[%dma_start3A_195, %dma_start3A_196] : memref<50000x128xf32, #tpu.memory_space<hbm>> -> memref<50000x128xf32, #tpu.memory_space<hbm>>
      tpu.enqueue_indirect_dma source(%dma_start3A_197 : memref<50000x128xf32, #tpu.memory_space<hbm>>) target(%dma_start3A_191 : memref<128x128xf32, #tpu.memory_space<vmem>>) offsets(%dma_start3A_194 : memref<128xi32, #tpu.memory_space<vmem>>) semaphore(%arg12 : memref<!tpu.dma_semaphore, #tpu.memory_space<semaphore_mem>>)
      %dma_start3A_198 = arith.constant 5 : i32
      %dma_start3A_199 = arith.constant 128 : i32
      %dma_start3A_200 = arith.constant 0 : i32
      %dma_start3A_201 = tpu.memref_slice %arg9[%dma_start3A_199, %dma_start3A_200] : memref<256x128xf32, #tpu.memory_space<vmem>> -> memref<128x128xf32, #tpu.memory_space<vmem>>
      %dma_start3A_202 = arith.constant 0 : i32
      %dma_start3A_203 = tpu.memref_slice %arg7[%dma_start3A_198, %dma_start3A_202] : memref<8x128xi32, #tpu.memory_space<vmem>> -> memref<1x128xi32, #tpu.memory_space<vmem>>
      %dma_start3A_204 = tpu.memref_squeeze %dma_start3A_203 : memref<1x128xi32, #tpu.memory_space<vmem>> -> memref<128xi32, #tpu.memory_space<vmem>>
      %dma_start3A_205 = arith.constant 0 : i32
      %dma_start3A_206 = arith.constant 0 : i32
      %dma_start3A_207 = tpu.memref_slice %arg2[%dma_start3A_205, %dma_start3A_206] : memref<50000x128xf32, #tpu.memory_space<hbm>> -> memref<50000x128xf32, #tpu.memory_space<hbm>>
      tpu.enqueue_indirect_dma source(%dma_start3A_207 : memref<50000x128xf32, #tpu.memory_space<hbm>>) target(%dma_start3A_201 : memref<128x128xf32, #tpu.memory_space<vmem>>) offsets(%dma_start3A_204 : memref<128xi32, #tpu.memory_space<vmem>>) semaphore(%arg11 : memref<!tpu.dma_semaphore, #tpu.memory_space<semaphore_mem>>)
      %dma_start3A_208 = arith.constant 5 : i32
      %dma_start3A_209 = arith.constant 128 : i32
      %dma_start3A_210 = arith.constant 0 : i32
      %dma_start3A_211 = tpu.memref_slice %arg10[%dma_start3A_209, %dma_start3A_210] : memref<256x128xf32, #tpu.memory_space<vmem>> -> memref<128x128xf32, #tpu.memory_space<vmem>>
      %dma_start3A_212 = arith.constant 0 : i32
      %dma_start3A_213 = tpu.memref_slice %arg8[%dma_start3A_208, %dma_start3A_212] : memref<8x128xi32, #tpu.memory_space<vmem>> -> memref<1x128xi32, #tpu.memory_space<vmem>>
      %dma_start3A_214 = tpu.memref_squeeze %dma_start3A_213 : memref<1x128xi32, #tpu.memory_space<vmem>> -> memref<128xi32, #tpu.memory_space<vmem>>
      %dma_start3A_215 = arith.constant 0 : i32
      %dma_start3A_216 = arith.constant 0 : i32
      %dma_start3A_217 = tpu.memref_slice %arg2[%dma_start3A_215, %dma_start3A_216] : memref<50000x128xf32, #tpu.memory_space<hbm>> -> memref<50000x128xf32, #tpu.memory_space<hbm>>
      tpu.enqueue_indirect_dma source(%dma_start3A_217 : memref<50000x128xf32, #tpu.memory_space<hbm>>) target(%dma_start3A_211 : memref<128x128xf32, #tpu.memory_space<vmem>>) offsets(%dma_start3A_214 : memref<128xi32, #tpu.memory_space<vmem>>) semaphore(%arg12 : memref<!tpu.dma_semaphore, #tpu.memory_space<semaphore_mem>>)
      %dma_wait3A_218 = arith.constant 4 : i32
      %dma_wait3A_219 = arith.constant 0 : i32
      %dma_wait3A_220 = arith.constant 0 : i32
      %dma_wait3A_221 = tpu.memref_slice %arg9[%dma_wait3A_219, %dma_wait3A_220] : memref<256x128xf32, #tpu.memory_space<vmem>> -> memref<128x128xf32, #tpu.memory_space<vmem>>
      %dma_wait3A_222 = arith.constant 0 : i32
      %dma_wait3A_223 = tpu.memref_slice %arg7[%dma_wait3A_218, %dma_wait3A_222] : memref<8x128xi32, #tpu.memory_space<vmem>> -> memref<1x128xi32, #tpu.memory_space<vmem>>
      %dma_wait3A_224 = tpu.memref_squeeze %dma_wait3A_223 : memref<1x128xi32, #tpu.memory_space<vmem>> -> memref<128xi32, #tpu.memory_space<vmem>>
      %dma_wait3A_225 = arith.constant 0 : i32
      %dma_wait3A_226 = arith.constant 0 : i32
      %dma_wait3A_227 = tpu.memref_slice %arg2[%dma_wait3A_225, %dma_wait3A_226] : memref<50000x128xf32, #tpu.memory_space<hbm>> -> memref<50000x128xf32, #tpu.memory_space<hbm>>
      tpu.wait_indirect_dma semaphore(%arg11 : memref<!tpu.dma_semaphore, #tpu.memory_space<semaphore_mem>>) src(%dma_wait3A_227 : memref<50000x128xf32, #tpu.memory_space<hbm>>) dst(%dma_wait3A_221 : memref<128x128xf32, #tpu.memory_space<vmem>>)
      %dma_wait3A_228 = arith.constant 4 : i32
      %dma_wait3A_229 = arith.constant 0 : i32
      %dma_wait3A_230 = arith.constant 0 : i32
      %dma_wait3A_231 = tpu.memref_slice %arg10[%dma_wait3A_229, %dma_wait3A_230] : memref<256x128xf32, #tpu.memory_space<vmem>> -> memref<128x128xf32, #tpu.memory_space<vmem>>
      %dma_wait3A_232 = arith.constant 0 : i32
      %dma_wait3A_233 = tpu.memref_slice %arg8[%dma_wait3A_228, %dma_wait3A_232] : memref<8x128xi32, #tpu.memory_space<vmem>> -> memref<1x128xi32, #tpu.memory_space<vmem>>
      %dma_wait3A_234 = tpu.memref_squeeze %dma_wait3A_233 : memref<1x128xi32, #tpu.memory_space<vmem>> -> memref<128xi32, #tpu.memory_space<vmem>>
      %dma_wait3A_235 = arith.constant 0 : i32
      %dma_wait3A_236 = arith.constant 0 : i32
      %dma_wait3A_237 = tpu.memref_slice %arg2[%dma_wait3A_235, %dma_wait3A_236] : memref<50000x128xf32, #tpu.memory_space<hbm>> -> memref<50000x128xf32, #tpu.memory_space<hbm>>
      tpu.wait_indirect_dma semaphore(%arg12 : memref<!tpu.dma_semaphore, #tpu.memory_space<semaphore_mem>>) src(%dma_wait3A_237 : memref<50000x128xf32, #tpu.memory_space<hbm>>) dst(%dma_wait3A_231 : memref<128x128xf32, #tpu.memory_space<vmem>>)
      %dma_wait3A_238 = arith.constant 5 : i32
      %dma_wait3A_239 = arith.constant 128 : i32
      %dma_wait3A_240 = arith.constant 0 : i32
      %dma_wait3A_241 = tpu.memref_slice %arg9[%dma_wait3A_239, %dma_wait3A_240] : memref<256x128xf32, #tpu.memory_space<vmem>> -> memref<128x128xf32, #tpu.memory_space<vmem>>
      %dma_wait3A_242 = arith.constant 0 : i32
      %dma_wait3A_243 = tpu.memref_slice %arg7[%dma_wait3A_238, %dma_wait3A_242] : memref<8x128xi32, #tpu.memory_space<vmem>> -> memref<1x128xi32, #tpu.memory_space<vmem>>
      %dma_wait3A_244 = tpu.memref_squeeze %dma_wait3A_243 : memref<1x128xi32, #tpu.memory_space<vmem>> -> memref<128xi32, #tpu.memory_space<vmem>>
      %dma_wait3A_245 = arith.constant 0 : i32
      %dma_wait3A_246 = arith.constant 0 : i32
      %dma_wait3A_247 = tpu.memref_slice %arg2[%dma_wait3A_245, %dma_wait3A_246] : memref<50000x128xf32, #tpu.memory_space<hbm>> -> memref<50000x128xf32, #tpu.memory_space<hbm>>
      tpu.wait_indirect_dma semaphore(%arg11 : memref<!tpu.dma_semaphore, #tpu.memory_space<semaphore_mem>>) src(%dma_wait3A_247 : memref<50000x128xf32, #tpu.memory_space<hbm>>) dst(%dma_wait3A_241 : memref<128x128xf32, #tpu.memory_space<vmem>>)
      %dma_wait3A_248 = arith.constant 5 : i32
      %dma_wait3A_249 = arith.constant 128 : i32
      %dma_wait3A_250 = arith.constant 0 : i32
      %dma_wait3A_251 = tpu.memref_slice %arg10[%dma_wait3A_249, %dma_wait3A_250] : memref<256x128xf32, #tpu.memory_space<vmem>> -> memref<128x128xf32, #tpu.memory_space<vmem>>
      %dma_wait3A_252 = arith.constant 0 : i32
      %dma_wait3A_253 = tpu.memref_slice %arg8[%dma_wait3A_248, %dma_wait3A_252] : memref<8x128xi32, #tpu.memory_space<vmem>> -> memref<1x128xi32, #tpu.memory_space<vmem>>
      %dma_wait3A_254 = tpu.memref_squeeze %dma_wait3A_253 : memref<1x128xi32, #tpu.memory_space<vmem>> -> memref<128xi32, #tpu.memory_space<vmem>>
      %dma_wait3A_255 = arith.constant 0 : i32
      %dma_wait3A_256 = arith.constant 0 : i32
      %dma_wait3A_257 = tpu.memref_slice %arg2[%dma_wait3A_255, %dma_wait3A_256] : memref<50000x128xf32, #tpu.memory_space<hbm>> -> memref<50000x128xf32, #tpu.memory_space<hbm>>
      tpu.wait_indirect_dma semaphore(%arg12 : memref<!tpu.dma_semaphore, #tpu.memory_space<semaphore_mem>>) src(%dma_wait3A_257 : memref<50000x128xf32, #tpu.memory_space<hbm>>) dst(%dma_wait3A_251 : memref<128x128xf32, #tpu.memory_space<vmem>>)
      %add3A_258 = arith.constant 4 : i32
      %add3A_259 = arith.addi %add3A_11, %add3A_258 : i32
      %mul3A_260 = arith.constant 128 : i32
      %mul3A_261 = arith.muli %add3A_259, %mul3A_260 : i32
      "tpu.region"() ({
        %run_scoped3A = tpu.sem_alloc : memref<!tpu.dma_semaphore, #tpu.memory_space<semaphore_mem>>
        %dma_start3A_346 = arith.constant 0 : i32
        %dma_start3A_347 = tpu.memref_slice %arg5[%mul3A_261, %dma_start3A_346] : memref<819200x128xf32, #tpu.memory_space<hbm>> -> memref<256x128xf32, #tpu.memory_space<hbm>>
        %dma_start3A_348 = arith.constant 0 : i32
        %dma_start3A_349 = tpu.memref_slice %arg5[%mul3A_261, %dma_start3A_348] : memref<819200x128xf32, #tpu.memory_space<hbm>> -> memref<256x128xf32, #tpu.memory_space<hbm>>
        tpu.enqueue_dma source(%arg9 : memref<256x128xf32, #tpu.memory_space<vmem>>) target(%dma_start3A_349 : memref<256x128xf32, #tpu.memory_space<hbm>>) target_semaphore(%run_scoped3A : memref<!tpu.dma_semaphore, #tpu.memory_space<semaphore_mem>>)
        %dma_wait3A_350 = arith.constant 0 : i32
        %dma_wait3A_351 = tpu.memref_slice %arg5[%mul3A_261, %dma_wait3A_350] : memref<819200x128xf32, #tpu.memory_space<hbm>> -> memref<256x128xf32, #tpu.memory_space<hbm>>
        %dma_wait3A_352 = arith.constant 0 : i32
        %dma_wait3A_353 = tpu.memref_slice %arg5[%mul3A_261, %dma_wait3A_352] : memref<819200x128xf32, #tpu.memory_space<hbm>> -> memref<256x128xf32, #tpu.memory_space<hbm>>
        tpu.wait_dma2 semaphore(%run_scoped3A : memref<!tpu.dma_semaphore, #tpu.memory_space<semaphore_mem>>) src(%arg9 : memref<256x128xf32, #tpu.memory_space<vmem>>) dst(%dma_wait3A_353 : memref<256x128xf32, #tpu.memory_space<hbm>>)
        tpu.yield
      }) : () -> ()
      "tpu.region"() ({
        %run_scoped3A = tpu.sem_alloc : memref<!tpu.dma_semaphore, #tpu.memory_space<semaphore_mem>>
        %dma_start3A_346 = arith.constant 0 : i32
        %dma_start3A_347 = tpu.memref_slice %arg6[%mul3A_261, %dma_start3A_346] : memref<819200x128xf32, #tpu.memory_space<hbm>> -> memref<256x128xf32, #tpu.memory_space<hbm>>
        %dma_start3A_348 = arith.constant 0 : i32
        %dma_start3A_349 = tpu.memref_slice %arg6[%mul3A_261, %dma_start3A_348] : memref<819200x128xf32, #tpu.memory_space<hbm>> -> memref<256x128xf32, #tpu.memory_space<hbm>>
        tpu.enqueue_dma source(%arg10 : memref<256x128xf32, #tpu.memory_space<vmem>>) target(%dma_start3A_349 : memref<256x128xf32, #tpu.memory_space<hbm>>) target_semaphore(%run_scoped3A : memref<!tpu.dma_semaphore, #tpu.memory_space<semaphore_mem>>)
        %dma_wait3A_350 = arith.constant 0 : i32
        %dma_wait3A_351 = tpu.memref_slice %arg6[%mul3A_261, %dma_wait3A_350] : memref<819200x128xf32, #tpu.memory_space<hbm>> -> memref<256x128xf32, #tpu.memory_space<hbm>>
        %dma_wait3A_352 = arith.constant 0 : i32
        %dma_wait3A_353 = tpu.memref_slice %arg6[%mul3A_261, %dma_wait3A_352] : memref<819200x128xf32, #tpu.memory_space<hbm>> -> memref<256x128xf32, #tpu.memory_space<hbm>>
        tpu.wait_dma2 semaphore(%run_scoped3A : memref<!tpu.dma_semaphore, #tpu.memory_space<semaphore_mem>>) src(%arg10 : memref<256x128xf32, #tpu.memory_space<vmem>>) dst(%dma_wait3A_353 : memref<256x128xf32, #tpu.memory_space<hbm>>)
        tpu.yield
      }) : () -> ()
      %dma_start3A_262 = arith.constant 6 : i32
      %dma_start3A_263 = arith.constant 0 : i32
      %dma_start3A_264 = arith.constant 0 : i32
      %dma_start3A_265 = tpu.memref_slice %arg9[%dma_start3A_263, %dma_start3A_264] : memref<256x128xf32, #tpu.memory_space<vmem>> -> memref<128x128xf32, #tpu.memory_space<vmem>>
      %dma_start3A_266 = arith.constant 0 : i32
      %dma_start3A_267 = tpu.memref_slice %arg7[%dma_start3A_262, %dma_start3A_266] : memref<8x128xi32, #tpu.memory_space<vmem>> -> memref<1x128xi32, #tpu.memory_space<vmem>>
      %dma_start3A_268 = tpu.memref_squeeze %dma_start3A_267 : memref<1x128xi32, #tpu.memory_space<vmem>> -> memref<128xi32, #tpu.memory_space<vmem>>
      %dma_start3A_269 = arith.constant 0 : i32
      %dma_start3A_270 = arith.constant 0 : i32
      %dma_start3A_271 = tpu.memref_slice %arg2[%dma_start3A_269, %dma_start3A_270] : memref<50000x128xf32, #tpu.memory_space<hbm>> -> memref<50000x128xf32, #tpu.memory_space<hbm>>
      tpu.enqueue_indirect_dma source(%dma_start3A_271 : memref<50000x128xf32, #tpu.memory_space<hbm>>) target(%dma_start3A_265 : memref<128x128xf32, #tpu.memory_space<vmem>>) offsets(%dma_start3A_268 : memref<128xi32, #tpu.memory_space<vmem>>) semaphore(%arg11 : memref<!tpu.dma_semaphore, #tpu.memory_space<semaphore_mem>>)
      %dma_start3A_272 = arith.constant 6 : i32
      %dma_start3A_273 = arith.constant 0 : i32
      %dma_start3A_274 = arith.constant 0 : i32
      %dma_start3A_275 = tpu.memref_slice %arg10[%dma_start3A_273, %dma_start3A_274] : memref<256x128xf32, #tpu.memory_space<vmem>> -> memref<128x128xf32, #tpu.memory_space<vmem>>
      %dma_start3A_276 = arith.constant 0 : i32
      %dma_start3A_277 = tpu.memref_slice %arg8[%dma_start3A_272, %dma_start3A_276] : memref<8x128xi32, #tpu.memory_space<vmem>> -> memref<1x128xi32, #tpu.memory_space<vmem>>
      %dma_start3A_278 = tpu.memref_squeeze %dma_start3A_277 : memref<1x128xi32, #tpu.memory_space<vmem>> -> memref<128xi32, #tpu.memory_space<vmem>>
      %dma_start3A_279 = arith.constant 0 : i32
      %dma_start3A_280 = arith.constant 0 : i32
      %dma_start3A_281 = tpu.memref_slice %arg2[%dma_start3A_279, %dma_start3A_280] : memref<50000x128xf32, #tpu.memory_space<hbm>> -> memref<50000x128xf32, #tpu.memory_space<hbm>>
      tpu.enqueue_indirect_dma source(%dma_start3A_281 : memref<50000x128xf32, #tpu.memory_space<hbm>>) target(%dma_start3A_275 : memref<128x128xf32, #tpu.memory_space<vmem>>) offsets(%dma_start3A_278 : memref<128xi32, #tpu.memory_space<vmem>>) semaphore(%arg12 : memref<!tpu.dma_semaphore, #tpu.memory_space<semaphore_mem>>)
      %dma_start3A_282 = arith.constant 7 : i32
      %dma_start3A_283 = arith.constant 128 : i32
      %dma_start3A_284 = arith.constant 0 : i32
      %dma_start3A_285 = tpu.memref_slice %arg9[%dma_start3A_283, %dma_start3A_284] : memref<256x128xf32, #tpu.memory_space<vmem>> -> memref<128x128xf32, #tpu.memory_space<vmem>>
      %dma_start3A_286 = arith.constant 0 : i32
      %dma_start3A_287 = tpu.memref_slice %arg7[%dma_start3A_282, %dma_start3A_286] : memref<8x128xi32, #tpu.memory_space<vmem>> -> memref<1x128xi32, #tpu.memory_space<vmem>>
      %dma_start3A_288 = tpu.memref_squeeze %dma_start3A_287 : memref<1x128xi32, #tpu.memory_space<vmem>> -> memref<128xi32, #tpu.memory_space<vmem>>
      %dma_start3A_289 = arith.constant 0 : i32
      %dma_start3A_290 = arith.constant 0 : i32
      %dma_start3A_291 = tpu.memref_slice %arg2[%dma_start3A_289, %dma_start3A_290] : memref<50000x128xf32, #tpu.memory_space<hbm>> -> memref<50000x128xf32, #tpu.memory_space<hbm>>
      tpu.enqueue_indirect_dma source(%dma_start3A_291 : memref<50000x128xf32, #tpu.memory_space<hbm>>) target(%dma_start3A_285 : memref<128x128xf32, #tpu.memory_space<vmem>>) offsets(%dma_start3A_288 : memref<128xi32, #tpu.memory_space<vmem>>) semaphore(%arg11 : memref<!tpu.dma_semaphore, #tpu.memory_space<semaphore_mem>>)
      %dma_start3A_292 = arith.constant 7 : i32
      %dma_start3A_293 = arith.constant 128 : i32
      %dma_start3A_294 = arith.constant 0 : i32
      %dma_start3A_295 = tpu.memref_slice %arg10[%dma_start3A_293, %dma_start3A_294] : memref<256x128xf32, #tpu.memory_space<vmem>> -> memref<128x128xf32, #tpu.memory_space<vmem>>
      %dma_start3A_296 = arith.constant 0 : i32
      %dma_start3A_297 = tpu.memref_slice %arg8[%dma_start3A_292, %dma_start3A_296] : memref<8x128xi32, #tpu.memory_space<vmem>> -> memref<1x128xi32, #tpu.memory_space<vmem>>
      %dma_start3A_298 = tpu.memref_squeeze %dma_start3A_297 : memref<1x128xi32, #tpu.memory_space<vmem>> -> memref<128xi32, #tpu.memory_space<vmem>>
      %dma_start3A_299 = arith.constant 0 : i32
      %dma_start3A_300 = arith.constant 0 : i32
      %dma_start3A_301 = tpu.memref_slice %arg2[%dma_start3A_299, %dma_start3A_300] : memref<50000x128xf32, #tpu.memory_space<hbm>> -> memref<50000x128xf32, #tpu.memory_space<hbm>>
      tpu.enqueue_indirect_dma source(%dma_start3A_301 : memref<50000x128xf32, #tpu.memory_space<hbm>>) target(%dma_start3A_295 : memref<128x128xf32, #tpu.memory_space<vmem>>) offsets(%dma_start3A_298 : memref<128xi32, #tpu.memory_space<vmem>>) semaphore(%arg12 : memref<!tpu.dma_semaphore, #tpu.memory_space<semaphore_mem>>)
      %dma_wait3A_302 = arith.constant 6 : i32
      %dma_wait3A_303 = arith.constant 0 : i32
      %dma_wait3A_304 = arith.constant 0 : i32
      %dma_wait3A_305 = tpu.memref_slice %arg9[%dma_wait3A_303, %dma_wait3A_304] : memref<256x128xf32, #tpu.memory_space<vmem>> -> memref<128x128xf32, #tpu.memory_space<vmem>>
      %dma_wait3A_306 = arith.constant 0 : i32
      %dma_wait3A_307 = tpu.memref_slice %arg7[%dma_wait3A_302, %dma_wait3A_306] : memref<8x128xi32, #tpu.memory_space<vmem>> -> memref<1x128xi32, #tpu.memory_space<vmem>>
      %dma_wait3A_308 = tpu.memref_squeeze %dma_wait3A_307 : memref<1x128xi32, #tpu.memory_space<vmem>> -> memref<128xi32, #tpu.memory_space<vmem>>
      %dma_wait3A_309 = arith.constant 0 : i32
      %dma_wait3A_310 = arith.constant 0 : i32
      %dma_wait3A_311 = tpu.memref_slice %arg2[%dma_wait3A_309, %dma_wait3A_310] : memref<50000x128xf32, #tpu.memory_space<hbm>> -> memref<50000x128xf32, #tpu.memory_space<hbm>>
      tpu.wait_indirect_dma semaphore(%arg11 : memref<!tpu.dma_semaphore, #tpu.memory_space<semaphore_mem>>) src(%dma_wait3A_311 : memref<50000x128xf32, #tpu.memory_space<hbm>>) dst(%dma_wait3A_305 : memref<128x128xf32, #tpu.memory_space<vmem>>)
      %dma_wait3A_312 = arith.constant 6 : i32
      %dma_wait3A_313 = arith.constant 0 : i32
      %dma_wait3A_314 = arith.constant 0 : i32
      %dma_wait3A_315 = tpu.memref_slice %arg10[%dma_wait3A_313, %dma_wait3A_314] : memref<256x128xf32, #tpu.memory_space<vmem>> -> memref<128x128xf32, #tpu.memory_space<vmem>>
      %dma_wait3A_316 = arith.constant 0 : i32
      %dma_wait3A_317 = tpu.memref_slice %arg8[%dma_wait3A_312, %dma_wait3A_316] : memref<8x128xi32, #tpu.memory_space<vmem>> -> memref<1x128xi32, #tpu.memory_space<vmem>>
      %dma_wait3A_318 = tpu.memref_squeeze %dma_wait3A_317 : memref<1x128xi32, #tpu.memory_space<vmem>> -> memref<128xi32, #tpu.memory_space<vmem>>
      %dma_wait3A_319 = arith.constant 0 : i32
      %dma_wait3A_320 = arith.constant 0 : i32
      %dma_wait3A_321 = tpu.memref_slice %arg2[%dma_wait3A_319, %dma_wait3A_320] : memref<50000x128xf32, #tpu.memory_space<hbm>> -> memref<50000x128xf32, #tpu.memory_space<hbm>>
      tpu.wait_indirect_dma semaphore(%arg12 : memref<!tpu.dma_semaphore, #tpu.memory_space<semaphore_mem>>) src(%dma_wait3A_321 : memref<50000x128xf32, #tpu.memory_space<hbm>>) dst(%dma_wait3A_315 : memref<128x128xf32, #tpu.memory_space<vmem>>)
      %dma_wait3A_322 = arith.constant 7 : i32
      %dma_wait3A_323 = arith.constant 128 : i32
      %dma_wait3A_324 = arith.constant 0 : i32
      %dma_wait3A_325 = tpu.memref_slice %arg9[%dma_wait3A_323, %dma_wait3A_324] : memref<256x128xf32, #tpu.memory_space<vmem>> -> memref<128x128xf32, #tpu.memory_space<vmem>>
      %dma_wait3A_326 = arith.constant 0 : i32
      %dma_wait3A_327 = tpu.memref_slice %arg7[%dma_wait3A_322, %dma_wait3A_326] : memref<8x128xi32, #tpu.memory_space<vmem>> -> memref<1x128xi32, #tpu.memory_space<vmem>>
      %dma_wait3A_328 = tpu.memref_squeeze %dma_wait3A_327 : memref<1x128xi32, #tpu.memory_space<vmem>> -> memref<128xi32, #tpu.memory_space<vmem>>
      %dma_wait3A_329 = arith.constant 0 : i32
      %dma_wait3A_330 = arith.constant 0 : i32
      %dma_wait3A_331 = tpu.memref_slice %arg2[%dma_wait3A_329, %dma_wait3A_330] : memref<50000x128xf32, #tpu.memory_space<hbm>> -> memref<50000x128xf32, #tpu.memory_space<hbm>>
      tpu.wait_indirect_dma semaphore(%arg11 : memref<!tpu.dma_semaphore, #tpu.memory_space<semaphore_mem>>) src(%dma_wait3A_331 : memref<50000x128xf32, #tpu.memory_space<hbm>>) dst(%dma_wait3A_325 : memref<128x128xf32, #tpu.memory_space<vmem>>)
      %dma_wait3A_332 = arith.constant 7 : i32
      %dma_wait3A_333 = arith.constant 128 : i32
      %dma_wait3A_334 = arith.constant 0 : i32
      %dma_wait3A_335 = tpu.memref_slice %arg10[%dma_wait3A_333, %dma_wait3A_334] : memref<256x128xf32, #tpu.memory_space<vmem>> -> memref<128x128xf32, #tpu.memory_space<vmem>>
      %dma_wait3A_336 = arith.constant 0 : i32
      %dma_wait3A_337 = tpu.memref_slice %arg8[%dma_wait3A_332, %dma_wait3A_336] : memref<8x128xi32, #tpu.memory_space<vmem>> -> memref<1x128xi32, #tpu.memory_space<vmem>>
      %dma_wait3A_338 = tpu.memref_squeeze %dma_wait3A_337 : memref<1x128xi32, #tpu.memory_space<vmem>> -> memref<128xi32, #tpu.memory_space<vmem>>
      %dma_wait3A_339 = arith.constant 0 : i32
      %dma_wait3A_340 = arith.constant 0 : i32
      %dma_wait3A_341 = tpu.memref_slice %arg2[%dma_wait3A_339, %dma_wait3A_340] : memref<50000x128xf32, #tpu.memory_space<hbm>> -> memref<50000x128xf32, #tpu.memory_space<hbm>>
      tpu.wait_indirect_dma semaphore(%arg12 : memref<!tpu.dma_semaphore, #tpu.memory_space<semaphore_mem>>) src(%dma_wait3A_341 : memref<50000x128xf32, #tpu.memory_space<hbm>>) dst(%dma_wait3A_335 : memref<128x128xf32, #tpu.memory_space<vmem>>)
      %add3A_342 = arith.constant 6 : i32
      %add3A_343 = arith.addi %add3A_11, %add3A_342 : i32
      %mul3A_344 = arith.constant 128 : i32
      %mul3A_345 = arith.muli %add3A_343, %mul3A_344 : i32
      "tpu.region"() ({
        %run_scoped3A = tpu.sem_alloc : memref<!tpu.dma_semaphore, #tpu.memory_space<semaphore_mem>>
        %dma_start3A_346 = arith.constant 0 : i32
        %dma_start3A_347 = tpu.memref_slice %arg5[%mul3A_345, %dma_start3A_346] : memref<819200x128xf32, #tpu.memory_space<hbm>> -> memref<256x128xf32, #tpu.memory_space<hbm>>
        %dma_start3A_348 = arith.constant 0 : i32
        %dma_start3A_349 = tpu.memref_slice %arg5[%mul3A_345, %dma_start3A_348] : memref<819200x128xf32, #tpu.memory_space<hbm>> -> memref<256x128xf32, #tpu.memory_space<hbm>>
        tpu.enqueue_dma source(%arg9 : memref<256x128xf32, #tpu.memory_space<vmem>>) target(%dma_start3A_349 : memref<256x128xf32, #tpu.memory_space<hbm>>) target_semaphore(%run_scoped3A : memref<!tpu.dma_semaphore, #tpu.memory_space<semaphore_mem>>)
        %dma_wait3A_350 = arith.constant 0 : i32
        %dma_wait3A_351 = tpu.memref_slice %arg5[%mul3A_345, %dma_wait3A_350] : memref<819200x128xf32, #tpu.memory_space<hbm>> -> memref<256x128xf32, #tpu.memory_space<hbm>>
        %dma_wait3A_352 = arith.constant 0 : i32
        %dma_wait3A_353 = tpu.memref_slice %arg5[%mul3A_345, %dma_wait3A_352] : memref<819200x128xf32, #tpu.memory_space<hbm>> -> memref<256x128xf32, #tpu.memory_space<hbm>>
        tpu.wait_dma2 semaphore(%run_scoped3A : memref<!tpu.dma_semaphore, #tpu.memory_space<semaphore_mem>>) src(%arg9 : memref<256x128xf32, #tpu.memory_space<vmem>>) dst(%dma_wait3A_353 : memref<256x128xf32, #tpu.memory_space<hbm>>)
        tpu.yield
      }) : () -> ()
      "tpu.region"() ({
        %run_scoped3A = tpu.sem_alloc : memref<!tpu.dma_semaphore, #tpu.memory_space<semaphore_mem>>
        %dma_start3A_346 = arith.constant 0 : i32
        %dma_start3A_347 = tpu.memref_slice %arg6[%mul3A_345, %dma_start3A_346] : memref<819200x128xf32, #tpu.memory_space<hbm>> -> memref<256x128xf32, #tpu.memory_space<hbm>>
        %dma_start3A_348 = arith.constant 0 : i32
        %dma_start3A_349 = tpu.memref_slice %arg6[%mul3A_345, %dma_start3A_348] : memref<819200x128xf32, #tpu.memory_space<hbm>> -> memref<256x128xf32, #tpu.memory_space<hbm>>
        tpu.enqueue_dma source(%arg10 : memref<256x128xf32, #tpu.memory_space<vmem>>) target(%dma_start3A_349 : memref<256x128xf32, #tpu.memory_space<hbm>>) target_semaphore(%run_scoped3A : memref<!tpu.dma_semaphore, #tpu.memory_space<semaphore_mem>>)
        %dma_wait3A_350 = arith.constant 0 : i32
        %dma_wait3A_351 = tpu.memref_slice %arg6[%mul3A_345, %dma_wait3A_350] : memref<819200x128xf32, #tpu.memory_space<hbm>> -> memref<256x128xf32, #tpu.memory_space<hbm>>
        %dma_wait3A_352 = arith.constant 0 : i32
        %dma_wait3A_353 = tpu.memref_slice %arg6[%mul3A_345, %dma_wait3A_352] : memref<819200x128xf32, #tpu.memory_space<hbm>> -> memref<256x128xf32, #tpu.memory_space<hbm>>
        tpu.wait_dma2 semaphore(%run_scoped3A : memref<!tpu.dma_semaphore, #tpu.memory_space<semaphore_mem>>) src(%arg10 : memref<256x128xf32, #tpu.memory_space<vmem>>) dst(%dma_wait3A_353 : memref<256x128xf32, #tpu.memory_space<hbm>>)
        tpu.yield
      }) : () -> ()
    }
    %scan3A_7 = arith.constant 25 : i32
    return
  }
}

module attributes {stable_mosaic.version = 14 : i64} {
  func.func @body(%arg0: i32, %arg1: memref<2000x16xf32, #tpu.memory_space<vmem>>, %arg2: memref<16x64xf32, #tpu.memory_space<vmem>>, %arg3: memref<1x64xf32, #tpu.memory_space<vmem>>, %arg4: memref<64x64xf32, #tpu.memory_space<vmem>>, %arg5: memref<1x64xf32, #tpu.memory_space<vmem>>, %arg6: memref<64x64xf32, #tpu.memory_space<vmem>>, %arg7: memref<1x64xf32, #tpu.memory_space<vmem>>, %arg8: memref<64x64xf32, #tpu.memory_space<vmem>>, %arg9: memref<1x64xf32, #tpu.memory_space<vmem>>, %arg10: memref<1x64xf32, #tpu.memory_space<vmem>>, %arg11: memref<1x64xf32, #tpu.memory_space<vmem>>, %arg12: memref<2000x64xf32, #tpu.memory_space<vmem>>) attributes {dimension_semantics = [#tpu.dimension_semantics<arbitrary>], iteration_bounds = array<i64: 25>, scalar_prefetch = 0 : i64, scratch_operands = 0 : i64, tpu.core_type = #tpu.core_type<tc>, window_params = [{transform_indices = @transform_0, window_bounds = array<i64: 2000, 16>}, {pipeline_mode = #tpu.pipeline_mode<synchronous>, transform_indices = @transform_1, window_bounds = array<i64: 16, 64>}, {pipeline_mode = #tpu.pipeline_mode<synchronous>, transform_indices = @transform_2, window_bounds = array<i64: 1, 64>}, {pipeline_mode = #tpu.pipeline_mode<synchronous>, transform_indices = @transform_3, window_bounds = array<i64: 64, 64>}, {pipeline_mode = #tpu.pipeline_mode<synchronous>, transform_indices = @transform_4, window_bounds = array<i64: 1, 64>}, {pipeline_mode = #tpu.pipeline_mode<synchronous>, transform_indices = @transform_5, window_bounds = array<i64: 64, 64>}, {pipeline_mode = #tpu.pipeline_mode<synchronous>, transform_indices = @transform_6, window_bounds = array<i64: 1, 64>}, {pipeline_mode = #tpu.pipeline_mode<synchronous>, transform_indices = @transform_7, window_bounds = array<i64: 64, 64>}, {pipeline_mode = #tpu.pipeline_mode<synchronous>, transform_indices = @transform_8, window_bounds = array<i64: 1, 64>}, {pipeline_mode = #tpu.pipeline_mode<synchronous>, transform_indices = @transform_9, window_bounds = array<i64: 1, 64>}, {pipeline_mode = #tpu.pipeline_mode<synchronous>, transform_indices = @transform_10, window_bounds = array<i64: 1, 64>}, {transform_indices = @transform_11, window_bounds = array<i64: 2000, 64>}]} {
    %get3A = arith.constant 0 : index
    %get3A_0 = arith.constant 0 : index
    %get3A_1 = vector.load %arg1[%get3A, %get3A_0] : memref<2000x16xf32, #tpu.memory_space<vmem>>, vector<2000x16xf32>
    %get3A_2 = arith.constant 0 : index
    %get3A_3 = arith.constant 0 : index
    %get3A_4 = vector.load %arg2[%get3A_2, %get3A_3] : memref<16x64xf32, #tpu.memory_space<vmem>>, vector<16x64xf32>
    %dot_general3A = arith.constant dense<0.000000e+00> : vector<2000x64xf32>
    %dot_general3A_5 = tpu.matmul %get3A_1, %get3A_4, %dot_general3A {dimension_numbers = #tpu.dot_dimension_numbers<[1], [0], [0], [1], [0, 0, 1, 1], [], []>, transpose_lhs_hint = false} : vector<2000x16xf32>, vector<16x64xf32>, vector<2000x64xf32> -> vector<2000x64xf32>
    %get3A_6 = arith.constant 0 : index
    %get3A_7 = arith.constant 0 : index
    %get3A_8 = vector.load %arg3[%get3A_6, %get3A_7] : memref<1x64xf32, #tpu.memory_space<vmem>>, vector<1x64xf32>
    %add3A = vector.broadcast %get3A_8 : vector<1x64xf32> to vector<2000x64xf32>
    %add3A_9 = arith.addf %dot_general3A_5, %add3A : vector<2000x64xf32>
    %max3A = arith.constant 0.000000e+00 : f32
    %max3A_10 = vector.broadcast %max3A : f32 to vector<2000x64xf32>
    %max3A_11 = arith.maximumf %add3A_9, %max3A_10 : vector<2000x64xf32>
    %get3A_12 = arith.constant 0 : index
    %get3A_13 = arith.constant 0 : index
    %get3A_14 = vector.load %arg4[%get3A_12, %get3A_13] : memref<64x64xf32, #tpu.memory_space<vmem>>, vector<64x64xf32>
    %dot_general3A_15 = arith.constant dense<0.000000e+00> : vector<2000x64xf32>
    %dot_general3A_16 = tpu.matmul %max3A_11, %get3A_14, %dot_general3A_15 {dimension_numbers = #tpu.dot_dimension_numbers<[1], [0], [0], [1], [0, 0, 1, 1], [], []>, transpose_lhs_hint = false} : vector<2000x64xf32>, vector<64x64xf32>, vector<2000x64xf32> -> vector<2000x64xf32>
    %get3A_17 = arith.constant 0 : index
    %get3A_18 = arith.constant 0 : index
    %get3A_19 = vector.load %arg5[%get3A_17, %get3A_18] : memref<1x64xf32, #tpu.memory_space<vmem>>, vector<1x64xf32>
    %add3A_20 = vector.broadcast %get3A_19 : vector<1x64xf32> to vector<2000x64xf32>
    %add3A_21 = arith.addf %dot_general3A_16, %add3A_20 : vector<2000x64xf32>
    %max3A_22 = arith.constant 0.000000e+00 : f32
    %max3A_23 = vector.broadcast %max3A_22 : f32 to vector<2000x64xf32>
    %max3A_24 = arith.maximumf %add3A_21, %max3A_23 : vector<2000x64xf32>
    %get3A_25 = arith.constant 0 : index
    %get3A_26 = arith.constant 0 : index
    %get3A_27 = vector.load %arg6[%get3A_25, %get3A_26] : memref<64x64xf32, #tpu.memory_space<vmem>>, vector<64x64xf32>
    %dot_general3A_28 = arith.constant dense<0.000000e+00> : vector<2000x64xf32>
    %dot_general3A_29 = tpu.matmul %max3A_24, %get3A_27, %dot_general3A_28 {dimension_numbers = #tpu.dot_dimension_numbers<[1], [0], [0], [1], [0, 0, 1, 1], [], []>, transpose_lhs_hint = false} : vector<2000x64xf32>, vector<64x64xf32>, vector<2000x64xf32> -> vector<2000x64xf32>
    %get3A_30 = arith.constant 0 : index
    %get3A_31 = arith.constant 0 : index
    %get3A_32 = vector.load %arg7[%get3A_30, %get3A_31] : memref<1x64xf32, #tpu.memory_space<vmem>>, vector<1x64xf32>
    %add3A_33 = vector.broadcast %get3A_32 : vector<1x64xf32> to vector<2000x64xf32>
    %add3A_34 = arith.addf %dot_general3A_29, %add3A_33 : vector<2000x64xf32>
    %max3A_35 = arith.constant 0.000000e+00 : f32
    %max3A_36 = vector.broadcast %max3A_35 : f32 to vector<2000x64xf32>
    %max3A_37 = arith.maximumf %add3A_34, %max3A_36 : vector<2000x64xf32>
    %add3A_38 = arith.addf %max3A_11, %max3A_37 : vector<2000x64xf32>
    %get3A_39 = arith.constant 0 : index
    %get3A_40 = arith.constant 0 : index
    %get3A_41 = vector.load %arg8[%get3A_39, %get3A_40] : memref<64x64xf32, #tpu.memory_space<vmem>>, vector<64x64xf32>
    %dot_general3A_42 = arith.constant dense<0.000000e+00> : vector<2000x64xf32>
    %dot_general3A_43 = tpu.matmul %add3A_38, %get3A_41, %dot_general3A_42 {dimension_numbers = #tpu.dot_dimension_numbers<[1], [0], [0], [1], [0, 0, 1, 1], [], []>, transpose_lhs_hint = false} : vector<2000x64xf32>, vector<64x64xf32>, vector<2000x64xf32> -> vector<2000x64xf32>
    %get3A_44 = arith.constant 0 : index
    %get3A_45 = arith.constant 0 : index
    %get3A_46 = vector.load %arg9[%get3A_44, %get3A_45] : memref<1x64xf32, #tpu.memory_space<vmem>>, vector<1x64xf32>
    %add3A_47 = vector.broadcast %get3A_46 : vector<1x64xf32> to vector<2000x64xf32>
    %add3A_48 = arith.addf %dot_general3A_43, %add3A_47 : vector<2000x64xf32>
    %reduce_sum3A = arith.constant dense<0.000000e+00> : vector<2000xf32>
    %reduce_sum3A_49 = vector.multi_reduction <add>, %add3A_48, %reduce_sum3A [1] : vector<2000x64xf32> to vector<2000xf32>
    %broadcast_in_dim3A = vector.shape_cast %reduce_sum3A_49 : vector<2000xf32> to vector<2000x1xf32>
    %div3A = arith.constant 6.400000e+01 : f32
    %div3A_50 = vector.broadcast %div3A : f32 to vector<2000x1xf32>
    %div3A_51 = arith.divf %broadcast_in_dim3A, %div3A_50 : vector<2000x1xf32>
    %sub3A = vector.broadcast %div3A_51 : vector<2000x1xf32> to vector<2000x64xf32>
    %sub3A_52 = arith.subf %add3A_48, %sub3A : vector<2000x64xf32>
    %sub3A_53 = vector.broadcast %div3A_51 : vector<2000x1xf32> to vector<2000x64xf32>
    %sub3A_54 = arith.subf %add3A_48, %sub3A_53 : vector<2000x64xf32>
    %mul3A = arith.mulf %sub3A_52, %sub3A_54 : vector<2000x64xf32>
    %reduce_sum3A_55 = arith.constant dense<0.000000e+00> : vector<2000xf32>
    %reduce_sum3A_56 = vector.multi_reduction <add>, %mul3A, %reduce_sum3A_55 [1] : vector<2000x64xf32> to vector<2000xf32>
    %broadcast_in_dim3A_57 = vector.shape_cast %reduce_sum3A_56 : vector<2000xf32> to vector<2000x1xf32>
    %div3A_58 = arith.constant 6.400000e+01 : f32
    %div3A_59 = vector.broadcast %div3A_58 : f32 to vector<2000x1xf32>
    %div3A_60 = arith.divf %broadcast_in_dim3A_57, %div3A_59 : vector<2000x1xf32>
    %sub3A_61 = vector.broadcast %div3A_51 : vector<2000x1xf32> to vector<2000x64xf32>
    %sub3A_62 = arith.subf %add3A_48, %sub3A_61 : vector<2000x64xf32>
    %add3A_63 = arith.constant 9.99999974E-6 : f32
    %add3A_64 = vector.broadcast %add3A_63 : f32 to vector<2000x1xf32>
    %add3A_65 = arith.addf %div3A_60, %add3A_64 : vector<2000x1xf32>
    %rsqrt3A = math.rsqrt %add3A_65 : vector<2000x1xf32>
    %mul3A_66 = vector.broadcast %rsqrt3A : vector<2000x1xf32> to vector<2000x64xf32>
    %mul3A_67 = arith.mulf %sub3A_62, %mul3A_66 : vector<2000x64xf32>
    %get3A_68 = arith.constant 0 : index
    %get3A_69 = arith.constant 0 : index
    %get3A_70 = vector.load %arg10[%get3A_68, %get3A_69] : memref<1x64xf32, #tpu.memory_space<vmem>>, vector<1x64xf32>
    %mul3A_71 = vector.broadcast %get3A_70 : vector<1x64xf32> to vector<2000x64xf32>
    %mul3A_72 = arith.mulf %mul3A_67, %mul3A_71 : vector<2000x64xf32>
    %get3A_73 = arith.constant 0 : index
    %get3A_74 = arith.constant 0 : index
    %get3A_75 = vector.load %arg11[%get3A_73, %get3A_74] : memref<1x64xf32, #tpu.memory_space<vmem>>, vector<1x64xf32>
    %add3A_76 = vector.broadcast %get3A_75 : vector<1x64xf32> to vector<2000x64xf32>
    %add3A_77 = arith.addf %mul3A_72, %add3A_76 : vector<2000x64xf32>
    %swap3A = arith.constant 0 : index
    %swap3A_78 = arith.constant 0 : index
    %swap3A_79 = vector.load %arg12[%swap3A, %swap3A_78] : memref<2000x64xf32, #tpu.memory_space<vmem>>, vector<2000x64xf32>
    tpu.vector_store %arg12[%swap3A, %swap3A_78], %add3A_77 {strides = array<i32>} : memref<2000x64xf32, #tpu.memory_space<vmem>>, vector<2000x64xf32>,
    return
  }
  func.func @transform_0(%arg0: i32) -> (i32, i32) {
    %c0_i32 = arith.constant 0 : i32
    %c0_i32_0 = arith.constant 0 : i32
    return %arg0, %c0_i32 : i32, i32
  }
  func.func @transform_1(%arg0: i32) -> (i32, i32) {
    %c0_i32 = arith.constant 0 : i32
    %c0_i32_0 = arith.constant 0 : i32
    %c0_i32_1 = arith.constant 0 : i32
    return %c0_i32, %c0_i32_0 : i32, i32
  }
  func.func @transform_2(%arg0: i32) -> (i32, i32) {
    %c0_i32 = arith.constant 0 : i32
    %c0_i32_0 = arith.constant 0 : i32
    %c0_i32_1 = arith.constant 0 : i32
    return %c0_i32, %c0_i32_0 : i32, i32
  }
  func.func @transform_3(%arg0: i32) -> (i32, i32) {
    %c0_i32 = arith.constant 0 : i32
    %c0_i32_0 = arith.constant 0 : i32
    %c0_i32_1 = arith.constant 0 : i32
    return %c0_i32, %c0_i32_0 : i32, i32
  }
  func.func @transform_4(%arg0: i32) -> (i32, i32) {
    %c0_i32 = arith.constant 0 : i32
    %c0_i32_0 = arith.constant 0 : i32
    %c0_i32_1 = arith.constant 0 : i32
    return %c0_i32, %c0_i32_0 : i32, i32
  }
  func.func @transform_5(%arg0: i32) -> (i32, i32) {
    %c0_i32 = arith.constant 0 : i32
    %c0_i32_0 = arith.constant 0 : i32
    %c0_i32_1 = arith.constant 0 : i32
    return %c0_i32, %c0_i32_0 : i32, i32
  }
  func.func @transform_6(%arg0: i32) -> (i32, i32) {
    %c0_i32 = arith.constant 0 : i32
    %c0_i32_0 = arith.constant 0 : i32
    %c0_i32_1 = arith.constant 0 : i32
    return %c0_i32, %c0_i32_0 : i32, i32
  }
  func.func @transform_7(%arg0: i32) -> (i32, i32) {
    %c0_i32 = arith.constant 0 : i32
    %c0_i32_0 = arith.constant 0 : i32
    %c0_i32_1 = arith.constant 0 : i32
    return %c0_i32, %c0_i32_0 : i32, i32
  }
  func.func @transform_8(%arg0: i32) -> (i32, i32) {
    %c0_i32 = arith.constant 0 : i32
    %c0_i32_0 = arith.constant 0 : i32
    %c0_i32_1 = arith.constant 0 : i32
    return %c0_i32, %c0_i32_0 : i32, i32
  }
  func.func @transform_9(%arg0: i32) -> (i32, i32) {
    %c0_i32 = arith.constant 0 : i32
    %c0_i32_0 = arith.constant 0 : i32
    %c0_i32_1 = arith.constant 0 : i32
    return %c0_i32, %c0_i32_0 : i32, i32
  }
  func.func @transform_10(%arg0: i32) -> (i32, i32) {
    %c0_i32 = arith.constant 0 : i32
    %c0_i32_0 = arith.constant 0 : i32
    %c0_i32_1 = arith.constant 0 : i32
    return %c0_i32, %c0_i32_0 : i32, i32
  }
  func.func @transform_11(%arg0: i32) -> (i32, i32) {
    %c0_i32 = arith.constant 0 : i32
    %c0_i32_0 = arith.constant 0 : i32
    return %arg0, %c0_i32 : i32, i32
  }
}

module attributes {stable_mosaic.version = 14 : i64} {
  func.func @body(%arg0: i32, %arg1: memref<1600x8xf32, #tpu.memory_space<vmem>>, %arg2: memref<8x64xf32, #tpu.memory_space<vmem>>, %arg3: memref<1x64xf32, #tpu.memory_space<vmem>>, %arg4: memref<64x64xf32, #tpu.memory_space<vmem>>, %arg5: memref<1x64xf32, #tpu.memory_space<vmem>>, %arg6: memref<64x64xf32, #tpu.memory_space<vmem>>, %arg7: memref<1x64xf32, #tpu.memory_space<vmem>>, %arg8: memref<64x64xf32, #tpu.memory_space<vmem>>, %arg9: memref<1x64xf32, #tpu.memory_space<vmem>>, %arg10: memref<1x64xf32, #tpu.memory_space<vmem>>, %arg11: memref<1x64xf32, #tpu.memory_space<vmem>>, %arg12: memref<1600x64xf32, #tpu.memory_space<vmem>>) attributes {dimension_semantics = [#tpu.dimension_semantics<arbitrary>], iteration_bounds = array<i64: 512>, scalar_prefetch = 0 : i64, scratch_operands = 0 : i64, tpu.core_type = #tpu.core_type<tc>, window_params = [{transform_indices = @transform_0, window_bounds = array<i64: 1600, 8>}, {pipeline_mode = #tpu.pipeline_mode<synchronous>, transform_indices = @transform_1, window_bounds = array<i64: 8, 64>}, {pipeline_mode = #tpu.pipeline_mode<synchronous>, transform_indices = @transform_2, window_bounds = array<i64: 1, 64>}, {pipeline_mode = #tpu.pipeline_mode<synchronous>, transform_indices = @transform_3, window_bounds = array<i64: 64, 64>}, {pipeline_mode = #tpu.pipeline_mode<synchronous>, transform_indices = @transform_4, window_bounds = array<i64: 1, 64>}, {pipeline_mode = #tpu.pipeline_mode<synchronous>, transform_indices = @transform_5, window_bounds = array<i64: 64, 64>}, {pipeline_mode = #tpu.pipeline_mode<synchronous>, transform_indices = @transform_6, window_bounds = array<i64: 1, 64>}, {pipeline_mode = #tpu.pipeline_mode<synchronous>, transform_indices = @transform_7, window_bounds = array<i64: 64, 64>}, {pipeline_mode = #tpu.pipeline_mode<synchronous>, transform_indices = @transform_8, window_bounds = array<i64: 1, 64>}, {pipeline_mode = #tpu.pipeline_mode<synchronous>, transform_indices = @transform_9, window_bounds = array<i64: 1, 64>}, {pipeline_mode = #tpu.pipeline_mode<synchronous>, transform_indices = @transform_10, window_bounds = array<i64: 1, 64>}, {transform_indices = @transform_11, window_bounds = array<i64: 1600, 64>}]} {
    %get3A = arith.constant 0 : index
    %get3A_0 = arith.constant 0 : index
    %get3A_1 = vector.load %arg1[%get3A, %get3A_0] : memref<1600x8xf32, #tpu.memory_space<vmem>>, vector<1600x8xf32>
    %get3A_2 = arith.constant 0 : index
    %get3A_3 = arith.constant 0 : index
    %get3A_4 = vector.load %arg2[%get3A_2, %get3A_3] : memref<8x64xf32, #tpu.memory_space<vmem>>, vector<8x64xf32>
    %dot_general3A = arith.constant dense<0.000000e+00> : vector<1600x64xf32>
    %dot_general3A_5 = tpu.matmul %get3A_1, %get3A_4, %dot_general3A {dimension_numbers = #tpu.dot_dimension_numbers<[1], [0], [0], [1], [0, 0, 1, 1], [], []>, transpose_lhs_hint = false} : vector<1600x8xf32>, vector<8x64xf32>, vector<1600x64xf32> -> vector<1600x64xf32>
    %get3A_6 = arith.constant 0 : index
    %get3A_7 = arith.constant 0 : index
    %get3A_8 = vector.load %arg3[%get3A_6, %get3A_7] : memref<1x64xf32, #tpu.memory_space<vmem>>, vector<1x64xf32>
    %add3A = vector.broadcast %get3A_8 : vector<1x64xf32> to vector<1600x64xf32>
    %add3A_9 = arith.addf %dot_general3A_5, %add3A : vector<1600x64xf32>
    %max3A = arith.constant 0.000000e+00 : f32
    %max3A_10 = vector.broadcast %max3A : f32 to vector<1600x64xf32>
    %max3A_11 = arith.maximumf %add3A_9, %max3A_10 : vector<1600x64xf32>
    %get3A_12 = arith.constant 0 : index
    %get3A_13 = arith.constant 0 : index
    %get3A_14 = vector.load %arg4[%get3A_12, %get3A_13] : memref<64x64xf32, #tpu.memory_space<vmem>>, vector<64x64xf32>
    %dot_general3A_15 = arith.constant dense<0.000000e+00> : vector<1600x64xf32>
    %dot_general3A_16 = tpu.matmul %max3A_11, %get3A_14, %dot_general3A_15 {dimension_numbers = #tpu.dot_dimension_numbers<[1], [0], [0], [1], [0, 0, 1, 1], [], []>, transpose_lhs_hint = false} : vector<1600x64xf32>, vector<64x64xf32>, vector<1600x64xf32> -> vector<1600x64xf32>
    %get3A_17 = arith.constant 0 : index
    %get3A_18 = arith.constant 0 : index
    %get3A_19 = vector.load %arg5[%get3A_17, %get3A_18] : memref<1x64xf32, #tpu.memory_space<vmem>>, vector<1x64xf32>
    %add3A_20 = vector.broadcast %get3A_19 : vector<1x64xf32> to vector<1600x64xf32>
    %add3A_21 = arith.addf %dot_general3A_16, %add3A_20 : vector<1600x64xf32>
    %max3A_22 = arith.constant 0.000000e+00 : f32
    %max3A_23 = vector.broadcast %max3A_22 : f32 to vector<1600x64xf32>
    %max3A_24 = arith.maximumf %add3A_21, %max3A_23 : vector<1600x64xf32>
    %get3A_25 = arith.constant 0 : index
    %get3A_26 = arith.constant 0 : index
    %get3A_27 = vector.load %arg6[%get3A_25, %get3A_26] : memref<64x64xf32, #tpu.memory_space<vmem>>, vector<64x64xf32>
    %dot_general3A_28 = arith.constant dense<0.000000e+00> : vector<1600x64xf32>
    %dot_general3A_29 = tpu.matmul %max3A_24, %get3A_27, %dot_general3A_28 {dimension_numbers = #tpu.dot_dimension_numbers<[1], [0], [0], [1], [0, 0, 1, 1], [], []>, transpose_lhs_hint = false} : vector<1600x64xf32>, vector<64x64xf32>, vector<1600x64xf32> -> vector<1600x64xf32>
    %get3A_30 = arith.constant 0 : index
    %get3A_31 = arith.constant 0 : index
    %get3A_32 = vector.load %arg7[%get3A_30, %get3A_31] : memref<1x64xf32, #tpu.memory_space<vmem>>, vector<1x64xf32>
    %add3A_33 = vector.broadcast %get3A_32 : vector<1x64xf32> to vector<1600x64xf32>
    %add3A_34 = arith.addf %dot_general3A_29, %add3A_33 : vector<1600x64xf32>
    %max3A_35 = arith.constant 0.000000e+00 : f32
    %max3A_36 = vector.broadcast %max3A_35 : f32 to vector<1600x64xf32>
    %max3A_37 = arith.maximumf %add3A_34, %max3A_36 : vector<1600x64xf32>
    %add3A_38 = arith.addf %max3A_11, %max3A_37 : vector<1600x64xf32>
    %get3A_39 = arith.constant 0 : index
    %get3A_40 = arith.constant 0 : index
    %get3A_41 = vector.load %arg8[%get3A_39, %get3A_40] : memref<64x64xf32, #tpu.memory_space<vmem>>, vector<64x64xf32>
    %dot_general3A_42 = arith.constant dense<0.000000e+00> : vector<1600x64xf32>
    %dot_general3A_43 = tpu.matmul %add3A_38, %get3A_41, %dot_general3A_42 {dimension_numbers = #tpu.dot_dimension_numbers<[1], [0], [0], [1], [0, 0, 1, 1], [], []>, transpose_lhs_hint = false} : vector<1600x64xf32>, vector<64x64xf32>, vector<1600x64xf32> -> vector<1600x64xf32>
    %get3A_44 = arith.constant 0 : index
    %get3A_45 = arith.constant 0 : index
    %get3A_46 = vector.load %arg9[%get3A_44, %get3A_45] : memref<1x64xf32, #tpu.memory_space<vmem>>, vector<1x64xf32>
    %add3A_47 = vector.broadcast %get3A_46 : vector<1x64xf32> to vector<1600x64xf32>
    %add3A_48 = arith.addf %dot_general3A_43, %add3A_47 : vector<1600x64xf32>
    %reduce_sum3A = arith.constant dense<0.000000e+00> : vector<1600xf32>
    %reduce_sum3A_49 = vector.multi_reduction <add>, %add3A_48, %reduce_sum3A [1] : vector<1600x64xf32> to vector<1600xf32>
    %broadcast_in_dim3A = vector.shape_cast %reduce_sum3A_49 : vector<1600xf32> to vector<1600x1xf32>
    %div3A = arith.constant 6.400000e+01 : f32
    %div3A_50 = vector.broadcast %div3A : f32 to vector<1600x1xf32>
    %div3A_51 = arith.divf %broadcast_in_dim3A, %div3A_50 : vector<1600x1xf32>
    %sub3A = vector.broadcast %div3A_51 : vector<1600x1xf32> to vector<1600x64xf32>
    %sub3A_52 = arith.subf %add3A_48, %sub3A : vector<1600x64xf32>
    %sub3A_53 = vector.broadcast %div3A_51 : vector<1600x1xf32> to vector<1600x64xf32>
    %sub3A_54 = arith.subf %add3A_48, %sub3A_53 : vector<1600x64xf32>
    %mul3A = arith.mulf %sub3A_52, %sub3A_54 : vector<1600x64xf32>
    %reduce_sum3A_55 = arith.constant dense<0.000000e+00> : vector<1600xf32>
    %reduce_sum3A_56 = vector.multi_reduction <add>, %mul3A, %reduce_sum3A_55 [1] : vector<1600x64xf32> to vector<1600xf32>
    %broadcast_in_dim3A_57 = vector.shape_cast %reduce_sum3A_56 : vector<1600xf32> to vector<1600x1xf32>
    %div3A_58 = arith.constant 6.400000e+01 : f32
    %div3A_59 = vector.broadcast %div3A_58 : f32 to vector<1600x1xf32>
    %div3A_60 = arith.divf %broadcast_in_dim3A_57, %div3A_59 : vector<1600x1xf32>
    %sub3A_61 = vector.broadcast %div3A_51 : vector<1600x1xf32> to vector<1600x64xf32>
    %sub3A_62 = arith.subf %add3A_48, %sub3A_61 : vector<1600x64xf32>
    %add3A_63 = arith.constant 9.99999974E-6 : f32
    %add3A_64 = vector.broadcast %add3A_63 : f32 to vector<1600x1xf32>
    %add3A_65 = arith.addf %div3A_60, %add3A_64 : vector<1600x1xf32>
    %rsqrt3A = math.rsqrt %add3A_65 : vector<1600x1xf32>
    %mul3A_66 = vector.broadcast %rsqrt3A : vector<1600x1xf32> to vector<1600x64xf32>
    %mul3A_67 = arith.mulf %sub3A_62, %mul3A_66 : vector<1600x64xf32>
    %get3A_68 = arith.constant 0 : index
    %get3A_69 = arith.constant 0 : index
    %get3A_70 = vector.load %arg10[%get3A_68, %get3A_69] : memref<1x64xf32, #tpu.memory_space<vmem>>, vector<1x64xf32>
    %mul3A_71 = vector.broadcast %get3A_70 : vector<1x64xf32> to vector<1600x64xf32>
    %mul3A_72 = arith.mulf %mul3A_67, %mul3A_71 : vector<1600x64xf32>
    %get3A_73 = arith.constant 0 : index
    %get3A_74 = arith.constant 0 : index
    %get3A_75 = vector.load %arg11[%get3A_73, %get3A_74] : memref<1x64xf32, #tpu.memory_space<vmem>>, vector<1x64xf32>
    %add3A_76 = vector.broadcast %get3A_75 : vector<1x64xf32> to vector<1600x64xf32>
    %add3A_77 = arith.addf %mul3A_72, %add3A_76 : vector<1600x64xf32>
    %swap3A = arith.constant 0 : index
    %swap3A_78 = arith.constant 0 : index
    %swap3A_79 = vector.load %arg12[%swap3A, %swap3A_78] : memref<1600x64xf32, #tpu.memory_space<vmem>>, vector<1600x64xf32>
    tpu.vector_store %arg12[%swap3A, %swap3A_78], %add3A_77 {strides = array<i32>} : memref<1600x64xf32, #tpu.memory_space<vmem>>, vector<1600x64xf32>,
    return
  }
  func.func @transform_0(%arg0: i32) -> (i32, i32) {
    %c0_i32 = arith.constant 0 : i32
    %c0_i32_0 = arith.constant 0 : i32
    return %arg0, %c0_i32 : i32, i32
  }
  func.func @transform_1(%arg0: i32) -> (i32, i32) {
    %c0_i32 = arith.constant 0 : i32
    %c0_i32_0 = arith.constant 0 : i32
    %c0_i32_1 = arith.constant 0 : i32
    return %c0_i32, %c0_i32_0 : i32, i32
  }
  func.func @transform_2(%arg0: i32) -> (i32, i32) {
    %c0_i32 = arith.constant 0 : i32
    %c0_i32_0 = arith.constant 0 : i32
    %c0_i32_1 = arith.constant 0 : i32
    return %c0_i32, %c0_i32_0 : i32, i32
  }
  func.func @transform_3(%arg0: i32) -> (i32, i32) {
    %c0_i32 = arith.constant 0 : i32
    %c0_i32_0 = arith.constant 0 : i32
    %c0_i32_1 = arith.constant 0 : i32
    return %c0_i32, %c0_i32_0 : i32, i32
  }
  func.func @transform_4(%arg0: i32) -> (i32, i32) {
    %c0_i32 = arith.constant 0 : i32
    %c0_i32_0 = arith.constant 0 : i32
    %c0_i32_1 = arith.constant 0 : i32
    return %c0_i32, %c0_i32_0 : i32, i32
  }
  func.func @transform_5(%arg0: i32) -> (i32, i32) {
    %c0_i32 = arith.constant 0 : i32
    %c0_i32_0 = arith.constant 0 : i32
    %c0_i32_1 = arith.constant 0 : i32
    return %c0_i32, %c0_i32_0 : i32, i32
  }
  func.func @transform_6(%arg0: i32) -> (i32, i32) {
    %c0_i32 = arith.constant 0 : i32
    %c0_i32_0 = arith.constant 0 : i32
    %c0_i32_1 = arith.constant 0 : i32
    return %c0_i32, %c0_i32_0 : i32, i32
  }
  func.func @transform_7(%arg0: i32) -> (i32, i32) {
    %c0_i32 = arith.constant 0 : i32
    %c0_i32_0 = arith.constant 0 : i32
    %c0_i32_1 = arith.constant 0 : i32
    return %c0_i32, %c0_i32_0 : i32, i32
  }
  func.func @transform_8(%arg0: i32) -> (i32, i32) {
    %c0_i32 = arith.constant 0 : i32
    %c0_i32_0 = arith.constant 0 : i32
    %c0_i32_1 = arith.constant 0 : i32
    return %c0_i32, %c0_i32_0 : i32, i32
  }
  func.func @transform_9(%arg0: i32) -> (i32, i32) {
    %c0_i32 = arith.constant 0 : i32
    %c0_i32_0 = arith.constant 0 : i32
    %c0_i32_1 = arith.constant 0 : i32
    return %c0_i32, %c0_i32_0 : i32, i32
  }
  func.func @transform_10(%arg0: i32) -> (i32, i32) {
    %c0_i32 = arith.constant 0 : i32
    %c0_i32_0 = arith.constant 0 : i32
    %c0_i32_1 = arith.constant 0 : i32
    return %c0_i32, %c0_i32_0 : i32, i32
  }
  func.func @transform_11(%arg0: i32) -> (i32, i32) {
    %c0_i32 = arith.constant 0 : i32
    %c0_i32_0 = arith.constant 0 : i32
    return %arg0, %c0_i32 : i32, i32
  }
}

module attributes {stable_mosaic.version = 14 : i64} {
  func.func @body(%arg0: i32, %arg1: memref<1600x128xf32, #tpu.memory_space<vmem>>, %arg2: memref<1600x128xf32, #tpu.memory_space<vmem>>, %arg3: memref<1600x64xf32, #tpu.memory_space<vmem>>, %arg4: memref<1600x64xf32, #tpu.memory_space<vmem>>, %arg5: memref<128x64xf32, #tpu.memory_space<vmem>>, %arg6: memref<128x64xf32, #tpu.memory_space<vmem>>, %arg7: memref<64x64xf32, #tpu.memory_space<vmem>>, %arg8: memref<1x64xf32, #tpu.memory_space<vmem>>, %arg9: memref<64x64xf32, #tpu.memory_space<vmem>>, %arg10: memref<1x64xf32, #tpu.memory_space<vmem>>, %arg11: memref<64x64xf32, #tpu.memory_space<vmem>>, %arg12: memref<1x64xf32, #tpu.memory_space<vmem>>, %arg13: memref<64x64xf32, #tpu.memory_space<vmem>>, %arg14: memref<1x64xf32, #tpu.memory_space<vmem>>, %arg15: memref<1x64xf32, #tpu.memory_space<vmem>>, %arg16: memref<1x64xf32, #tpu.memory_space<vmem>>, %arg17: memref<1600x64xf32, #tpu.memory_space<vmem>>) attributes {dimension_semantics = [#tpu.dimension_semantics<arbitrary>], iteration_bounds = array<i64: 512>, scalar_prefetch = 0 : i64, scratch_operands = 0 : i64, tpu.core_type = #tpu.core_type<tc>, window_params = [{transform_indices = @transform_0, window_bounds = array<i64: 1600, 128>}, {transform_indices = @transform_1, window_bounds = array<i64: 1600, 128>}, {transform_indices = @transform_2, window_bounds = array<i64: 1600, 64>}, {transform_indices = @transform_3, window_bounds = array<i64: 1600, 64>}, {pipeline_mode = #tpu.pipeline_mode<synchronous>, transform_indices = @transform_4, window_bounds = array<i64: 128, 64>}, {pipeline_mode = #tpu.pipeline_mode<synchronous>, transform_indices = @transform_5, window_bounds = array<i64: 128, 64>}, {pipeline_mode = #tpu.pipeline_mode<synchronous>, transform_indices = @transform_6, window_bounds = array<i64: 64, 64>}, {pipeline_mode = #tpu.pipeline_mode<synchronous>, transform_indices = @transform_7, window_bounds = array<i64: 1, 64>}, {pipeline_mode = #tpu.pipeline_mode<synchronous>, transform_indices = @transform_8, window_bounds = array<i64: 64, 64>}, {pipeline_mode = #tpu.pipeline_mode<synchronous>, transform_indices = @transform_9, window_bounds = array<i64: 1, 64>}, {pipeline_mode = #tpu.pipeline_mode<synchronous>, transform_indices = @transform_10, window_bounds = array<i64: 64, 64>}, {pipeline_mode = #tpu.pipeline_mode<synchronous>, transform_indices = @transform_11, window_bounds = array<i64: 1, 64>}, {pipeline_mode = #tpu.pipeline_mode<synchronous>, transform_indices = @transform_12, window_bounds = array<i64: 64, 64>}, {pipeline_mode = #tpu.pipeline_mode<synchronous>, transform_indices = @transform_13, window_bounds = array<i64: 1, 64>}, {pipeline_mode = #tpu.pipeline_mode<synchronous>, transform_indices = @transform_14, window_bounds = array<i64: 1, 64>}, {pipeline_mode = #tpu.pipeline_mode<synchronous>, transform_indices = @transform_15, window_bounds = array<i64: 1, 64>}, {transform_indices = @transform_16, window_bounds = array<i64: 1600, 64>}]} {
    %get3A = arith.constant 0 : index
    %get3A_0 = arith.constant 0 : index
    %get3A_1 = vector.load %arg1[%get3A, %get3A_0] : memref<1600x128xf32, #tpu.memory_space<vmem>>, vector<1600x128xf32>
    %get3A_2 = arith.constant 0 : index
    %get3A_3 = arith.constant 0 : index
    %get3A_4 = vector.load %arg5[%get3A_2, %get3A_3] : memref<128x64xf32, #tpu.memory_space<vmem>>, vector<128x64xf32>
    %dot_general3A = arith.constant dense<0.000000e+00> : vector<1600x64xf32>
    %dot_general3A_5 = tpu.matmul %get3A_1, %get3A_4, %dot_general3A {dimension_numbers = #tpu.dot_dimension_numbers<[1], [0], [0], [1], [0, 0, 1, 1], [], []>, transpose_lhs_hint = false} : vector<1600x128xf32>, vector<128x64xf32>, vector<1600x64xf32> -> vector<1600x64xf32>
    %get3A_6 = arith.constant 0 : index
    %get3A_7 = arith.constant 0 : index
    %get3A_8 = vector.load %arg8[%get3A_6, %get3A_7] : memref<1x64xf32, #tpu.memory_space<vmem>>, vector<1x64xf32>
    %add3A = vector.broadcast %get3A_8 : vector<1x64xf32> to vector<1600x64xf32>
    %add3A_9 = arith.addf %dot_general3A_5, %add3A : vector<1600x64xf32>
    %get3A_10 = arith.constant 0 : index
    %get3A_11 = arith.constant 0 : index
    %get3A_12 = vector.load %arg2[%get3A_10, %get3A_11] : memref<1600x128xf32, #tpu.memory_space<vmem>>, vector<1600x128xf32>
    %get3A_13 = arith.constant 0 : index
    %get3A_14 = arith.constant 0 : index
    %get3A_15 = vector.load %arg6[%get3A_13, %get3A_14] : memref<128x64xf32, #tpu.memory_space<vmem>>, vector<128x64xf32>
    %dot_general3A_16 = arith.constant dense<0.000000e+00> : vector<1600x64xf32>
    %dot_general3A_17 = tpu.matmul %get3A_12, %get3A_15, %dot_general3A_16 {dimension_numbers = #tpu.dot_dimension_numbers<[1], [0], [0], [1], [0, 0, 1, 1], [], []>, transpose_lhs_hint = false} : vector<1600x128xf32>, vector<128x64xf32>, vector<1600x64xf32> -> vector<1600x64xf32>
    %add3A_18 = arith.addf %add3A_9, %dot_general3A_17 : vector<1600x64xf32>
    %get3A_19 = arith.constant 0 : index
    %get3A_20 = arith.constant 0 : index
    %get3A_21 = vector.load %arg3[%get3A_19, %get3A_20] : memref<1600x64xf32, #tpu.memory_space<vmem>>, vector<1600x64xf32>
    %get3A_22 = arith.constant 0 : index
    %get3A_23 = arith.constant 0 : index
    %get3A_24 = vector.load %arg7[%get3A_22, %get3A_23] : memref<64x64xf32, #tpu.memory_space<vmem>>, vector<64x64xf32>
    %dot_general3A_25 = arith.constant dense<0.000000e+00> : vector<1600x64xf32>
    %dot_general3A_26 = tpu.matmul %get3A_21, %get3A_24, %dot_general3A_25 {dimension_numbers = #tpu.dot_dimension_numbers<[1], [0], [0], [1], [0, 0, 1, 1], [], []>, transpose_lhs_hint = false} : vector<1600x64xf32>, vector<64x64xf32>, vector<1600x64xf32> -> vector<1600x64xf32>
    %add3A_27 = arith.addf %add3A_18, %dot_general3A_26 : vector<1600x64xf32>
    %max3A = arith.constant 0.000000e+00 : f32
    %max3A_28 = vector.broadcast %max3A : f32 to vector<1600x64xf32>
    %max3A_29 = arith.maximumf %add3A_27, %max3A_28 : vector<1600x64xf32>
    %get3A_30 = arith.constant 0 : index
    %get3A_31 = arith.constant 0 : index
    %get3A_32 = vector.load %arg9[%get3A_30, %get3A_31] : memref<64x64xf32, #tpu.memory_space<vmem>>, vector<64x64xf32>
    %dot_general3A_33 = arith.constant dense<0.000000e+00> : vector<1600x64xf32>
    %dot_general3A_34 = tpu.matmul %max3A_29, %get3A_32, %dot_general3A_33 {dimension_numbers = #tpu.dot_dimension_numbers<[1], [0], [0], [1], [0, 0, 1, 1], [], []>, transpose_lhs_hint = false} : vector<1600x64xf32>, vector<64x64xf32>, vector<1600x64xf32> -> vector<1600x64xf32>
    %get3A_35 = arith.constant 0 : index
    %get3A_36 = arith.constant 0 : index
    %get3A_37 = vector.load %arg10[%get3A_35, %get3A_36] : memref<1x64xf32, #tpu.memory_space<vmem>>, vector<1x64xf32>
    %add3A_38 = vector.broadcast %get3A_37 : vector<1x64xf32> to vector<1600x64xf32>
    %add3A_39 = arith.addf %dot_general3A_34, %add3A_38 : vector<1600x64xf32>
    %max3A_40 = arith.constant 0.000000e+00 : f32
    %max3A_41 = vector.broadcast %max3A_40 : f32 to vector<1600x64xf32>
    %max3A_42 = arith.maximumf %add3A_39, %max3A_41 : vector<1600x64xf32>
    %get3A_43 = arith.constant 0 : index
    %get3A_44 = arith.constant 0 : index
    %get3A_45 = vector.load %arg11[%get3A_43, %get3A_44] : memref<64x64xf32, #tpu.memory_space<vmem>>, vector<64x64xf32>
    %dot_general3A_46 = arith.constant dense<0.000000e+00> : vector<1600x64xf32>
    %dot_general3A_47 = tpu.matmul %max3A_42, %get3A_45, %dot_general3A_46 {dimension_numbers = #tpu.dot_dimension_numbers<[1], [0], [0], [1], [0, 0, 1, 1], [], []>, transpose_lhs_hint = false} : vector<1600x64xf32>, vector<64x64xf32>, vector<1600x64xf32> -> vector<1600x64xf32>
    %get3A_48 = arith.constant 0 : index
    %get3A_49 = arith.constant 0 : index
    %get3A_50 = vector.load %arg12[%get3A_48, %get3A_49] : memref<1x64xf32, #tpu.memory_space<vmem>>, vector<1x64xf32>
    %add3A_51 = vector.broadcast %get3A_50 : vector<1x64xf32> to vector<1600x64xf32>
    %add3A_52 = arith.addf %dot_general3A_47, %add3A_51 : vector<1600x64xf32>
    %max3A_53 = arith.constant 0.000000e+00 : f32
    %max3A_54 = vector.broadcast %max3A_53 : f32 to vector<1600x64xf32>
    %max3A_55 = arith.maximumf %add3A_52, %max3A_54 : vector<1600x64xf32>
    %add3A_56 = arith.addf %max3A_29, %max3A_55 : vector<1600x64xf32>
    %get3A_57 = arith.constant 0 : index
    %get3A_58 = arith.constant 0 : index
    %get3A_59 = vector.load %arg13[%get3A_57, %get3A_58] : memref<64x64xf32, #tpu.memory_space<vmem>>, vector<64x64xf32>
    %dot_general3A_60 = arith.constant dense<0.000000e+00> : vector<1600x64xf32>
    %dot_general3A_61 = tpu.matmul %add3A_56, %get3A_59, %dot_general3A_60 {dimension_numbers = #tpu.dot_dimension_numbers<[1], [0], [0], [1], [0, 0, 1, 1], [], []>, transpose_lhs_hint = false} : vector<1600x64xf32>, vector<64x64xf32>, vector<1600x64xf32> -> vector<1600x64xf32>
    %get3A_62 = arith.constant 0 : index
    %get3A_63 = arith.constant 0 : index
    %get3A_64 = vector.load %arg14[%get3A_62, %get3A_63] : memref<1x64xf32, #tpu.memory_space<vmem>>, vector<1x64xf32>
    %add3A_65 = vector.broadcast %get3A_64 : vector<1x64xf32> to vector<1600x64xf32>
    %add3A_66 = arith.addf %dot_general3A_61, %add3A_65 : vector<1600x64xf32>
    %reduce_sum3A = arith.constant dense<0.000000e+00> : vector<1600xf32>
    %reduce_sum3A_67 = vector.multi_reduction <add>, %add3A_66, %reduce_sum3A [1] : vector<1600x64xf32> to vector<1600xf32>
    %broadcast_in_dim3A = vector.shape_cast %reduce_sum3A_67 : vector<1600xf32> to vector<1600x1xf32>
    %div3A = arith.constant 6.400000e+01 : f32
    %div3A_68 = vector.broadcast %div3A : f32 to vector<1600x1xf32>
    %div3A_69 = arith.divf %broadcast_in_dim3A, %div3A_68 : vector<1600x1xf32>
    %sub3A = vector.broadcast %div3A_69 : vector<1600x1xf32> to vector<1600x64xf32>
    %sub3A_70 = arith.subf %add3A_66, %sub3A : vector<1600x64xf32>
    %sub3A_71 = vector.broadcast %div3A_69 : vector<1600x1xf32> to vector<1600x64xf32>
    %sub3A_72 = arith.subf %add3A_66, %sub3A_71 : vector<1600x64xf32>
    %mul3A = arith.mulf %sub3A_70, %sub3A_72 : vector<1600x64xf32>
    %reduce_sum3A_73 = arith.constant dense<0.000000e+00> : vector<1600xf32>
    %reduce_sum3A_74 = vector.multi_reduction <add>, %mul3A, %reduce_sum3A_73 [1] : vector<1600x64xf32> to vector<1600xf32>
    %broadcast_in_dim3A_75 = vector.shape_cast %reduce_sum3A_74 : vector<1600xf32> to vector<1600x1xf32>
    %div3A_76 = arith.constant 6.400000e+01 : f32
    %div3A_77 = vector.broadcast %div3A_76 : f32 to vector<1600x1xf32>
    %div3A_78 = arith.divf %broadcast_in_dim3A_75, %div3A_77 : vector<1600x1xf32>
    %sub3A_79 = vector.broadcast %div3A_69 : vector<1600x1xf32> to vector<1600x64xf32>
    %sub3A_80 = arith.subf %add3A_66, %sub3A_79 : vector<1600x64xf32>
    %add3A_81 = arith.constant 9.99999974E-6 : f32
    %add3A_82 = vector.broadcast %add3A_81 : f32 to vector<1600x1xf32>
    %add3A_83 = arith.addf %div3A_78, %add3A_82 : vector<1600x1xf32>
    %rsqrt3A = math.rsqrt %add3A_83 : vector<1600x1xf32>
    %mul3A_84 = vector.broadcast %rsqrt3A : vector<1600x1xf32> to vector<1600x64xf32>
    %mul3A_85 = arith.mulf %sub3A_80, %mul3A_84 : vector<1600x64xf32>
    %get3A_86 = arith.constant 0 : index
    %get3A_87 = arith.constant 0 : index
    %get3A_88 = vector.load %arg15[%get3A_86, %get3A_87] : memref<1x64xf32, #tpu.memory_space<vmem>>, vector<1x64xf32>
    %mul3A_89 = vector.broadcast %get3A_88 : vector<1x64xf32> to vector<1600x64xf32>
    %mul3A_90 = arith.mulf %mul3A_85, %mul3A_89 : vector<1600x64xf32>
    %get3A_91 = arith.constant 0 : index
    %get3A_92 = arith.constant 0 : index
    %get3A_93 = vector.load %arg16[%get3A_91, %get3A_92] : memref<1x64xf32, #tpu.memory_space<vmem>>, vector<1x64xf32>
    %add3A_94 = vector.broadcast %get3A_93 : vector<1x64xf32> to vector<1600x64xf32>
    %add3A_95 = arith.addf %mul3A_90, %add3A_94 : vector<1600x64xf32>
    %get3A_96 = arith.constant 0 : index
    %get3A_97 = arith.constant 0 : index
    %get3A_98 = vector.load %arg4[%get3A_96, %get3A_97] : memref<1600x64xf32, #tpu.memory_space<vmem>>, vector<1600x64xf32>
    %add3A_99 = arith.addf %get3A_98, %add3A_95 : vector<1600x64xf32>
    %swap3A = arith.constant 0 : index
    %swap3A_100 = arith.constant 0 : index
    %swap3A_101 = vector.load %arg17[%swap3A, %swap3A_100] : memref<1600x64xf32, #tpu.memory_space<vmem>>, vector<1600x64xf32>
    tpu.vector_store %arg17[%swap3A, %swap3A_100], %add3A_99 {strides = array<i32>} : memref<1600x64xf32, #tpu.memory_space<vmem>>, vector<1600x64xf32>,
    return
  }
  func.func @transform_0(%arg0: i32) -> (i32, i32) {
    %c0_i32 = arith.constant 0 : i32
    %c0_i32_0 = arith.constant 0 : i32
    return %arg0, %c0_i32 : i32, i32
  }
  func.func @transform_1(%arg0: i32) -> (i32, i32) {
    %c0_i32 = arith.constant 0 : i32
    %c0_i32_0 = arith.constant 0 : i32
    return %arg0, %c0_i32 : i32, i32
  }
  func.func @transform_2(%arg0: i32) -> (i32, i32) {
    %c0_i32 = arith.constant 0 : i32
    %c0_i32_0 = arith.constant 0 : i32
    return %arg0, %c0_i32 : i32, i32
  }
  func.func @transform_3(%arg0: i32) -> (i32, i32) {
    %c0_i32 = arith.constant 0 : i32
    %c0_i32_0 = arith.constant 0 : i32
    return %arg0, %c0_i32 : i32, i32
  }
  func.func @transform_4(%arg0: i32) -> (i32, i32) {
    %c0_i32 = arith.constant 0 : i32
    %c0_i32_0 = arith.constant 0 : i32
    %c0_i32_1 = arith.constant 0 : i32
    return %c0_i32, %c0_i32_0 : i32, i32
  }
  func.func @transform_5(%arg0: i32) -> (i32, i32) {
    %c0_i32 = arith.constant 0 : i32
    %c0_i32_0 = arith.constant 0 : i32
    %c0_i32_1 = arith.constant 0 : i32
    return %c0_i32, %c0_i32_0 : i32, i32
  }
  func.func @transform_6(%arg0: i32) -> (i32, i32) {
    %c0_i32 = arith.constant 0 : i32
    %c0_i32_0 = arith.constant 0 : i32
    %c0_i32_1 = arith.constant 0 : i32
    return %c0_i32, %c0_i32_0 : i32, i32
  }
  func.func @transform_7(%arg0: i32) -> (i32, i32) {
    %c0_i32 = arith.constant 0 : i32
    %c0_i32_0 = arith.constant 0 : i32
    %c0_i32_1 = arith.constant 0 : i32
    return %c0_i32, %c0_i32_0 : i32, i32
  }
  func.func @transform_8(%arg0: i32) -> (i32, i32) {
    %c0_i32 = arith.constant 0 : i32
    %c0_i32_0 = arith.constant 0 : i32
    %c0_i32_1 = arith.constant 0 : i32
    return %c0_i32, %c0_i32_0 : i32, i32
  }
  func.func @transform_9(%arg0: i32) -> (i32, i32) {
    %c0_i32 = arith.constant 0 : i32
    %c0_i32_0 = arith.constant 0 : i32
    %c0_i32_1 = arith.constant 0 : i32
    return %c0_i32, %c0_i32_0 : i32, i32
  }
  func.func @transform_10(%arg0: i32) -> (i32, i32) {
    %c0_i32 = arith.constant 0 : i32
    %c0_i32_0 = arith.constant 0 : i32
    %c0_i32_1 = arith.constant 0 : i32
    return %c0_i32, %c0_i32_0 : i32, i32
  }
  func.func @transform_11(%arg0: i32) -> (i32, i32) {
    %c0_i32 = arith.constant 0 : i32
    %c0_i32_0 = arith.constant 0 : i32
    %c0_i32_1 = arith.constant 0 : i32
    return %c0_i32, %c0_i32_0 : i32, i32
  }
  func.func @transform_12(%arg0: i32) -> (i32, i32) {
    %c0_i32 = arith.constant 0 : i32
    %c0_i32_0 = arith.constant 0 : i32
    %c0_i32_1 = arith.constant 0 : i32
    return %c0_i32, %c0_i32_0 : i32, i32
  }
  func.func @transform_13(%arg0: i32) -> (i32, i32) {
    %c0_i32 = arith.constant 0 : i32
    %c0_i32_0 = arith.constant 0 : i32
    %c0_i32_1 = arith.constant 0 : i32
    return %c0_i32, %c0_i32_0 : i32, i32
  }
  func.func @transform_14(%arg0: i32) -> (i32, i32) {
    %c0_i32 = arith.constant 0 : i32
    %c0_i32_0 = arith.constant 0 : i32
    %c0_i32_1 = arith.constant 0 : i32
    return %c0_i32, %c0_i32_0 : i32, i32
  }
  func.func @transform_15(%arg0: i32) -> (i32, i32) {
    %c0_i32 = arith.constant 0 : i32
    %c0_i32_0 = arith.constant 0 : i32
    %c0_i32_1 = arith.constant 0 : i32
    return %c0_i32, %c0_i32_0 : i32, i32
  }
  func.func @transform_16(%arg0: i32) -> (i32, i32) {
    %c0_i32 = arith.constant 0 : i32
    %c0_i32_0 = arith.constant 0 : i32
    return %arg0, %c0_i32 : i32, i32
  }
}

module attributes {stable_mosaic.version = 14 : i64} {
  func.func @body(%arg0: i32, %arg1: memref<2000x64xf32, #tpu.memory_space<vmem>>, %arg2: memref<2000x64xf32, #tpu.memory_space<vmem>>, %arg3: memref<2000x64xf32, #tpu.memory_space<vmem>>, %arg4: memref<64x64xf32, #tpu.memory_space<vmem>>, %arg5: memref<64x64xf32, #tpu.memory_space<vmem>>, %arg6: memref<1x64xf32, #tpu.memory_space<vmem>>, %arg7: memref<64x64xf32, #tpu.memory_space<vmem>>, %arg8: memref<1x64xf32, #tpu.memory_space<vmem>>, %arg9: memref<64x64xf32, #tpu.memory_space<vmem>>, %arg10: memref<1x64xf32, #tpu.memory_space<vmem>>, %arg11: memref<64x64xf32, #tpu.memory_space<vmem>>, %arg12: memref<1x64xf32, #tpu.memory_space<vmem>>, %arg13: memref<1x64xf32, #tpu.memory_space<vmem>>, %arg14: memref<1x64xf32, #tpu.memory_space<vmem>>, %arg15: memref<2000x64xf32, #tpu.memory_space<vmem>>) attributes {dimension_semantics = [#tpu.dimension_semantics<arbitrary>], iteration_bounds = array<i64: 25>, scalar_prefetch = 0 : i64, scratch_operands = 0 : i64, tpu.core_type = #tpu.core_type<tc>, window_params = [{transform_indices = @transform_0, window_bounds = array<i64: 2000, 64>}, {transform_indices = @transform_1, window_bounds = array<i64: 2000, 64>}, {transform_indices = @transform_2, window_bounds = array<i64: 2000, 64>}, {pipeline_mode = #tpu.pipeline_mode<synchronous>, transform_indices = @transform_3, window_bounds = array<i64: 64, 64>}, {pipeline_mode = #tpu.pipeline_mode<synchronous>, transform_indices = @transform_4, window_bounds = array<i64: 64, 64>}, {pipeline_mode = #tpu.pipeline_mode<synchronous>, transform_indices = @transform_5, window_bounds = array<i64: 1, 64>}, {pipeline_mode = #tpu.pipeline_mode<synchronous>, transform_indices = @transform_6, window_bounds = array<i64: 64, 64>}, {pipeline_mode = #tpu.pipeline_mode<synchronous>, transform_indices = @transform_7, window_bounds = array<i64: 1, 64>}, {pipeline_mode = #tpu.pipeline_mode<synchronous>, transform_indices = @transform_8, window_bounds = array<i64: 64, 64>}, {pipeline_mode = #tpu.pipeline_mode<synchronous>, transform_indices = @transform_9, window_bounds = array<i64: 1, 64>}, {pipeline_mode = #tpu.pipeline_mode<synchronous>, transform_indices = @transform_10, window_bounds = array<i64: 64, 64>}, {pipeline_mode = #tpu.pipeline_mode<synchronous>, transform_indices = @transform_11, window_bounds = array<i64: 1, 64>}, {pipeline_mode = #tpu.pipeline_mode<synchronous>, transform_indices = @transform_12, window_bounds = array<i64: 1, 64>}, {pipeline_mode = #tpu.pipeline_mode<synchronous>, transform_indices = @transform_13, window_bounds = array<i64: 1, 64>}, {transform_indices = @transform_14, window_bounds = array<i64: 2000, 64>}]} {
    %get3A = arith.constant 0 : index
    %get3A_0 = arith.constant 0 : index
    %get3A_1 = vector.load %arg1[%get3A, %get3A_0] : memref<2000x64xf32, #tpu.memory_space<vmem>>, vector<2000x64xf32>
    %get3A_2 = arith.constant 0 : index
    %get3A_3 = arith.constant 0 : index
    %get3A_4 = vector.load %arg4[%get3A_2, %get3A_3] : memref<64x64xf32, #tpu.memory_space<vmem>>, vector<64x64xf32>
    %dot_general3A = arith.constant dense<0.000000e+00> : vector<2000x64xf32>
    %dot_general3A_5 = tpu.matmul %get3A_1, %get3A_4, %dot_general3A {dimension_numbers = #tpu.dot_dimension_numbers<[1], [0], [0], [1], [0, 0, 1, 1], [], []>, transpose_lhs_hint = false} : vector<2000x64xf32>, vector<64x64xf32>, vector<2000x64xf32> -> vector<2000x64xf32>
    %get3A_6 = arith.constant 0 : index
    %get3A_7 = arith.constant 0 : index
    %get3A_8 = vector.load %arg6[%get3A_6, %get3A_7] : memref<1x64xf32, #tpu.memory_space<vmem>>, vector<1x64xf32>
    %add3A = vector.broadcast %get3A_8 : vector<1x64xf32> to vector<2000x64xf32>
    %add3A_9 = arith.addf %dot_general3A_5, %add3A : vector<2000x64xf32>
    %get3A_10 = arith.constant 0 : index
    %get3A_11 = arith.constant 0 : index
    %get3A_12 = vector.load %arg2[%get3A_10, %get3A_11] : memref<2000x64xf32, #tpu.memory_space<vmem>>, vector<2000x64xf32>
    %get3A_13 = arith.constant 0 : index
    %get3A_14 = arith.constant 0 : index
    %get3A_15 = vector.load %arg5[%get3A_13, %get3A_14] : memref<64x64xf32, #tpu.memory_space<vmem>>, vector<64x64xf32>
    %dot_general3A_16 = arith.constant dense<0.000000e+00> : vector<2000x64xf32>
    %dot_general3A_17 = tpu.matmul %get3A_12, %get3A_15, %dot_general3A_16 {dimension_numbers = #tpu.dot_dimension_numbers<[1], [0], [0], [1], [0, 0, 1, 1], [], []>, transpose_lhs_hint = false} : vector<2000x64xf32>, vector<64x64xf32>, vector<2000x64xf32> -> vector<2000x64xf32>
    %add3A_18 = arith.addf %add3A_9, %dot_general3A_17 : vector<2000x64xf32>
    %max3A = arith.constant 0.000000e+00 : f32
    %max3A_19 = vector.broadcast %max3A : f32 to vector<2000x64xf32>
    %max3A_20 = arith.maximumf %add3A_18, %max3A_19 : vector<2000x64xf32>
    %get3A_21 = arith.constant 0 : index
    %get3A_22 = arith.constant 0 : index
    %get3A_23 = vector.load %arg7[%get3A_21, %get3A_22] : memref<64x64xf32, #tpu.memory_space<vmem>>, vector<64x64xf32>
    %dot_general3A_24 = arith.constant dense<0.000000e+00> : vector<2000x64xf32>
    %dot_general3A_25 = tpu.matmul %max3A_20, %get3A_23, %dot_general3A_24 {dimension_numbers = #tpu.dot_dimension_numbers<[1], [0], [0], [1], [0, 0, 1, 1], [], []>, transpose_lhs_hint = false} : vector<2000x64xf32>, vector<64x64xf32>, vector<2000x64xf32> -> vector<2000x64xf32>
    %get3A_26 = arith.constant 0 : index
    %get3A_27 = arith.constant 0 : index
    %get3A_28 = vector.load %arg8[%get3A_26, %get3A_27] : memref<1x64xf32, #tpu.memory_space<vmem>>, vector<1x64xf32>
    %add3A_29 = vector.broadcast %get3A_28 : vector<1x64xf32> to vector<2000x64xf32>
    %add3A_30 = arith.addf %dot_general3A_25, %add3A_29 : vector<2000x64xf32>
    %max3A_31 = arith.constant 0.000000e+00 : f32
    %max3A_32 = vector.broadcast %max3A_31 : f32 to vector<2000x64xf32>
    %max3A_33 = arith.maximumf %add3A_30, %max3A_32 : vector<2000x64xf32>
    %get3A_34 = arith.constant 0 : index
    %get3A_35 = arith.constant 0 : index
    %get3A_36 = vector.load %arg9[%get3A_34, %get3A_35] : memref<64x64xf32, #tpu.memory_space<vmem>>, vector<64x64xf32>
    %dot_general3A_37 = arith.constant dense<0.000000e+00> : vector<2000x64xf32>
    %dot_general3A_38 = tpu.matmul %max3A_33, %get3A_36, %dot_general3A_37 {dimension_numbers = #tpu.dot_dimension_numbers<[1], [0], [0], [1], [0, 0, 1, 1], [], []>, transpose_lhs_hint = false} : vector<2000x64xf32>, vector<64x64xf32>, vector<2000x64xf32> -> vector<2000x64xf32>
    %get3A_39 = arith.constant 0 : index
    %get3A_40 = arith.constant 0 : index
    %get3A_41 = vector.load %arg10[%get3A_39, %get3A_40] : memref<1x64xf32, #tpu.memory_space<vmem>>, vector<1x64xf32>
    %add3A_42 = vector.broadcast %get3A_41 : vector<1x64xf32> to vector<2000x64xf32>
    %add3A_43 = arith.addf %dot_general3A_38, %add3A_42 : vector<2000x64xf32>
    %max3A_44 = arith.constant 0.000000e+00 : f32
    %max3A_45 = vector.broadcast %max3A_44 : f32 to vector<2000x64xf32>
    %max3A_46 = arith.maximumf %add3A_43, %max3A_45 : vector<2000x64xf32>
    %add3A_47 = arith.addf %max3A_20, %max3A_46 : vector<2000x64xf32>
    %get3A_48 = arith.constant 0 : index
    %get3A_49 = arith.constant 0 : index
    %get3A_50 = vector.load %arg11[%get3A_48, %get3A_49] : memref<64x64xf32, #tpu.memory_space<vmem>>, vector<64x64xf32>
    %dot_general3A_51 = arith.constant dense<0.000000e+00> : vector<2000x64xf32>
    %dot_general3A_52 = tpu.matmul %add3A_47, %get3A_50, %dot_general3A_51 {dimension_numbers = #tpu.dot_dimension_numbers<[1], [0], [0], [1], [0, 0, 1, 1], [], []>, transpose_lhs_hint = false} : vector<2000x64xf32>, vector<64x64xf32>, vector<2000x64xf32> -> vector<2000x64xf32>
    %get3A_53 = arith.constant 0 : index
    %get3A_54 = arith.constant 0 : index
    %get3A_55 = vector.load %arg12[%get3A_53, %get3A_54] : memref<1x64xf32, #tpu.memory_space<vmem>>, vector<1x64xf32>
    %add3A_56 = vector.broadcast %get3A_55 : vector<1x64xf32> to vector<2000x64xf32>
    %add3A_57 = arith.addf %dot_general3A_52, %add3A_56 : vector<2000x64xf32>
    %reduce_sum3A = arith.constant dense<0.000000e+00> : vector<2000xf32>
    %reduce_sum3A_58 = vector.multi_reduction <add>, %add3A_57, %reduce_sum3A [1] : vector<2000x64xf32> to vector<2000xf32>
    %broadcast_in_dim3A = vector.shape_cast %reduce_sum3A_58 : vector<2000xf32> to vector<2000x1xf32>
    %div3A = arith.constant 6.400000e+01 : f32
    %div3A_59 = vector.broadcast %div3A : f32 to vector<2000x1xf32>
    %div3A_60 = arith.divf %broadcast_in_dim3A, %div3A_59 : vector<2000x1xf32>
    %sub3A = vector.broadcast %div3A_60 : vector<2000x1xf32> to vector<2000x64xf32>
    %sub3A_61 = arith.subf %add3A_57, %sub3A : vector<2000x64xf32>
    %sub3A_62 = vector.broadcast %div3A_60 : vector<2000x1xf32> to vector<2000x64xf32>
    %sub3A_63 = arith.subf %add3A_57, %sub3A_62 : vector<2000x64xf32>
    %mul3A = arith.mulf %sub3A_61, %sub3A_63 : vector<2000x64xf32>
    %reduce_sum3A_64 = arith.constant dense<0.000000e+00> : vector<2000xf32>
    %reduce_sum3A_65 = vector.multi_reduction <add>, %mul3A, %reduce_sum3A_64 [1] : vector<2000x64xf32> to vector<2000xf32>
    %broadcast_in_dim3A_66 = vector.shape_cast %reduce_sum3A_65 : vector<2000xf32> to vector<2000x1xf32>
    %div3A_67 = arith.constant 6.400000e+01 : f32
    %div3A_68 = vector.broadcast %div3A_67 : f32 to vector<2000x1xf32>
    %div3A_69 = arith.divf %broadcast_in_dim3A_66, %div3A_68 : vector<2000x1xf32>
    %sub3A_70 = vector.broadcast %div3A_60 : vector<2000x1xf32> to vector<2000x64xf32>
    %sub3A_71 = arith.subf %add3A_57, %sub3A_70 : vector<2000x64xf32>
    %add3A_72 = arith.constant 9.99999974E-6 : f32
    %add3A_73 = vector.broadcast %add3A_72 : f32 to vector<2000x1xf32>
    %add3A_74 = arith.addf %div3A_69, %add3A_73 : vector<2000x1xf32>
    %rsqrt3A = math.rsqrt %add3A_74 : vector<2000x1xf32>
    %mul3A_75 = vector.broadcast %rsqrt3A : vector<2000x1xf32> to vector<2000x64xf32>
    %mul3A_76 = arith.mulf %sub3A_71, %mul3A_75 : vector<2000x64xf32>
    %get3A_77 = arith.constant 0 : index
    %get3A_78 = arith.constant 0 : index
    %get3A_79 = vector.load %arg13[%get3A_77, %get3A_78] : memref<1x64xf32, #tpu.memory_space<vmem>>, vector<1x64xf32>
    %mul3A_80 = vector.broadcast %get3A_79 : vector<1x64xf32> to vector<2000x64xf32>
    %mul3A_81 = arith.mulf %mul3A_76, %mul3A_80 : vector<2000x64xf32>
    %get3A_82 = arith.constant 0 : index
    %get3A_83 = arith.constant 0 : index
    %get3A_84 = vector.load %arg14[%get3A_82, %get3A_83] : memref<1x64xf32, #tpu.memory_space<vmem>>, vector<1x64xf32>
    %add3A_85 = vector.broadcast %get3A_84 : vector<1x64xf32> to vector<2000x64xf32>
    %add3A_86 = arith.addf %mul3A_81, %add3A_85 : vector<2000x64xf32>
    %get3A_87 = arith.constant 0 : index
    %get3A_88 = arith.constant 0 : index
    %get3A_89 = vector.load %arg3[%get3A_87, %get3A_88] : memref<2000x64xf32, #tpu.memory_space<vmem>>, vector<2000x64xf32>
    %add3A_90 = arith.addf %get3A_89, %add3A_86 : vector<2000x64xf32>
    %swap3A = arith.constant 0 : index
    %swap3A_91 = arith.constant 0 : index
    %swap3A_92 = vector.load %arg15[%swap3A, %swap3A_91] : memref<2000x64xf32, #tpu.memory_space<vmem>>, vector<2000x64xf32>
    tpu.vector_store %arg15[%swap3A, %swap3A_91], %add3A_90 {strides = array<i32>} : memref<2000x64xf32, #tpu.memory_space<vmem>>, vector<2000x64xf32>,
    return
  }
  func.func @transform_0(%arg0: i32) -> (i32, i32) {
    %c0_i32 = arith.constant 0 : i32
    %c0_i32_0 = arith.constant 0 : i32
    return %arg0, %c0_i32 : i32, i32
  }
  func.func @transform_1(%arg0: i32) -> (i32, i32) {
    %c0_i32 = arith.constant 0 : i32
    %c0_i32_0 = arith.constant 0 : i32
    return %arg0, %c0_i32 : i32, i32
  }
  func.func @transform_2(%arg0: i32) -> (i32, i32) {
    %c0_i32 = arith.constant 0 : i32
    %c0_i32_0 = arith.constant 0 : i32
    return %arg0, %c0_i32 : i32, i32
  }
  func.func @transform_3(%arg0: i32) -> (i32, i32) {
    %c0_i32 = arith.constant 0 : i32
    %c0_i32_0 = arith.constant 0 : i32
    %c0_i32_1 = arith.constant 0 : i32
    return %c0_i32, %c0_i32_0 : i32, i32
  }
  func.func @transform_4(%arg0: i32) -> (i32, i32) {
    %c0_i32 = arith.constant 0 : i32
    %c0_i32_0 = arith.constant 0 : i32
    %c0_i32_1 = arith.constant 0 : i32
    return %c0_i32, %c0_i32_0 : i32, i32
  }
  func.func @transform_5(%arg0: i32) -> (i32, i32) {
    %c0_i32 = arith.constant 0 : i32
    %c0_i32_0 = arith.constant 0 : i32
    %c0_i32_1 = arith.constant 0 : i32
    return %c0_i32, %c0_i32_0 : i32, i32
  }
  func.func @transform_6(%arg0: i32) -> (i32, i32) {
    %c0_i32 = arith.constant 0 : i32
    %c0_i32_0 = arith.constant 0 : i32
    %c0_i32_1 = arith.constant 0 : i32
    return %c0_i32, %c0_i32_0 : i32, i32
  }
  func.func @transform_7(%arg0: i32) -> (i32, i32) {
    %c0_i32 = arith.constant 0 : i32
    %c0_i32_0 = arith.constant 0 : i32
    %c0_i32_1 = arith.constant 0 : i32
    return %c0_i32, %c0_i32_0 : i32, i32
  }
  func.func @transform_8(%arg0: i32) -> (i32, i32) {
    %c0_i32 = arith.constant 0 : i32
    %c0_i32_0 = arith.constant 0 : i32
    %c0_i32_1 = arith.constant 0 : i32
    return %c0_i32, %c0_i32_0 : i32, i32
  }
  func.func @transform_9(%arg0: i32) -> (i32, i32) {
    %c0_i32 = arith.constant 0 : i32
    %c0_i32_0 = arith.constant 0 : i32
    %c0_i32_1 = arith.constant 0 : i32
    return %c0_i32, %c0_i32_0 : i32, i32
  }
  func.func @transform_10(%arg0: i32) -> (i32, i32) {
    %c0_i32 = arith.constant 0 : i32
    %c0_i32_0 = arith.constant 0 : i32
    %c0_i32_1 = arith.constant 0 : i32
    return %c0_i32, %c0_i32_0 : i32, i32
  }
  func.func @transform_11(%arg0: i32) -> (i32, i32) {
    %c0_i32 = arith.constant 0 : i32
    %c0_i32_0 = arith.constant 0 : i32
    %c0_i32_1 = arith.constant 0 : i32
    return %c0_i32, %c0_i32_0 : i32, i32
  }
  func.func @transform_12(%arg0: i32) -> (i32, i32) {
    %c0_i32 = arith.constant 0 : i32
    %c0_i32_0 = arith.constant 0 : i32
    %c0_i32_1 = arith.constant 0 : i32
    return %c0_i32, %c0_i32_0 : i32, i32
  }
  func.func @transform_13(%arg0: i32) -> (i32, i32) {
    %c0_i32 = arith.constant 0 : i32
    %c0_i32_0 = arith.constant 0 : i32
    %c0_i32_1 = arith.constant 0 : i32
    return %c0_i32, %c0_i32_0 : i32, i32
  }
  func.func @transform_14(%arg0: i32) -> (i32, i32) {
    %c0_i32 = arith.constant 0 : i32
    %c0_i32_0 = arith.constant 0 : i32
    return %arg0, %c0_i32 : i32, i32
  }
}

module attributes {stable_mosaic.version = 14 : i64} {
  func.func @body(%arg0: i32, %arg1: memref<2000x64xf32, #tpu.memory_space<vmem>>, %arg2: memref<64x64xf32, #tpu.memory_space<vmem>>, %arg3: memref<1x64xf32, #tpu.memory_space<vmem>>, %arg4: memref<64x64xf32, #tpu.memory_space<vmem>>, %arg5: memref<1x64xf32, #tpu.memory_space<vmem>>, %arg6: memref<64x64xf32, #tpu.memory_space<vmem>>, %arg7: memref<1x64xf32, #tpu.memory_space<vmem>>, %arg8: memref<64x3xf32, #tpu.memory_space<vmem>>, %arg9: memref<1x3xf32, #tpu.memory_space<vmem>>, %arg10: memref<2000x3xf32, #tpu.memory_space<vmem>>) attributes {dimension_semantics = [#tpu.dimension_semantics<arbitrary>], iteration_bounds = array<i64: 25>, scalar_prefetch = 0 : i64, scratch_operands = 0 : i64, tpu.core_type = #tpu.core_type<tc>, window_params = [{transform_indices = @transform_0, window_bounds = array<i64: 2000, 64>}, {pipeline_mode = #tpu.pipeline_mode<synchronous>, transform_indices = @transform_1, window_bounds = array<i64: 64, 64>}, {pipeline_mode = #tpu.pipeline_mode<synchronous>, transform_indices = @transform_2, window_bounds = array<i64: 1, 64>}, {pipeline_mode = #tpu.pipeline_mode<synchronous>, transform_indices = @transform_3, window_bounds = array<i64: 64, 64>}, {pipeline_mode = #tpu.pipeline_mode<synchronous>, transform_indices = @transform_4, window_bounds = array<i64: 1, 64>}, {pipeline_mode = #tpu.pipeline_mode<synchronous>, transform_indices = @transform_5, window_bounds = array<i64: 64, 64>}, {pipeline_mode = #tpu.pipeline_mode<synchronous>, transform_indices = @transform_6, window_bounds = array<i64: 1, 64>}, {pipeline_mode = #tpu.pipeline_mode<synchronous>, transform_indices = @transform_7, window_bounds = array<i64: 64, 3>}, {pipeline_mode = #tpu.pipeline_mode<synchronous>, transform_indices = @transform_8, window_bounds = array<i64: 1, 3>}, {transform_indices = @transform_9, window_bounds = array<i64: 2000, 3>}]} {
    %get3A = arith.constant 0 : index
    %get3A_0 = arith.constant 0 : index
    %get3A_1 = vector.load %arg1[%get3A, %get3A_0] : memref<2000x64xf32, #tpu.memory_space<vmem>>, vector<2000x64xf32>
    %get3A_2 = arith.constant 0 : index
    %get3A_3 = arith.constant 0 : index
    %get3A_4 = vector.load %arg2[%get3A_2, %get3A_3] : memref<64x64xf32, #tpu.memory_space<vmem>>, vector<64x64xf32>
    %dot_general3A = arith.constant dense<0.000000e+00> : vector<2000x64xf32>
    %dot_general3A_5 = tpu.matmul %get3A_1, %get3A_4, %dot_general3A {dimension_numbers = #tpu.dot_dimension_numbers<[1], [0], [0], [1], [0, 0, 1, 1], [], []>, transpose_lhs_hint = false} : vector<2000x64xf32>, vector<64x64xf32>, vector<2000x64xf32> -> vector<2000x64xf32>
    %get3A_6 = arith.constant 0 : index
    %get3A_7 = arith.constant 0 : index
    %get3A_8 = vector.load %arg3[%get3A_6, %get3A_7] : memref<1x64xf32, #tpu.memory_space<vmem>>, vector<1x64xf32>
    %add3A = vector.broadcast %get3A_8 : vector<1x64xf32> to vector<2000x64xf32>
    %add3A_9 = arith.addf %dot_general3A_5, %add3A : vector<2000x64xf32>
    %max3A = arith.constant 0.000000e+00 : f32
    %max3A_10 = vector.broadcast %max3A : f32 to vector<2000x64xf32>
    %max3A_11 = arith.maximumf %add3A_9, %max3A_10 : vector<2000x64xf32>
    %get3A_12 = arith.constant 0 : index
    %get3A_13 = arith.constant 0 : index
    %get3A_14 = vector.load %arg4[%get3A_12, %get3A_13] : memref<64x64xf32, #tpu.memory_space<vmem>>, vector<64x64xf32>
    %dot_general3A_15 = arith.constant dense<0.000000e+00> : vector<2000x64xf32>
    %dot_general3A_16 = tpu.matmul %max3A_11, %get3A_14, %dot_general3A_15 {dimension_numbers = #tpu.dot_dimension_numbers<[1], [0], [0], [1], [0, 0, 1, 1], [], []>, transpose_lhs_hint = false} : vector<2000x64xf32>, vector<64x64xf32>, vector<2000x64xf32> -> vector<2000x64xf32>
    %get3A_17 = arith.constant 0 : index
    %get3A_18 = arith.constant 0 : index
    %get3A_19 = vector.load %arg5[%get3A_17, %get3A_18] : memref<1x64xf32, #tpu.memory_space<vmem>>, vector<1x64xf32>
    %add3A_20 = vector.broadcast %get3A_19 : vector<1x64xf32> to vector<2000x64xf32>
    %add3A_21 = arith.addf %dot_general3A_16, %add3A_20 : vector<2000x64xf32>
    %max3A_22 = arith.constant 0.000000e+00 : f32
    %max3A_23 = vector.broadcast %max3A_22 : f32 to vector<2000x64xf32>
    %max3A_24 = arith.maximumf %add3A_21, %max3A_23 : vector<2000x64xf32>
    %get3A_25 = arith.constant 0 : index
    %get3A_26 = arith.constant 0 : index
    %get3A_27 = vector.load %arg6[%get3A_25, %get3A_26] : memref<64x64xf32, #tpu.memory_space<vmem>>, vector<64x64xf32>
    %dot_general3A_28 = arith.constant dense<0.000000e+00> : vector<2000x64xf32>
    %dot_general3A_29 = tpu.matmul %max3A_24, %get3A_27, %dot_general3A_28 {dimension_numbers = #tpu.dot_dimension_numbers<[1], [0], [0], [1], [0, 0, 1, 1], [], []>, transpose_lhs_hint = false} : vector<2000x64xf32>, vector<64x64xf32>, vector<2000x64xf32> -> vector<2000x64xf32>
    %get3A_30 = arith.constant 0 : index
    %get3A_31 = arith.constant 0 : index
    %get3A_32 = vector.load %arg7[%get3A_30, %get3A_31] : memref<1x64xf32, #tpu.memory_space<vmem>>, vector<1x64xf32>
    %add3A_33 = vector.broadcast %get3A_32 : vector<1x64xf32> to vector<2000x64xf32>
    %add3A_34 = arith.addf %dot_general3A_29, %add3A_33 : vector<2000x64xf32>
    %max3A_35 = arith.constant 0.000000e+00 : f32
    %max3A_36 = vector.broadcast %max3A_35 : f32 to vector<2000x64xf32>
    %max3A_37 = arith.maximumf %add3A_34, %max3A_36 : vector<2000x64xf32>
    %add3A_38 = arith.addf %max3A_11, %max3A_37 : vector<2000x64xf32>
    %get3A_39 = arith.constant 0 : index
    %get3A_40 = arith.constant 0 : index
    %get3A_41 = vector.load %arg8[%get3A_39, %get3A_40] : memref<64x3xf32, #tpu.memory_space<vmem>>, vector<64x3xf32>
    %dot_general3A_42 = arith.constant dense<0.000000e+00> : vector<2000x3xf32>
    %dot_general3A_43 = tpu.matmul %add3A_38, %get3A_41, %dot_general3A_42 {dimension_numbers = #tpu.dot_dimension_numbers<[1], [0], [0], [1], [0, 0, 1, 1], [], []>, transpose_lhs_hint = false} : vector<2000x64xf32>, vector<64x3xf32>, vector<2000x3xf32> -> vector<2000x3xf32>
    %get3A_44 = arith.constant 0 : index
    %get3A_45 = arith.constant 0 : index
    %get3A_46 = vector.load %arg9[%get3A_44, %get3A_45] : memref<1x3xf32, #tpu.memory_space<vmem>>, vector<1x3xf32>
    %add3A_47 = vector.broadcast %get3A_46 : vector<1x3xf32> to vector<2000x3xf32>
    %add3A_48 = arith.addf %dot_general3A_43, %add3A_47 : vector<2000x3xf32>
    %swap3A = arith.constant 0 : index
    %swap3A_49 = arith.constant 0 : index
    %swap3A_50 = vector.load %arg10[%swap3A, %swap3A_49] : memref<2000x3xf32, #tpu.memory_space<vmem>>, vector<2000x3xf32>
    tpu.vector_store %arg10[%swap3A, %swap3A_49], %add3A_48 {strides = array<i32>} : memref<2000x3xf32, #tpu.memory_space<vmem>>, vector<2000x3xf32>,
    return
  }
  func.func @transform_0(%arg0: i32) -> (i32, i32) {
    %c0_i32 = arith.constant 0 : i32
    %c0_i32_0 = arith.constant 0 : i32
    return %arg0, %c0_i32 : i32, i32
  }
  func.func @transform_1(%arg0: i32) -> (i32, i32) {
    %c0_i32 = arith.constant 0 : i32
    %c0_i32_0 = arith.constant 0 : i32
    %c0_i32_1 = arith.constant 0 : i32
    return %c0_i32, %c0_i32_0 : i32, i32
  }
  func.func @transform_2(%arg0: i32) -> (i32, i32) {
    %c0_i32 = arith.constant 0 : i32
    %c0_i32_0 = arith.constant 0 : i32
    %c0_i32_1 = arith.constant 0 : i32
    return %c0_i32, %c0_i32_0 : i32, i32
  }
  func.func @transform_3(%arg0: i32) -> (i32, i32) {
    %c0_i32 = arith.constant 0 : i32
    %c0_i32_0 = arith.constant 0 : i32
    %c0_i32_1 = arith.constant 0 : i32
    return %c0_i32, %c0_i32_0 : i32, i32
  }
  func.func @transform_4(%arg0: i32) -> (i32, i32) {
    %c0_i32 = arith.constant 0 : i32
    %c0_i32_0 = arith.constant 0 : i32
    %c0_i32_1 = arith.constant 0 : i32
    return %c0_i32, %c0_i32_0 : i32, i32
  }
  func.func @transform_5(%arg0: i32) -> (i32, i32) {
    %c0_i32 = arith.constant 0 : i32
    %c0_i32_0 = arith.constant 0 : i32
    %c0_i32_1 = arith.constant 0 : i32
    return %c0_i32, %c0_i32_0 : i32, i32
  }
  func.func @transform_6(%arg0: i32) -> (i32, i32) {
    %c0_i32 = arith.constant 0 : i32
    %c0_i32_0 = arith.constant 0 : i32
    %c0_i32_1 = arith.constant 0 : i32
    return %c0_i32, %c0_i32_0 : i32, i32
  }
  func.func @transform_7(%arg0: i32) -> (i32, i32) {
    %c0_i32 = arith.constant 0 : i32
    %c0_i32_0 = arith.constant 0 : i32
    %c0_i32_1 = arith.constant 0 : i32
    return %c0_i32, %c0_i32_0 : i32, i32
  }
  func.func @transform_8(%arg0: i32) -> (i32, i32) {
    %c0_i32 = arith.constant 0 : i32
    %c0_i32_0 = arith.constant 0 : i32
    %c0_i32_1 = arith.constant 0 : i32
    return %c0_i32, %c0_i32_0 : i32, i32
  }
  func.func @transform_9(%arg0: i32) -> (i32, i32) {
    %c0_i32 = arith.constant 0 : i32
    %c0_i32_0 = arith.constant 0 : i32
    return %arg0, %c0_i32 : i32, i32
  }
}

</mosaic_0001>

<sc_bundles>
// kernel: kernel.11.cloned.1.call-start
scs
__scs_entry_jumppad:
0x0: {  	(pc) =	sbr.rel $0x88, $3  }
0x1: {  	(tag) =	ssettag $0x0;
	lr =	simm.s32 $0x1  }
0x2: {  	[smem:$0x3F5A] =	sst lr;
	_ =	strace $0xD0000000  }
0x3: {  	_ = 	snop  }
0x4: {  	_ = 	snop  }
0x5: {  	_ = 	snop  }
0x6: {  	_ = 	snop  }
0x7: {  	_ = 	snop  }
__scs_overlays_trampoline_lowered:
0x8: {  	[smem:$0x3F69] =	sst s0  }
0x9: {  	[smem:$0x3F6A] =	sst s1  }
0xa: {  	[smem:$0x3F6B] =	sst s2  }
0xb: {  	[smem:$0x3F6C] =	sst s3  }
0xc: {  	[smem:$0x3F6D] =	sst s4  }
0xd: {  	[smem:$0x3F6E] =	sst s5  }
0xe: {  	[smem:$0x3F6F] =	sst s6  }
0xf: {  	[smem:$0x3F70] =	sst s7  }
0x10: {  	[smem:$0x3F71] =	sst s8  }
0x11: {  	[smem:$0x3F72] =	sst s9;
	s0 =	simm.s32 @!p0 $0x0  }
0x12: {  	s1 =	sld [smem:$0x3F58];
	s0 =	simm.s32 @p0 $0x1  }
0x13: {  	[smem:$0x3F73] =	sst s0;
	s0 =	simm.s32 @!p1 $0x0  }
0x14: {  	s2 =	sld [smem:$0x3F57];
	s0 =	simm.s32 @p1 $0x1  }
0x15: {  	[smem:$0x3F74] =	sst s0;
	s0 =	simm.s32 @!p2 $0x0  }
0x16: {  	s3 =	sld [smem:$0x3FDB];
	s0 =	simm.s32 @p2 $0x1  }
0x17: {  	s4 =	simm.s32 $0x1BF5;
	[smem:$0x3F76] =	sst s0  }
0x18: {  	s0 =	sld [smem:$0x3F59];
	_ =	swait.ge [sflag:s4], $0x0  }
0x19: {  	s7 =	sld [smem:$0x3F5A]  }
0x1a: {  	s8 =	sadd.s32 $0xFFFFE003, lr  }
0x1b: {  	s9 =	sadd.s32 $0xFFFFFEF7, lr;
	s5 =	simm.s32 $0xFFFFFFFF;
	p2 =	slt.u32 s8, $0xFFFFF086  }
0x1c: {  	p1 =	slt.u32 s9, $0xF7A;
	s5 =	simm.s32 @!p2 $0x0  }
0x1d: {  	s5 =	simm.s32 @p1 $0x1;
	p0 =	seq.s32 s7, s2  }
0x1e: {  	s7 =	smul.u32 @!p0 $0xF7A, s2;
	p2 =	seq.s32 @!p0 s5, $0x0  }
0x1f: {  	s9 =	smul.u32 $0xF7A, s1;
	s8 =	simm.s32 @!p0 $0x1BF5;
	p2 =	por !p2, p0  }
0x20: {  	[sflag:s8] =	ssyncset.s32 @!p0 $0xFFFFF086;
	s6 =	sadd.s32 @!p0 s3, s7;
	s7 =	simm.s32 @!p0 $0x108  }
0x21: {  	s3 =	sadd.s32 s3, s9;
	s6 =	sadd.s32 @!p0 $0x88, s6;
	s7 =	simm.s32 @p2 $0x1082  }
0x22: {  	[simem:s7], [sflag:s8] =	dma.local @!p0 [hbm:s6], $0xF7A  }
0x23: {  	s9 =	sor.u32 $0xD0000000, s2;
	s6 =	simm.s32 $0x108;
	_ =	swait.ge @!p0 [sflag:s8], $0x0  }
0x24: {  	s3 =	sadd.s32 $0x88, s3;
	s6 =	simm.s32 @!p1 $0x1082;
	[sflag:s4] =	ssyncset.s32 $0xFFFFF086  }
0x25: {  	[simem:s6], [sflag:s4] =	dma.local [hbm:s3], $0xF7A  }
0x26: {  	[smem:$0x3F5A] =	sst s1;
	(tag) =	ssettag s2;
	_ =	strace s9  }
0x27: {  	s1 =	sld [smem:$0x3F6A]  }
0x28: {  	s2 =	sld [smem:$0x3F6B]  }
0x29: {  	s4 =	sld [smem:$0x3F6D]  }
0x2a: {  	p0 =	seq.s32 s5, $0x0;
	s5 =	sld [smem:$0x3F6E]  }
0x2b: {  	s6 =	sld [smem:$0x3F6F]  }
0x2c: {  	s7 =	sld [smem:$0x3F70]  }
0x2d: {  	s3 =	simm.s32 $0x108;
	s8 =	sld [smem:$0x3F71]  }
0x2e: {  	s3 =	simm.s32 @!p0 $0x1082;
	s9 =	sld [smem:$0x3F72]  }
0x2f: {  	lr =	sadd.s32 s0, s3;
	s0 =	sld [smem:$0x3F69]  }
0x30: {  	s3 =	sld [smem:$0x3F6C]  }
0x31: {  	[smem:$0x3F75] =	sst s10  }
0x32: {  	s10 =	sld [smem:$0x3F73];
	_ =	sdelay $0x3  }
0x33: {  	p0 =	seq.s32 s10, $0x1;
	s10 =	sld [smem:$0x3F75];
	_ =	sdelay $0x3  }
0x34: {  	[smem:$0x3F75] =	sst s10  }
0x35: {  	s10 =	sld [smem:$0x3F74];
	_ =	sdelay $0x3  }
0x36: {  	p1 =	seq.s32 s10, $0x1;
	s10 =	sld [smem:$0x3F75];
	_ =	sdelay $0x3  }
0x37: {  	[smem:$0x3F75] =	sst s10  }
0x38: {  	s10 =	sld [smem:$0x3F76]  }
0x39: {  	_ = 	snop;
	(pc) =	sbr.ind lr, $3  }
0x3a: {  	_ = 	snop  }
0x3b: {  	_ = 	snop  }
0x3c: {  	p2 =	seq.s32 s10, $0x1;
	s10 =	sld [smem:$0x3F75]  }
0x3d: {  	_ =	shalt  }
0x3e: {  	_ =	shalt  }
0x3f: {  	_ =	shalt  }
0x40: {  	_ =	shalt  }
0x41: {  	_ =	shalt  }
0x42: {  	_ =	shalt  }
0x43: {  	_ =	shalt  }
0x44: {  	_ =	shalt  }
0x45: {  	_ =	shalt  }
0x46: {  	_ =	shalt  }
0x47: {  	_ =	shalt  }
0x48: {  	_ =	shalt  }
0x49: {  	_ =	shalt  }
0x4a: {  	_ =	shalt  }
0x4b: {  	_ =	shalt  }
0x4c: {  	_ =	shalt  }
0x4d: {  	_ =	shalt  }
0x4e: {  	_ =	shalt  }
0x4f: {  	_ =	shalt  }
0x50: {  	_ =	shalt  }
0x51: {  	_ =	shalt  }
0x52: {  	_ =	shalt  }
0x53: {  	_ =	shalt  }
0x54: {  	_ =	shalt  }
0x55: {  	_ =	shalt  }
0x56: {  	_ =	shalt  }
0x57: {  	_ =	shalt  }
0x58: {  	_ =	shalt  }
0x59: {  	_ =	shalt  }
0x5a: {  	_ =	shalt  }
0x5b: {  	_ =	shalt  }
0x5c: {  	_ =	shalt  }
0x5d: {  	_ =	shalt  }
0x5e: {  	_ =	shalt  }
0x5f: {  	_ =	shalt  }
0x60: {  	_ =	shalt  }
0x61: {  	_ =	shalt  }
0x62: {  	_ =	shalt  }
0x63: {  	_ =	shalt  }
0x64: {  	_ =	shalt  }
0x65: {  	_ =	shalt  }
0x66: {  	_ =	shalt  }
0x67: {  	_ =	shalt  }
0x68: {  	_ =	shalt  }
0x69: {  	_ =	shalt  }
0x6a: {  	_ =	shalt  }
0x6b: {  	_ =	shalt  }
0x6c: {  	_ =	shalt  }
0x6d: {  	_ =	shalt  }
0x6e: {  	_ =	shalt  }
0x6f: {  	_ =	shalt  }
0x70: {  	_ =	shalt  }
0x71: {  	_ =	shalt  }
0x72: {  	_ =	shalt  }
0x73: {  	_ =	shalt  }
0x74: {  	_ =	shalt  }
0x75: {  	_ =	shalt  }
0x76: {  	_ =	shalt  }
0x77: {  	_ =	shalt  }
0x78: {  	_ =	shalt  }
0x79: {  	_ =	shalt  }
0x7a: {  	_ =	shalt  }
0x7b: {  	_ =	shalt  }
0x7c: {  	_ =	shalt  }
0x7d: {  	_ =	shalt  }
0x7e: {  	_ =	shalt  }
0x7f: {  	_ =	shalt  }
0x80: {  	_ =	shalt  }
0x81: {  	_ =	shalt  }
0x82: {  	_ =	shalt  }
0x83: {  	_ =	shalt  }
0x84: {  	_ =	shalt  }
0x85: {  	_ =	shalt  }
0x86: {  	_ =	shalt  }
0x87: {  	_ =	shalt  }
.Lfunc_end0:
.L_simem_size_0:
called_computation.2_lowered:
.L_overlay_start_0:
0x88: {  	s2 =	sld [smem:$0x3FD9]  }
0x89: {  	s3 =	sld [smem:$0x3FFE];
	_ =	sdelay $0x1  }
0x8a: {  	s1 =	srdreg.scid  }
0x8b: {  	s0 =	sand.u32 $0x1, s1  }
0x8c: {  	s16 =	sshll.u32 s0, $0xA;
	s2 =	sadd.s32 s3, s2  }
0x8d: {  	s2 =	sadd.s32 s2, s16  }
0x8e: {  	[smem:$0x3F81] =	sst s2  }
0x8f: {  	_ = 	snop  }
0x90: {  	(tm) =	ssettm $0x1  }
0x91: {  	s17 =	sld [smem:$0x3FFB];
	_ =	sdelay $0x3  }
0x92: {  	_ =	strace s17  }
0x93: {  	s2 =	sld [smem:$0x3FFC];
	_ =	sdelay $0x3  }
0x94: {  	_ =	strace s2  }
0x95: {  	s2 =	sld [smem:$0x3FFD];
	_ =	sdelay $0x3  }
0x96: {  	_ =	strace s2  }
0x97: {  	_ =	strace $0x8FFFFFFF  }
0x98: {  	s18 =	sld [smem:$0x3FDB];
	_ =	sdelay $0x1  }
0x99: {  	s19 =	simm.s32 $_scs_section_size  }
0x9a: {  	s4 =	simm.s32 $_size__tile_overlayer_lowered;
	s5 =	simm.s32 $_tile_overlayer_lowered  }
0x9b: {  	s22 =	simm.s32 $0x1BFF;
	s21 =	sshll.u32 s5, $0x1;
	s2 =	sadd.s32 s19, s18  }
0x9c: {  	s6 =	simm.s32 $0x0;
	s20 =	sshll.u32 s4, $0x1;
	s4 =	sadd.s32 s21, s2  }
0x9d: {  	[timem:s6], [sflag:s22] =	dma.local [hbm:s4], s20  }
0x9e: {  	_ =	swait.ge [sflag:s22], s20  }
0x9f: {  	s3 =	ssub.s32 $0x0, s20;
	[sflag:s22] =	ssyncset.done $0x0  }
0xa0: {  	[sflag:s22] =	ssyncadd.s32 s3;
	_ =	sdelay $0x1  }
0xa1: {  	s23 =	simm.s32 $0x1B8B  }
0xa2: {  	_ =	swait.ge [sflag:s23], $0x1  }
0xa3: {  	[sflag:s23] =	ssyncset.done $0x0  }
0xa4: {  	s25 =	simm.s32 $0x1B8E;
	s24 =	sld [smem:$0x3FFE];
	[sflag:s23] =	ssyncadd.s32 $0xFFFFFFFF  }
0xa5: {  	s26 =	simm.s32 $execute0_lowered;
	[smem:$0x3FD2] =	sst s25  }
0xa6: {  	s4 =	sshll.u32 s26, $0x1;
	_ =	strace $0x80000046;
	[dreg:$0x1] =	wrdreg $0xFFFFFFFF  }
0xa7: {  	s28 =	simm.s32 $_size_execute0_lowered;
	s2 =	sadd.s32 s2, s4;
	[dreg:$0x0] =	wrdreg $0x0  }
0xa8: {  	s4 =	sshll.u32 s28, $0x1;
	[dreg:$0x2] =	wrdreg s2  }
0xa9: {  	[dreg:$0x3] =	wrdreg s4  }
0xaa: {  	[dreg:$0x4] =	wrdreg $0xC0  }
0xab: {  	_ =	task [dreg:s6], $0x5FFFF  }
0xac: {  	[dreg:$0x1] =	wrdreg $0xFFFFFFFF  }
0xad: {  	[dreg:$0x0] =	wrdreg $0x60  }
0xae: {  	[dreg:$0x2] =	wrdreg s24  }
0xaf: {  	[dreg:$0x3] =	wrdreg $0x9  }
0xb0: {  	_ =	task.clear_ibuf [dreg:s6], $0x4FFFF;
	_ =	strace $0x90000046  }
0xb1: {  	s29 =	simm.s32 $0x9;
	_ =	strace $0x80000048  }
0xb2: {  	_ =	swait.ge [sflag:s29], $0x1  }
0xb3: {  	[sflag:s29] =	ssyncadd.s32 $0xFFFFFFFF  }
0xb4: {  	_ =	strace $0x90000048  }
0xb5: {  	_ =	sfence  }
0xb6: {  	s30 =	sld [smem:$0x0];
	_ =	sdelay $0x2  }
0xb7: {  	s31 =	sshll.u32 s1, $0xD;
	s1 =	sshrl.u32 s1, $0x2  }
0xb8: {  	s3 =	sand.u32 $0x4000, s31;
	s1 =	sadd.s32 s1, s30  }
0xb9: {  	s0 =	sor.u32 s3, s0;
	s1 =	sshll.u32 s1, $0x11  }
0xba: {  	s0 =	sor.u32 s1, s0  }
0xbb: {  	s0 =	sadd.s32 $0x8F2B, s0  }
0xbc: {  	[sflag:s0] =	ssyncadd.remote.s32 $0x1  }
0xbd: {  	_ =	sfence.sel $0xFFFF  }
0xbe: {  	[dreg:$0x0] =	wrdreg $0xFFFFFFFF;
	(pc) =	sbr.abs _section_cstart, $3  }
0xbf: {  	[dreg:$0x1] =	wrdreg $0xFFFFFFFF  }
0xc0: {  	_ =	task.clear_ibuf [dreg:s6], $0x2FFFF;
	_ =	strace $0x9FFFFFFF  }
0xc1: {  	(tm) =	ssettm $0x7FFFFFFF  }
tec
execute0_lowered:
.L_overlay_start_1:
0x0: {  	(tag) =	ssettag $0x1  }
0x1: {  	s4 =	rddreg [dreg:$0x0]  }
0x2: {  	s1 =	stileid.u32;
	s3 =	srdreg.scid  }
0x3: {  	s2 =	simm.s32 $0x0;
	s11 =	simm.s32 $0x480;
	s10 =	simm.s32 $0x800  }
0x4: {  	s12 =	simm.s32 $0x100;
	s13 =	simm.s32 $0x500;
	s14 =	simm.s32 $0x180  }
0x5: {  	s16 =	simm.s32 $0x580;
	s15 =	simm.s32 $0x2;
	s17 =	simm.s32 $0x600  }
0x6: {  	s18 =	simm.s32 $0x280;
	s19 =	simm.s32 $0x680;
	s20 =	simm.s32 $0x300  }
0x7: {  	s21 =	simm.s32 $0x700;
	s22 =	simm.s32 $0x380;
	s5 =	smul.u32 $0x1900, s1  }
0x8: {  	s23 =	simm.s32 $0x780;
	s24 =	simm.s32 $0x0;
	s6 =	smul.u32 $0xC8000, s1  }
0x9: {  	s7 =	sand.u32 $0x1, s3;
	[smem:$0x7FF] =	sst s2;
	s3 =	sadd.s32 $0x56E00, s4  }
0xa: {  	s8 =	smul.u32 $0x64000, s7;
	_ =	strace $0x80000047;
	[dreg:$0x4] =	wrdreg s11  }
0xb: {  	s29 =	ssub.s32 $0x2, s7;
	s7 =	smul.u32 $0xC80, s7;
	[dreg:$0x5] =	wrdreg s12  }
0xc: {  	s11 =	simm.s32 $0x8800;
	s12 =	simm.s32 $0x4800;
	[dreg:$0x6] =	wrdreg s13  }
0xd: {  	s13 =	simm.s32 $0xC800;
	[dreg:$0x7] =	wrdreg s14;
	s14 =	simm.s32 $0x1  }
0xe: {  	[dreg:$0x8] =	wrdreg s16;
	s16 =	simm.s32 $0x200;
	s6 =	sadd.s32 s6, s4  }
0xf: {  	s5 =	sadd.s32 s5, s4;
	s30 =	sshrl.u32 s29, $0x1;
	s6 =	sadd.s32 s8, s6  }
0x10: {  	s4 =	ssub.s32 s29, s30;
	s31 =	sadd.s32 s7, s5;
	s8 =	simm.s32 $0x400  }
0x11: {  	s7 =	simm.s32 $0x3;
	s9 =	sadd.s32 $0xE5DA00, s6;
	s6 =	sadd.s32 $0x1DDA00, s6  }
0x12: {  	s4 =	smax.u32 s4, $0x1;
	s5 =	sadd.s32 $0x24E00, s31;
	[dreg:$0x2] =	wrdreg s9  }
0x13: {  	[dreg:$0x3] =	wrdreg s6;
	s6 =	sadd.s32 $0x3DE00, s31;
	s9 =	simm.s32 $0x80  }
.LBB2_1:
0x14: {  	[tilespmem:s2], [sflag:$0x3] =	stream.linear.gather [hbm4b:s5+s2], $0x400, $0x38;
	[tilespmem:$0x10800] =	vst v63  }
0x15: {  	_ =	swait.ge [sflag:s7], $0x400  }
0x16: {  	[sflag:s7] =	ssyncset.done $0x0  }
0x17: {  	[sflag:s7] =	ssyncadd.s32 $0xFFFFFC00  }
0x18: {  	[tilespmem:s8], [sflag:$0x3] =	stream.linear.gather [hbm4b:s6+s2], $0x400, $0x38;
	[tilespmem:$0x10800] =	vst v63  }
0x19: {  	_ =	swait.ge [sflag:s7], $0x400  }
0x1a: {  	[sflag:s7] =	ssyncset.done $0x0  }
0x1b: {  	[sflag:s7] =	ssyncadd.s32 $0xFFFFFC00  }
0x1c: {  	[tilespmem:s10], [sflag:$0x1] =	stream.indirect.gather [hbm4b:s3+s9], $0x80, s2, s9, $0xb8;
	[tilespmem:$0x10800] =	vst v63  }
0x1d: {  	_ = 	snop  }
0x1e: {  	[tilespmem:s11], [sflag:$0x2] =	stream.indirect.gather [hbm4b:s3+s9], $0x80, s8, s9, $0xb8;
	[tilespmem:$0x10800] =	vst v63  }
0x1f: {  	_ = 	snop  }
0x20: {  	[tilespmem:s12], [sflag:$0x1] =	stream.indirect.gather [hbm4b:s3+s9], $0x80, s9, s9, $0xb8;
	[tilespmem:$0x10800] =	vst v63  }
0x21: {  	s25 =	rddreg [dreg:$0x4]  }
0x22: {  	[tilespmem:s13], [sflag:$0x2] =	stream.indirect.gather [hbm4b:s3+s9], $0x80, s25, s9, $0xb8;
	[tilespmem:$0x10800] =	vst v63  }
0x23: {  	_ =	swait.ge [sflag:s14], $0x4000  }
0x24: {  	[sflag:s14] =	ssyncset.done $0x0  }
0x25: {  	[sflag:s14] =	ssyncadd.s32 $0xFFFFC000  }
0x26: {  	_ =	swait.ge [sflag:s15], $0x4000  }
0x27: {  	[sflag:s15] =	ssyncset.done $0x0  }
0x28: {  	[sflag:s15] =	ssyncadd.s32 $0xFFFFC000  }
0x29: {  	_ =	swait.ge [sflag:s14], $0x4000  }
0x2a: {  	[sflag:s14] =	ssyncset.done $0x0  }
0x2b: {  	[sflag:s14] =	ssyncadd.s32 $0xFFFFC000  }
0x2c: {  	_ =	swait.ge [sflag:s15], $0x4000  }
0x2d: {  	s29 =	rddreg [dreg:$0x3];
	[sflag:s15] =	ssyncset.done $0x0  }
0x2e: {  	[sflag:s15] =	ssyncadd.s32 $0xFFFFC000;
	s25 =	sadd.s32 $0x0, s29  }
0x2f: {  	[hbm4b:s25+s2] =	stream.linear.scatter [tilespmem:s10], [sflag:$0x3], $0x8000, $0x38;
	[tilespmem:$0x10800] =	vst v63  }
0x30: {  	_ =	swait.ge [sflag:s7], $0x8000  }
0x31: {  	s26 =	rddreg [dreg:$0x2];
	[sflag:s7] =	ssyncset.done $0x0  }
0x32: {  	[sflag:s7] =	ssyncadd.s32 $0xFFFF8000;
	s26 =	sadd.s32 $0x0, s26  }
0x33: {  	[hbm4b:s26+s2] =	stream.linear.scatter [tilespmem:s11], [sflag:$0x3], $0x8000, $0x38;
	[tilespmem:$0x10800] =	vst v63  }
0x34: {  	_ =	swait.ge [sflag:s7], $0x8000  }
0x35: {  	[sflag:s7] =	ssyncset.done $0x0  }
0x36: {  	s28 =	rddreg [dreg:$0x5];
	[sflag:s7] =	ssyncadd.s32 $0xFFFF8000  }
0x37: {  	[tilespmem:s10], [sflag:$0x1] =	stream.indirect.gather [hbm4b:s3+s9], $0x80, s28, s9, $0xb8;
	[tilespmem:$0x10800] =	vst v63  }
0x38: {  	s29 =	rddreg [dreg:$0x6]  }
0x39: {  	[tilespmem:s11], [sflag:$0x2] =	stream.indirect.gather [hbm4b:s3+s9], $0x80, s29, s9, $0xb8;
	[tilespmem:$0x10800] =	vst v63  }
0x3a: {  	s28 =	rddreg [dreg:$0x7]  }
0x3b: {  	[tilespmem:s12], [sflag:$0x1] =	stream.indirect.gather [hbm4b:s3+s9], $0x80, s28, s9, $0xb8;
	[tilespmem:$0x10800] =	vst v63  }
0x3c: {  	s30 =	rddreg [dreg:$0x8]  }
0x3d: {  	[tilespmem:s13], [sflag:$0x2] =	stream.indirect.gather [hbm4b:s3+s9], $0x80, s30, s9, $0xb8;
	[tilespmem:$0x10800] =	vst v63  }
0x3e: {  	_ =	swait.ge [sflag:s14], $0x4000  }
0x3f: {  	[sflag:s14] =	ssyncset.done $0x0  }
0x40: {  	[sflag:s14] =	ssyncadd.s32 $0xFFFFC000  }
0x41: {  	_ =	swait.ge [sflag:s15], $0x4000  }
0x42: {  	[sflag:s15] =	ssyncset.done $0x0  }
0x43: {  	[sflag:s15] =	ssyncadd.s32 $0xFFFFC000  }
0x44: {  	_ =	swait.ge [sflag:s14], $0x4000  }
0x45: {  	[sflag:s14] =	ssyncset.done $0x0  }
0x46: {  	[sflag:s14] =	ssyncadd.s32 $0xFFFFC000  }
0x47: {  	_ =	swait.ge [sflag:s15], $0x4000  }
0x48: {  	[sflag:s15] =	ssyncset.done $0x0  }
0x49: {  	s28 =	sadd.s32 $0x1000, s25;
	[sflag:s15] =	ssyncadd.s32 $0xFFFFC000  }
0x4a: {  	[hbm4b:s28+s2] =	stream.linear.scatter [tilespmem:s10], [sflag:$0x3], $0x8000, $0x38;
	[tilespmem:$0x10800] =	vst v63  }
0x4b: {  	_ =	swait.ge [sflag:s7], $0x8000  }
0x4c: {  	[sflag:s7] =	ssyncset.done $0x0  }
0x4d: {  	s28 =	sadd.s32 $0x1000, s26;
	[sflag:s7] =	ssyncadd.s32 $0xFFFF8000  }
0x4e: {  	[hbm4b:s28+s2] =	stream.linear.scatter [tilespmem:s11], [sflag:$0x3], $0x8000, $0x38;
	[tilespmem:$0x10800] =	vst v63  }
0x4f: {  	_ =	swait.ge [sflag:s7], $0x8000  }
0x50: {  	[sflag:s7] =	ssyncset.done $0x0  }
0x51: {  	[sflag:s7] =	ssyncadd.s32 $0xFFFF8000  }
0x52: {  	[tilespmem:s10], [sflag:$0x1] =	stream.indirect.gather [hbm4b:s3+s9], $0x80, s16, s9, $0xb8;
	[tilespmem:$0x10800] =	vst v63  }
0x53: {  	_ = 	snop  }
0x54: {  	[tilespmem:s11], [sflag:$0x2] =	stream.indirect.gather [hbm4b:s3+s9], $0x80, s17, s9, $0xb8;
	[tilespmem:$0x10800] =	vst v63  }
0x55: {  	_ = 	snop  }
0x56: {  	[tilespmem:s12], [sflag:$0x1] =	stream.indirect.gather [hbm4b:s3+s9], $0x80, s18, s9, $0xb8;
	[tilespmem:$0x10800] =	vst v63  }
0x57: {  	_ = 	snop  }
0x58: {  	[tilespmem:s13], [sflag:$0x2] =	stream.indirect.gather [hbm4b:s3+s9], $0x80, s19, s9, $0xb8;
	[tilespmem:$0x10800] =	vst v63  }
0x59: {  	_ =	swait.ge [sflag:s14], $0x4000  }
0x5a: {  	[sflag:s14] =	ssyncset.done $0x0  }
0x5b: {  	[sflag:s14] =	ssyncadd.s32 $0xFFFFC000  }
0x5c: {  	_ =	swait.ge [sflag:s15], $0x4000  }
0x5d: {  	[sflag:s15] =	ssyncset.done $0x0  }
0x5e: {  	[sflag:s15] =	ssyncadd.s32 $0xFFFFC000  }
0x5f: {  	_ =	swait.ge [sflag:s14], $0x4000  }
0x60: {  	[sflag:s14] =	ssyncset.done $0x0  }
0x61: {  	[sflag:s14] =	ssyncadd.s32 $0xFFFFC000  }
0x62: {  	_ =	swait.ge [sflag:s15], $0x4000  }
0x63: {  	[sflag:s15] =	ssyncset.done $0x0  }
0x64: {  	s28 =	sadd.s32 $0x2000, s25;
	[sflag:s15] =	ssyncadd.s32 $0xFFFFC000  }
0x65: {  	[hbm4b:s28+s2] =	stream.linear.scatter [tilespmem:s10], [sflag:$0x3], $0x8000, $0x38;
	[tilespmem:$0x10800] =	vst v63  }
0x66: {  	_ =	swait.ge [sflag:s7], $0x8000  }
0x67: {  	[sflag:s7] =	ssyncset.done $0x0  }
0x68: {  	s28 =	sadd.s32 $0x2000, s26;
	[sflag:s7] =	ssyncadd.s32 $0xFFFF8000  }
0x69: {  	[hbm4b:s28+s2] =	stream.linear.scatter [tilespmem:s11], [sflag:$0x3], $0x8000, $0x38;
	[tilespmem:$0x10800] =	vst v63  }
0x6a: {  	_ =	swait.ge [sflag:s7], $0x8000  }
0x6b: {  	[sflag:s7] =	ssyncset.done $0x0  }
0x6c: {  	[sflag:s7] =	ssyncadd.s32 $0xFFFF8000  }
0x6d: {  	[tilespmem:s10], [sflag:$0x1] =	stream.indirect.gather [hbm4b:s3+s9], $0x80, s20, s9, $0xb8;
	[tilespmem:$0x10800] =	vst v63  }
0x6e: {  	_ = 	snop  }
0x6f: {  	[tilespmem:s11], [sflag:$0x2] =	stream.indirect.gather [hbm4b:s3+s9], $0x80, s21, s9, $0xb8;
	[tilespmem:$0x10800] =	vst v63  }
0x70: {  	_ = 	snop  }
0x71: {  	[tilespmem:s12], [sflag:$0x1] =	stream.indirect.gather [hbm4b:s3+s9], $0x80, s22, s9, $0xb8;
	[tilespmem:$0x10800] =	vst v63  }
0x72: {  	_ = 	snop  }
0x73: {  	[tilespmem:s13], [sflag:$0x2] =	stream.indirect.gather [hbm4b:s3+s9], $0x80, s23, s9, $0xb8;
	[tilespmem:$0x10800] =	vst v63  }
0x74: {  	_ =	swait.ge [sflag:s14], $0x4000  }
0x75: {  	[sflag:s14] =	ssyncset.done $0x0  }
0x76: {  	[sflag:s14] =	ssyncadd.s32 $0xFFFFC000  }
0x77: {  	_ =	swait.ge [sflag:s15], $0x4000  }
0x78: {  	[sflag:s15] =	ssyncset.done $0x0  }
0x79: {  	[sflag:s15] =	ssyncadd.s32 $0xFFFFC000  }
0x7a: {  	_ =	swait.ge [sflag:s14], $0x4000  }
0x7b: {  	[sflag:s14] =	ssyncset.done $0x0  }
0x7c: {  	[sflag:s14] =	ssyncadd.s32 $0xFFFFC000  }
0x7d: {  	_ =	swait.ge [sflag:s15], $0x4000  }
0x7e: {  	[sflag:s15] =	ssyncset.done $0x0  }
0x7f: {  	s25 =	sadd.s32 $0x3000, s25;
	[sflag:s15] =	ssyncadd.s32 $0xFFFFC000  }
0x80: {  	[hbm4b:s25+s2] =	stream.linear.scatter [tilespmem:s10], [sflag:$0x3], $0x8000, $0x38;
	[tilespmem:$0x10800] =	vst v63  }
0x81: {  	_ =	swait.ge [sflag:s7], $0x8000  }
0x82: {  	[sflag:s7] =	ssyncset.done $0x0  }
0x83: {  	s31 =	sadd.s32 $0x3000, s26;
	[sflag:s7] =	ssyncadd.s32 $0xFFFF8000  }
0x84: {  	[hbm4b:s31+s2] =	stream.linear.scatter [tilespmem:s11], [sflag:$0x3], $0x8000, $0x38;
	[tilespmem:$0x10800] =	vst v63  }
0x85: {  	s26 =	smov.u32 s5;
	_ =	swait.ge [sflag:s7], $0x8000  }
0x86: {  	s28 =	smov.u32 s6;
	s25 =	simm.s32 $0x4000;
	[sflag:s7] =	ssyncset.done $0x0  }
.LBB2_2:
0x87: {  	[sflag:s7] =	ssyncadd.s32 $0xFFFF8000;
	s26 =	sadd.s32 $0x80, s26  }
0x88: {  	[tilespmem:s2], [sflag:$0x3] =	stream.linear.gather [hbm4b:s26+s2], $0x400, $0x38;
	[tilespmem:$0x10800] =	vst v63  }
0x89: {  	_ =	swait.ge [sflag:s7], $0x400  }
0x8a: {  	[sflag:s7] =	ssyncset.done $0x0  }
0x8b: {  	s28 =	sadd.s32 $0x80, s28;
	[sflag:s7] =	ssyncadd.s32 $0xFFFFFC00  }
0x8c: {  	[tilespmem:s8], [sflag:$0x3] =	stream.linear.gather [hbm4b:s28+s2], $0x400, $0x38;
	[tilespmem:$0x10800] =	vst v63  }
0x8d: {  	_ =	swait.ge [sflag:s7], $0x400  }
0x8e: {  	[sflag:s7] =	ssyncset.done $0x0  }
0x8f: {  	[sflag:s7] =	ssyncadd.s32 $0xFFFFFC00  }
0x90: {  	[tilespmem:s10], [sflag:$0x1] =	stream.indirect.gather [hbm4b:s3+s9], $0x80, s2, s9, $0xb8;
	[tilespmem:$0x10800] =	vst v63  }
0x91: {  	_ = 	snop  }
0x92: {  	[tilespmem:s11], [sflag:$0x2] =	stream.indirect.gather [hbm4b:s3+s9], $0x80, s8, s9, $0xb8;
	[tilespmem:$0x10800] =	vst v63  }
0x93: {  	_ = 	snop  }
0x94: {  	[tilespmem:s12], [sflag:$0x1] =	stream.indirect.gather [hbm4b:s3+s9], $0x80, s9, s9, $0xb8;
	[tilespmem:$0x10800] =	vst v63  }
0x95: {  	s29 =	rddreg [dreg:$0x4]  }
0x96: {  	[tilespmem:s13], [sflag:$0x2] =	stream.indirect.gather [hbm4b:s3+s9], $0x80, s29, s9, $0xb8;
	[tilespmem:$0x10800] =	vst v63  }
0x97: {  	_ =	swait.ge [sflag:s14], $0x4000  }
0x98: {  	[sflag:s14] =	ssyncset.done $0x0  }
0x99: {  	[sflag:s14] =	ssyncadd.s32 $0xFFFFC000  }
0x9a: {  	_ =	swait.ge [sflag:s15], $0x4000  }
0x9b: {  	[sflag:s15] =	ssyncset.done $0x0  }
0x9c: {  	[sflag:s15] =	ssyncadd.s32 $0xFFFFC000  }
0x9d: {  	_ =	swait.ge [sflag:s14], $0x4000  }
0x9e: {  	[sflag:s14] =	ssyncset.done $0x0  }
0x9f: {  	[sflag:s14] =	ssyncadd.s32 $0xFFFFC000  }
0xa0: {  	_ =	swait.ge [sflag:s15], $0x4000  }
0xa1: {  	s30 =	smov.u32 s25;
	s0 =	rddreg [dreg:$0x3];
	[sflag:s15] =	ssyncset.done $0x0  }
0xa2: {  	[sflag:s15] =	ssyncadd.s32 $0xFFFFC000;
	s29 =	sadd.s32 s30, s0  }
0xa3: {  	[hbm4b:s29+s2] =	stream.linear.scatter [tilespmem:s10], [sflag:$0x3], $0x8000, $0x38;
	[tilespmem:$0x10800] =	vst v63  }
0xa4: {  	_ =	swait.ge [sflag:s7], $0x8000  }
0xa5: {  	s31 =	rddreg [dreg:$0x2];
	[sflag:s7] =	ssyncset.done $0x0  }
0xa6: {  	[sflag:s7] =	ssyncadd.s32 $0xFFFF8000;
	s30 =	sadd.s32 s30, s31  }
0xa7: {  	[hbm4b:s30+s2] =	stream.linear.scatter [tilespmem:s11], [sflag:$0x3], $0x8000, $0x38;
	[tilespmem:$0x10800] =	vst v63  }
0xa8: {  	_ =	swait.ge [sflag:s7], $0x8000  }
0xa9: {  	[sflag:s7] =	ssyncset.done $0x0  }
0xaa: {  	s31 =	rddreg [dreg:$0x5];
	[sflag:s7] =	ssyncadd.s32 $0xFFFF8000  }
0xab: {  	[tilespmem:s10], [sflag:$0x1] =	stream.indirect.gather [hbm4b:s3+s9], $0x80, s31, s9, $0xb8;
	[tilespmem:$0x10800] =	vst v63  }
0xac: {  	s0 =	rddreg [dreg:$0x6]  }
0xad: {  	[tilespmem:s11], [sflag:$0x2] =	stream.indirect.gather [hbm4b:s3+s9], $0x80, s0, s9, $0xb8;
	[tilespmem:$0x10800] =	vst v63  }
0xae: {  	s31 =	rddreg [dreg:$0x7]  }
0xaf: {  	[tilespmem:s12], [sflag:$0x1] =	stream.indirect.gather [hbm4b:s3+s9], $0x80, s31, s9, $0xb8;
	[tilespmem:$0x10800] =	vst v63  }
0xb0: {  	s0 =	rddreg [dreg:$0x8]  }
0xb1: {  	[tilespmem:s13], [sflag:$0x2] =	stream.indirect.gather [hbm4b:s3+s9], $0x80, s0, s9, $0xb8;
	[tilespmem:$0x10800] =	vst v63  }
0xb2: {  	_ =	swait.ge [sflag:s14], $0x4000  }
0xb3: {  	[sflag:s14] =	ssyncset.done $0x0  }
0xb4: {  	[sflag:s14] =	ssyncadd.s32 $0xFFFFC000  }
0xb5: {  	_ =	swait.ge [sflag:s15], $0x4000  }
0xb6: {  	[sflag:s15] =	ssyncset.done $0x0  }
0xb7: {  	[sflag:s15] =	ssyncadd.s32 $0xFFFFC000  }
0xb8: {  	_ =	swait.ge [sflag:s14], $0x4000  }
0xb9: {  	[sflag:s14] =	ssyncset.done $0x0  }
0xba: {  	[sflag:s14] =	ssyncadd.s32 $0xFFFFC000  }
0xbb: {  	_ =	swait.ge [sflag:s15], $0x4000  }
0xbc: {  	[sflag:s15] =	ssyncset.done $0x0  }
0xbd: {  	s31 =	sadd.s32 $0x1000, s29;
	[sflag:s15] =	ssyncadd.s32 $0xFFFFC000  }
0xbe: {  	[hbm4b:s31+s2] =	stream.linear.scatter [tilespmem:s10], [sflag:$0x3], $0x8000, $0x38;
	[tilespmem:$0x10800] =	vst v63  }
0xbf: {  	_ =	swait.ge [sflag:s7], $0x8000  }
0xc0: {  	[sflag:s7] =	ssyncset.done $0x0  }
0xc1: {  	s31 =	sadd.s32 $0x1000, s30;
	[sflag:s7] =	ssyncadd.s32 $0xFFFF8000  }
0xc2: {  	[hbm4b:s31+s2] =	stream.linear.scatter [tilespmem:s11], [sflag:$0x3], $0x8000, $0x38;
	[tilespmem:$0x10800] =	vst v63  }
0xc3: {  	_ =	swait.ge [sflag:s7], $0x8000  }
0xc4: {  	[sflag:s7] =	ssyncset.done $0x0  }
0xc5: {  	[sflag:s7] =	ssyncadd.s32 $0xFFFF8000  }
0xc6: {  	[tilespmem:s10], [sflag:$0x1] =	stream.indirect.gather [hbm4b:s3+s9], $0x80, s16, s9, $0xb8;
	[tilespmem:$0x10800] =	vst v63  }
0xc7: {  	_ = 	snop  }
0xc8: {  	[tilespmem:s11], [sflag:$0x2] =	stream.indirect.gather [hbm4b:s3+s9], $0x80, s17, s9, $0xb8;
	[tilespmem:$0x10800] =	vst v63  }
0xc9: {  	_ = 	snop  }
0xca: {  	[tilespmem:s12], [sflag:$0x1] =	stream.indirect.gather [hbm4b:s3+s9], $0x80, s18, s9, $0xb8;
	[tilespmem:$0x10800] =	vst v63  }
0xcb: {  	_ = 	snop  }
0xcc: {  	[tilespmem:s13], [sflag:$0x2] =	stream.indirect.gather [hbm4b:s3+s9], $0x80, s19, s9, $0xb8;
	[tilespmem:$0x10800] =	vst v63  }
0xcd: {  	_ =	swait.ge [sflag:s14], $0x4000  }
0xce: {  	[sflag:s14] =	ssyncset.done $0x0  }
0xcf: {  	[sflag:s14] =	ssyncadd.s32 $0xFFFFC000  }
0xd0: {  	_ =	swait.ge [sflag:s15], $0x4000  }
0xd1: {  	[sflag:s15] =	ssyncset.done $0x0  }
0xd2: {  	[sflag:s15] =	ssyncadd.s32 $0xFFFFC000  }
0xd3: {  	_ =	swait.ge [sflag:s14], $0x4000  }
0xd4: {  	[sflag:s14] =	ssyncset.done $0x0  }
0xd5: {  	[sflag:s14] =	ssyncadd.s32 $0xFFFFC000  }
0xd6: {  	_ =	swait.ge [sflag:s15], $0x4000  }
0xd7: {  	[sflag:s15] =	ssyncset.done $0x0  }
0xd8: {  	s31 =	sadd.s32 $0x2000, s29;
	[sflag:s15] =	ssyncadd.s32 $0xFFFFC000  }
0xd9: {  	[hbm4b:s31+s2] =	stream.linear.scatter [tilespmem:s10], [sflag:$0x3], $0x8000, $0x38;
	[tilespmem:$0x10800] =	vst v63  }
0xda: {  	_ =	swait.ge [sflag:s7], $0x8000  }
0xdb: {  	[sflag:s7] =	ssyncset.done $0x0  }
0xdc: {  	s31 =	sadd.s32 $0x2000, s30;
	[sflag:s7] =	ssyncadd.s32 $0xFFFF8000  }
0xdd: {  	[hbm4b:s31+s2] =	stream.linear.scatter [tilespmem:s11], [sflag:$0x3], $0x8000, $0x38;
	[tilespmem:$0x10800] =	vst v63  }
0xde: {  	_ =	swait.ge [sflag:s7], $0x8000  }
0xdf: {  	[sflag:s7] =	ssyncset.done $0x0  }
0xe0: {  	[sflag:s7] =	ssyncadd.s32 $0xFFFF8000  }
0xe1: {  	[tilespmem:s10], [sflag:$0x1] =	stream.indirect.gather [hbm4b:s3+s9], $0x80, s20, s9, $0xb8;
	[tilespmem:$0x10800] =	vst v63  }
0xe2: {  	_ = 	snop  }
0xe3: {  	[tilespmem:s11], [sflag:$0x2] =	stream.indirect.gather [hbm4b:s3+s9], $0x80, s21, s9, $0xb8;
	[tilespmem:$0x10800] =	vst v63  }
0xe4: {  	_ = 	snop  }
0xe5: {  	[tilespmem:s12], [sflag:$0x1] =	stream.indirect.gather [hbm4b:s3+s9], $0x80, s22, s9, $0xb8;
	[tilespmem:$0x10800] =	vst v63  }
0xe6: {  	_ = 	snop  }
0xe7: {  	[tilespmem:s13], [sflag:$0x2] =	stream.indirect.gather [hbm4b:s3+s9], $0x80, s23, s9, $0xb8;
	[tilespmem:$0x10800] =	vst v63  }
0xe8: {  	_ =	swait.ge [sflag:s14], $0x4000  }
0xe9: {  	[sflag:s14] =	ssyncset.done $0x0  }
0xea: {  	[sflag:s14] =	ssyncadd.s32 $0xFFFFC000  }
0xeb: {  	_ =	swait.ge [sflag:s15], $0x4000  }
0xec: {  	[sflag:s15] =	ssyncset.done $0x0  }
0xed: {  	[sflag:s15] =	ssyncadd.s32 $0xFFFFC000  }
0xee: {  	_ =	swait.ge [sflag:s14], $0x4000  }
0xef: {  	[sflag:s14] =	ssyncset.done $0x0  }
0xf0: {  	[sflag:s14] =	ssyncadd.s32 $0xFFFFC000  }
0xf1: {  	_ =	swait.ge [sflag:s15], $0x4000  }
0xf2: {  	[sflag:s15] =	ssyncset.done $0x0  }
0xf3: {  	s29 =	sadd.s32 $0x3000, s29;
	[sflag:s15] =	ssyncadd.s32 $0xFFFFC000  }
0xf4: {  	[hbm4b:s29+s2] =	stream.linear.scatter [tilespmem:s10], [sflag:$0x3], $0x8000, $0x38;
	[tilespmem:$0x10800] =	vst v63  }
0xf5: {  	p0 =	sne.s32 s25, $0x60000;
	_ =	swait.ge [sflag:s7], $0x8000  }
.Ltmp0:
0xf6: {  	[sflag:s7] =	ssyncset.done $0x0;
	(pc) =	sbr.rel @p0 .LBB2_2-.Ltmp0, $4  }
0xf7: {  	s31 =	sadd.s32 $0x3000, s30;
	[sflag:s7] =	ssyncadd.s32 $0xFFFF8000  }
0xf8: {  	[hbm4b:s31+s2] =	stream.linear.scatter [tilespmem:s11], [sflag:$0x3], $0x8000, $0x38;
	[tilespmem:$0x10800] =	vst v63  }
0xf9: {  	_ =	swait.ge [sflag:s7], $0x8000  }
0xfa: {  	s25 =	sadd.s32 $0x4000, s25;
	[sflag:s7] =	ssyncset.done $0x0  }
0xfb: {  	s24 =	sadd.s32 $0x1, s24  }
0xfc: {  	p0 =	sne.s32 s24, s4  }
.Ltmp1:
0xfd: {  	_ = 	snop;
	(pc) =	sbr.rel @p0 .LBB2_1-.Ltmp1, $2  }
0xfe: {  	_ =	sdelay $0x2  }
0xff: {  	[sflag:s7] =	ssyncadd.s32 $0xFFFF8000  }
0x100: {  	_ =	sfence.sel $0x180000  }
0x101: {  	[bflag:$0x0] =	sbarrier.arrive $0xFFFF  }
0x102: {  	_ =	strace $0x90000047  }
0x103: {  	[bflag:$0x2] =	sbarrier.arrive $0xFFFF  }
0x104: {  	p0 =	sne.s32 s1, $0x0;
	s0 =	rddreg [dreg:$0x1]  }
0x105: {  	s0 =	sadd.s32 @!p0 $0x100000, s0  }
0x106: {  	[sflag:s0] =	ssyncadd.tile.s32 @!p0 $0x1;
	_ =	shalt  }
.Lfunc_end2:
_tile_overlayer_lowered:
.L_overlay_start_2:
0x107: {  	(tag) =	ssettag $0x2  }
0x108: {  	s0 =	rddreg [dreg:$0x0];
	s2 =	stileid.u32  }
0x109: {  	s1 =	rddreg [dreg:$0x1];
	p0 =	sne.s32 s2, $0x0  }
0x10a: {  	s3 =	rddreg [dreg:$0x2];
	[bflag:$0x3] =	sbarrier.arrive $0xFFFF;
	s2 =	simm.s32 @!p0 $0x1C03  }
0x10b: {  	[timem:s3], [sflag:s2] =	dma.local @!p0 [hbm:s0], s1  }
0x10c: {  	s0 =	simm.s32 @!p0 $0x3  }
0x10d: {  	_ =	swait.ge @!p0 [sflag:s0], s1  }
0x10e: {  	s1 =	ssub.s32 @!p0 $0x0, s1;
	[sflag:s0] =	ssyncset.done @!p0 $0x0  }
0x10f: {  	[sflag:s0] =	ssyncadd.s32 @!p0 s1  }
0x110: {  	[bflag:$0x3] =	sbarrier.arrive $0xFFFF  }
0x111: {  	_ =	shalt  }

// kernel: kernel.14.cloned.1.call-start
scs
__scs_entry_jumppad:
0x0: {  	(pc) =	sbr.rel $0x88, $3  }
0x1: {  	(tag) =	ssettag $0x0;
	lr =	simm.s32 $0x1  }
0x2: {  	[smem:$0x3F5A] =	sst lr;
	_ =	strace $0xD0000000  }
0x3: {  	_ = 	snop  }
0x4: {  	_ = 	snop  }
0x5: {  	_ = 	snop  }
0x6: {  	_ = 	snop  }
0x7: {  	_ = 	snop  }
__scs_overlays_trampoline_lowered:
0x8: {  	[smem:$0x3F69] =	sst s0  }
0x9: {  	[smem:$0x3F6A] =	sst s1  }
0xa: {  	[smem:$0x3F6B] =	sst s2  }
0xb: {  	[smem:$0x3F6C] =	sst s3  }
0xc: {  	[smem:$0x3F6D] =	sst s4  }
0xd: {  	[smem:$0x3F6E] =	sst s5  }
0xe: {  	[smem:$0x3F6F] =	sst s6  }
0xf: {  	[smem:$0x3F70] =	sst s7  }
0x10: {  	[smem:$0x3F71] =	sst s8  }
0x11: {  	[smem:$0x3F72] =	sst s9;
	s0 =	simm.s32 @!p0 $0x0  }
0x12: {  	s1 =	sld [smem:$0x3F58];
	s0 =	simm.s32 @p0 $0x1  }
0x13: {  	[smem:$0x3F73] =	sst s0;
	s0 =	simm.s32 @!p1 $0x0  }
0x14: {  	s2 =	sld [smem:$0x3F57];
	s0 =	simm.s32 @p1 $0x1  }
0x15: {  	[smem:$0x3F74] =	sst s0;
	s0 =	simm.s32 @!p2 $0x0  }
0x16: {  	s3 =	sld [smem:$0x3FDB];
	s0 =	simm.s32 @p2 $0x1  }
0x17: {  	s4 =	simm.s32 $0x1BF5;
	[smem:$0x3F76] =	sst s0  }
0x18: {  	s0 =	sld [smem:$0x3F59];
	_ =	swait.ge [sflag:s4], $0x0  }
0x19: {  	s7 =	sld [smem:$0x3F5A]  }
0x1a: {  	s8 =	sadd.s32 $0xFFFFE003, lr  }
0x1b: {  	s9 =	sadd.s32 $0xFFFFFEF7, lr;
	s5 =	simm.s32 $0xFFFFFFFF;
	p2 =	slt.u32 s8, $0xFFFFF086  }
0x1c: {  	p1 =	slt.u32 s9, $0xF7A;
	s5 =	simm.s32 @!p2 $0x0  }
0x1d: {  	s5 =	simm.s32 @p1 $0x1;
	p0 =	seq.s32 s7, s2  }
0x1e: {  	s7 =	smul.u32 @!p0 $0xF7A, s2;
	p2 =	seq.s32 @!p0 s5, $0x0  }
0x1f: {  	s9 =	smul.u32 $0xF7A, s1;
	s8 =	simm.s32 @!p0 $0x1BF5;
	p2 =	por !p2, p0  }
0x20: {  	[sflag:s8] =	ssyncset.s32 @!p0 $0xFFFFF086;
	s6 =	sadd.s32 @!p0 s3, s7;
	s7 =	simm.s32 @!p0 $0x108  }
0x21: {  	s3 =	sadd.s32 s3, s9;
	s6 =	sadd.s32 @!p0 $0x88, s6;
	s7 =	simm.s32 @p2 $0x1082  }
0x22: {  	[simem:s7], [sflag:s8] =	dma.local @!p0 [hbm:s6], $0xF7A  }
0x23: {  	s9 =	sor.u32 $0xD0000000, s2;
	s6 =	simm.s32 $0x108;
	_ =	swait.ge @!p0 [sflag:s8], $0x0  }
0x24: {  	s3 =	sadd.s32 $0x88, s3;
	s6 =	simm.s32 @!p1 $0x1082;
	[sflag:s4] =	ssyncset.s32 $0xFFFFF086  }
0x25: {  	[simem:s6], [sflag:s4] =	dma.local [hbm:s3], $0xF7A  }
0x26: {  	[smem:$0x3F5A] =	sst s1;
	(tag) =	ssettag s2;
	_ =	strace s9  }
0x27: {  	s1 =	sld [smem:$0x3F6A]  }
0x28: {  	s2 =	sld [smem:$0x3F6B]  }
0x29: {  	s4 =	sld [smem:$0x3F6D]  }
0x2a: {  	p0 =	seq.s32 s5, $0x0;
	s5 =	sld [smem:$0x3F6E]  }
0x2b: {  	s6 =	sld [smem:$0x3F6F]  }
0x2c: {  	s7 =	sld [smem:$0x3F70]  }
0x2d: {  	s3 =	simm.s32 $0x108;
	s8 =	sld [smem:$0x3F71]  }
0x2e: {  	s3 =	simm.s32 @!p0 $0x1082;
	s9 =	sld [smem:$0x3F72]  }
0x2f: {  	lr =	sadd.s32 s0, s3;
	s0 =	sld [smem:$0x3F69]  }
0x30: {  	s3 =	sld [smem:$0x3F6C]  }
0x31: {  	[smem:$0x3F75] =	sst s10  }
0x32: {  	s10 =	sld [smem:$0x3F73];
	_ =	sdelay $0x3  }
0x33: {  	p0 =	seq.s32 s10, $0x1;
	s10 =	sld [smem:$0x3F75];
	_ =	sdelay $0x3  }
0x34: {  	[smem:$0x3F75] =	sst s10  }
0x35: {  	s10 =	sld [smem:$0x3F74];
	_ =	sdelay $0x3  }
0x36: {  	p1 =	seq.s32 s10, $0x1;
	s10 =	sld [smem:$0x3F75];
	_ =	sdelay $0x3  }
0x37: {  	[smem:$0x3F75] =	sst s10  }
0x38: {  	s10 =	sld [smem:$0x3F76]  }
0x39: {  	_ = 	snop;
	(pc) =	sbr.ind lr, $3  }
0x3a: {  	_ = 	snop  }
0x3b: {  	_ = 	snop  }
0x3c: {  	p2 =	seq.s32 s10, $0x1;
	s10 =	sld [smem:$0x3F75]  }
0x3d: {  	_ =	shalt  }
0x3e: {  	_ =	shalt  }
0x3f: {  	_ =	shalt  }
0x40: {  	_ =	shalt  }
0x41: {  	_ =	shalt  }
0x42: {  	_ =	shalt  }
0x43: {  	_ =	shalt  }
0x44: {  	_ =	shalt  }
0x45: {  	_ =	shalt  }
0x46: {  	_ =	shalt  }
0x47: {  	_ =	shalt  }
0x48: {  	_ =	shalt  }
0x49: {  	_ =	shalt  }
0x4a: {  	_ =	shalt  }
0x4b: {  	_ =	shalt  }
0x4c: {  	_ =	shalt  }
0x4d: {  	_ =	shalt  }
0x4e: {  	_ =	shalt  }
0x4f: {  	_ =	shalt  }
0x50: {  	_ =	shalt  }
0x51: {  	_ =	shalt  }
0x52: {  	_ =	shalt  }
0x53: {  	_ =	shalt  }
0x54: {  	_ =	shalt  }
0x55: {  	_ =	shalt  }
0x56: {  	_ =	shalt  }
0x57: {  	_ =	shalt  }
0x58: {  	_ =	shalt  }
0x59: {  	_ =	shalt  }
0x5a: {  	_ =	shalt  }
0x5b: {  	_ =	shalt  }
0x5c: {  	_ =	shalt  }
0x5d: {  	_ =	shalt  }
0x5e: {  	_ =	shalt  }
0x5f: {  	_ =	shalt  }
0x60: {  	_ =	shalt  }
0x61: {  	_ =	shalt  }
0x62: {  	_ =	shalt  }
0x63: {  	_ =	shalt  }
0x64: {  	_ =	shalt  }
0x65: {  	_ =	shalt  }
0x66: {  	_ =	shalt  }
0x67: {  	_ =	shalt  }
0x68: {  	_ =	shalt  }
0x69: {  	_ =	shalt  }
0x6a: {  	_ =	shalt  }
0x6b: {  	_ =	shalt  }
0x6c: {  	_ =	shalt  }
0x6d: {  	_ =	shalt  }
0x6e: {  	_ =	shalt  }
0x6f: {  	_ =	shalt  }
0x70: {  	_ =	shalt  }
0x71: {  	_ =	shalt  }
0x72: {  	_ =	shalt  }
0x73: {  	_ =	shalt  }
0x74: {  	_ =	shalt  }
0x75: {  	_ =	shalt  }
0x76: {  	_ =	shalt  }
0x77: {  	_ =	shalt  }
0x78: {  	_ =	shalt  }
0x79: {  	_ =	shalt  }
0x7a: {  	_ =	shalt  }
0x7b: {  	_ =	shalt  }
0x7c: {  	_ =	shalt  }
0x7d: {  	_ =	shalt  }
0x7e: {  	_ =	shalt  }
0x7f: {  	_ =	shalt  }
0x80: {  	_ =	shalt  }
0x81: {  	_ =	shalt  }
0x82: {  	_ =	shalt  }
0x83: {  	_ =	shalt  }
0x84: {  	_ =	shalt  }
0x85: {  	_ =	shalt  }
0x86: {  	_ =	shalt  }
0x87: {  	_ =	shalt  }
.Lfunc_end0:
.L_simem_size_0:
called_computation.3_lowered:
.L_overlay_start_0:
0x88: {  	s2 =	sld [smem:$0x3FD9]  }
0x89: {  	s3 =	sld [smem:$0x3FFE];
	_ =	sdelay $0x1  }
0x8a: {  	s1 =	srdreg.scid  }
0x8b: {  	s0 =	sand.u32 $0x1, s1  }
0x8c: {  	s16 =	sshll.u32 s0, $0xA;
	s2 =	sadd.s32 s3, s2  }
0x8d: {  	s2 =	sadd.s32 s2, s16  }
0x8e: {  	[smem:$0x3F81] =	sst s2  }
0x8f: {  	_ = 	snop  }
0x90: {  	(tm) =	ssettm $0x1  }
0x91: {  	s17 =	sld [smem:$0x3FFB];
	_ =	sdelay $0x3  }
0x92: {  	_ =	strace s17  }
0x93: {  	s2 =	sld [smem:$0x3FFC];
	_ =	sdelay $0x3  }
0x94: {  	_ =	strace s2  }
0x95: {  	s2 =	sld [smem:$0x3FFD];
	_ =	sdelay $0x3  }
0x96: {  	_ =	strace s2  }
0x97: {  	_ =	strace $0x8FFFFFFF  }
0x98: {  	s18 =	sld [smem:$0x3FDB];
	_ =	sdelay $0x1  }
0x99: {  	s19 =	simm.s32 $_scs_section_size  }
0x9a: {  	s4 =	simm.s32 $_size__tile_overlayer_lowered;
	s5 =	simm.s32 $_tile_overlayer_lowered  }
0x9b: {  	s22 =	simm.s32 $0x1BFF;
	s21 =	sshll.u32 s5, $0x1;
	s2 =	sadd.s32 s19, s18  }
0x9c: {  	s6 =	simm.s32 $0x0;
	s20 =	sshll.u32 s4, $0x1;
	s4 =	sadd.s32 s21, s2  }
0x9d: {  	[timem:s6], [sflag:s22] =	dma.local [hbm:s4], s20  }
0x9e: {  	_ =	swait.ge [sflag:s22], s20  }
0x9f: {  	s3 =	ssub.s32 $0x0, s20;
	[sflag:s22] =	ssyncset.done $0x0  }
0xa0: {  	[sflag:s22] =	ssyncadd.s32 s3;
	_ =	sdelay $0x1  }
0xa1: {  	s23 =	simm.s32 $0x1B8B  }
0xa2: {  	_ =	swait.ge [sflag:s23], $0x1  }
0xa3: {  	[sflag:s23] =	ssyncset.done $0x0  }
0xa4: {  	s25 =	simm.s32 $0x1B8E;
	s24 =	sld [smem:$0x3FFE];
	[sflag:s23] =	ssyncadd.s32 $0xFFFFFFFF  }
0xa5: {  	s26 =	simm.s32 $execute0_lowered;
	[smem:$0x3FD2] =	sst s25  }
0xa6: {  	s4 =	sshll.u32 s26, $0x1;
	_ =	strace $0x8000004F;
	[dreg:$0x1] =	wrdreg $0xFFFFFFFF  }
0xa7: {  	s28 =	simm.s32 $_size_execute0_lowered;
	s2 =	sadd.s32 s2, s4;
	[dreg:$0x0] =	wrdreg $0x0  }
0xa8: {  	s4 =	sshll.u32 s28, $0x1;
	[dreg:$0x2] =	wrdreg s2  }
0xa9: {  	[dreg:$0x3] =	wrdreg s4  }
0xaa: {  	[dreg:$0x4] =	wrdreg $0xC0  }
0xab: {  	_ =	task [dreg:s6], $0x5FFFF  }
0xac: {  	[dreg:$0x1] =	wrdreg $0xFFFFFFFF  }
0xad: {  	[dreg:$0x0] =	wrdreg $0x60  }
0xae: {  	[dreg:$0x2] =	wrdreg s24  }
0xaf: {  	[dreg:$0x3] =	wrdreg $0x9  }
0xb0: {  	_ =	task.clear_ibuf [dreg:s6], $0x4FFFF;
	_ =	strace $0x9000004F  }
0xb1: {  	s29 =	simm.s32 $0x9;
	_ =	strace $0x80000051  }
0xb2: {  	_ =	swait.ge [sflag:s29], $0x1  }
0xb3: {  	[sflag:s29] =	ssyncadd.s32 $0xFFFFFFFF  }
0xb4: {  	_ =	strace $0x90000051  }
0xb5: {  	_ =	sfence  }
0xb6: {  	s30 =	sld [smem:$0x0];
	_ =	sdelay $0x2  }
0xb7: {  	s31 =	sshll.u32 s1, $0xD;
	s1 =	sshrl.u32 s1, $0x2  }
0xb8: {  	s3 =	sand.u32 $0x4000, s31;
	s1 =	sadd.s32 s1, s30  }
0xb9: {  	s0 =	sor.u32 s3, s0;
	s1 =	sshll.u32 s1, $0x11  }
0xba: {  	s0 =	sor.u32 s1, s0  }
0xbb: {  	s0 =	sadd.s32 $0x8F2B, s0  }
0xbc: {  	[sflag:s0] =	ssyncadd.remote.s32 $0x1  }
0xbd: {  	_ =	sfence.sel $0xFFFF  }
0xbe: {  	[dreg:$0x0] =	wrdreg $0xFFFFFFFF;
	(pc) =	sbr.abs _section_cstart, $3  }
0xbf: {  	[dreg:$0x1] =	wrdreg $0xFFFFFFFF  }
0xc0: {  	_ =	task.clear_ibuf [dreg:s6], $0x2FFFF;
	_ =	strace $0x9FFFFFFF  }
0xc1: {  	(tm) =	ssettm $0x7FFFFFFF  }
tec
execute0_lowered:
.L_overlay_start_1:
0x0: {  	(tag) =	ssettag $0x1  }
0x1: {  	s4 =	rddreg [dreg:$0x0]  }
0x2: {  	s1 =	stileid.u32;
	s3 =	srdreg.scid  }
0x3: {  	s2 =	simm.s32 $0x0;
	s11 =	simm.s32 $0x480;
	s10 =	simm.s32 $0x800  }
0x4: {  	s12 =	simm.s32 $0x100;
	s13 =	simm.s32 $0x500;
	s14 =	simm.s32 $0x180  }
0x5: {  	s16 =	simm.s32 $0x580;
	s15 =	simm.s32 $0x2;
	s17 =	simm.s32 $0x600  }
0x6: {  	s18 =	simm.s32 $0x280;
	s19 =	simm.s32 $0x680;
	s20 =	simm.s32 $0x300  }
0x7: {  	s21 =	simm.s32 $0x700;
	s22 =	simm.s32 $0x380;
	s5 =	smul.u32 $0x1900, s1  }
0x8: {  	s23 =	simm.s32 $0x780;
	s24 =	simm.s32 $0x0;
	s6 =	smul.u32 $0xC8000, s1  }
0x9: {  	s7 =	sand.u32 $0x1, s3;
	[smem:$0x7FF] =	sst s2;
	s3 =	sadd.s32 $0x11A400, s4  }
0xa: {  	s8 =	smul.u32 $0x64000, s7;
	_ =	strace $0x80000050;
	[dreg:$0x4] =	wrdreg s11  }
0xb: {  	s29 =	ssub.s32 $0x2, s7;
	s7 =	smul.u32 $0xC80, s7;
	[dreg:$0x5] =	wrdreg s12  }
0xc: {  	s11 =	simm.s32 $0x8800;
	s12 =	simm.s32 $0x4800;
	[dreg:$0x6] =	wrdreg s13  }
0xd: {  	s13 =	simm.s32 $0xC800;
	[dreg:$0x7] =	wrdreg s14;
	s14 =	simm.s32 $0x1  }
0xe: {  	[dreg:$0x8] =	wrdreg s16;
	s16 =	simm.s32 $0x200;
	s6 =	sadd.s32 s6, s4  }
0xf: {  	s5 =	sadd.s32 s5, s4;
	s30 =	sshrl.u32 s29, $0x1;
	s6 =	sadd.s32 s8, s6  }
0x10: {  	s4 =	ssub.s32 s29, s30;
	s31 =	sadd.s32 s7, s5;
	s8 =	simm.s32 $0x400  }
0x11: {  	s7 =	simm.s32 $0x3;
	s9 =	sadd.s32 $0x2777E00, s6;
	s6 =	sadd.s32 $0x364600, s6  }
0x12: {  	s4 =	smax.u32 s4, $0x1;
	s5 =	sadd.s32 $0x24E00, s31;
	[dreg:$0x2] =	wrdreg s9  }
0x13: {  	[dreg:$0x3] =	wrdreg s6;
	s6 =	sadd.s32 $0x3DE00, s31;
	s9 =	simm.s32 $0x80  }
.LBB2_1:
0x14: {  	[tilespmem:s2], [sflag:$0x3] =	stream.linear.gather [hbm4b:s5+s2], $0x400, $0x38;
	[tilespmem:$0x10800] =	vst v63  }
0x15: {  	_ =	swait.ge [sflag:s7], $0x400  }
0x16: {  	[sflag:s7] =	ssyncset.done $0x0  }
0x17: {  	[sflag:s7] =	ssyncadd.s32 $0xFFFFFC00  }
0x18: {  	[tilespmem:s8], [sflag:$0x3] =	stream.linear.gather [hbm4b:s6+s2], $0x400, $0x38;
	[tilespmem:$0x10800] =	vst v63  }
0x19: {  	_ =	swait.ge [sflag:s7], $0x400  }
0x1a: {  	[sflag:s7] =	ssyncset.done $0x0  }
0x1b: {  	[sflag:s7] =	ssyncadd.s32 $0xFFFFFC00  }
0x1c: {  	[tilespmem:s10], [sflag:$0x1] =	stream.indirect.gather [hbm4b:s3+s9], $0x80, s2, s9, $0xb8;
	[tilespmem:$0x10800] =	vst v63  }
0x1d: {  	_ = 	snop  }
0x1e: {  	[tilespmem:s11], [sflag:$0x2] =	stream.indirect.gather [hbm4b:s3+s9], $0x80, s8, s9, $0xb8;
	[tilespmem:$0x10800] =	vst v63  }
0x1f: {  	_ = 	snop  }
0x20: {  	[tilespmem:s12], [sflag:$0x1] =	stream.indirect.gather [hbm4b:s3+s9], $0x80, s9, s9, $0xb8;
	[tilespmem:$0x10800] =	vst v63  }
0x21: {  	s25 =	rddreg [dreg:$0x4]  }
0x22: {  	[tilespmem:s13], [sflag:$0x2] =	stream.indirect.gather [hbm4b:s3+s9], $0x80, s25, s9, $0xb8;
	[tilespmem:$0x10800] =	vst v63  }
0x23: {  	_ =	swait.ge [sflag:s14], $0x4000  }
0x24: {  	[sflag:s14] =	ssyncset.done $0x0  }
0x25: {  	[sflag:s14] =	ssyncadd.s32 $0xFFFFC000  }
0x26: {  	_ =	swait.ge [sflag:s15], $0x4000  }
0x27: {  	[sflag:s15] =	ssyncset.done $0x0  }
0x28: {  	[sflag:s15] =	ssyncadd.s32 $0xFFFFC000  }
0x29: {  	_ =	swait.ge [sflag:s14], $0x4000  }
0x2a: {  	[sflag:s14] =	ssyncset.done $0x0  }
0x2b: {  	[sflag:s14] =	ssyncadd.s32 $0xFFFFC000  }
0x2c: {  	_ =	swait.ge [sflag:s15], $0x4000  }
0x2d: {  	s29 =	rddreg [dreg:$0x3];
	[sflag:s15] =	ssyncset.done $0x0  }
0x2e: {  	[sflag:s15] =	ssyncadd.s32 $0xFFFFC000;
	s25 =	sadd.s32 $0x0, s29  }
0x2f: {  	[hbm4b:s25+s2] =	stream.linear.scatter [tilespmem:s10], [sflag:$0x3], $0x8000, $0x38;
	[tilespmem:$0x10800] =	vst v63  }
0x30: {  	_ =	swait.ge [sflag:s7], $0x8000  }
0x31: {  	s26 =	rddreg [dreg:$0x2];
	[sflag:s7] =	ssyncset.done $0x0  }
0x32: {  	[sflag:s7] =	ssyncadd.s32 $0xFFFF8000;
	s26 =	sadd.s32 $0x0, s26  }
0x33: {  	[hbm4b:s26+s2] =	stream.linear.scatter [tilespmem:s11], [sflag:$0x3], $0x8000, $0x38;
	[tilespmem:$0x10800] =	vst v63  }
0x34: {  	_ =	swait.ge [sflag:s7], $0x8000  }
0x35: {  	[sflag:s7] =	ssyncset.done $0x0  }
0x36: {  	s28 =	rddreg [dreg:$0x5];
	[sflag:s7] =	ssyncadd.s32 $0xFFFF8000  }
0x37: {  	[tilespmem:s10], [sflag:$0x1] =	stream.indirect.gather [hbm4b:s3+s9], $0x80, s28, s9, $0xb8;
	[tilespmem:$0x10800] =	vst v63  }
0x38: {  	s29 =	rddreg [dreg:$0x6]  }
0x39: {  	[tilespmem:s11], [sflag:$0x2] =	stream.indirect.gather [hbm4b:s3+s9], $0x80, s29, s9, $0xb8;
	[tilespmem:$0x10800] =	vst v63  }
0x3a: {  	s28 =	rddreg [dreg:$0x7]  }
0x3b: {  	[tilespmem:s12], [sflag:$0x1] =	stream.indirect.gather [hbm4b:s3+s9], $0x80, s28, s9, $0xb8;
	[tilespmem:$0x10800] =	vst v63  }
0x3c: {  	s30 =	rddreg [dreg:$0x8]  }
0x3d: {  	[tilespmem:s13], [sflag:$0x2] =	stream.indirect.gather [hbm4b:s3+s9], $0x80, s30, s9, $0xb8;
	[tilespmem:$0x10800] =	vst v63  }
0x3e: {  	_ =	swait.ge [sflag:s14], $0x4000  }
0x3f: {  	[sflag:s14] =	ssyncset.done $0x0  }
0x40: {  	[sflag:s14] =	ssyncadd.s32 $0xFFFFC000  }
0x41: {  	_ =	swait.ge [sflag:s15], $0x4000  }
0x42: {  	[sflag:s15] =	ssyncset.done $0x0  }
0x43: {  	[sflag:s15] =	ssyncadd.s32 $0xFFFFC000  }
0x44: {  	_ =	swait.ge [sflag:s14], $0x4000  }
0x45: {  	[sflag:s14] =	ssyncset.done $0x0  }
0x46: {  	[sflag:s14] =	ssyncadd.s32 $0xFFFFC000  }
0x47: {  	_ =	swait.ge [sflag:s15], $0x4000  }
0x48: {  	[sflag:s15] =	ssyncset.done $0x0  }
0x49: {  	s28 =	sadd.s32 $0x1000, s25;
	[sflag:s15] =	ssyncadd.s32 $0xFFFFC000  }
0x4a: {  	[hbm4b:s28+s2] =	stream.linear.scatter [tilespmem:s10], [sflag:$0x3], $0x8000, $0x38;
	[tilespmem:$0x10800] =	vst v63  }
0x4b: {  	_ =	swait.ge [sflag:s7], $0x8000  }
0x4c: {  	[sflag:s7] =	ssyncset.done $0x0  }
0x4d: {  	s28 =	sadd.s32 $0x1000, s26;
	[sflag:s7] =	ssyncadd.s32 $0xFFFF8000  }
0x4e: {  	[hbm4b:s28+s2] =	stream.linear.scatter [tilespmem:s11], [sflag:$0x3], $0x8000, $0x38;
	[tilespmem:$0x10800] =	vst v63  }
0x4f: {  	_ =	swait.ge [sflag:s7], $0x8000  }
0x50: {  	[sflag:s7] =	ssyncset.done $0x0  }
0x51: {  	[sflag:s7] =	ssyncadd.s32 $0xFFFF8000  }
0x52: {  	[tilespmem:s10], [sflag:$0x1] =	stream.indirect.gather [hbm4b:s3+s9], $0x80, s16, s9, $0xb8;
	[tilespmem:$0x10800] =	vst v63  }
0x53: {  	_ = 	snop  }
0x54: {  	[tilespmem:s11], [sflag:$0x2] =	stream.indirect.gather [hbm4b:s3+s9], $0x80, s17, s9, $0xb8;
	[tilespmem:$0x10800] =	vst v63  }
0x55: {  	_ = 	snop  }
0x56: {  	[tilespmem:s12], [sflag:$0x1] =	stream.indirect.gather [hbm4b:s3+s9], $0x80, s18, s9, $0xb8;
	[tilespmem:$0x10800] =	vst v63  }
0x57: {  	_ = 	snop  }
0x58: {  	[tilespmem:s13], [sflag:$0x2] =	stream.indirect.gather [hbm4b:s3+s9], $0x80, s19, s9, $0xb8;
	[tilespmem:$0x10800] =	vst v63  }
0x59: {  	_ =	swait.ge [sflag:s14], $0x4000  }
0x5a: {  	[sflag:s14] =	ssyncset.done $0x0  }
0x5b: {  	[sflag:s14] =	ssyncadd.s32 $0xFFFFC000  }
0x5c: {  	_ =	swait.ge [sflag:s15], $0x4000  }
0x5d: {  	[sflag:s15] =	ssyncset.done $0x0  }
0x5e: {  	[sflag:s15] =	ssyncadd.s32 $0xFFFFC000  }
0x5f: {  	_ =	swait.ge [sflag:s14], $0x4000  }
0x60: {  	[sflag:s14] =	ssyncset.done $0x0  }
0x61: {  	[sflag:s14] =	ssyncadd.s32 $0xFFFFC000  }
0x62: {  	_ =	swait.ge [sflag:s15], $0x4000  }
0x63: {  	[sflag:s15] =	ssyncset.done $0x0  }
0x64: {  	s28 =	sadd.s32 $0x2000, s25;
	[sflag:s15] =	ssyncadd.s32 $0xFFFFC000  }
0x65: {  	[hbm4b:s28+s2] =	stream.linear.scatter [tilespmem:s10], [sflag:$0x3], $0x8000, $0x38;
	[tilespmem:$0x10800] =	vst v63  }
0x66: {  	_ =	swait.ge [sflag:s7], $0x8000  }
0x67: {  	[sflag:s7] =	ssyncset.done $0x0  }
0x68: {  	s28 =	sadd.s32 $0x2000, s26;
	[sflag:s7] =	ssyncadd.s32 $0xFFFF8000  }
0x69: {  	[hbm4b:s28+s2] =	stream.linear.scatter [tilespmem:s11], [sflag:$0x3], $0x8000, $0x38;
	[tilespmem:$0x10800] =	vst v63  }
0x6a: {  	_ =	swait.ge [sflag:s7], $0x8000  }
0x6b: {  	[sflag:s7] =	ssyncset.done $0x0  }
0x6c: {  	[sflag:s7] =	ssyncadd.s32 $0xFFFF8000  }
0x6d: {  	[tilespmem:s10], [sflag:$0x1] =	stream.indirect.gather [hbm4b:s3+s9], $0x80, s20, s9, $0xb8;
	[tilespmem:$0x10800] =	vst v63  }
0x6e: {  	_ = 	snop  }
0x6f: {  	[tilespmem:s11], [sflag:$0x2] =	stream.indirect.gather [hbm4b:s3+s9], $0x80, s21, s9, $0xb8;
	[tilespmem:$0x10800] =	vst v63  }
0x70: {  	_ = 	snop  }
0x71: {  	[tilespmem:s12], [sflag:$0x1] =	stream.indirect.gather [hbm4b:s3+s9], $0x80, s22, s9, $0xb8;
	[tilespmem:$0x10800] =	vst v63  }
0x72: {  	_ = 	snop  }
0x73: {  	[tilespmem:s13], [sflag:$0x2] =	stream.indirect.gather [hbm4b:s3+s9], $0x80, s23, s9, $0xb8;
	[tilespmem:$0x10800] =	vst v63  }
0x74: {  	_ =	swait.ge [sflag:s14], $0x4000  }
0x75: {  	[sflag:s14] =	ssyncset.done $0x0  }
0x76: {  	[sflag:s14] =	ssyncadd.s32 $0xFFFFC000  }
0x77: {  	_ =	swait.ge [sflag:s15], $0x4000  }
0x78: {  	[sflag:s15] =	ssyncset.done $0x0  }
0x79: {  	[sflag:s15] =	ssyncadd.s32 $0xFFFFC000  }
0x7a: {  	_ =	swait.ge [sflag:s14], $0x4000  }
0x7b: {  	[sflag:s14] =	ssyncset.done $0x0  }
0x7c: {  	[sflag:s14] =	ssyncadd.s32 $0xFFFFC000  }
0x7d: {  	_ =	swait.ge [sflag:s15], $0x4000  }
0x7e: {  	[sflag:s15] =	ssyncset.done $0x0  }
0x7f: {  	s25 =	sadd.s32 $0x3000, s25;
	[sflag:s15] =	ssyncadd.s32 $0xFFFFC000  }
0x80: {  	[hbm4b:s25+s2] =	stream.linear.scatter [tilespmem:s10], [sflag:$0x3], $0x8000, $0x38;
	[tilespmem:$0x10800] =	vst v63  }
0x81: {  	_ =	swait.ge [sflag:s7], $0x8000  }
0x82: {  	[sflag:s7] =	ssyncset.done $0x0  }
0x83: {  	s31 =	sadd.s32 $0x3000, s26;
	[sflag:s7] =	ssyncadd.s32 $0xFFFF8000  }
0x84: {  	[hbm4b:s31+s2] =	stream.linear.scatter [tilespmem:s11], [sflag:$0x3], $0x8000, $0x38;
	[tilespmem:$0x10800] =	vst v63  }
0x85: {  	s26 =	smov.u32 s5;
	_ =	swait.ge [sflag:s7], $0x8000  }
0x86: {  	s28 =	smov.u32 s6;
	s25 =	simm.s32 $0x4000;
	[sflag:s7] =	ssyncset.done $0x0  }
.LBB2_2:
0x87: {  	[sflag:s7] =	ssyncadd.s32 $0xFFFF8000;
	s26 =	sadd.s32 $0x80, s26  }
0x88: {  	[tilespmem:s2], [sflag:$0x3] =	stream.linear.gather [hbm4b:s26+s2], $0x400, $0x38;
	[tilespmem:$0x10800] =	vst v63  }
0x89: {  	_ =	swait.ge [sflag:s7], $0x400  }
0x8a: {  	[sflag:s7] =	ssyncset.done $0x0  }
0x8b: {  	s28 =	sadd.s32 $0x80, s28;
	[sflag:s7] =	ssyncadd.s32 $0xFFFFFC00  }
0x8c: {  	[tilespmem:s8], [sflag:$0x3] =	stream.linear.gather [hbm4b:s28+s2], $0x400, $0x38;
	[tilespmem:$0x10800] =	vst v63  }
0x8d: {  	_ =	swait.ge [sflag:s7], $0x400  }
0x8e: {  	[sflag:s7] =	ssyncset.done $0x0  }
0x8f: {  	[sflag:s7] =	ssyncadd.s32 $0xFFFFFC00  }
0x90: {  	[tilespmem:s10], [sflag:$0x1] =	stream.indirect.gather [hbm4b:s3+s9], $0x80, s2, s9, $0xb8;
	[tilespmem:$0x10800] =	vst v63  }
0x91: {  	_ = 	snop  }
0x92: {  	[tilespmem:s11], [sflag:$0x2] =	stream.indirect.gather [hbm4b:s3+s9], $0x80, s8, s9, $0xb8;
	[tilespmem:$0x10800] =	vst v63  }
0x93: {  	_ = 	snop  }
0x94: {  	[tilespmem:s12], [sflag:$0x1] =	stream.indirect.gather [hbm4b:s3+s9], $0x80, s9, s9, $0xb8;
	[tilespmem:$0x10800] =	vst v63  }
0x95: {  	s29 =	rddreg [dreg:$0x4]  }
0x96: {  	[tilespmem:s13], [sflag:$0x2] =	stream.indirect.gather [hbm4b:s3+s9], $0x80, s29, s9, $0xb8;
	[tilespmem:$0x10800] =	vst v63  }
0x97: {  	_ =	swait.ge [sflag:s14], $0x4000  }
0x98: {  	[sflag:s14] =	ssyncset.done $0x0  }
0x99: {  	[sflag:s14] =	ssyncadd.s32 $0xFFFFC000  }
0x9a: {  	_ =	swait.ge [sflag:s15], $0x4000  }
0x9b: {  	[sflag:s15] =	ssyncset.done $0x0  }
0x9c: {  	[sflag:s15] =	ssyncadd.s32 $0xFFFFC000  }
0x9d: {  	_ =	swait.ge [sflag:s14], $0x4000  }
0x9e: {  	[sflag:s14] =	ssyncset.done $0x0  }
0x9f: {  	[sflag:s14] =	ssyncadd.s32 $0xFFFFC000  }
0xa0: {  	_ =	swait.ge [sflag:s15], $0x4000  }
0xa1: {  	s30 =	smov.u32 s25;
	s0 =	rddreg [dreg:$0x3];
	[sflag:s15] =	ssyncset.done $0x0  }
0xa2: {  	[sflag:s15] =	ssyncadd.s32 $0xFFFFC000;
	s29 =	sadd.s32 s30, s0  }
0xa3: {  	[hbm4b:s29+s2] =	stream.linear.scatter [tilespmem:s10], [sflag:$0x3], $0x8000, $0x38;
	[tilespmem:$0x10800] =	vst v63  }
0xa4: {  	_ =	swait.ge [sflag:s7], $0x8000  }
0xa5: {  	s31 =	rddreg [dreg:$0x2];
	[sflag:s7] =	ssyncset.done $0x0  }
0xa6: {  	[sflag:s7] =	ssyncadd.s32 $0xFFFF8000;
	s30 =	sadd.s32 s30, s31  }
0xa7: {  	[hbm4b:s30+s2] =	stream.linear.scatter [tilespmem:s11], [sflag:$0x3], $0x8000, $0x38;
	[tilespmem:$0x10800] =	vst v63  }
0xa8: {  	_ =	swait.ge [sflag:s7], $0x8000  }
0xa9: {  	[sflag:s7] =	ssyncset.done $0x0  }
0xaa: {  	s31 =	rddreg [dreg:$0x5];
	[sflag:s7] =	ssyncadd.s32 $0xFFFF8000  }
0xab: {  	[tilespmem:s10], [sflag:$0x1] =	stream.indirect.gather [hbm4b:s3+s9], $0x80, s31, s9, $0xb8;
	[tilespmem:$0x10800] =	vst v63  }
0xac: {  	s0 =	rddreg [dreg:$0x6]  }
0xad: {  	[tilespmem:s11], [sflag:$0x2] =	stream.indirect.gather [hbm4b:s3+s9], $0x80, s0, s9, $0xb8;
	[tilespmem:$0x10800] =	vst v63  }
0xae: {  	s31 =	rddreg [dreg:$0x7]  }
0xaf: {  	[tilespmem:s12], [sflag:$0x1] =	stream.indirect.gather [hbm4b:s3+s9], $0x80, s31, s9, $0xb8;
	[tilespmem:$0x10800] =	vst v63  }
0xb0: {  	s0 =	rddreg [dreg:$0x8]  }
0xb1: {  	[tilespmem:s13], [sflag:$0x2] =	stream.indirect.gather [hbm4b:s3+s9], $0x80, s0, s9, $0xb8;
	[tilespmem:$0x10800] =	vst v63  }
0xb2: {  	_ =	swait.ge [sflag:s14], $0x4000  }
0xb3: {  	[sflag:s14] =	ssyncset.done $0x0  }
0xb4: {  	[sflag:s14] =	ssyncadd.s32 $0xFFFFC000  }
0xb5: {  	_ =	swait.ge [sflag:s15], $0x4000  }
0xb6: {  	[sflag:s15] =	ssyncset.done $0x0  }
0xb7: {  	[sflag:s15] =	ssyncadd.s32 $0xFFFFC000  }
0xb8: {  	_ =	swait.ge [sflag:s14], $0x4000  }
0xb9: {  	[sflag:s14] =	ssyncset.done $0x0  }
0xba: {  	[sflag:s14] =	ssyncadd.s32 $0xFFFFC000  }
0xbb: {  	_ =	swait.ge [sflag:s15], $0x4000  }
0xbc: {  	[sflag:s15] =	ssyncset.done $0x0  }
0xbd: {  	s31 =	sadd.s32 $0x1000, s29;
	[sflag:s15] =	ssyncadd.s32 $0xFFFFC000  }
0xbe: {  	[hbm4b:s31+s2] =	stream.linear.scatter [tilespmem:s10], [sflag:$0x3], $0x8000, $0x38;
	[tilespmem:$0x10800] =	vst v63  }
0xbf: {  	_ =	swait.ge [sflag:s7], $0x8000  }
0xc0: {  	[sflag:s7] =	ssyncset.done $0x0  }
0xc1: {  	s31 =	sadd.s32 $0x1000, s30;
	[sflag:s7] =	ssyncadd.s32 $0xFFFF8000  }
0xc2: {  	[hbm4b:s31+s2] =	stream.linear.scatter [tilespmem:s11], [sflag:$0x3], $0x8000, $0x38;
	[tilespmem:$0x10800] =	vst v63  }
0xc3: {  	_ =	swait.ge [sflag:s7], $0x8000  }
0xc4: {  	[sflag:s7] =	ssyncset.done $0x0  }
0xc5: {  	[sflag:s7] =	ssyncadd.s32 $0xFFFF8000  }
0xc6: {  	[tilespmem:s10], [sflag:$0x1] =	stream.indirect.gather [hbm4b:s3+s9], $0x80, s16, s9, $0xb8;
	[tilespmem:$0x10800] =	vst v63  }
0xc7: {  	_ = 	snop  }
0xc8: {  	[tilespmem:s11], [sflag:$0x2] =	stream.indirect.gather [hbm4b:s3+s9], $0x80, s17, s9, $0xb8;
	[tilespmem:$0x10800] =	vst v63  }
0xc9: {  	_ = 	snop  }
0xca: {  	[tilespmem:s12], [sflag:$0x1] =	stream.indirect.gather [hbm4b:s3+s9], $0x80, s18, s9, $0xb8;
	[tilespmem:$0x10800] =	vst v63  }
0xcb: {  	_ = 	snop  }
0xcc: {  	[tilespmem:s13], [sflag:$0x2] =	stream.indirect.gather [hbm4b:s3+s9], $0x80, s19, s9, $0xb8;
	[tilespmem:$0x10800] =	vst v63  }
0xcd: {  	_ =	swait.ge [sflag:s14], $0x4000  }
0xce: {  	[sflag:s14] =	ssyncset.done $0x0  }
0xcf: {  	[sflag:s14] =	ssyncadd.s32 $0xFFFFC000  }
0xd0: {  	_ =	swait.ge [sflag:s15], $0x4000  }
0xd1: {  	[sflag:s15] =	ssyncset.done $0x0  }
0xd2: {  	[sflag:s15] =	ssyncadd.s32 $0xFFFFC000  }
0xd3: {  	_ =	swait.ge [sflag:s14], $0x4000  }
0xd4: {  	[sflag:s14] =	ssyncset.done $0x0  }
0xd5: {  	[sflag:s14] =	ssyncadd.s32 $0xFFFFC000  }
0xd6: {  	_ =	swait.ge [sflag:s15], $0x4000  }
0xd7: {  	[sflag:s15] =	ssyncset.done $0x0  }
0xd8: {  	s31 =	sadd.s32 $0x2000, s29;
	[sflag:s15] =	ssyncadd.s32 $0xFFFFC000  }
0xd9: {  	[hbm4b:s31+s2] =	stream.linear.scatter [tilespmem:s10], [sflag:$0x3], $0x8000, $0x38;
	[tilespmem:$0x10800] =	vst v63  }
0xda: {  	_ =	swait.ge [sflag:s7], $0x8000  }
0xdb: {  	[sflag:s7] =	ssyncset.done $0x0  }
0xdc: {  	s31 =	sadd.s32 $0x2000, s30;
	[sflag:s7] =	ssyncadd.s32 $0xFFFF8000  }
0xdd: {  	[hbm4b:s31+s2] =	stream.linear.scatter [tilespmem:s11], [sflag:$0x3], $0x8000, $0x38;
	[tilespmem:$0x10800] =	vst v63  }
0xde: {  	_ =	swait.ge [sflag:s7], $0x8000  }
0xdf: {  	[sflag:s7] =	ssyncset.done $0x0  }
0xe0: {  	[sflag:s7] =	ssyncadd.s32 $0xFFFF8000  }
0xe1: {  	[tilespmem:s10], [sflag:$0x1] =	stream.indirect.gather [hbm4b:s3+s9], $0x80, s20, s9, $0xb8;
	[tilespmem:$0x10800] =	vst v63  }
0xe2: {  	_ = 	snop  }
0xe3: {  	[tilespmem:s11], [sflag:$0x2] =	stream.indirect.gather [hbm4b:s3+s9], $0x80, s21, s9, $0xb8;
	[tilespmem:$0x10800] =	vst v63  }
0xe4: {  	_ = 	snop  }
0xe5: {  	[tilespmem:s12], [sflag:$0x1] =	stream.indirect.gather [hbm4b:s3+s9], $0x80, s22, s9, $0xb8;
	[tilespmem:$0x10800] =	vst v63  }
0xe6: {  	_ = 	snop  }
0xe7: {  	[tilespmem:s13], [sflag:$0x2] =	stream.indirect.gather [hbm4b:s3+s9], $0x80, s23, s9, $0xb8;
	[tilespmem:$0x10800] =	vst v63  }
0xe8: {  	_ =	swait.ge [sflag:s14], $0x4000  }
0xe9: {  	[sflag:s14] =	ssyncset.done $0x0  }
0xea: {  	[sflag:s14] =	ssyncadd.s32 $0xFFFFC000  }
0xeb: {  	_ =	swait.ge [sflag:s15], $0x4000  }
0xec: {  	[sflag:s15] =	ssyncset.done $0x0  }
0xed: {  	[sflag:s15] =	ssyncadd.s32 $0xFFFFC000  }
0xee: {  	_ =	swait.ge [sflag:s14], $0x4000  }
0xef: {  	[sflag:s14] =	ssyncset.done $0x0  }
0xf0: {  	[sflag:s14] =	ssyncadd.s32 $0xFFFFC000  }
0xf1: {  	_ =	swait.ge [sflag:s15], $0x4000  }
0xf2: {  	[sflag:s15] =	ssyncset.done $0x0  }
0xf3: {  	s29 =	sadd.s32 $0x3000, s29;
	[sflag:s15] =	ssyncadd.s32 $0xFFFFC000  }
0xf4: {  	[hbm4b:s29+s2] =	stream.linear.scatter [tilespmem:s10], [sflag:$0x3], $0x8000, $0x38;
	[tilespmem:$0x10800] =	vst v63  }
0xf5: {  	p0 =	sne.s32 s25, $0x60000;
	_ =	swait.ge [sflag:s7], $0x8000  }
.Ltmp0:
0xf6: {  	[sflag:s7] =	ssyncset.done $0x0;
	(pc) =	sbr.rel @p0 .LBB2_2-.Ltmp0, $4  }
0xf7: {  	s31 =	sadd.s32 $0x3000, s30;
	[sflag:s7] =	ssyncadd.s32 $0xFFFF8000  }
0xf8: {  	[hbm4b:s31+s2] =	stream.linear.scatter [tilespmem:s11], [sflag:$0x3], $0x8000, $0x38;
	[tilespmem:$0x10800] =	vst v63  }
0xf9: {  	_ =	swait.ge [sflag:s7], $0x8000  }
0xfa: {  	s25 =	sadd.s32 $0x4000, s25;
	[sflag:s7] =	ssyncset.done $0x0  }
0xfb: {  	s24 =	sadd.s32 $0x1, s24  }
0xfc: {  	p0 =	sne.s32 s24, s4  }
.Ltmp1:
0xfd: {  	_ = 	snop;
	(pc) =	sbr.rel @p0 .LBB2_1-.Ltmp1, $2  }
0xfe: {  	_ =	sdelay $0x2  }
0xff: {  	[sflag:s7] =	ssyncadd.s32 $0xFFFF8000  }
0x100: {  	_ =	sfence.sel $0x180000  }
0x101: {  	[bflag:$0x0] =	sbarrier.arrive $0xFFFF  }
0x102: {  	_ =	strace $0x90000050  }
0x103: {  	[bflag:$0x2] =	sbarrier.arrive $0xFFFF  }
0x104: {  	p0 =	sne.s32 s1, $0x0;
	s0 =	rddreg [dreg:$0x1]  }
0x105: {  	s0 =	sadd.s32 @!p0 $0x100000, s0  }
0x106: {  	[sflag:s0] =	ssyncadd.tile.s32 @!p0 $0x1;
	_ =	shalt  }
.Lfunc_end2:
_tile_overlayer_lowered:
.L_overlay_start_2:
0x107: {  	(tag) =	ssettag $0x2  }
0x108: {  	s0 =	rddreg [dreg:$0x0];
	s2 =	stileid.u32  }
0x109: {  	s1 =	rddreg [dreg:$0x1];
	p0 =	sne.s32 s2, $0x0  }
0x10a: {  	s3 =	rddreg [dreg:$0x2];
	[bflag:$0x3] =	sbarrier.arrive $0xFFFF;
	s2 =	simm.s32 @!p0 $0x1C03  }
0x10b: {  	[timem:s3], [sflag:s2] =	dma.local @!p0 [hbm:s0], s1  }
0x10c: {  	s0 =	simm.s32 @!p0 $0x3  }
0x10d: {  	_ =	swait.ge @!p0 [sflag:s0], s1  }
0x10e: {  	s1 =	ssub.s32 @!p0 $0x0, s1;
	[sflag:s0] =	ssyncset.done @!p0 $0x0  }
0x10f: {  	[sflag:s0] =	ssyncadd.s32 @!p0 s1  }
0x110: {  	[bflag:$0x3] =	sbarrier.arrive $0xFFFF  }
0x111: {  	_ =	shalt  }

// kernel: scatter_offload_async_start.1
scs
__scs_entry_jumppad:
0x0: {  	(pc) =	sbr.rel $0x88, $3  }
0x1: {  	(tag) =	ssettag $0x0;
	lr =	simm.s32 $0x1  }
0x2: {  	[smem:$0x3F5A] =	sst lr;
	_ =	strace $0xD0000000  }
0x3: {  	_ = 	snop  }
0x4: {  	_ = 	snop  }
0x5: {  	_ = 	snop  }
0x6: {  	_ = 	snop  }
0x7: {  	_ = 	snop  }
__scs_overlays_trampoline_lowered:
0x8: {  	[smem:$0x3F69] =	sst s0  }
0x9: {  	[smem:$0x3F6A] =	sst s1  }
0xa: {  	[smem:$0x3F6B] =	sst s2  }
0xb: {  	[smem:$0x3F6C] =	sst s3  }
0xc: {  	[smem:$0x3F6D] =	sst s4  }
0xd: {  	[smem:$0x3F6E] =	sst s5  }
0xe: {  	[smem:$0x3F6F] =	sst s6  }
0xf: {  	[smem:$0x3F70] =	sst s7  }
0x10: {  	[smem:$0x3F71] =	sst s8  }
0x11: {  	[smem:$0x3F72] =	sst s9;
	s0 =	simm.s32 @!p0 $0x0  }
0x12: {  	s1 =	sld [smem:$0x3F58];
	s0 =	simm.s32 @p0 $0x1  }
0x13: {  	[smem:$0x3F73] =	sst s0;
	s0 =	simm.s32 @!p1 $0x0  }
0x14: {  	s2 =	sld [smem:$0x3F57];
	s0 =	simm.s32 @p1 $0x1  }
0x15: {  	[smem:$0x3F74] =	sst s0;
	s0 =	simm.s32 @!p2 $0x0  }
0x16: {  	s3 =	sld [smem:$0x3FDB];
	s0 =	simm.s32 @p2 $0x1  }
0x17: {  	s4 =	simm.s32 $0x1BF5;
	[smem:$0x3F76] =	sst s0  }
0x18: {  	s0 =	sld [smem:$0x3F59];
	_ =	swait.ge [sflag:s4], $0x0  }
0x19: {  	s7 =	sld [smem:$0x3F5A]  }
0x1a: {  	s8 =	sadd.s32 $0xFFFFE003, lr  }
0x1b: {  	s9 =	sadd.s32 $0xFFFFFEF7, lr;
	s5 =	simm.s32 $0xFFFFFFFF;
	p2 =	slt.u32 s8, $0xFFFFF086  }
0x1c: {  	p1 =	slt.u32 s9, $0xF7A;
	s5 =	simm.s32 @!p2 $0x0  }
0x1d: {  	s5 =	simm.s32 @p1 $0x1;
	p0 =	seq.s32 s7, s2  }
0x1e: {  	s7 =	smul.u32 @!p0 $0xF7A, s2;
	p2 =	seq.s32 @!p0 s5, $0x0  }
0x1f: {  	s9 =	smul.u32 $0xF7A, s1;
	s8 =	simm.s32 @!p0 $0x1BF5;
	p2 =	por !p2, p0  }
0x20: {  	[sflag:s8] =	ssyncset.s32 @!p0 $0xFFFFF086;
	s6 =	sadd.s32 @!p0 s3, s7;
	s7 =	simm.s32 @!p0 $0x108  }
0x21: {  	s3 =	sadd.s32 s3, s9;
	s6 =	sadd.s32 @!p0 $0x88, s6;
	s7 =	simm.s32 @p2 $0x1082  }
0x22: {  	[simem:s7], [sflag:s8] =	dma.local @!p0 [hbm:s6], $0xF7A  }
0x23: {  	s9 =	sor.u32 $0xD0000000, s2;
	s6 =	simm.s32 $0x108;
	_ =	swait.ge @!p0 [sflag:s8], $0x0  }
0x24: {  	s3 =	sadd.s32 $0x88, s3;
	s6 =	simm.s32 @!p1 $0x1082;
	[sflag:s4] =	ssyncset.s32 $0xFFFFF086  }
0x25: {  	[simem:s6], [sflag:s4] =	dma.local [hbm:s3], $0xF7A  }
0x26: {  	[smem:$0x3F5A] =	sst s1;
	(tag) =	ssettag s2;
	_ =	strace s9  }
0x27: {  	s1 =	sld [smem:$0x3F6A]  }
0x28: {  	s2 =	sld [smem:$0x3F6B]  }
0x29: {  	s4 =	sld [smem:$0x3F6D]  }
0x2a: {  	p0 =	seq.s32 s5, $0x0;
	s5 =	sld [smem:$0x3F6E]  }
0x2b: {  	s6 =	sld [smem:$0x3F6F]  }
0x2c: {  	s7 =	sld [smem:$0x3F70]  }
0x2d: {  	s3 =	simm.s32 $0x108;
	s8 =	sld [smem:$0x3F71]  }
0x2e: {  	s3 =	simm.s32 @!p0 $0x1082;
	s9 =	sld [smem:$0x3F72]  }
0x2f: {  	lr =	sadd.s32 s0, s3;
	s0 =	sld [smem:$0x3F69]  }
0x30: {  	s3 =	sld [smem:$0x3F6C]  }
0x31: {  	[smem:$0x3F75] =	sst s10  }
0x32: {  	s10 =	sld [smem:$0x3F73];
	_ =	sdelay $0x3  }
0x33: {  	p0 =	seq.s32 s10, $0x1;
	s10 =	sld [smem:$0x3F75];
	_ =	sdelay $0x3  }
0x34: {  	[smem:$0x3F75] =	sst s10  }
0x35: {  	s10 =	sld [smem:$0x3F74];
	_ =	sdelay $0x3  }
0x36: {  	p1 =	seq.s32 s10, $0x1;
	s10 =	sld [smem:$0x3F75];
	_ =	sdelay $0x3  }
0x37: {  	[smem:$0x3F75] =	sst s10  }
0x38: {  	s10 =	sld [smem:$0x3F76]  }
0x39: {  	_ = 	snop;
	(pc) =	sbr.ind lr, $3  }
0x3a: {  	_ = 	snop  }
0x3b: {  	_ = 	snop  }
0x3c: {  	p2 =	seq.s32 s10, $0x1;
	s10 =	sld [smem:$0x3F75]  }
0x3d: {  	_ =	shalt  }
0x3e: {  	_ =	shalt  }
0x3f: {  	_ =	shalt  }
0x40: {  	_ =	shalt  }
0x41: {  	_ =	shalt  }
0x42: {  	_ =	shalt  }
0x43: {  	_ =	shalt  }
0x44: {  	_ =	shalt  }
0x45: {  	_ =	shalt  }
0x46: {  	_ =	shalt  }
0x47: {  	_ =	shalt  }
0x48: {  	_ =	shalt  }
0x49: {  	_ =	shalt  }
0x4a: {  	_ =	shalt  }
0x4b: {  	_ =	shalt  }
0x4c: {  	_ =	shalt  }
0x4d: {  	_ =	shalt  }
0x4e: {  	_ =	shalt  }
0x4f: {  	_ =	shalt  }
0x50: {  	_ =	shalt  }
0x51: {  	_ =	shalt  }
0x52: {  	_ =	shalt  }
0x53: {  	_ =	shalt  }
0x54: {  	_ =	shalt  }
0x55: {  	_ =	shalt  }
0x56: {  	_ =	shalt  }
0x57: {  	_ =	shalt  }
0x58: {  	_ =	shalt  }
0x59: {  	_ =	shalt  }
0x5a: {  	_ =	shalt  }
0x5b: {  	_ =	shalt  }
0x5c: {  	_ =	shalt  }
0x5d: {  	_ =	shalt  }
0x5e: {  	_ =	shalt  }
0x5f: {  	_ =	shalt  }
0x60: {  	_ =	shalt  }
0x61: {  	_ =	shalt  }
0x62: {  	_ =	shalt  }
0x63: {  	_ =	shalt  }
0x64: {  	_ =	shalt  }
0x65: {  	_ =	shalt  }
0x66: {  	_ =	shalt  }
0x67: {  	_ =	shalt  }
0x68: {  	_ =	shalt  }
0x69: {  	_ =	shalt  }
0x6a: {  	_ =	shalt  }
0x6b: {  	_ =	shalt  }
0x6c: {  	_ =	shalt  }
0x6d: {  	_ =	shalt  }
0x6e: {  	_ =	shalt  }
0x6f: {  	_ =	shalt  }
0x70: {  	_ =	shalt  }
0x71: {  	_ =	shalt  }
0x72: {  	_ =	shalt  }
0x73: {  	_ =	shalt  }
0x74: {  	_ =	shalt  }
0x75: {  	_ =	shalt  }
0x76: {  	_ =	shalt  }
0x77: {  	_ =	shalt  }
0x78: {  	_ =	shalt  }
0x79: {  	_ =	shalt  }
0x7a: {  	_ =	shalt  }
0x7b: {  	_ =	shalt  }
0x7c: {  	_ =	shalt  }
0x7d: {  	_ =	shalt  }
0x7e: {  	_ =	shalt  }
0x7f: {  	_ =	shalt  }
0x80: {  	_ =	shalt  }
0x81: {  	_ =	shalt  }
0x82: {  	_ =	shalt  }
0x83: {  	_ =	shalt  }
0x84: {  	_ =	shalt  }
0x85: {  	_ =	shalt  }
0x86: {  	_ =	shalt  }
0x87: {  	_ =	shalt  }
.Lfunc_end0:
.L_simem_size_0:
called_computation.1_lowered:
.L_overlay_start_0:
0x88: {  	s2 =	sld [smem:$0x3FD9]  }
0x89: {  	s3 =	sld [smem:$0x3FFE];
	_ =	sdelay $0x1  }
0x8a: {  	s1 =	srdreg.scid  }
0x8b: {  	s0 =	sand.u32 $0x1, s1  }
0x8c: {  	s15 =	sshll.u32 s0, $0xA;
	s2 =	sadd.s32 s3, s2  }
0x8d: {  	s2 =	sadd.s32 s2, s15  }
0x8e: {  	[smem:$0x3F81] =	sst s2  }
0x8f: {  	_ = 	snop  }
0x90: {  	(tm) =	ssettm $0x1  }
0x91: {  	s16 =	sld [smem:$0x3FFB];
	_ =	sdelay $0x3  }
0x92: {  	_ =	strace s16  }
0x93: {  	s2 =	sld [smem:$0x3FFC];
	_ =	sdelay $0x3  }
0x94: {  	_ =	strace s2  }
0x95: {  	s2 =	sld [smem:$0x3FFD];
	_ =	sdelay $0x3  }
0x96: {  	_ =	strace s2  }
0x97: {  	_ =	strace $0x8FFFFFFF  }
0x98: {  	s17 =	sld [smem:$0x3FDB];
	_ =	sdelay $0x1  }
0x99: {  	s18 =	simm.s32 $_scs_section_size  }
0x9a: {  	s4 =	simm.s32 $_size__tile_overlayer_lowered;
	s5 =	simm.s32 $_tile_overlayer_lowered  }
0x9b: {  	s21 =	simm.s32 $0x1BFF;
	s20 =	sshll.u32 s5, $0x1;
	s2 =	sadd.s32 s18, s17  }
0x9c: {  	s6 =	simm.s32 $0x0;
	s19 =	sshll.u32 s4, $0x1;
	s4 =	sadd.s32 s20, s2  }
0x9d: {  	[timem:s6], [sflag:s21] =	dma.local [hbm:s4], s19  }
0x9e: {  	_ =	swait.ge [sflag:s21], s19  }
0x9f: {  	s3 =	ssub.s32 $0x0, s19;
	[sflag:s21] =	ssyncset.done $0x0  }
0xa0: {  	[sflag:s21] =	ssyncadd.s32 s3;
	_ =	sdelay $0x1  }
0xa1: {  	s22 =	simm.s32 $0x1B8B  }
0xa2: {  	_ =	swait.ge [sflag:s22], $0x1  }
0xa3: {  	[sflag:s22] =	ssyncset.done $0x0  }
0xa4: {  	s23 =	sld [smem:$0x3FFE];
	[sflag:s22] =	ssyncadd.s32 $0xFFFFFFFF  }
0xa5: {  	s25 =	simm.s32 $0x1B8E;
	s24 =	sld [smem:$0x0]  }
0xa6: {  	s26 =	simm.s32 $execute0_lowered;
	[smem:$0x3FD2] =	sst s25  }
0xa7: {  	s5 =	sshll.u32 s26, $0x1;
	_ =	strace $0x80000052;
	[dreg:$0x1] =	wrdreg $0xFFFFFFFF  }
0xa8: {  	s28 =	simm.s32 $_size_execute0_lowered;
	s2 =	sadd.s32 s2, s5;
	[dreg:$0x0] =	wrdreg $0x0  }
0xa9: {  	s5 =	sshll.u32 s28, $0x1;
	[dreg:$0x2] =	wrdreg s2  }
0xaa: {  	[dreg:$0x3] =	wrdreg s5  }
0xab: {  	[dreg:$0x4] =	wrdreg $0xC0  }
0xac: {  	_ =	task [dreg:s6], $0x5FFFF  }
0xad: {  	[dreg:$0x1] =	wrdreg $0xFFFFFFFF  }
0xae: {  	[dreg:$0x0] =	wrdreg $0x60  }
0xaf: {  	[dreg:$0x2] =	wrdreg s23  }
0xb0: {  	[dreg:$0x3] =	wrdreg s1  }
0xb1: {  	[dreg:$0x4] =	wrdreg s24  }
0xb2: {  	[dreg:$0x5] =	wrdreg $0x9  }
0xb3: {  	_ =	task.clear_ibuf [dreg:s6], $0x6FFFF;
	_ =	strace $0x90000052  }
0xb4: {  	s29 =	simm.s32 $0x9;
	_ =	strace $0x80000054  }
0xb5: {  	_ =	swait.ge [sflag:s29], $0x1  }
0xb6: {  	[sflag:s29] =	ssyncadd.s32 $0xFFFFFFFF  }
0xb7: {  	_ =	strace $0x90000054  }
0xb8: {  	_ =	sfence  }
0xb9: {  	s30 =	sld [smem:$0x0];
	_ =	sdelay $0x2  }
0xba: {  	s31 =	sshll.u32 s1, $0xD;
	s1 =	sshrl.u32 s1, $0x2  }
0xbb: {  	s3 =	sand.u32 $0x4000, s31;
	s1 =	sadd.s32 s1, s30  }
0xbc: {  	s0 =	sor.u32 s3, s0;
	s1 =	sshll.u32 s1, $0x11  }
0xbd: {  	s0 =	sor.u32 s1, s0  }
0xbe: {  	s0 =	sadd.s32 $0x8F2B, s0  }
0xbf: {  	[sflag:s0] =	ssyncadd.remote.s32 $0x1  }
0xc0: {  	_ =	sfence.sel $0xFFFF  }
0xc1: {  	[dreg:$0x0] =	wrdreg $0xFFFFFFFF;
	(pc) =	sbr.abs _section_cstart, $3  }
0xc2: {  	[dreg:$0x1] =	wrdreg $0xFFFFFFFF  }
0xc3: {  	_ =	task.clear_ibuf [dreg:s6], $0x2FFFF;
	_ =	strace $0x9FFFFFFF  }
0xc4: {  	(tm) =	ssettm $0x7FFFFFFF  }
0xc5: {  	_ =	shalt  }
tec
execute0_lowered:
.L_overlay_start_1:
0x0: {  	(tag) =	ssettag $0x1  }
0x1: {  	s2 =	rddreg [dreg:$0x0]  }
0x2: {  	s4 =	rddreg [dreg:$0x1];
	_ =	strace $0x80000053;
	s0 =	simm.s32 $0x1  }
0x3: {  	s3 =	simm.s32 $0x88;
	v0 =	vimm.s32 $0x0;
	[sflag:s0] =	ssyncpa.u1 $0x0  }
0x4: {  	[tilespmem:s3+$0x30] =	vst v0  }
0x5: {  	s1 =	sadd.s32 $0x56E00, s2;
	s0 =	sadd.s32 $0xBE00, s2;
	s6 =	sadd.s32 $0x33F7E00, s2;
	[tilespmem:s3+$0x20] =	vst v0  }
0x6: {  	s2 =	sadd.s32 $0x1ADEE00, s2;
	s5 =	sand.u32 $0x1, s4;
	s4 =	simm.s32 $0x40;
	[tilespmem:s3+$0x10] =	vst v0  }
.LBB2_1:
0x7: {  	s4 =	sadd.s32 $0x40, s4  }
0x8: {  	[tilespmem:s3+$0x0] =	vst v0;
	s3 =	sadd.s32 $0x40, s3;
	p0 =	slt.u32 s4, $0x5040  }
.Ltmp0:
0x9: {  	(pc) =	sbr.rel @p0 .LBB2_1-.Ltmp0, $4  }
0xa: {  	_ = 	snop  }
0xb: {  	[tilespmem:s3+$0x30] =	vst v0  }
0xc: {  	[tilespmem:s3+$0x20] =	vst v0  }
0xd: {  	[tilespmem:s3+$0x10] =	vst v0  }
0xe: {  	s28 =	simm.s32 $0x2  }
0xf: {  	s4 =	stileid.u32;
	s29 =	simm.s32 $0x9;
	s30 =	simm.s32 $0xA  }
0x10: {  	s7 =	simm.s32 $0xB;
	[dreg:$0x4] =	wrdreg s5;
	s31 =	smul.u32 $0xC800, s5  }
0x11: {  	s16 =	simm.s32 $0x0;
	p0 =	por $0x1, $0x1;
	s17 =	simm.s32 $0xFF  }
0x12: {  	p1 =	por $0x0, $0x0;
	s18 =	simm.s32 $0x1;
	s12 =	simm.s32 $0xC  }
0x13: {  	s23 =	simm.s32 $0x0;
	s21 =	simm.s32 $0x0;
	s9 =	smul.u32 $0x6400, s4  }
.Ltmp1:
0x14: {  	s20 =	simm.s32 $0x0;
	s0 =	sadd.s32 s31, s0;
	(pc) =	sbr.rel .LBB2_3-.Ltmp1, $4  }
0x15: {  	[tilespmem:s3+$0x0] =	vst v0;
	v0 =	vimm.s32 $0xFFFFFFFF;
	[sflag:s28] =	ssyncpa.u1 $0x0;
	s15 =	sshll.u32 s4, $0x7;
	[dreg:$0x8] =	wrdreg s0  }
0x16: {  	[tilespmem:$0xA108] =	vst v0;
	[sflag:s29] =	ssyncpa.u1 $0x0;
	s11 =	sadd.s32 s31, s2;
	[dreg:$0x5] =	wrdreg s9  }
0x17: {  	[sflag:s30] =	ssyncpa.u1 $0x0;
	s10 =	sadd.s32 $0x6400, s9;
	[dreg:$0x7] =	wrdreg s11  }
0x18: {  	v0 =	vlaneseq.u32;
	s22 =	smov.u32 s9;
	[sflag:s7] =	ssyncpa.u1 $0x0;
	[dreg:$0x6] =	wrdreg s10  }
.LBB2_22:
0x19: {  	s2 =	sshrl.u32 s4, $0x2  }
.LBB2_24:
0x1a: {  	_ =	swait.ge [sflag:s12], s2  }
0x1b: {  	s31 =	ssub.s32 $0x0, s2;
	v1 =	vmov s26;
	vm0 =	veq.s32 v0, $0x0;
	[sflag:s12] =	ssyncset.done $0x0  }
0x1c: {  	vm15 =	veq.s32 v0, $0x2;
	v1 =	vsel vm0, s0, v1;
	[sflag:s12] =	ssyncadd.s32 s31  }
0x1d: {  	v1 =	vsel vm15, s23, v1;
	[sflag:s12] =	ssyncpa.u1 $0x1  }
0x1e: {  	[tilespmem:$0xA108] =	vst v1  }
.LBB2_25:
0x1f: {  	s0 =	sadd.s32 $0x140, s22  }
0x20: {  	s2 =	smov.u32 s9;
	s20 =	sadd.s32 $0x1, s20;
	p2 =	slt.s32 s0, s10  }
0x21: {  	s2 =	smov.u32 @p2 s0;
	p2 =	sne.s32 s20, $0x52  }
.Ltmp2:
0x22: {  	_ = 	snop;
	(pc) =	sbr.rel @!p2 .LBB2_26-.Ltmp2, $3  }
0x23: {  	_ =	sdelay $0x1  }
0x24: {  	s23 =	smov.u32 s21;
	s21 =	smov.u32 s22;
	p0 =	por !p0, !p0  }
0x25: {  	s17 =	sadd.s32 $0x1, s17;
	p1 =	por !p1, !p1;
	s22 =	smov.u32 s2  }
.LBB2_3:
0x26: {  	p2 =	sgt.u32 s20, $0x4F  }
0x27: {  	s0 =	smul.u32 @!p2 $0xAB, s20;
	_ =	sdelay $0x1  }
0x28: {  	s0 =	sshrl.u32 @!p2 s0, $0x9  }
0x29: {  	s2 =	smov.u32 s22;
	p3 =	sgt.s32 @!p2 s22, $0x63EC0;
	s0 =	sand.u32 @!p2 $0x7F, s0  }
0x2a: {  	s3 =	sshra.s32 @!p2 s22, $0x1F;
	p3 =	por !p3, p2;
	s0 =	smul.u32 @!p2 $0x3, s0  }
0x2b: {  	s3 =	sand.u32 @!p2 s3, s22;
	s2 =	simm.s32 @p3 $0x63EC0  }
0x2c: {  	s2 =	ssub.s32 @!p2 s2, s3;
	s0 =	ssub.s32 @!p2 s20, s0  }
0x2d: {  	s2 =	sadd.s32 @!p2 $0xFFF9C140, s2;
	s0 =	sand.u32 @!p2 $0xFF, s0  }
0x2e: {  	s3 =	sshll.u32 @!p2 s2, $0x2;
	p3 =	sgt.s32 @!p2 s2, $0x13F;
	s0 =	smul.u32 @!p2 $0x500, s0  }
0x2f: {  	s4 =	sand.u32 @!p2 $0x7, s22;
	s2 =	ssub.s32 @!p2 $0x500, s3;
	p3 =	por !p3, p2  }
0x30: {  	s3 =	sshrl.u32 @!p2 s22, $0x3;
	s2 =	sshrl.u32 @!p2 s2, $0x2;
	s0 =	sshrl.u32 @!p2 s0, $0x2  }
0x31: {  	s3 =	sadd.s32 @!p2 s3, s11;
	s2 =	simm.s32 @!p3 $0x0;
	s0 =	sadd.s32 @!p2 $0xA948, s0  }
0x32: {  	[tilespmem:s0], [sflag:$0xA] =	stream.linear.gather @!p2 [hbm4b:s3+s4], s2, $0x38;
	[tilespmem:$0x1EF88] =	vst v63  }
0x33: {  	s0 =	sadd.s32 $0xFFFFFFFF, s20  }
0x34: {  	p2 =	sgt.u32 s0, $0x4F  }
.Ltmp3:
0x35: {  	_ = 	snop;
	(pc) =	sbr.rel @p2 .LBB2_7-.Ltmp3, $1  }
0x36: {  	_ =	sdelay $0x3  }
0x37: {  	p2 =	sgt.s32 s21, $0x63EC0;
	s2 =	smov.u32 s21;
	s3 =	sshra.s32 s21, $0x1F  }
0x38: {  	s4 =	sand.u32 $0xFF, s17;
	s2 =	simm.s32 @!p2 $0x63EC0;
	s3 =	sand.u32 s3, s21  }
0x39: {  	s31 =	smulhi.u32 $0x55555556, s4;
	s2 =	ssub.s32 s2, s3  }
0x3a: {  	s0 =	sand.u32 $0x1, s0;
	s4 =	smul.u32 $0x500, s4;
	s2 =	sadd.s32 $0xFFF9C140, s2  }
0x3b: {  	s7 =	simm.s32 $0xA;
	s0 =	smul.u32 $0x500, s0;
	s5 =	sshll.u32 s2, $0x2  }
0x3c: {  	s9 =	sshrl.u32 s21, $0x3;
	s3 =	smul.u32 $0xF00, s31;
	s5 =	ssub.s32 $0x500, s5  }
0x3d: {  	s11 =	sand.u32 $0x7, s21;
	p2 =	sgt.s32 s2, $0x13F;
	s2 =	sshrl.u32 s5, $0x2  }
0x3e: {  	s0 =	sshrl.u32 s0, $0x2;
	s3 =	ssub.s32 s4, s3;
	s2 =	simm.s32 @p2 $0x0  }
0x3f: {  	s0 =	sadd.s32 $0xAD08, s0;
	s3 =	sshra.s32 s3, $0x2;
	_ =	swait.ge [sflag:s7], s2  }
0x40: {  	s8 =	ssub.s32 $0x0, s2;
	[sflag:s7] =	ssyncset.done $0x0;
	s10 =	rddreg [dreg:$0x8]  }
0x41: {  	s28 =	sadd.s32 $0xA948, s3;
	[sflag:s7] =	ssyncadd.s32 s8;
	s3 =	sadd.s32 s9, s10  }
0x42: {  	[tilespmem:s0], [sflag:$0xB] =	stream.linear.gather [hbm4b:s3+s11], s2, $0x38;
	[tilespmem:$0x1EF88] =	vst v63  }
0x43: {  	v1 =	vld.msk [tilespmem:s28+$0x0], $0xffff;
	_ =	sdelay $0x4  }
0x44: {  	v1 =	vshll.u32 v1, $0x4  }
0x45: {  	(v2sf) =	vpush v1, $0x0  }
0x46: {  	(v2sf) =	vpush v1, $0x1  }
0x47: {  	(v2sf) =	vpush v1, $0x2;
	_ =	sdelay $0x1  }
0x48: {  	(v2sf) =	vpush v1, $0x3;
	_ =	sdelay $0x1  }
0x49: {  	s0 =	simm.s32 $0x1;
	(v2sf) =	vpush v1, $0x4  }
0x4a: {  	s0 =	simm.s32 @!p0 $0x0  }
0x4b: {  	s0 =	smul.u32 $0x28000, s0;
	(v2sf) =	vpush v1, $0x5;
	_ =	sdelay $0x1  }
0x4c: {  	s0 =	sshrl.u32 s0, $0x2;
	(v2sf) =	vpush v1, $0x6  }
0x4d: {  	s24 =	sadd.s32 $0xB708, s0  }
0x4e: {  	s28 =	sadd.s32 $0x10, s28;
	s0 =	sadd.s32 $0xFFFFFE80, s24;
	s2 =	sadd.s32 $0xFFFFFD00, s24;
	(v2sf) =	vpush v1, $0x7  }
0x4f: {  	s4 =	sadd.s32 $0xFFFFFD80, s24;
	s3 =	sadd.s32 $0xFFFFFE00, s24;
	s5 =	sadd.s32 $0xFFFFFB80, s24  }
0x50: {  	s26 =	sadd.s32 $0xFFFFFA00, s24;
	s29 =	sadd.s32 $0xFFFFFA80, s24;
	s30 =	sadd.s32 $0xFFFFFB00, s24;
	(v2sf) =	vpush v1, $0x8  }
0x51: {  	s31 =	sadd.s32 $0xFFFFF900, s24;
	s7 =	sadd.s32 $0xFFFFF980, s24;
	s8 =	spop (v2sf)  }
0x52: {  	s10 =	sadd.s32 $0xFFFFF880, s24;
	(v2sf) =	vpush v1, $0x9;
	s8 =	sand.u32 $0x1FFFFFF0, s8;
	s11 =	spop (v2sf)  }
0x53: {  	s8 =	sadd.s32 s6, s8;
	s11 =	sand.u32 $0x1FFFFFF0, s11;
	s13 =	spop (v2sf)  }
0x54: {  	[tilespmem:s10], [sflag:$0x9] =	stream.linear.gather [hbm4b:s8+s16], $0x40, $0x38;
	[tilespmem:$0x1EF88] =	vst v63  }
0x55: {  	(v2sf) =	vpush v1, $0xA;
	s12 =	sadd.s32 s6, s11;
	s19 =	sand.u32 $0x1FFFFFF0, s13;
	s9 =	spop (v2sf)  }
0x56: {  	(v2sf) =	vpush v1, $0xB;
	[tilespmem:s31], [sflag:$0x9] =	stream.linear.gather [hbm4b:s12+s16], $0x40, $0x38;
	[tilespmem:$0x1EF88] =	vst v63  }
0x57: {  	s10 =	sadd.s32 s6, s19;
	s13 =	spop (v2sf);
	s12 =	sand.u32 $0x1FFFFFF0, s9  }
0x58: {  	(v2sf) =	vpush v1, $0xC;
	[tilespmem:s7], [sflag:$0x9] =	stream.linear.gather [hbm4b:s10+s16], $0x40, $0x38;
	[tilespmem:$0x1EF88] =	vst v63  }
0x59: {  	s31 =	sand.u32 $0x1FFFFFF0, s13;
	s9 =	spop (v2sf);
	s19 =	sadd.s32 s6, s12  }
0x5a: {  	(v2sf) =	vpush v1, $0xD;
	[tilespmem:s26], [sflag:$0x9] =	stream.linear.gather [hbm4b:s19+s16], $0x40, $0x38;
	[tilespmem:$0x1EF88] =	vst v63  }
0x5b: {  	s11 =	sadd.s32 s6, s31;
	s12 =	sand.u32 $0x1FFFFFF0, s9;
	s13 =	spop (v2sf)  }
0x5c: {  	(v2sf) =	vpush v1, $0xE;
	[tilespmem:s29], [sflag:$0x9] =	stream.linear.gather [hbm4b:s11+s16], $0x40, $0x38;
	[tilespmem:$0x1EF88] =	vst v63  }
0x5d: {  	s19 =	sadd.s32 s6, s12;
	s26 =	sand.u32 $0x1FFFFFF0, s13;
	s29 =	spop (v2sf)  }
0x5e: {  	(v2sf) =	vpush v1, $0xF;
	[tilespmem:s30], [sflag:$0x9] =	stream.linear.gather [hbm4b:s19+s16], $0x40, $0x38;
	[tilespmem:$0x1EF88] =	vst v63  }
0x5f: {  	s14 =	sadd.s32 $0xFFFFFC00, s24;
	s9 =	spop (v2sf);
	s30 =	sadd.s32 s6, s26  }
0x60: {  	[tilespmem:s5], [sflag:$0x9] =	stream.linear.gather [hbm4b:s30+s16], $0x40, $0x38;
	[tilespmem:$0x1EF88] =	vst v63  }
0x61: {  	s25 =	sadd.s32 $0xFFFFFC80, s24;
	s31 =	sand.u32 $0x1FFFFFF0, s29;
	s13 =	spop (v2sf)  }
0x62: {  	s11 =	sadd.s32 s6, s31;
	s12 =	sand.u32 $0x1FFFFFF0, s9;
	s19 =	sand.u32 $0x1FFFFFF0, s13  }
0x63: {  	[tilespmem:s14], [sflag:$0x9] =	stream.linear.gather [hbm4b:s11+s16], $0x40, $0x38;
	[tilespmem:$0x1EF88] =	vst v63  }
0x64: {  	s26 =	spop (v2sf);
	s14 =	sadd.s32 s6, s12;
	s29 =	sadd.s32 s6, s19  }
0x65: {  	s30 =	sand.u32 $0x1FFFFFF0, s26;
	s31 =	spop (v2sf);
	s19 =	sadd.s32 $0xFFFFFF00, s24  }
0x66: {  	[tilespmem:s25], [sflag:$0x9] =	stream.linear.gather [hbm4b:s14+s16], $0x40, $0x38;
	[tilespmem:$0x1EF88] =	vst v63  }
0x67: {  	s5 =	sadd.s32 s6, s30;
	s7 =	sand.u32 $0x1FFFFFF0, s31;
	s8 =	spop (v2sf)  }
0x68: {  	[tilespmem:s2], [sflag:$0x9] =	stream.linear.gather [hbm4b:s29+s16], $0x40, $0x38;
	[tilespmem:$0x1EF88] =	vst v63  }
0x69: {  	s31 =	sadd.s32 $0xFFFFFF80, s24;
	s10 =	sand.u32 $0x1FFFFFF0, s8;
	s11 =	spop (v2sf)  }
0x6a: {  	[tilespmem:s4], [sflag:$0x9] =	stream.linear.gather [hbm4b:s5+s16], $0x40, $0x38;
	[tilespmem:$0x1EF88] =	vst v63  }
0x6b: {  	s9 =	sadd.s32 s6, s7;
	s12 =	sadd.s32 s6, s10;
	s14 =	spop (v2sf)  }
0x6c: {  	[tilespmem:s3], [sflag:$0x9] =	stream.linear.gather [hbm4b:s9+s16], $0x40, $0x38;
	[tilespmem:$0x1EF88] =	vst v63  }
0x6d: {  	s13 =	sand.u32 $0x1FFFFFF0, s11;
	s26 =	sand.u32 $0x1FFFFFF0, s14;
	s29 =	spop (v2sf)  }
0x6e: {  	[tilespmem:s0], [sflag:$0x9] =	stream.linear.gather [hbm4b:s12+s16], $0x40, $0x38;
	[tilespmem:$0x1EF88] =	vst v63  }
0x6f: {  	s25 =	sadd.s32 s6, s13;
	s30 =	sadd.s32 s6, s26;
	s0 =	sand.u32 $0x1FFFFFF0, s29  }
0x70: {  	[tilespmem:s19], [sflag:$0x9] =	stream.linear.gather [hbm4b:s25+s16], $0x40, $0x38;
	[tilespmem:$0x1EF88] =	vst v63  }
0x71: {  	s26 =	sadd.s32 $0x800, s24;
	s0 =	sadd.s32 s6, s0;
	s25 =	simm.s32 $0x0  }
0x72: {  	[tilespmem:s31], [sflag:$0x9] =	stream.linear.gather [hbm4b:s30+s16], $0x40, $0x38;
	[tilespmem:$0x1EF88] =	vst v63  }
.LBB2_5:
0x73: {  	[tilespmem:s24], [sflag:$0x9] =	stream.linear.gather [hbm4b:s0+s16], $0x40, $0x38;
	[tilespmem:$0x1EF88] =	vst v63  }
0x74: {  	s25 =	sadd.s32 $0x10, s25;
	s24 =	smov.u32 s26  }
0x75: {  	p2 =	slt.u32 s25, $0x130;
	v1 =	vld.msk [tilespmem:s28+$0x0], $0xffff;
	_ =	sdelay $0x4  }
0x76: {  	v1 =	vshll.u32 v1, $0x4  }
0x77: {  	(v2sf) =	vpush v1, $0x0  }
0x78: {  	(v2sf) =	vpush v1, $0x1  }
0x79: {  	(v2sf) =	vpush v1, $0x2;
	_ =	sdelay $0x1  }
0x7a: {  	(v2sf) =	vpush v1, $0x3;
	_ =	sdelay $0x1  }
0x7b: {  	(v2sf) =	vpush v1, $0x4;
	_ =	sdelay $0x1  }
0x7c: {  	(v2sf) =	vpush v1, $0x5;
	_ =	sdelay $0x1  }
0x7d: {  	(v2sf) =	vpush v1, $0x6  }
0x7e: {  	s30 =	sadd.s32 $0xFFFFFE80, s26;
	s29 =	sadd.s32 $0xFFFFFF00, s26  }
0x7f: {  	s4 =	sadd.s32 $0xFFFFFD00, s26;
	s0 =	sadd.s32 $0xFFFFFD80, s26;
	s31 =	sadd.s32 $0xFFFFFE00, s26;
	(v2sf) =	vpush v1, $0x7  }
0x80: {  	s2 =	sadd.s32 $0xFFFFFB80, s26;
	s3 =	sadd.s32 $0xFFFFFC00, s26;
	s5 =	sadd.s32 $0xFFFFFC80, s26  }
0x81: {  	s7 =	sadd.s32 $0xFFFFFA00, s26;
	s8 =	sadd.s32 $0xFFFFFA80, s26;
	s10 =	sadd.s32 $0xFFFFFB00, s26;
	(v2sf) =	vpush v1, $0x8  }
0x82: {  	s11 =	sadd.s32 $0xFFFFF900, s26;
	s13 =	sadd.s32 $0xFFFFF980, s26;
	s14 =	spop (v2sf)  }
0x83: {  	s9 =	sadd.s32 $0xFFFFF880, s26;
	s14 =	sand.u32 $0x1FFFFFF0, s14;
	s19 =	spop (v2sf);
	(v2sf) =	vpush v1, $0x9  }
0x84: {  	s14 =	sadd.s32 s6, s14;
	s19 =	sand.u32 $0x1FFFFFF0, s19;
	s12 =	spop (v2sf)  }
0x85: {  	[tilespmem:s9], [sflag:$0x9] =	stream.linear.gather [hbm4b:s14+s16], $0x40, $0x38;
	(v2sf) =	vpush v1, $0xA;
	[tilespmem:$0x1EF88] =	vst v63  }
0x86: {  	s9 =	sadd.s32 s6, s19;
	s12 =	sand.u32 $0x1FFFFFF0, s12;
	s14 =	spop (v2sf)  }
0x87: {  	[tilespmem:s11], [sflag:$0x9] =	stream.linear.gather [hbm4b:s9+s16], $0x40, $0x38;
	(v2sf) =	vpush v1, $0xB;
	[tilespmem:$0x1EF88] =	vst v63  }
0x88: {  	s9 =	sadd.s32 s6, s12;
	s11 =	sand.u32 $0x1FFFFFF0, s14;
	s12 =	spop (v2sf)  }
0x89: {  	[tilespmem:s13], [sflag:$0x9] =	stream.linear.gather [hbm4b:s9+s16], $0x40, $0x38;
	(v2sf) =	vpush v1, $0xC;
	[tilespmem:$0x1EF88] =	vst v63  }
0x8a: {  	s9 =	sadd.s32 s6, s11;
	s11 =	sand.u32 $0x1FFFFFF0, s12;
	s12 =	spop (v2sf)  }
0x8b: {  	[tilespmem:s7], [sflag:$0x9] =	stream.linear.gather [hbm4b:s9+s16], $0x40, $0x38;
	(v2sf) =	vpush v1, $0xD;
	[tilespmem:$0x1EF88] =	vst v63  }
0x8c: {  	s7 =	sadd.s32 s6, s11;
	s9 =	sand.u32 $0x1FFFFFF0, s12;
	s11 =	spop (v2sf)  }
0x8d: {  	[tilespmem:s8], [sflag:$0x9] =	stream.linear.gather [hbm4b:s7+s16], $0x40, $0x38;
	(v2sf) =	vpush v1, $0xE;
	[tilespmem:$0x1EF88] =	vst v63  }
0x8e: {  	s7 =	sadd.s32 s6, s9;
	s8 =	sand.u32 $0x1FFFFFF0, s11;
	s9 =	spop (v2sf)  }
0x8f: {  	[tilespmem:s10], [sflag:$0x9] =	stream.linear.gather [hbm4b:s7+s16], $0x40, $0x38;
	(v2sf) =	vpush v1, $0xF;
	[tilespmem:$0x1EF88] =	vst v63  }
0x90: {  	s7 =	sadd.s32 s6, s8;
	s8 =	sand.u32 $0x1FFFFFF0, s9;
	s9 =	spop (v2sf)  }
0x91: {  	[tilespmem:s2], [sflag:$0x9] =	stream.linear.gather [hbm4b:s7+s16], $0x40, $0x38;
	[tilespmem:$0x1EF88] =	vst v63  }
0x92: {  	s2 =	sadd.s32 s6, s8;
	s7 =	sand.u32 $0x1FFFFFF0, s9;
	s8 =	spop (v2sf)  }
0x93: {  	[tilespmem:s3], [sflag:$0x9] =	stream.linear.gather [hbm4b:s2+s16], $0x40, $0x38;
	[tilespmem:$0x1EF88] =	vst v63  }
0x94: {  	s2 =	sadd.s32 s6, s7;
	s3 =	sand.u32 $0x1FFFFFF0, s8;
	s7 =	spop (v2sf)  }
0x95: {  	[tilespmem:s5], [sflag:$0x9] =	stream.linear.gather [hbm4b:s2+s16], $0x40, $0x38;
	[tilespmem:$0x1EF88] =	vst v63  }
0x96: {  	s2 =	sadd.s32 s6, s3;
	s3 =	sand.u32 $0x1FFFFFF0, s7;
	s5 =	spop (v2sf)  }
0x97: {  	[tilespmem:s4], [sflag:$0x9] =	stream.linear.gather [hbm4b:s2+s16], $0x40, $0x38;
	[tilespmem:$0x1EF88] =	vst v63  }
0x98: {  	s2 =	sadd.s32 s6, s3;
	s3 =	sand.u32 $0x1FFFFFF0, s5;
	s4 =	spop (v2sf)  }
0x99: {  	[tilespmem:s0], [sflag:$0x9] =	stream.linear.gather [hbm4b:s2+s16], $0x40, $0x38;
	[tilespmem:$0x1EF88] =	vst v63  }
0x9a: {  	s0 =	sadd.s32 s6, s3;
	s2 =	sand.u32 $0x1FFFFFF0, s4;
	s3 =	spop (v2sf)  }
0x9b: {  	[tilespmem:s31], [sflag:$0x9] =	stream.linear.gather [hbm4b:s0+s16], $0x40, $0x38;
	[tilespmem:$0x1EF88] =	vst v63  }
0x9c: {  	s0 =	sadd.s32 s6, s2;
	s2 =	sand.u32 $0x1FFFFFF0, s3;
	s3 =	spop (v2sf)  }
0x9d: {  	[tilespmem:s30], [sflag:$0x9] =	stream.linear.gather [hbm4b:s0+s16], $0x40, $0x38;
	[tilespmem:$0x1EF88] =	vst v63  }
0x9e: {  	s0 =	sadd.s32 s6, s2  }
.Ltmp4:
0x9f: {  	s2 =	sand.u32 $0x1FFFFFF0, s3;
	s3 =	spop (v2sf);
	(pc) =	sbr.rel @p2 .LBB2_5-.Ltmp4, $4  }
0xa0: {  	[tilespmem:s29], [sflag:$0x9] =	stream.linear.gather [hbm4b:s0+s16], $0x40, $0x38;
	[tilespmem:$0x1EF88] =	vst v63  }
0xa1: {  	s0 =	sadd.s32 s6, s2;
	s2 =	sadd.s32 $0xFFFFFF80, s26;
	s3 =	sand.u32 $0x1FFFFFF0, s3  }
0xa2: {  	[tilespmem:s2], [sflag:$0x9] =	stream.linear.gather [hbm4b:s0+s16], $0x40, $0x38;
	[tilespmem:$0x1EF88] =	vst v63  }
0xa3: {  	s28 =	sadd.s32 $0x10, s28;
	s26 =	sadd.s32 $0x800, s26;
	s0 =	sadd.s32 s6, s3  }
0xa4: {  	[tilespmem:s24], [sflag:$0x9] =	stream.linear.gather [hbm4b:s0+s16], $0x40, $0x38;
	[tilespmem:$0x1EF88] =	vst v63  }
0xa5: {  	s9 =	rddreg [dreg:$0x5]  }
0xa6: {  	s10 =	rddreg [dreg:$0x6]  }
0xa7: {  	s11 =	rddreg [dreg:$0x7];
	s12 =	simm.s32 $0xC  }
.LBB2_7:
0xa8: {  	p2 =	slt.u32 s20, $0x2  }
.Ltmp5:
0xa9: {  	_ = 	snop;
	(pc) =	sbr.rel @p2 .LBB2_25-.Ltmp5, $1  }
0xaa: {  	_ =	sdelay $0x3  }
0xab: {  	p2 =	sgt.s32 s23, $0x63EC0;
	s0 =	smov.u32 s23;
	s2 =	sshra.s32 s23, $0x1F  }
0xac: {  	s0 =	simm.s32 @!p2 $0x63EC0;
	s2 =	sand.u32 s2, s23  }
0xad: {  	s0 =	ssub.s32 s0, s2  }
0xae: {  	s0 =	sadd.s32 $0xFFF9C140, s0  }
0xaf: {  	s3 =	simm.s32 $0x9;
	s30 =	sshll.u32 s0, $0x2  }
0xb0: {  	_ =	swait.ge [sflag:s3], $0x5000;
	s2 =	ssub.s32 $0x500, s30  }
0xb1: {  	[sflag:s3] =	ssyncset.done $0x0;
	p2 =	sgt.s32 s0, $0x13F;
	s0 =	sshrl.u32 s2, $0x2  }
0xb2: {  	s31 =	simm.s32 $0xB;
	[sflag:s3] =	ssyncadd.s32 $0xFFFFB000;
	s0 =	simm.s32 @p2 $0x0  }
0xb3: {  	_ =	swait.ge [sflag:s31], s0  }
0xb4: {  	s0 =	ssub.s32 $0x0, s0;
	[sflag:s31] =	ssyncset.done $0x0  }
0xb5: {  	[sflag:s31] =	ssyncadd.s32 s0  }
0xb6: {  	v1 =	vld [tilespmem:$0xA108];
	_ =	sdelay $0x4  }
0xb7: {  	(v2sf) =	vpush v1, $0x0  }
0xb8: {  	(v2sf) =	vpush v1, $0x1  }
0xb9: {  	(v2sf) =	vpush v1, $0x2;
	_ =	sdelay $0x3  }
0xba: {  	s2 =	sadd.s32 $0x140, s23  }
0xbb: {  	s3 =	ssub.s32 $0xC8000, s23;
	p2 =	slt.s32 s10, s2  }
0xbc: {  	s2 =	smov.u32 @p2 s10;
	p2 =	sgt.s32 s3, $0x0  }
0xbd: {  	s24 =	ssub.s32 s2, s23;
	s3 =	simm.s32 @!p2 $0x0  }
0xbe: {  	p2 =	slt.s32 s3, s24  }
0xbf: {  	s24 =	smov.u32 @p2 s3  }
0xc0: {  	s0 =	simm.s32 $0x1;
	p2 =	slt.s32 s24, $0x1  }
.Ltmp6:
0xc1: {  	s0 =	simm.s32 @!p1 $0x0;
	(pc) =	sbr.rel @p2 .LBB2_12-.Ltmp6, $4  }
0xc2: {  	s4 =	smul.u32 $0x500, s0  }
0xc3: {  	s2 =	spop (v2sf)  }
0xc4: {  	s4 =	sshrl.u32 s4, $0x2;
	s3 =	spop (v2sf)  }
0xc5: {  	s25 =	sadd.s32 $0xAD08, s4;
	s23 =	spop (v2sf)  }
0xc6: {  	s4 =	smin.u32 s24, $0x10  }
0xc7: {  	v1 =	vmov s4  }
0xc8: {  	p3 =	sgt.s32 s24, $0x10;
	vm1 =	vgt.u32 v1, v0  }
.Ltmp7:
0xc9: {  	_ = 	snop;
	(pc) =	sbr.rel @!p3 .LBB2_11-.Ltmp7, $2  }
0xca: {  	_ =	sdelay $0x2  }
0xcb: {  	s5 =	simm.s32 $0x10;
	s26 =	sadd.s32 $0xFFFFFFF0, s24;
	s4 =	smov.u32 s25;
	vm0 =	vmmov vm1  }
.LBB2_10:
0xcc: {  	s7 =	smin.u32 s26, $0x10;
	s5 =	sadd.s32 $0x10, s5;
	v1 =	vld.msk [tilespmem:s4+$0x0 ss:$0x1], vm1  }
0xcd: {  	v2 =	vmov s7;
	p3 =	slt.s32 s5, s24  }
0xce: {  	vm1 =	vgt.u32 v2, v0  }
.Ltmp8:
0xcf: {  	(pc) =	sbr.rel @p3 .LBB2_10-.Ltmp8, $3  }
0xd0: {  	_ =	sdelay $0x1  }
0xd1: {  	v1 =	vshll.u32 v1, $0x4  }
0xd2: {  	s26 =	sadd.s32 $0xFFFFFFF0, s26;
	[tilespmem:s4+$0x0] =	vst.msk vm0, v1;
	s4 =	sadd.s32 $0x10, s4;
	vm0 =	vmmov vm1  }
.LBB2_11:
0xd3: {  	_ =	sdelay $0x4  }
0xd4: {  	v1 =	vld.msk [tilespmem:s4+$0x0 ss:$0x1], vm1;
	_ =	sdelay $0x4  }
0xd5: {  	v1 =	vshll.u32 v1, $0x4  }
0xd6: {  	[tilespmem:s4+$0x0] =	vst.msk vm0, v1  }
.LBB2_12:
0xd7: {  	s4 =	sand.u32 $0x1, s20  }
0xd8: {  	s4 =	smul.u32 $0x140, s4  }
0xd9: {  	p3 =	sne.s32 s3, $0xFFFFFFFF  }
0xda: {  	v1 =	vld.msk @!p3 [tilespmem:s4+$0xAD08], $0x1;
	_ =	sdelay $0x4  }
0xdb: {  	(v2sf) =	vpush @!p3 v1, $0x0;
	_ =	sdelay $0xc  }
.Ltmp9:
0xdc: {  	_ = 	snop;
	(pc) =	sbr.rel @p2 .LBB2_23-.Ltmp9, $4  }
0xdd: {  	_ = 	snop  }
0xde: {  	s30 =	spop @!p3 (v2sf)  }
0xdf: {  	s23 =	simm.s32 @!p3 $0x0;
	s26 =	smov.u32 s30  }
0xe0: {  	[sflag:s12] =	ssyncpa.u1 $0x0;
	s30 =	smov.u32 @p3 s2;
	s26 =	smov.u32 @p3 s3  }
0xe1: {  	v1 =	vld.msk [tilespmem:s25+$0x0], $0x1;
	_ =	sdelay $0x4  }
0xe2: {  	(v2sf) =	vpush v1, $0x0;
	_ =	sdelay $0xe  }
0xe3: {  	s0 =	smul.u32 $0x28000, s0;
	s3 =	spop (v2sf)  }
0xe4: {  	p2 =	seq.s32 s30, s3  }
0xe5: {  	s2 =	smov.u32 s30;
	s0 =	sshrl.u32 s0, $0x2;
	p3 =	sgt.s32 @!p2 s30, $0x0  }
0xe6: {  	s28 =	sadd.s32 $0xAFA8, s0;
	s0 =	sadd.s32 $0xFFFFFFFF, s24;
	p3 =	por !p3, p2  }
0xe7: {  	s2 =	simm.s32 @p3 $0x0;
	p3 =	sne.s32 s0, $0x0  }
.Ltmp10:
0xe8: {  	_ = 	snop;
	(pc) =	sbr.rel @!p3 .LBB2_15-.Ltmp10, $4  }
0xe9: {  	_ = 	snop  }
0xea: {  	s29 =	simm.s32 $0x0;
	s4 =	simm.s32 @!p2 $0x1;
	s2 =	smin.u32 @!p2 s2, $0xC34F8  }
0xeb: {  	s5 =	simm.s32 @!p2 $0x50C8;
	s4 =	smov.u32 @p2 s29;
	s7 =	sand.u32 @!p2 $0xFFFF8, s2  }
0xec: {  	s31 =	sand.u32 @!p2 $0x7, s2;
	s2 =	sadd.s32 $0x1, s25;
	s14 =	sadd.s32 @!p2 s1, s7  }
.LBB2_14:
0xed: {  	s7 =	smov.u32 s4  }
0xee: {  	[tilespmem:s5], [sflag:$0x2] =	stream.linear.gather @!p2 [hbm4b:s14+s31], $0x40, $0x38;
	[tilespmem:$0x1EF88] =	vst v63  }
0xef: {  	s0 =	sadd.s32 $0xFFFFFFFF, s0;
	s8 =	smov.u32 s3;
	v1 =	vld.msk [tilespmem:s2+$0x0], $0x1  }
0xf0: {  	p3 =	sne.s32 s0, $0x0;
	_ =	sdelay $0x3  }
0xf1: {  	(v2sf) =	vpush v1, $0x0;
	_ =	sdelay $0xe  }
0xf2: {  	s3 =	spop (v2sf)  }
0xf3: {  	p2 =	seq.s32 s8, s3  }
0xf4: {  	p4 =	sgt.s32 @!p2 s8, $0x0;
	s5 =	sshll.u32 @!p2 s4, $0x8;
	s4 =	sadd.s32 @!p2 $0x1, s4  }
.Ltmp11:
0xf5: {  	p4 =	por !p4, p2;
	s5 =	sshra.s32 @!p2 s5, $0x2;
	(pc) =	sbr.rel @p3 .LBB2_14-.Ltmp11, $4  }
0xf6: {  	s4 =	smov.u32 @p2 s7;
	s8 =	simm.s32 @p4 $0x0;
	s5 =	sadd.s32 @!p2 $0x50C8, s5  }
0xf7: {  	s7 =	smin.u32 @!p2 s8, $0xC34F8  }
0xf8: {  	s8 =	sand.u32 @!p2 $0xFFFF8, s7;
	s31 =	sand.u32 @!p2 $0x7, s7  }
0xf9: {  	s2 =	sadd.s32 $0x1, s2;
	s14 =	sadd.s32 @!p2 s1, s8  }
.LBB2_15:
0xfa: {  	[tilespmem:s5], [sflag:$0x2] =	stream.linear.gather @!p2 [hbm4b:s14+s31], $0x40, $0x38;
	[tilespmem:$0x1EF88] =	vst v63  }
.Ltmp12:
0xfb: {  	s0 =	sshll.u32 s4, $0x6;
	(pc) =	sbr.rel .LBB2_16-.Ltmp12, $4  }
0xfc: {  	s2 =	simm.s32 $0x2;
	s0 =	sand.u32 $0x3FFFFFC0, s0  }
0xfd: {  	_ =	swait.ge [sflag:s2], s0  }
0xfe: {  	s0 =	ssub.s32 $0x0, s0;
	[sflag:s2] =	ssyncset.done $0x0  }
0xff: {  	s4 =	simm.s32 $0x0;
	[sflag:s2] =	ssyncadd.s32 s0  }
.LBB2_17:
0x100: {  	v1 =	vld [tilespmem:s28+$0xFFFFFFE0];
	_ =	sdelay $0x4  }
0x101: {  	[tilespmem:s2+$0x88] =	vst.add.f32.msk $0xffff, v1  }
0x102: {  	v1 =	vld [tilespmem:s28+$0xFFFFFFF0];
	_ =	sdelay $0x4  }
0x103: {  	[tilespmem:s2+$0x98] =	vst.add.f32.msk $0xffff, v1  }
0x104: {  	v1 =	vld [tilespmem:s28+$0x0];
	_ =	sdelay $0x4  }
0x105: {  	[tilespmem:s2+$0xA8] =	vst.add.f32.msk $0xffff, v1  }
0x106: {  	v1 =	vld [tilespmem:s28+$0x10];
	_ =	sdelay $0x4  }
0x107: {  	[tilespmem:s2+$0xB8] =	vst.add.f32.msk $0xffff, v1  }
.LBB2_21:
0x108: {  	s24 =	sadd.s32 $0xFFFFFFFF, s24  }
0x109: {  	p2 =	sne.s32 s24, $0x0  }
.Ltmp13:
0x10a: {  	_ = 	snop;
	(pc) =	sbr.rel @!p2 .LBB2_22-.Ltmp13, $2  }
0x10b: {  	_ =	sdelay $0x2  }
0x10c: {  	s28 =	sadd.s32 $0x80, s28;
	s25 =	sadd.s32 $0x1, s25;
	s30 =	smov.u32 s0  }
.LBB2_16:
0x10d: {  	v1 =	vld.msk [tilespmem:s25+$0x0], $0x1;
	_ =	sdelay $0x4  }
0x10e: {  	(v2sf) =	vpush v1, $0x0;
	_ =	sdelay $0xe  }
0x10f: {  	s0 =	spop (v2sf)  }
0x110: {  	p2 =	sne.s32 s30, s0  }
.Ltmp14:
0x111: {  	_ = 	snop;
	(pc) =	sbr.rel @!p2 .LBB2_17-.Ltmp14, $3  }
0x112: {  	_ =	sdelay $0x1  }
0x113: {  	s2 =	sshll.u32 s23, $0x8  }
0x114: {  	s2 =	sshra.s32 s2, $0x2  }
0x115: {  	p2 =	seq.s32 s30, s26  }
.Ltmp15:
0x116: {  	_ = 	snop;
	(pc) =	sbr.rel @!p2 .LBB2_19-.Ltmp15, $1  }
0x117: {  	_ =	sdelay $0x3  }
.Ltmp16:
0x118: {  	s2 =	sadd.s32 $0x88, s2;
	(pc) =	sbr.rel .LBB2_20-.Ltmp16, $4  }
0x119: {  	[spmem:s15] =	stream.linear.scatter [tilespmem:s2], [sflag:$0x1], $0x40, $0x38;
	[tilespmem:$0x1EF88] =	vst v63  }
0x11a: {  	_ =	swait.ge [sflag:s18], $0x40  }
0x11b: {  	[sflag:s18] =	ssyncset.done $0x0  }
0x11c: {  	[sflag:s18] =	ssyncadd.s32 $0xFFFFFFC0  }
.LBB2_19:
0x11d: {  	s3 =	sshll.u32 s29, $0x8  }
0x11e: {  	s3 =	sshra.s32 s3, $0x2  }
0x11f: {  	v1 =	vld [tilespmem:s3+$0x50C8];
	_ =	sdelay $0x4  }
0x120: {  	[tilespmem:s2+$0x88] =	vst.add.f32.msk $0xffff, v1  }
0x121: {  	v1 =	vld [tilespmem:s3+$0x50D8];
	_ =	sdelay $0x4  }
0x122: {  	[tilespmem:s2+$0x98] =	vst.add.f32.msk $0xffff, v1  }
0x123: {  	v1 =	vld [tilespmem:s3+$0x50E8];
	_ =	sdelay $0x4  }
0x124: {  	[tilespmem:s2+$0xA8] =	vst.add.f32.msk $0xffff, v1  }
0x125: {  	v1 =	vld [tilespmem:s3+$0x50F8];
	_ =	sdelay $0x2  }
0x126: {  	p2 =	sgt.u32 s30, $0xC34F8  }
0x127: {  	s3 =	sand.u32 @!p2 $0xFFFF8, s30  }
0x128: {  	s5 =	sadd.s32 $0x88, s2;
	[tilespmem:s2+$0xB8] =	vst.add.f32.msk $0xffff, v1;
	s2 =	sadd.s32 @!p2 s1, s3;
	s3 =	sand.u32 @!p2 $0x7, s30  }
0x129: {  	[hbm4b:s2+s3] =	stream.linear.scatter @!p2 [tilespmem:s5], [sflag:$0xC], $0x40, $0x38;
	[tilespmem:$0x1EF88] =	vst v63  }
0x12a: {  	s2 =	simm.s32 $0x0  }
0x12b: {  	s2 =	simm.s32 @!p2 $0x100  }
0x12c: {  	s4 =	sadd.s32 s2, s4  }
.LBB2_20:
0x12d: {  	s2 =	sadd.s32 $0x1, s23  }
0x12e: {  	s3 =	smulhi.u32 $0xCCCCCCCD, s2;
	_ =	sdelay $0x1  }
0x12f: {  	v1 =	vld [tilespmem:s28+$0xFFFFFFE0];
	s3 =	sshrl.u32 s3, $0x8  }
0x130: {  	s3 =	smul.u32 $0x140, s3;
	_ =	sdelay $0x1  }
0x131: {  	s23 =	ssub.s32 s2, s3  }
0x132: {  	s2 =	sshll.u32 s23, $0x6  }
0x133: {  	[tilespmem:s2+$0x88] =	vst v1  }
0x134: {  	v1 =	vld [tilespmem:s28+$0xFFFFFFF0];
	_ =	sdelay $0x4  }
0x135: {  	[tilespmem:s2+$0x98] =	vst v1  }
0x136: {  	v1 =	vld [tilespmem:s28+$0x0];
	_ =	sdelay $0x4  }
0x137: {  	[tilespmem:s2+$0xA8] =	vst v1  }
0x138: {  	v1 =	vld [tilespmem:s28+$0x10]  }
.Ltmp17:
0x139: {  	_ = 	snop;
	(pc) =	sbr.rel .LBB2_21-.Ltmp17, $2  }
0x13a: {  	_ =	sdelay $0x2  }
0x13b: {  	s29 =	sadd.s32 $0x1, s29;
	[tilespmem:s2+$0xB8] =	vst v1  }
.LBB2_23:
.Ltmp18:
0x13c: {  	(pc) =	sbr.rel .LBB2_24-.Ltmp18, $4  }
0x13d: {  	_ = 	snop  }
0x13e: {  	s0 =	simm.s32 $0x2  }
0x13f: {  	_ =	swait.ge [sflag:s0], $0x0  }
0x140: {  	s2 =	simm.s32 $0x0;
	[sflag:s0] =	ssyncset.done $0x0;
	s0 =	smov.u32 s30  }
.LBB2_26:
0x141: {  	_ =	sfence.sel $0x180000  }
0x142: {  	s0 =	simm.s32 $0x9;
	[bflag:$0x0] =	sbarrier.arrive $0xFFFF  }
0x143: {  	s24 =	simm.s32 $0xA;
	[sflag:s0] =	ssyncpa.u1 $0x1  }
0x144: {  	s25 =	simm.s32 $0xB;
	[sflag:s24] =	ssyncpa.u1 $0x1  }
0x145: {  	s26 =	simm.s32 $0x2;
	[sflag:s25] =	ssyncpa.u1 $0x1  }
0x146: {  	[sflag:s26] =	ssyncpa.u1 $0x1  }
0x147: {  	v0 =	vld [tilespmem:$0xA108];
	_ =	sdelay $0x4  }
0x148: {  	(v2sf) =	vpush v0, $0x0  }
0x149: {  	(v2sf) =	vpush v0, $0x1;
	_ =	sdelay $0x1  }
0x14a: {  	(v2sf) =	vpush v0, $0x2;
	_ =	sdelay $0xb  }
0x14b: {  	s0 =	spop (v2sf)  }
0x14c: {  	s2 =	spop (v2sf)  }
0x14d: {  	s3 =	smov.u32 s0;
	p0 =	sne.s32 s0, s2  }
0x14e: {  	s4 =	spop (v2sf);
	s3 =	simm.s32 @!p0 $0xFFFFFFFF  }
0x14f: {  	v2 =	vimm.s32 $0x1;
	v3 =	vlaneseq.u32;
	p0 =	seq.s32 s4, $0xFFFFFFFF;
	v1 =	vmov s3  }
0x150: {  	s14 =	stileid.u32;
	v0 =	vperm.xlane v0, v2;
	p1 =	sne.s32 @!p0 s0, s2;
	v1 =	vperm.xlane v1, v3  }
0x151: {  	vm0 =	vcmask $0x3F04;
	s6 =	simm.s32 $0xA108;
	s0 =	simm.s32 @!p0 $0x1;
	p1 =	por !p1, p0  }
0x152: {  	s3 =	sshll.u32 s14, $0x1;
	s2 =	sshll.u32 @!p0 s4, $0x8;
	s0 =	simm.s32 @p1 $0x0;
	v0 =	vsel vm0, v1, v0  }
0x153: {  	s5 =	sor.u32 $0x800, s3;
	s2 =	sshra.s32 @!p0 s2, $0x2;
	s0 =	sor.u32 @!p0 s0, s3;
	[tilespmem:$0xA108] =	vst v0  }
0x154: {  	[spmem:s5] =	stream.linear.scatter [tilespmem:s6], [sflag:$0x1], $0x2, $0x38;
	[tilespmem:$0x1EF88] =	vst v63  }
0x155: {  	s2 =	sadd.s32 @!p0 $0x88, s2;
	s0 =	sshll.u32 @!p0 s0, $0x6  }
0x156: {  	[spmem:s0] =	stream.linear.scatter @!p0 [tilespmem:s2], [sflag:$0x1], $0x40, $0x38;
	[tilespmem:$0x1EF88] =	vst v63  }
0x157: {  	s0 =	simm.s32 @!p0 $0x42  }
0x158: {  	s28 =	simm.s32 $0x1;
	s0 =	simm.s32 @p0 $0x2  }
0x159: {  	_ =	swait.ge [sflag:s28], s0  }
0x15a: {  	s0 =	ssub.s32 $0x0, s0;
	[sflag:s28] =	ssyncset.done $0x0  }
0x15b: {  	p0 =	sne.s32 s14, $0x0;
	[sflag:s28] =	ssyncadd.s32 s0  }
.Ltmp19:
0x15c: {  	_ =	sfence.stream.spmem;
	(pc) =	sbr.rel @p0 .LBB2_43-.Ltmp19, $4  }
0x15d: {  	s29 =	simm.s32 $0x3;
	[bflag:$0x0] =	sbarrier.arrive $0xFFFF  }
0x15e: {  	s30 =	simm.s32 $0x4;
	[sflag:s29] =	ssyncpa.u1 $0x1  }
0x15f: {  	s31 =	simm.s32 $0x3C;
	[sflag:s30] =	ssyncpa.u1 $0x1  }
0x160: {  	s13 =	rddreg [dreg:$0x4];
	[sflag:s31] =	ssyncpa.u1 $0x1  }
0x161: {  	_ =	sfence.stream.spmem;
	s0 =	simm.s32 $0x5  }
0x162: {  	s2 =	simm.s32 $0x800;
	s3 =	simm.s32 $0xA118;
	[sflag:s0] =	ssyncpa.u1 $0x0  }
0x163: {  	[tilespmem:s3], [sflag:$0x5] =	stream.linear.gather [spmem:s2], $0x20, $0x38;
	[tilespmem:$0x1EF88] =	vst v63  }
0x164: {  	s26 =	simm.s32 $0x0;
	s28 =	simm.s32 $0xA138  }
0x165: {  	[tilespmem:s28], [sflag:$0x5] =	stream.linear.gather [spmem:s26], $0x800, $0x38;
	[tilespmem:$0x1EF88] =	vst v63  }
0x166: {  	_ =	swait.ge [sflag:s0], $0x820  }
0x167: {  	[sflag:s0] =	ssyncset.done $0x0  }
0x168: {  	s29 =	simm.s32 $0x0;
	[sflag:s0] =	ssyncadd.s32 $0xFFFFF7E0  }
0x169: {  	v0 =	vld.msk [tilespmem:s29+$0xA118], $0x1;
	_ =	sdelay $0x1  }
0x16a: {  	s30 =	simm.s32 $0x1  }
0x16b: {  	v1 =	vld.msk [tilespmem:s30+$0xA118], $0x1;
	_ =	sdelay $0x1  }
0x16c: {  	(v2sf) =	vpush v0, $0x0;
	_ =	sdelay $0x2  }
0x16d: {  	(v2sf) =	vpush v1, $0x0;
	_ =	sdelay $0x2  }
0x16e: {  	s31 =	simm.s32 $0x2  }
0x16f: {  	v0 =	vld.msk [tilespmem:s31+$0xA118], $0x1;
	_ =	sdelay $0x2  }
0x170: {  	s2 =	simm.s32 $0xFFFFFFFF;
	s3 =	simm.s32 $0xFFFFFFFF;
	s0 =	simm.s32 $0xC  }
.LBB2_28:
0x171: {  	s4 =	smov.u32 s3;
	s5 =	smov.u32 s2  }
0x172: {  	s2 =	sshra.s32 s0, $0x2;
	p1 =	sne.s32 s0, $0x7C;
	s0 =	sadd.s32 $0x4, s0;
	(v2sf) =	vpush v0, $0x0  }
0x173: {  	v0 =	vld.msk [tilespmem:s2+$0xA118], $0x1  }
.Ltmp20:
0x174: {  	(pc) =	sbr.rel @p1 .LBB2_28-.Ltmp20, $4  }
0x175: {  	s3 =	spop (v2sf)  }
0x176: {  	p2 =	sne.s32 s5, $0xFFFFFFFF;
	s2 =	smov.u32 s3  }
0x177: {  	p3 =	seq.s32 s3, $0xFFFFFFFF;
	s2 =	smov.u32 @p2 s5  }
0x178: {  	s3 =	smov.u32 @p3 s4;
	s2 =	smov.u32 @p3 s5  }
0x179: {  	(v2sf) =	vpush v0, $0x0;
	_ =	sdelay $0x8  }
0x17a: {  	s0 =	spop (v2sf)  }
0x17b: {  	p1 =	sne.s32 s2, $0xFFFFFFFF;
	s4 =	smov.u32 s0  }
0x17c: {  	s9 =	simm.s32 $0x6;
	p2 =	seq.s32 s0, $0xFFFFFFFF;
	s4 =	smov.u32 @p1 s2  }
0x17d: {  	s6 =	simm.s32 $0x0;
	s4 =	smov.u32 @p2 s2;
	s2 =	spop (v2sf)  }
0x17e: {  	s0 =	smov.u32 @p2 s3;
	p1 =	sne.s32 s4, $0xFFFFFFFF;
	s5 =	smov.u32 s2  }
.Ltmp21:
0x17f: {  	p2 =	seq.s32 s2, $0xFFFFFFFF;
	s5 =	smov.u32 @p1 s4;
	(pc) =	sbr.rel .LBB2_30-.Ltmp21, $4  }
0x180: {  	s10 =	simm.s32 $0xA0C8;
	s5 =	smov.u32 @p2 s4;
	s7 =	spop (v2sf)  }
0x181: {  	s11 =	simm.s32 $0x0;
	p1 =	sne.s32 s5, $0xFFFFFFFF;
	s8 =	smov.u32 s7  }
0x182: {  	s2 =	smov.u32 @p2 s0;
	p2 =	seq.s32 s7, $0xFFFFFFFF;
	s8 =	smov.u32 @p1 s5  }
0x183: {  	[sflag:s9] =	ssyncpa.u1 $0x0;
	s7 =	smov.u32 @p2 s2;
	s8 =	smov.u32 @p2 s5  }
.LBB2_36:
0x184: {  	p1 =	sgt.u32 s0, $0xC34F8  }
0x185: {  	p2 =	seq.s32 @!p1 s0, s8  }
0x186: {  	p1 =	por p1, p2  }
0x187: {  	p2 =	sne.s32 @!p1 s0, s7  }
0x188: {  	p1 =	por p1, !p2  }
0x189: {  	s0 =	sshll.u32 @p1 s11, $0x8  }
0x18a: {  	s2 =	sand.u32 @!p1 $0xFFFF8, s0  }
0x18b: {  	s0 =	sand.u32 @!p1 $0x7, s0;
	s2 =	sadd.s32 @!p1 s1, s2  }
0x18c: {  	[tilespmem:s10], [sflag:$0x6] =	stream.linear.gather @!p1 [hbm4b:s2+s0], $0x40, $0x38;
	[tilespmem:$0x1EF88] =	vst v63  }
0x18d: {  	_ =	swait.ge @!p1 [sflag:s9], $0x40  }
0x18e: {  	[sflag:s9] =	ssyncset.done @!p1 $0x0  }
0x18f: {  	[sflag:s9] =	ssyncadd.s32 @!p1 $0xFFFFFFC0  }
0x190: {  	v1 =	vld @!p1 [tilespmem:$0xA0C8];
	_ =	sdelay $0x2  }
0x191: {  	s0 =	sshll.u32 @!p1 s11, $0x8  }
0x192: {  	s2 =	sshrl.u32 @!p1 s0, $0x2  }
0x193: {  	[tilespmem:s2+$0xA138] =	vst.add.f32.msk @!p1 $0xffff, v1  }
0x194: {  	v1 =	vld @!p1 [tilespmem:$0xA0D8];
	_ =	sdelay $0x4  }
0x195: {  	[tilespmem:s2+$0xA148] =	vst.add.f32.msk @!p1 $0xffff, v1  }
0x196: {  	v1 =	vld @!p1 [tilespmem:$0xA0E8];
	_ =	sdelay $0x4  }
0x197: {  	[tilespmem:s2+$0xA158] =	vst.add.f32.msk @!p1 $0xffff, v1  }
0x198: {  	v1 =	vld @!p1 [tilespmem:$0xA0F8];
	_ =	sdelay $0x4  }
0x199: {  	[tilespmem:s2+$0xA168] =	vst.add.f32.msk @!p1 $0xffff, v1  }
0x19a: {  	s0 =	sshrl.u32 s0, $0x2;
	[tilespmem:s6+$0xA118] =	vst.msk $0x1, v0  }
0x19b: {  	v0 =	vld [tilespmem:s0+$0xA138];
	_ =	sdelay $0x2  }
0x19c: {  	s31 =	sshll.u32 s6, $0x8  }
0x19d: {  	s2 =	sshra.s32 s31, $0x2  }
0x19e: {  	[tilespmem:s2+$0xA138] =	vst v0  }
0x19f: {  	v0 =	vld [tilespmem:s0+$0xA148];
	_ =	sdelay $0x4  }
0x1a0: {  	[tilespmem:s2+$0xA148] =	vst v0  }
0x1a1: {  	v0 =	vld [tilespmem:s0+$0xA158];
	_ =	sdelay $0x4  }
0x1a2: {  	[tilespmem:s2+$0xA158] =	vst v0  }
0x1a3: {  	v0 =	vld [tilespmem:s0+$0xA168];
	_ =	sdelay $0x4  }
0x1a4: {  	s6 =	sadd.s32 $0x1, s6;
	[tilespmem:s2+$0xA168] =	vst v0  }
.LBB2_37:
0x1a5: {  	s11 =	sadd.s32 $0x1, s11  }
0x1a6: {  	p1 =	sne.s32 s11, $0x20  }
.Ltmp22:
0x1a7: {  	_ = 	snop;
	(pc) =	sbr.rel @!p1 .LBB2_38-.Ltmp22, $1  }
0x1a8: {  	_ =	sdelay $0x3  }
.LBB2_30:
0x1a9: {  	v0 =	vld.msk [tilespmem:s11+$0xA118], $0x1;
	_ =	sdelay $0x4  }
0x1aa: {  	(v2sf) =	vpush v0, $0x0;
	_ =	sdelay $0xe  }
0x1ab: {  	s0 =	spop (v2sf)  }
0x1ac: {  	p1 =	seq.s32 s0, $0xFFFFFFFF  }
.Ltmp23:
0x1ad: {  	_ = 	snop;
	(pc) =	sbr.rel @p1 .LBB2_37-.Ltmp23, $1  }
0x1ae: {  	_ =	sdelay $0x3  }
0x1af: {  	p1 =	slt.s32 s6, $0x1  }
.Ltmp24:
0x1b0: {  	_ = 	snop;
	(pc) =	sbr.rel @p1 .LBB2_36-.Ltmp24, $1  }
0x1b1: {  	_ =	sdelay $0x3  }
0x1b2: {  	s2 =	simm.s32 $0xA118;
	p1 =	por $0x0, $0x0  }
0x1b3: {  	v1 =	vld.msk @!p1 [tilespmem:s2+$0x0], $0x1;
	_ =	sdelay $0x4  }
0x1b4: {  	(v2sf) =	vpush @!p1 v1, $0x0;
	_ =	sdelay $0xd  }
0x1b5: {  	p3 =	sne.s32 s6, $0x1  }
.Ltmp25:
0x1b6: {  	s3 =	spop @!p1 (v2sf);
	(pc) =	sbr.rel @!p3 .LBB2_34-.Ltmp25, $4  }
0x1b7: {  	p2 =	seq.s32 @!p1 s0, s3  }
0x1b8: {  	s3 =	simm.s32 $0x0;
	p2 =	por !p2, p1  }
0x1b9: {  	s5 =	simm.s32 $0xFFFFFFFF;
	s3 =	simm.s32 @p2 $0xFFFFFFFF  }
0x1ba: {  	s4 =	simm.s32 $0x1;
	s3 =	smov.u32 @p1 s5  }
.LBB2_33:
0x1bb: {  	s5 =	smov.u32 s3;
	p1 =	sne.s32 s3, $0xFFFFFFFF  }
0x1bc: {  	s2 =	sadd.s32 $0x1, s2;
	s3 =	smov.u32 s4;
	s4 =	sadd.s32 $0x1, s4  }
0x1bd: {  	p2 =	sne.s32 s6, s4;
	v1 =	vld.msk @!p1 [tilespmem:s2+$0x0], $0x1;
	_ =	sdelay $0x4  }
0x1be: {  	(v2sf) =	vpush @!p1 v1, $0x0;
	_ =	sdelay $0xe  }
.Ltmp26:
0x1bf: {  	s12 =	spop @!p1 (v2sf);
	(pc) =	sbr.rel @p2 .LBB2_33-.Ltmp26, $4  }
0x1c0: {  	p3 =	seq.s32 @!p1 s0, s12  }
0x1c1: {  	p3 =	por !p3, p1  }
0x1c2: {  	s3 =	simm.s32 @p3 $0xFFFFFFFF  }
0x1c3: {  	s3 =	smov.u32 @p1 s5  }
.LBB2_34:
0x1c4: {  	p1 =	seq.s32 s3, $0xFFFFFFFF  }
.Ltmp27:
0x1c5: {  	_ = 	snop;
	(pc) =	sbr.rel @p1 .LBB2_36-.Ltmp27, $1  }
0x1c6: {  	_ =	sdelay $0x3  }
0x1c7: {  	s0 =	sshll.u32 s11, $0x6  }
0x1c8: {  	s0 =	sand.u32 $0x3FFFFFC0, s0  }
0x1c9: {  	v0 =	vld [tilespmem:s0+$0xA138];
	_ =	sdelay $0x2  }
0x1ca: {  	s2 =	sshll.u32 s3, $0x8  }
0x1cb: {  	s2 =	sshra.s32 s2, $0x2  }
0x1cc: {  	[tilespmem:s2+$0xA138] =	vst.add.f32.msk $0xffff, v0  }
0x1cd: {  	v0 =	vld [tilespmem:s0+$0xA148];
	_ =	sdelay $0x4  }
0x1ce: {  	[tilespmem:s2+$0xA148] =	vst.add.f32.msk $0xffff, v0  }
0x1cf: {  	v0 =	vld [tilespmem:s0+$0xA158];
	_ =	sdelay $0x4  }
0x1d0: {  	[tilespmem:s2+$0xA158] =	vst.add.f32.msk $0xffff, v0  }
0x1d1: {  	v0 =	vld [tilespmem:s0+$0xA168]  }
.Ltmp28:
0x1d2: {  	_ = 	snop;
	(pc) =	sbr.rel .LBB2_37-.Ltmp28, $2  }
0x1d3: {  	_ =	sdelay $0x2  }
0x1d4: {  	[tilespmem:s2+$0xA168] =	vst.add.f32.msk $0xffff, v0  }
.LBB2_38:
0x1d5: {  	s0 =	simm.s32 $0x6;
	p1 =	seq.s32 s6, $0x0  }
0x1d6: {  	[sflag:s0] =	ssyncpa.u1 $0x1;
	v0 =	vimm.s32 @p1 $0xFFFFFFFF  }
0x1d7: {  	s0 =	sadd.s32 $0xFFFFFFFF, s6;
	[tilespmem:$0xA938] =	vst @p1 v0  }
0x1d8: {  	v0 =	vld.msk @!p1 [tilespmem:s0+$0xA118], $0x1;
	_ =	sdelay $0x1  }
0x1d9: {  	v1 =	vld.msk @!p1 [tilespmem:$0xA118], $0x1;
	_ =	sdelay $0x2  }
0x1da: {  	p2 =	seq.s32 @!p1 s0, $0x0;
	v0 =	vbroadcast @!p1 v0, $0x0  }
0x1db: {  	vm0 =	vmmov @!p1 $0x1;
	p2 =	por !p2, p1  }
0x1dc: {  	v1 =	vnsel @!p1 vm0, $0xFFFFFFFF, v1;
	vm0 =	vcmask @!p1 $0x308;
	v0 =	vpsel !p2, $0xFFFFFFFF, v0  }
0x1dd: {  	p2 =	sne.s32 @!p1 s8, s7;
	v0 =	vsel @!p1 vm0, v1, v0  }
0x1de: {  	s2 =	simm.s32 @!p1 $0xA138;
	s3 =	simm.s32 @!p1 $0x0;
	p3 =	por !p2, p1;
	[tilespmem:$0xA938] =	vst @!p1 v0  }
0x1df: {  	[spmem:s3] =	stream.linear.scatter @!p1 [tilespmem:s2], [sflag:$0x1], $0x40, $0x38;
	[tilespmem:$0x1EF88] =	vst v63  }
0x1e0: {  	s2 =	sshll.u32 @!p3 s0, $0x8  }
0x1e1: {  	s2 =	sshra.s32 @!p3 s2, $0x2  }
0x1e2: {  	s3 =	simm.s32 @!p3 $0x40;
	s2 =	sadd.s32 @!p3 $0xA138, s2  }
0x1e3: {  	[spmem:s3] =	stream.linear.scatter @!p3 [tilespmem:s2], [sflag:$0x1], $0x40, $0x38;
	[tilespmem:$0x1EF88] =	vst v63  }
0x1e4: {  	s2 =	simm.s32 @!p3 $0x1  }
0x1e5: {  	_ =	swait.ge @!p3 [sflag:s2], $0x80  }
0x1e6: {  	p1 =	por p2, p1;
	[sflag:s2] =	ssyncset.done @!p3 $0x0  }
0x1e7: {  	[sflag:s2] =	ssyncadd.s32 @!p3 $0xFFFFFF80;
	s2 =	simm.s32 @!p1 $0x1  }
0x1e8: {  	_ =	swait.ge @!p1 [sflag:s2], $0x40  }
0x1e9: {  	s29 =	simm.s32 $0xA938;
	[sflag:s2] =	ssyncset.done @!p1 $0x0  }
0x1ea: {  	s30 =	simm.s32 $0x800;
	s31 =	simm.s32 $0x1;
	[sflag:s2] =	ssyncadd.s32 @!p1 $0xFFFFFFC0  }
0x1eb: {  	[spmem:s30] =	stream.linear.scatter [tilespmem:s29], [sflag:$0x1], $0x10, $0x38;
	[tilespmem:$0x1EF88] =	vst v63  }
0x1ec: {  	_ =	swait.ge [sflag:s31], $0x10  }
0x1ed: {  	[sflag:s31] =	ssyncset.done $0x0  }
0x1ee: {  	p1 =	seq.s32 s13, $0x0;
	s9 =	rddreg [dreg:$0x1];
	[sflag:s31] =	ssyncadd.s32 $0xFFFFFFF0  }
0x1ef: {  	s3 =	sshll.u32 @p1 s9, $0xE;
	s8 =	rddreg [dreg:$0x2]  }
0x1f0: {  	s2 =	sadd.s32 @p1 $0x15C3C, s3;
	s3 =	sshll.u32 @p1 s8, $0x11  }
0x1f1: {  	_ =	sfence.stream.spmem;
	s2 =	sor.u32 @p1 s3, s2  }
0x1f2: {  	[sflag:s2] =	ssyncadd.remote.s32 @p1 $0x1;
	s2 =	simm.s32 @p1 $0x4  }
0x1f3: {  	s4 =	simm.s32 @!p1 $0x3C;
	s3 =	sand.u32 $0xFFFFFFFE, s9;
	_ =	swait.ge @p1 [sflag:s2], $0x12  }
0x1f4: {  	s5 =	simm.s32 @!p1 $0x0;
	s3 =	sadd.s32 @!p1 $0x4, s3;
	[sflag:s2] =	ssyncset.done @p1 $0x0  }
0x1f5: {  	s7 =	simm.s32 @!p1 $0x80;
	[sflag:s2] =	ssyncadd.s32 @p1 $0xFFFFFFEE;
	s2 =	sshll.u32 @!p1 s3, $0x1A  }
0x1f6: {  	s3 =	sshll.u32 @!p1 s3, $0xD;
	s2 =	sor.u32 @!p1 s2, s8;
	_ =	swait.eq @!p1 [sflag:s4], $0x1  }
0x1f7: {  	s3 =	sor.u32 @!p1 $0x1C04, s3;
	s4 =	simm.s32 @!p1 $0x1C03;
	s2 =	sor.u32 @!p1 $0x80004000, s2  }
0x1f8: {  	[spmem:s7], [sflag:s3] =	dma.general @!p1 [spmem:s5], [sflag:s4], length:$0x10, [dreg:$0x0], stride_count:$0x0, ici_dest:s2, dma_misc:DstOpCode:WRITE  }
0x1f9: {  	p2 =	slt.s32 s0, $0x2;
	s5 =	simm.s32 @!p1 $0x100;
	s7 =	simm.s32 @!p1 $0x102  }
0x1fa: {  	[spmem:s7], [sflag:s3] =	dma.general @!p1 [spmem:s5], [sflag:s4], length:$0x2, [dreg:$0x0], stride_count:$0x0, ici_dest:s2, dma_misc:DstOpCode:WRITE  }
.Ltmp29:
0x1fb: {  	s2 =	simm.s32 @!p1 $0x3;
	(pc) =	sbr.rel @p2 .LBB2_42-.Ltmp29, $4  }
0x1fc: {  	s3 =	sshll.u32 @!p1 s9, $0xE;
	_ =	swait.ge @!p1 [sflag:s2], $0x12  }
0x1fd: {  	s4 =	sshll.u32 @!p1 s8, $0x11;
	s3 =	sadd.s32 @!p1 $0x11C3C, s3;
	[sflag:s2] =	ssyncset.done @!p1 $0x0  }
0x1fe: {  	[sflag:s2] =	ssyncadd.s32 @!p1 $0xFFFFFFEE;
	s2 =	sor.u32 @!p1 s4, s3  }
0x1ff: {  	s0 =	simm.s32 $0x0;
	[sflag:s2] =	ssyncadd.remote.s32 @!p1 $0xFFFFFFFF  }
0x200: {  	s0 =	simm.s32 $0xA119  }
0x201: {  	v0 =	vld.msk [tilespmem:s0+$0x0], $0x1;
	_ =	sdelay $0x4  }
0x202: {  	(v2sf) =	vpush v0, $0x0;
	_ =	sdelay $0xc  }
0x203: {  	s2 =	sadd.s32 $0xFFFFFFFE, s6  }
0x204: {  	s2 =	sadd.s32 $0xFFFFFFFF, s2  }
0x205: {  	p2 =	sne.s32 s2, $0x0;
	s3 =	spop (v2sf)  }
.Ltmp30:
0x206: {  	p1 =	sgt.u32 s3, $0xC34F8;
	(pc) =	sbr.rel @!p2 .LBB2_41-.Ltmp30, $4  }
0x207: {  	s5 =	simm.s32 $0x0;
	s4 =	sand.u32 @!p1 $0xFFFF8, s3  }
0x208: {  	s0 =	simm.s32 $0xA178;
	s3 =	sand.u32 @!p1 $0x7, s3;
	s4 =	sadd.s32 @!p1 s1, s4  }
0x209: {  	[hbm4b:s4+s3] =	stream.linear.scatter @!p1 [tilespmem:s0], [sflag:$0x5], $0x40, $0x38;
	[tilespmem:$0x1EF88] =	vst v63  }
0x20a: {  	s5 =	simm.s32 @!p1 $0x100;
	s3 =	simm.s32 $0x0;
	s4 =	simm.s32 $0xA11A  }
.LBB2_40:
0x20b: {  	v0 =	vld.msk [tilespmem:s4+$0x0], $0x1;
	s2 =	sadd.s32 $0xFFFFFFFF, s2;
	s3 =	sadd.s32 s3, s5  }
0x20c: {  	p1 =	sne.s32 s2, $0x0;
	_ =	sdelay $0x3  }
0x20d: {  	(v2sf) =	vpush v0, $0x0;
	_ =	sdelay $0xe  }
.Ltmp31:
0x20e: {  	s6 =	spop (v2sf);
	(pc) =	sbr.rel @p1 .LBB2_40-.Ltmp31, $4  }
0x20f: {  	s5 =	simm.s32 $0x0;
	p2 =	sgt.u32 s6, $0xC34F8  }
0x210: {  	s0 =	sadd.s32 $0x40, s0;
	s5 =	simm.s32 @!p2 $0x100;
	s7 =	sand.u32 @!p2 $0xFFFF8, s6  }
0x211: {  	s4 =	sadd.s32 $0x1, s4;
	s6 =	sand.u32 @!p2 $0x7, s6;
	s7 =	sadd.s32 @!p2 s1, s7  }
0x212: {  	[hbm4b:s7+s6] =	stream.linear.scatter @!p2 [tilespmem:s0], [sflag:$0x5], $0x40, $0x38;
	[tilespmem:$0x1EF88] =	vst v63  }
.LBB2_41:
0x213: {  	s0 =	sadd.s32 s3, s5  }
0x214: {  	s0 =	sshrl.u32 s0, $0x2  }
.LBB2_42:
0x215: {  	s2 =	simm.s32 $0x5  }
0x216: {  	_ =	swait.ge [sflag:s2], s0  }
0x217: {  	s31 =	ssub.s32 $0x0, s0;
	[sflag:s2] =	ssyncset.done $0x0  }
0x218: {  	[sflag:s2] =	ssyncadd.s32 s31  }
0x219: {  	[sflag:s2] =	ssyncpa.u1 $0x1  }
.LBB2_43:
0x21a: {  	s0 =	sor.u32 s13, s14  }
0x21b: {  	p1 =	sne.s32 s0, $0x0  }
.Ltmp32:
0x21c: {  	_ = 	snop;
	(pc) =	sbr.rel @p1 .LBB2_58-.Ltmp32, $3  }
0x21d: {  	_ =	sdelay $0x1  }
0x21e: {  	[bflag:$0x0] =	sbarrier.arrive $0xFFFF  }
0x21f: {  	_ =	sfence  }
0x220: {  	s0 =	simm.s32 $0x7  }
0x221: {  	s2 =	simm.s32 $0x800;
	s3 =	simm.s32 $0xA118;
	[sflag:s0] =	ssyncpa.u1 $0x0  }
0x222: {  	[tilespmem:s3], [sflag:$0x7] =	stream.linear.gather [spmem:s2], $0x20, $0x38;
	[tilespmem:$0x1EF88] =	vst v63  }
0x223: {  	s30 =	simm.s32 $0xA138;
	s2 =	simm.s32 $0x0  }
0x224: {  	[tilespmem:s30], [sflag:$0x7] =	stream.linear.gather [spmem:s2], $0x800, $0x38;
	[tilespmem:$0x1EF88] =	vst v63  }
.Ltmp33:
0x225: {  	_ = 	snop;
	(pc) =	sbr.rel .LBB2_45-.Ltmp33, $4  }
0x226: {  	_ =	swait.ge [sflag:s0], $0x820  }
0x227: {  	[sflag:s0] =	ssyncset.done $0x0  }
0x228: {  	s31 =	simm.s32 $0x8;
	[sflag:s0] =	ssyncadd.s32 $0xFFFFF7E0  }
0x229: {  	s3 =	simm.s32 $0x0;
	[sflag:s31] =	ssyncpa.u1 $0x0  }
.LBB2_51:
0x22a: {  	p1 =	slt.u32 s0, $0xC34F9  }
0x22b: {  	s4 =	sand.u32 @p1 $0xFFFF8, s0  }
0x22c: {  	s0 =	sand.u32 @p1 $0x7, s0;
	s5 =	simm.s32 @p1 $0xA0C8;
	s4 =	sadd.s32 @p1 s1, s4  }
0x22d: {  	[tilespmem:s5], [sflag:$0x8] =	stream.linear.gather @p1 [hbm4b:s4+s0], $0x40, $0x38;
	[tilespmem:$0x1EF88] =	vst v63  }
0x22e: {  	s0 =	simm.s32 @p1 $0x8  }
0x22f: {  	_ =	swait.ge @p1 [sflag:s0], $0x40  }
0x230: {  	[sflag:s0] =	ssyncset.done @p1 $0x0  }
0x231: {  	[sflag:s0] =	ssyncadd.s32 @p1 $0xFFFFFFC0  }
0x232: {  	v1 =	vld @p1 [tilespmem:$0xA0C8];
	_ =	sdelay $0x2  }
0x233: {  	s0 =	sshll.u32 @p1 s3, $0x8  }
0x234: {  	s4 =	sshrl.u32 @p1 s0, $0x2  }
0x235: {  	[tilespmem:s4+$0xA138] =	vst.add.f32.msk @p1 $0xffff, v1  }
0x236: {  	v1 =	vld @p1 [tilespmem:$0xA0D8];
	_ =	sdelay $0x4  }
0x237: {  	[tilespmem:s4+$0xA148] =	vst.add.f32.msk @p1 $0xffff, v1  }
0x238: {  	v1 =	vld @p1 [tilespmem:$0xA0E8];
	_ =	sdelay $0x4  }
0x239: {  	[tilespmem:s4+$0xA158] =	vst.add.f32.msk @p1 $0xffff, v1  }
0x23a: {  	v1 =	vld @p1 [tilespmem:$0xA0F8];
	_ =	sdelay $0x3  }
0x23b: {  	s5 =	sshll.u32 @!p1 s3, $0x8  }
0x23c: {  	s5 =	smov.u32 @p1 s0;
	[tilespmem:s4+$0xA168] =	vst.add.f32.msk @p1 $0xffff, v1  }
0x23d: {  	s0 =	sshrl.u32 s5, $0x2;
	[tilespmem:s2+$0xA118] =	vst.msk $0x1, v0  }
0x23e: {  	v0 =	vld [tilespmem:s0+$0xA138];
	_ =	sdelay $0x2  }
0x23f: {  	s31 =	sshll.u32 s2, $0x8  }
0x240: {  	s4 =	sshra.s32 s31, $0x2  }
0x241: {  	[tilespmem:s4+$0xA138] =	vst v0  }
0x242: {  	v0 =	vld [tilespmem:s0+$0xA148];
	_ =	sdelay $0x4  }
0x243: {  	[tilespmem:s4+$0xA148] =	vst v0  }
0x244: {  	v0 =	vld [tilespmem:s0+$0xA158];
	_ =	sdelay $0x4  }
0x245: {  	[tilespmem:s4+$0xA158] =	vst v0  }
0x246: {  	v0 =	vld [tilespmem:s0+$0xA168];
	_ =	sdelay $0x4  }
0x247: {  	s2 =	sadd.s32 $0x1, s2;
	[tilespmem:s4+$0xA168] =	vst v0  }
.LBB2_52:
0x248: {  	s3 =	sadd.s32 $0x1, s3  }
0x249: {  	p1 =	sne.s32 s3, $0x20  }
.Ltmp34:
0x24a: {  	_ = 	snop;
	(pc) =	sbr.rel @!p1 .LBB2_53-.Ltmp34, $1  }
0x24b: {  	_ =	sdelay $0x3  }
.LBB2_45:
0x24c: {  	v0 =	vld.msk [tilespmem:s3+$0xA118], $0x1;
	_ =	sdelay $0x4  }
0x24d: {  	(v2sf) =	vpush v0, $0x0;
	_ =	sdelay $0xe  }
0x24e: {  	s0 =	spop (v2sf)  }
0x24f: {  	p1 =	seq.s32 s0, $0xFFFFFFFF  }
.Ltmp35:
0x250: {  	_ = 	snop;
	(pc) =	sbr.rel @p1 .LBB2_52-.Ltmp35, $1  }
0x251: {  	_ =	sdelay $0x3  }
0x252: {  	p1 =	slt.s32 s2, $0x1  }
.Ltmp36:
0x253: {  	_ = 	snop;
	(pc) =	sbr.rel @p1 .LBB2_51-.Ltmp36, $1  }
0x254: {  	_ =	sdelay $0x3  }
0x255: {  	s4 =	simm.s32 $0xA118;
	p1 =	por $0x0, $0x0  }
0x256: {  	v1 =	vld.msk @!p1 [tilespmem:s4+$0x0], $0x1;
	_ =	sdelay $0x4  }
0x257: {  	(v2sf) =	vpush @!p1 v1, $0x0;
	_ =	sdelay $0xd  }
0x258: {  	p3 =	sne.s32 s2, $0x1  }
.Ltmp37:
0x259: {  	s5 =	spop @!p1 (v2sf);
	(pc) =	sbr.rel @!p3 .LBB2_49-.Ltmp37, $4  }
0x25a: {  	p2 =	seq.s32 @!p1 s0, s5  }
0x25b: {  	s5 =	simm.s32 $0x0;
	p2 =	por !p2, p1  }
0x25c: {  	s7 =	simm.s32 $0xFFFFFFFF;
	s5 =	simm.s32 @p2 $0xFFFFFFFF  }
0x25d: {  	s6 =	simm.s32 $0x1;
	s5 =	smov.u32 @p1 s7  }
.LBB2_48:
0x25e: {  	s7 =	smov.u32 s5;
	p1 =	sne.s32 s5, $0xFFFFFFFF  }
0x25f: {  	s4 =	sadd.s32 $0x1, s4;
	s5 =	smov.u32 s6;
	s6 =	sadd.s32 $0x1, s6  }
0x260: {  	p2 =	sne.s32 s2, s6;
	v1 =	vld.msk @!p1 [tilespmem:s4+$0x0], $0x1;
	_ =	sdelay $0x4  }
0x261: {  	(v2sf) =	vpush @!p1 v1, $0x0;
	_ =	sdelay $0xe  }
.Ltmp38:
0x262: {  	s8 =	spop @!p1 (v2sf);
	(pc) =	sbr.rel @p2 .LBB2_48-.Ltmp38, $4  }
0x263: {  	p3 =	seq.s32 @!p1 s0, s8  }
0x264: {  	p3 =	por !p3, p1  }
0x265: {  	s5 =	simm.s32 @p3 $0xFFFFFFFF  }
0x266: {  	s5 =	smov.u32 @p1 s7  }
.LBB2_49:
0x267: {  	p1 =	seq.s32 s5, $0xFFFFFFFF  }
.Ltmp39:
0x268: {  	_ = 	snop;
	(pc) =	sbr.rel @p1 .LBB2_51-.Ltmp39, $1  }
0x269: {  	_ =	sdelay $0x3  }
0x26a: {  	s0 =	sshll.u32 s3, $0x6  }
0x26b: {  	s0 =	sand.u32 $0x3FFFFFC0, s0  }
0x26c: {  	v0 =	vld [tilespmem:s0+$0xA138];
	_ =	sdelay $0x2  }
0x26d: {  	s4 =	sshll.u32 s5, $0x8  }
0x26e: {  	s4 =	sshra.s32 s4, $0x2  }
0x26f: {  	[tilespmem:s4+$0xA138] =	vst.add.f32.msk $0xffff, v0  }
0x270: {  	v0 =	vld [tilespmem:s0+$0xA148];
	_ =	sdelay $0x4  }
0x271: {  	[tilespmem:s4+$0xA148] =	vst.add.f32.msk $0xffff, v0  }
0x272: {  	v0 =	vld [tilespmem:s0+$0xA158];
	_ =	sdelay $0x4  }
0x273: {  	[tilespmem:s4+$0xA158] =	vst.add.f32.msk $0xffff, v0  }
0x274: {  	v0 =	vld [tilespmem:s0+$0xA168]  }
.Ltmp40:
0x275: {  	_ = 	snop;
	(pc) =	sbr.rel .LBB2_52-.Ltmp40, $2  }
0x276: {  	_ =	sdelay $0x2  }
0x277: {  	[tilespmem:s4+$0xA168] =	vst.add.f32.msk $0xffff, v0  }
.LBB2_53:
0x278: {  	p1 =	slt.s32 s2, $0x1  }
.Ltmp41:
0x279: {  	_ = 	snop;
	(pc) =	sbr.rel @p1 .LBB2_57-.Ltmp41, $3  }
0x27a: {  	_ =	sdelay $0x1  }
0x27b: {  	s0 =	simm.s32 $0x8  }
0x27c: {  	[sflag:s0] =	ssyncpa.u1 $0x1;
	s0 =	simm.s32 $0x0  }
0x27d: {  	s3 =	simm.s32 $0xA118  }
0x27e: {  	v0 =	vld.msk [tilespmem:s3+$0x0], $0x1;
	_ =	sdelay $0x4  }
0x27f: {  	(v2sf) =	vpush v0, $0x0;
	_ =	sdelay $0xe  }
0x280: {  	s2 =	sadd.s32 $0xFFFFFFFF, s2;
	s4 =	spop (v2sf)  }
0x281: {  	p2 =	sne.s32 s2, $0x0;
	p1 =	sgt.u32 s4, $0xC34F8  }
.Ltmp42:
0x282: {  	s5 =	sand.u32 @!p1 $0xFFFF8, s4;
	(pc) =	sbr.rel @!p2 .LBB2_56-.Ltmp42, $4  }
0x283: {  	s3 =	simm.s32 $0xA138;
	s4 =	sand.u32 @!p1 $0x7, s4;
	s5 =	sadd.s32 @!p1 s1, s5  }
0x284: {  	[hbm4b:s5+s4] =	stream.linear.scatter @!p1 [tilespmem:s3], [sflag:$0x7], $0x40, $0x38;
	[tilespmem:$0x1EF88] =	vst v63  }
0x285: {  	s5 =	simm.s32 $0x0  }
0x286: {  	s4 =	simm.s32 $0xA119;
	s5 =	simm.s32 @!p1 $0x100  }
.LBB2_55:
0x287: {  	v0 =	vld.msk [tilespmem:s4+$0x0], $0x1;
	s2 =	sadd.s32 $0xFFFFFFFF, s2;
	s0 =	sadd.s32 s0, s5  }
0x288: {  	p1 =	sne.s32 s2, $0x0;
	_ =	sdelay $0x3  }
0x289: {  	(v2sf) =	vpush v0, $0x0;
	_ =	sdelay $0xe  }
.Ltmp43:
0x28a: {  	s6 =	spop (v2sf);
	(pc) =	sbr.rel @p1 .LBB2_55-.Ltmp43, $4  }
0x28b: {  	s5 =	simm.s32 $0x0;
	p2 =	sgt.u32 s6, $0xC34F8  }
0x28c: {  	s3 =	sadd.s32 $0x40, s3;
	s5 =	simm.s32 @!p2 $0x100;
	s7 =	sand.u32 @!p2 $0xFFFF8, s6  }
0x28d: {  	s4 =	sadd.s32 $0x1, s4;
	s6 =	sand.u32 @!p2 $0x7, s6;
	s7 =	sadd.s32 @!p2 s1, s7  }
0x28e: {  	[hbm4b:s7+s6] =	stream.linear.scatter @!p2 [tilespmem:s3], [sflag:$0x7], $0x40, $0x38;
	[tilespmem:$0x1EF88] =	vst v63  }
.LBB2_56:
0x28f: {  	s0 =	sadd.s32 s0, s5  }
0x290: {  	s0 =	sshrl.u32 s0, $0x2  }
.LBB2_57:
0x291: {  	s1 =	simm.s32 $0x7  }
0x292: {  	_ =	swait.ge [sflag:s1], s0  }
0x293: {  	s31 =	ssub.s32 $0x0, s0;
	[sflag:s1] =	ssyncset.done $0x0  }
0x294: {  	[sflag:s1] =	ssyncadd.s32 s31  }
0x295: {  	[sflag:s1] =	ssyncpa.u1 $0x1  }
.LBB2_58:
0x296: {  	_ =	sfence;
	s0 =	simm.s32 $0x1  }
0x297: {  	[sflag:s0] =	ssyncpa.u1 $0x1  }
0x298: {  	_ =	strace $0x90000053  }
0x299: {  	[bflag:$0x2] =	sbarrier.arrive $0xFFFF  }
0x29a: {  	s0 =	rddreg [dreg:$0x3]  }
0x29b: {  	s0 =	sadd.s32 @!p0 $0x100000, s0  }
0x29c: {  	[sflag:s0] =	ssyncadd.tile.s32 @!p0 $0x1;
	_ =	shalt  }
.Lfunc_end2:
_tile_overlayer_lowered:
.L_overlay_start_2:
0x29d: {  	(tag) =	ssettag $0x2  }
0x29e: {  	s0 =	rddreg [dreg:$0x0];
	s2 =	stileid.u32  }
0x29f: {  	s1 =	rddreg [dreg:$0x1];
	p0 =	sne.s32 s2, $0x0  }
0x2a0: {  	s3 =	rddreg [dreg:$0x2];
	[bflag:$0x3] =	sbarrier.arrive $0xFFFF;
	s2 =	simm.s32 @!p0 $0x1C01  }
0x2a1: {  	[timem:s3], [sflag:s2] =	dma.local @!p0 [hbm:s0], s1  }
0x2a2: {  	s0 =	simm.s32 @!p0 $0x1  }
0x2a3: {  	_ =	swait.ge @!p0 [sflag:s0], s1  }
0x2a4: {  	s1 =	ssub.s32 @!p0 $0x0, s1;
	[sflag:s0] =	ssyncset.done @!p0 $0x0  }
0x2a5: {  	[sflag:s0] =	ssyncadd.s32 @!p0 s1  }
0x2a6: {  	[bflag:$0x3] =	sbarrier.arrive $0xFFFF  }
0x2a7: {  	_ =	shalt  }

// kernel: scatter_offload_async_start
scs
__scs_entry_jumppad:
0x0: {  	(pc) =	sbr.rel $0x88, $3  }
0x1: {  	(tag) =	ssettag $0x0;
	lr =	simm.s32 $0x1  }
0x2: {  	[smem:$0x3F5A] =	sst lr;
	_ =	strace $0xD0000000  }
0x3: {  	_ = 	snop  }
0x4: {  	_ = 	snop  }
0x5: {  	_ = 	snop  }
0x6: {  	_ = 	snop  }
0x7: {  	_ = 	snop  }
__scs_overlays_trampoline_lowered:
0x8: {  	[smem:$0x3F69] =	sst s0  }
0x9: {  	[smem:$0x3F6A] =	sst s1  }
0xa: {  	[smem:$0x3F6B] =	sst s2  }
0xb: {  	[smem:$0x3F6C] =	sst s3  }
0xc: {  	[smem:$0x3F6D] =	sst s4  }
0xd: {  	[smem:$0x3F6E] =	sst s5  }
0xe: {  	[smem:$0x3F6F] =	sst s6  }
0xf: {  	[smem:$0x3F70] =	sst s7  }
0x10: {  	[smem:$0x3F71] =	sst s8  }
0x11: {  	[smem:$0x3F72] =	sst s9;
	s0 =	simm.s32 @!p0 $0x0  }
0x12: {  	s1 =	sld [smem:$0x3F58];
	s0 =	simm.s32 @p0 $0x1  }
0x13: {  	[smem:$0x3F73] =	sst s0;
	s0 =	simm.s32 @!p1 $0x0  }
0x14: {  	s2 =	sld [smem:$0x3F57];
	s0 =	simm.s32 @p1 $0x1  }
0x15: {  	[smem:$0x3F74] =	sst s0;
	s0 =	simm.s32 @!p2 $0x0  }
0x16: {  	s3 =	sld [smem:$0x3FDB];
	s0 =	simm.s32 @p2 $0x1  }
0x17: {  	s4 =	simm.s32 $0x1BF5;
	[smem:$0x3F76] =	sst s0  }
0x18: {  	s0 =	sld [smem:$0x3F59];
	_ =	swait.ge [sflag:s4], $0x0  }
0x19: {  	s7 =	sld [smem:$0x3F5A]  }
0x1a: {  	s8 =	sadd.s32 $0xFFFFE003, lr  }
0x1b: {  	s9 =	sadd.s32 $0xFFFFFEF7, lr;
	s5 =	simm.s32 $0xFFFFFFFF;
	p2 =	slt.u32 s8, $0xFFFFF086  }
0x1c: {  	p1 =	slt.u32 s9, $0xF7A;
	s5 =	simm.s32 @!p2 $0x0  }
0x1d: {  	s5 =	simm.s32 @p1 $0x1;
	p0 =	seq.s32 s7, s2  }
0x1e: {  	s7 =	smul.u32 @!p0 $0xF7A, s2;
	p2 =	seq.s32 @!p0 s5, $0x0  }
0x1f: {  	s9 =	smul.u32 $0xF7A, s1;
	s8 =	simm.s32 @!p0 $0x1BF5;
	p2 =	por !p2, p0  }
0x20: {  	[sflag:s8] =	ssyncset.s32 @!p0 $0xFFFFF086;
	s6 =	sadd.s32 @!p0 s3, s7;
	s7 =	simm.s32 @!p0 $0x108  }
0x21: {  	s3 =	sadd.s32 s3, s9;
	s6 =	sadd.s32 @!p0 $0x88, s6;
	s7 =	simm.s32 @p2 $0x1082  }
0x22: {  	[simem:s7], [sflag:s8] =	dma.local @!p0 [hbm:s6], $0xF7A  }
0x23: {  	s9 =	sor.u32 $0xD0000000, s2;
	s6 =	simm.s32 $0x108;
	_ =	swait.ge @!p0 [sflag:s8], $0x0  }
0x24: {  	s3 =	sadd.s32 $0x88, s3;
	s6 =	simm.s32 @!p1 $0x1082;
	[sflag:s4] =	ssyncset.s32 $0xFFFFF086  }
0x25: {  	[simem:s6], [sflag:s4] =	dma.local [hbm:s3], $0xF7A  }
0x26: {  	[smem:$0x3F5A] =	sst s1;
	(tag) =	ssettag s2;
	_ =	strace s9  }
0x27: {  	s1 =	sld [smem:$0x3F6A]  }
0x28: {  	s2 =	sld [smem:$0x3F6B]  }
0x29: {  	s4 =	sld [smem:$0x3F6D]  }
0x2a: {  	p0 =	seq.s32 s5, $0x0;
	s5 =	sld [smem:$0x3F6E]  }
0x2b: {  	s6 =	sld [smem:$0x3F6F]  }
0x2c: {  	s7 =	sld [smem:$0x3F70]  }
0x2d: {  	s3 =	simm.s32 $0x108;
	s8 =	sld [smem:$0x3F71]  }
0x2e: {  	s3 =	simm.s32 @!p0 $0x1082;
	s9 =	sld [smem:$0x3F72]  }
0x2f: {  	lr =	sadd.s32 s0, s3;
	s0 =	sld [smem:$0x3F69]  }
0x30: {  	s3 =	sld [smem:$0x3F6C]  }
0x31: {  	[smem:$0x3F75] =	sst s10  }
0x32: {  	s10 =	sld [smem:$0x3F73];
	_ =	sdelay $0x3  }
0x33: {  	p0 =	seq.s32 s10, $0x1;
	s10 =	sld [smem:$0x3F75];
	_ =	sdelay $0x3  }
0x34: {  	[smem:$0x3F75] =	sst s10  }
0x35: {  	s10 =	sld [smem:$0x3F74];
	_ =	sdelay $0x3  }
0x36: {  	p1 =	seq.s32 s10, $0x1;
	s10 =	sld [smem:$0x3F75];
	_ =	sdelay $0x3  }
0x37: {  	[smem:$0x3F75] =	sst s10  }
0x38: {  	s10 =	sld [smem:$0x3F76]  }
0x39: {  	_ = 	snop;
	(pc) =	sbr.ind lr, $3  }
0x3a: {  	_ = 	snop  }
0x3b: {  	_ = 	snop  }
0x3c: {  	p2 =	seq.s32 s10, $0x1;
	s10 =	sld [smem:$0x3F75]  }
0x3d: {  	_ =	shalt  }
0x3e: {  	_ =	shalt  }
0x3f: {  	_ =	shalt  }
0x40: {  	_ =	shalt  }
0x41: {  	_ =	shalt  }
0x42: {  	_ =	shalt  }
0x43: {  	_ =	shalt  }
0x44: {  	_ =	shalt  }
0x45: {  	_ =	shalt  }
0x46: {  	_ =	shalt  }
0x47: {  	_ =	shalt  }
0x48: {  	_ =	shalt  }
0x49: {  	_ =	shalt  }
0x4a: {  	_ =	shalt  }
0x4b: {  	_ =	shalt  }
0x4c: {  	_ =	shalt  }
0x4d: {  	_ =	shalt  }
0x4e: {  	_ =	shalt  }
0x4f: {  	_ =	shalt  }
0x50: {  	_ =	shalt  }
0x51: {  	_ =	shalt  }
0x52: {  	_ =	shalt  }
0x53: {  	_ =	shalt  }
0x54: {  	_ =	shalt  }
0x55: {  	_ =	shalt  }
0x56: {  	_ =	shalt  }
0x57: {  	_ =	shalt  }
0x58: {  	_ =	shalt  }
0x59: {  	_ =	shalt  }
0x5a: {  	_ =	shalt  }
0x5b: {  	_ =	shalt  }
0x5c: {  	_ =	shalt  }
0x5d: {  	_ =	shalt  }
0x5e: {  	_ =	shalt  }
0x5f: {  	_ =	shalt  }
0x60: {  	_ =	shalt  }
0x61: {  	_ =	shalt  }
0x62: {  	_ =	shalt  }
0x63: {  	_ =	shalt  }
0x64: {  	_ =	shalt  }
0x65: {  	_ =	shalt  }
0x66: {  	_ =	shalt  }
0x67: {  	_ =	shalt  }
0x68: {  	_ =	shalt  }
0x69: {  	_ =	shalt  }
0x6a: {  	_ =	shalt  }
0x6b: {  	_ =	shalt  }
0x6c: {  	_ =	shalt  }
0x6d: {  	_ =	shalt  }
0x6e: {  	_ =	shalt  }
0x6f: {  	_ =	shalt  }
0x70: {  	_ =	shalt  }
0x71: {  	_ =	shalt  }
0x72: {  	_ =	shalt  }
0x73: {  	_ =	shalt  }
0x74: {  	_ =	shalt  }
0x75: {  	_ =	shalt  }
0x76: {  	_ =	shalt  }
0x77: {  	_ =	shalt  }
0x78: {  	_ =	shalt  }
0x79: {  	_ =	shalt  }
0x7a: {  	_ =	shalt  }
0x7b: {  	_ =	shalt  }
0x7c: {  	_ =	shalt  }
0x7d: {  	_ =	shalt  }
0x7e: {  	_ =	shalt  }
0x7f: {  	_ =	shalt  }
0x80: {  	_ =	shalt  }
0x81: {  	_ =	shalt  }
0x82: {  	_ =	shalt  }
0x83: {  	_ =	shalt  }
0x84: {  	_ =	shalt  }
0x85: {  	_ =	shalt  }
0x86: {  	_ =	shalt  }
0x87: {  	_ =	shalt  }
.Lfunc_end0:
.L_simem_size_0:
called_computation_lowered:
.L_overlay_start_0:
0x88: {  	s2 =	sld [smem:$0x3FD9]  }
0x89: {  	s3 =	sld [smem:$0x3FFE];
	_ =	sdelay $0x1  }
0x8a: {  	s1 =	srdreg.scid  }
0x8b: {  	s0 =	sand.u32 $0x1, s1  }
0x8c: {  	s15 =	sshll.u32 s0, $0xA;
	s2 =	sadd.s32 s3, s2  }
0x8d: {  	s2 =	sadd.s32 s2, s15  }
0x8e: {  	[smem:$0x3F81] =	sst s2  }
0x8f: {  	_ = 	snop  }
0x90: {  	(tm) =	ssettm $0x1  }
0x91: {  	s16 =	sld [smem:$0x3FFB];
	_ =	sdelay $0x3  }
0x92: {  	_ =	strace s16  }
0x93: {  	s2 =	sld [smem:$0x3FFC];
	_ =	sdelay $0x3  }
0x94: {  	_ =	strace s2  }
0x95: {  	s2 =	sld [smem:$0x3FFD];
	_ =	sdelay $0x3  }
0x96: {  	_ =	strace s2  }
0x97: {  	_ =	strace $0x8FFFFFFF  }
0x98: {  	s17 =	sld [smem:$0x3FDB];
	_ =	sdelay $0x1  }
0x99: {  	s18 =	simm.s32 $_scs_section_size  }
0x9a: {  	s4 =	simm.s32 $_size__tile_overlayer_lowered;
	s5 =	simm.s32 $_tile_overlayer_lowered  }
0x9b: {  	s6 =	simm.s32 $0x1BFF;
	s19 =	sshll.u32 s5, $0x1;
	s3 =	sadd.s32 s18, s17  }
0x9c: {  	s20 =	simm.s32 $0x0;
	s4 =	sshll.u32 s4, $0x1;
	s5 =	sadd.s32 s19, s3  }
0x9d: {  	[timem:s20], [sflag:s6] =	dma.local [hbm:s5], s4  }
0x9e: {  	_ =	swait.ge [sflag:s6], s4  }
0x9f: {  	s4 =	ssub.s32 $0x0, s4;
	[sflag:s6] =	ssyncset.done $0x0  }
0xa0: {  	[sflag:s6] =	ssyncadd.s32 s4;
	_ =	sdelay $0x1  }
0xa1: {  	s21 =	simm.s32 $0x1B8B  }
0xa2: {  	_ =	swait.ge [sflag:s21], $0x1  }
0xa3: {  	[sflag:s21] =	ssyncset.done $0x0  }
0xa4: {  	s22 =	sld [smem:$0x3FFE];
	[sflag:s21] =	ssyncadd.s32 $0xFFFFFFFF  }
0xa5: {  	s24 =	simm.s32 $0x1B8E;
	s23 =	sld [smem:$0x0]  }
0xa6: {  	s25 =	simm.s32 $execute0_lowered;
	[smem:$0x3FD2] =	sst s24  }
0xa7: {  	s6 =	sshll.u32 s25, $0x1;
	_ =	strace $0x80000049;
	[dreg:$0x1] =	wrdreg $0xFFFFFFFF  }
0xa8: {  	s7 =	simm.s32 $_size_execute0_lowered;
	s6 =	sadd.s32 s3, s6;
	[dreg:$0x0] =	wrdreg $0x0  }
0xa9: {  	s7 =	sshll.u32 s7, $0x1;
	[dreg:$0x2] =	wrdreg s6  }
0xaa: {  	[dreg:$0x3] =	wrdreg s7  }
0xab: {  	[dreg:$0x4] =	wrdreg $0xC0  }
0xac: {  	s26 =	simm.s32 $execute1_lowered;
	_ =	task [dreg:s20], $0x5FFFF  }
0xad: {  	s6 =	sshll.u32 s26, $0x1;
	[dreg:$0x1] =	wrdreg $0xFFFFFFFF  }
0xae: {  	s3 =	sadd.s32 s3, s6;
	[dreg:$0x0] =	wrdreg $0x60  }
0xaf: {  	[dreg:$0x2] =	wrdreg s3  }
0xb0: {  	[dreg:$0x3] =	wrdreg s22  }
0xb1: {  	[dreg:$0x4] =	wrdreg $0x9  }
0xb2: {  	_ =	task.clear_ibuf [dreg:s20], $0x5FFFF;
	_ =	strace $0x90000049  }
0xb3: {  	s28 =	simm.s32 $0x9;
	_ =	strace $0x8000004B  }
0xb4: {  	_ =	swait.ge [sflag:s28], $0x1  }
0xb5: {  	[sflag:s28] =	ssyncadd.s32 $0xFFFFFFFF  }
0xb6: {  	_ =	strace $0x9000004B  }
0xb7: {  	s3 =	sld [smem:$0x0]  }
0xb8: {  	s6 =	sand.u32 $0xFFFFFFFE, s1  }
0xb9: {  	p0 =	sne.s32 s1, s6  }
0xba: {  	s6 =	sshll.u32 @p0 s6, $0xE  }
0xbb: {  	s6 =	sadd.s32 @p0 $0x11BF3, s6;
	s7 =	sshll.u32 @p0 s3, $0x11  }
0xbc: {  	s6 =	sor.u32 @p0 s7, s6  }
0xbd: {  	[sflag:s6] =	ssyncadd.remote.s32 @p0 $0x1;
	_ =	sdelay $0x1  }
0xbe: {  	s6 =	simm.s32 @p0 $0x1BF3  }
0xbf: {  	_ =	swait.eq @p0 [sflag:s6], $0x1  }
0xc0: {  	[sflag:s6] =	ssyncadd.s32 @p0 $0xFFFFFFFF  }
0xc1: {  	s7 =	sshll.u32 @!p0 s1, $0xE  }
0xc2: {  	s7 =	sor.u32 @!p0 $0x4000, s7;
	s6 =	simm.s32 @!p0 $0x1BF3  }
0xc3: {  	s3 =	sshll.u32 @!p0 s3, $0x11;
	s7 =	sadd.s32 @!p0 $0x11BF3, s7;
	_ =	swait.eq @!p0 [sflag:s6], $0x1  }
0xc4: {  	s3 =	sor.u32 @!p0 s3, s7;
	[sflag:s6] =	ssyncadd.s32 @!p0 $0xFFFFFFFF  }
0xc5: {  	[sflag:s3] =	ssyncadd.remote.s32 @!p0 $0x1  }
0xc6: {  	_ =	strace $0x8000004C;
	[dreg:$0x1] =	wrdreg $0xFFFFFFFF  }
0xc7: {  	[dreg:$0x0] =	wrdreg $0x2030  }
0xc8: {  	[dreg:$0x2] =	wrdreg s22  }
0xc9: {  	[dreg:$0x3] =	wrdreg s1  }
0xca: {  	[dreg:$0x4] =	wrdreg s23  }
0xcb: {  	[dreg:$0x5] =	wrdreg $0xA  }
0xcc: {  	_ =	task.clear_ibuf [dreg:s20], $0x6FFFF;
	_ =	strace $0x9000004C  }
0xcd: {  	s29 =	simm.s32 $0xA;
	_ =	strace $0x8000004E  }
0xce: {  	_ =	swait.ge [sflag:s29], $0x1  }
0xcf: {  	[sflag:s29] =	ssyncadd.s32 $0xFFFFFFFF  }
0xd0: {  	_ =	strace $0x9000004E  }
0xd1: {  	_ =	sfence  }
0xd2: {  	s30 =	sld [smem:$0x0];
	_ =	sdelay $0x2  }
0xd3: {  	s31 =	sshll.u32 s1, $0xD;
	s1 =	sshrl.u32 s1, $0x2  }
0xd4: {  	s4 =	sand.u32 $0x4000, s31;
	s1 =	sadd.s32 s1, s30  }
0xd5: {  	s0 =	sor.u32 s4, s0;
	s1 =	sshll.u32 s1, $0x11  }
0xd6: {  	s0 =	sor.u32 s1, s0  }
0xd7: {  	s0 =	sadd.s32 $0x8F2B, s0  }
0xd8: {  	[sflag:s0] =	ssyncadd.remote.s32 $0x1  }
0xd9: {  	_ =	sfence.sel $0xFFFF  }
0xda: {  	[dreg:$0x0] =	wrdreg $0xFFFFFFFF;
	(pc) =	sbr.abs _section_cstart, $3  }
0xdb: {  	[dreg:$0x1] =	wrdreg $0xFFFFFFFF  }
0xdc: {  	_ =	task.clear_ibuf [dreg:s20], $0x2FFFF;
	_ =	strace $0x9FFFFFFF  }
0xdd: {  	(tm) =	ssettm $0x7FFFFFFF  }
tec
execute0_lowered:
.L_overlay_start_1:
0x0: {  	(tag) =	ssettag $0x1  }
0x1: {  	s2 =	rddreg [dreg:$0x0]  }
0x2: {  	s5 =	rddreg [dreg:$0x1]  }
0x3: {  	s0 =	rddreg [dreg:$0x2];
	s3 =	stileid.u32;
	[bflag:$0x3] =	sbarrier.arrive $0xFFFF  }
0x4: {  	s1 =	simm.s32 $_size_execute1_lowered;
	s29 =	srdreg.scid;
	s31 =	simm.s32 $0x2  }
0x5: {  	s13 =	simm.s32 $0x0;
	s8 =	simm.s32 $0x40;
	p0 =	sne.s32 s3, $0x0  }
0x6: {  	s1 =	sshll.u32 s1, $0x1;
	s4 =	simm.s32 @!p0 $0x1C3F;
	s6 =	simm.s32 @!p0 $0x4060  }
0x7: {  	[timem:s6], [sflag:s4] =	dma.local @!p0 [hbm:s2], s1  }
0x8: {  	s9 =	simm.s32 $0x80;
	s11 =	simm.s32 $0x0;
	s2 =	sshll.u32 s29, $0x8  }
.Ltmp0:
0x9: {  	s3 =	sshll.u32 s3, $0x9;
	s30 =	sand.u32 $0x100, s2;
	(pc) =	sbr.rel .LBB2_1-.Ltmp0, $4  }
0xa: {  	s12 =	simm.s32 $0x0;
	s4 =	simm.s32 $0x1;
	s3 =	sor.u32 s3, s30  }
0xb: {  	_ =	strace $0x8000004A;
	s2 =	sadd.s32 $0x56E00, s5;
	s7 =	ssub.s32 $0xC300, s3  }
0xc: {  	s5 =	sadd.s32 $0x1DDA00, s5;
	[sflag:s4] =	ssyncpa.u1 $0x0;
	s6 =	sshrl.u32 s7, $0xD  }
0xd: {  	[sflag:s31] =	ssyncpa.u1 $0x0;
	s10 =	smov.u32 s3;
	s7 =	sadd.s32 $0x2, s6  }
.LBB2_5:
0xe: {  	_ =	sdelay $0x3  }
0xf: {  	[tilespmem:v3+s18+$0x0 ss:$0x1] =	vst.idx.msk $0xffff, v1  }
0x10: {  	[tilespmem:v3+s17+$0x0 ss:$0x1] =	vst.idx.msk $0xffff, v2  }
0x11: {  	[tilespmem:v3+s16+$0x0 ss:$0x1] =	vst.idx.msk $0xffff, v4  }
0x12: {  	[tilespmem:v3+s19+$0x0 ss:$0x1] =	vst.idx.msk $0xffff, v5  }
.LBB2_6:
0x13: {  	s16 =	sand.u32 $0x1FFFFFF, s11  }
0x14: {  	s17 =	smulhi.u32 $0x14F8B59, s16;
	_ =	sdelay $0x1  }
0x15: {  	s17 =	sshrl.u32 s17, $0x8  }
0x16: {  	s17 =	smul.u32 $0xC350, s17;
	_ =	sdelay $0x1  }
0x17: {  	s16 =	ssub.s32 s16, s17  }
0x18: {  	s16 =	sshll.u32 s16, $0x4  }
0x19: {  	s16 =	sadd.s32 s5, s16  }
0x1a: {  	[hbm4b:s16+s8] =	stream.strided.scatter [tilespmem:s15], [sflag:$0x2], s14, s9, s8, $0x38;
	[tilespmem:$0x10000] =	vst v63  }
.LBB2_7:
0x1b: {  	p1 =	slt.u32 s12, $0x2  }
0x1c: {  	p2 =	sgt.s32 @!p1 s13, $0xC250  }
0x1d: {  	s14 =	smov.u32 s13;
	s15 =	sshra.s32 @!p1 s13, $0x1F;
	p2 =	por !p2, p1  }
0x1e: {  	s13 =	sand.u32 @!p1 s15, s13;
	s14 =	simm.s32 @p2 $0xC250  }
0x1f: {  	s13 =	ssub.s32 @!p1 s14, s13  }
0x20: {  	s13 =	sadd.s32 @!p1 $0xFFFF3DB0, s13  }
0x21: {  	s14 =	sshll.u32 @!p1 s13, $0x8  }
0x22: {  	p2 =	sgt.s32 @!p1 s13, $0xFF;
	s13 =	ssub.s32 @!p1 $0x10000, s14  }
0x23: {  	s15 =	sadd.s32 $0x2000, s10;
	p2 =	por !p2, p1;
	s13 =	sshrl.u32 @!p1 s13, $0x2  }
0x24: {  	s13 =	simm.s32 @!p2 $0x0;
	p2 =	sgt.s32 s15, $0xC34F  }
0x25: {  	s15 =	smov.u32 @p2 s3;
	p2 =	sne.s32 s12, s7  }
.Ltmp1:
0x26: {  	_ = 	snop;
	(pc) =	sbr.rel @!p2 .LBB2_8-.Ltmp1, $4  }
0x27: {  	s14 =	simm.s32 @!p1 $0x2  }
0x28: {  	_ =	swait.ge @!p1 [sflag:s14], s13;
	s16 =	ssub.s32 @!p1 $0x0, s13  }
0x29: {  	s13 =	smov.u32 s11;
	s12 =	sadd.s32 $0x1, s12;
	[sflag:s14] =	ssyncset.done @!p1 $0x0  }
0x2a: {  	s11 =	smov.u32 s10;
	s10 =	smov.u32 s15;
	[sflag:s14] =	ssyncadd.s32 @!p1 s16  }
.LBB2_1:
0x2b: {  	p1 =	sgt.u32 s12, s6  }
0x2c: {  	s15 =	smov.u32 s10;
	p2 =	sgt.s32 @!p1 s10, $0xC250  }
0x2d: {  	s14 =	sand.u32 @!p1 $0x1FFFFFF, s10;
	s16 =	sshra.s32 @!p1 s10, $0x1F;
	p2 =	por !p2, p1  }
0x2e: {  	s17 =	smulhi.u32 @!p1 $0x14F8B59, s14;
	s16 =	sand.u32 @!p1 s16, s10;
	s15 =	simm.s32 @p2 $0xC250  }
0x2f: {  	s15 =	ssub.s32 @!p1 s15, s16  }
0x30: {  	s16 =	sshrl.u32 @!p1 s17, $0x8;
	s15 =	sadd.s32 @!p1 $0xFFFF3DB0, s15  }
0x31: {  	s17 =	sxor.u32 @!p1 $0xFFFFFFFF, s12;
	s16 =	smul.u32 @!p1 $0xC350, s16;
	s18 =	sshll.u32 @!p1 s15, $0x8  }
0x32: {  	s17 =	sshll.u32 @!p1 s17, $0xE;
	p2 =	sgt.s32 @!p1 s15, $0xFF;
	s15 =	ssub.s32 @!p1 $0x10000, s18  }
0x33: {  	s14 =	ssub.s32 @!p1 s14, s16;
	p2 =	por !p2, p1;
	s16 =	sand.u32 @!p1 $0x4000, s17  }
0x34: {  	s17 =	simm.s32 @!p1 $0x40;
	s15 =	sshrl.u32 @!p1 s15, $0x2;
	s14 =	sshll.u32 @!p1 s14, $0x4  }
0x35: {  	s18 =	simm.s32 @!p1 $0x80;
	s15 =	simm.s32 @!p2 $0x0;
	s14 =	sadd.s32 @!p1 s2, s14  }
0x36: {  	[tilespmem:s16], [sflag:$0x1] =	stream.strided.gather @!p1 [hbm4b:s14+s17], s15, s18, s17, $0x38;
	[tilespmem:$0x10000] =	vst v63  }
0x37: {  	p1 =	seq.s32 s12, $0x0  }
0x38: {  	p2 =	sge.u32 @!p1 s12, s7  }
0x39: {  	p1 =	por p1, p2  }
.Ltmp2:
0x3a: {  	_ = 	snop;
	(pc) =	sbr.rel @p1 .LBB2_7-.Ltmp2, $1  }
0x3b: {  	_ =	sdelay $0x3  }
0x3c: {  	p1 =	sgt.s32 s11, $0xC250;
	s14 =	smov.u32 s11;
	s15 =	sshra.s32 s11, $0x1F  }
0x3d: {  	s14 =	simm.s32 @!p1 $0xC250;
	s15 =	sand.u32 s15, s11  }
0x3e: {  	s14 =	ssub.s32 s14, s15  }
0x3f: {  	s14 =	sadd.s32 $0xFFFF3DB0, s14  }
0x40: {  	s31 =	sshll.u32 s14, $0x8  }
0x41: {  	s15 =	ssub.s32 $0x10000, s31  }
0x42: {  	p1 =	sgt.s32 s14, $0xFF;
	s14 =	sshrl.u32 s15, $0x2;
	s15 =	sadd.s32 $0x100, s11  }
0x43: {  	s14 =	simm.s32 @p1 $0x0;
	p1 =	slt.s32 s15, $0xC350  }
0x44: {  	s15 =	simm.s32 @!p1 $0xC350  }
0x45: {  	s20 =	ssub.s32 s15, s11  }
0x46: {  	p1 =	slt.s32 s20, $0x1  }
.Ltmp3:
0x47: {  	_ = 	snop;
	(pc) =	sbr.rel @p1 .LBB2_6-.Ltmp3, $4  }
0x48: {  	_ = 	snop  }
0x49: {  	s16 =	sshll.u32 s12, $0xE;
	_ =	swait.ge [sflag:s4], s14  }
0x4a: {  	s16 =	sand.u32 $0x4000, s16;
	s17 =	ssub.s32 $0x0, s14;
	[sflag:s4] =	ssyncset.done $0x0  }
0x4b: {  	s15 =	sor.u32 $0x8000, s16;
	[sflag:s4] =	ssyncadd.s32 s17  }
0x4c: {  	v0 =	vmov s16;
	_ =	sdelay $0x2  }
0x4d: {  	s31 =	simm.s32 $0x0;
	p1 =	sne.s32 s20, $0x1  }
.Ltmp4:
0x4e: {  	s18 =	sand.u32 $0x3FC0, s31;
	(pc) =	sbr.rel @!p1 .LBB2_5-.Ltmp4, $4  }
0x4f: {  	s17 =	sor.u32 $0x30, s18;
	v1 =	vld.idx.msk [tilespmem:v0+s18+$0x0 ss:$0x1], $0xffff  }
0x50: {  	v3 =	vmov s15;
	s16 =	sor.u32 $0x10, s18;
	v2 =	vld.idx.msk [tilespmem:v0+s17+$0x0 ss:$0x1], $0xffff  }
0x51: {  	s19 =	sor.u32 $0x20, s18;
	v4 =	vld.idx.msk [tilespmem:v0+s16+$0x0 ss:$0x1], $0xffff  }
0x52: {  	s20 =	sadd.s32 $0xFFFFFFFF, s20;
	s21 =	simm.s32 $0x40;
	v5 =	vld.idx.msk [tilespmem:v0+s19+$0x0 ss:$0x1], $0xffff  }
.LBB2_4:
0x53: {  	s22 =	sand.u32 $0x3FC0, s21  }
0x54: {  	p1 =	sne.s32 s20, $0x1;
	s20 =	sadd.s32 $0xFFFFFFFF, s20;
	s23 =	sor.u32 $0x10, s22  }
.Ltmp5:
0x55: {  	s24 =	sor.u32 $0x20, s22;
	s25 =	sor.u32 $0x30, s22;
	[tilespmem:v3+s18+$0x0 ss:$0x1] =	vst.idx.msk $0xffff, v1;
	v1 =	vld.idx.msk [tilespmem:v0+s22+$0x0 ss:$0x1], $0xffff;
	(pc) =	sbr.rel @p1 .LBB2_4-.Ltmp5, $4  }
0x56: {  	s18 =	smov.u32 s22;
	[tilespmem:v3+s17+$0x0 ss:$0x1] =	vst.idx.msk $0xffff, v2;
	v2 =	vld.idx.msk [tilespmem:v0+s25+$0x0 ss:$0x1], $0xffff;
	s17 =	smov.u32 s25  }
0x57: {  	[tilespmem:v3+s16+$0x0 ss:$0x1] =	vst.idx.msk $0xffff, v4;
	v4 =	vld.idx.msk [tilespmem:v0+s23+$0x0 ss:$0x1], $0xffff;
	s16 =	smov.u32 s23  }
0x58: {  	[tilespmem:v3+s19+$0x0 ss:$0x1] =	vst.idx.msk $0xffff, v5;
	v5 =	vld.idx.msk [tilespmem:v0+s24+$0x0 ss:$0x1], $0xffff;
	s19 =	smov.u32 s24  }
0x59: {  	s21 =	sadd.s32 $0x40, s21  }
.Ltmp6:
0x5a: {  	_ = 	snop;
	(pc) =	sbr.rel .LBB2_5-.Ltmp6, $1  }
0x5b: {  	_ =	sdelay $0x3  }
.LBB2_8:
0x5c: {  	_ =	sfence.sel $0x180000  }
0x5d: {  	s2 =	simm.s32 $0x1;
	[bflag:$0x0] =	sbarrier.arrive $0xFFFF  }
0x5e: {  	s31 =	simm.s32 $0x2;
	[sflag:s2] =	ssyncpa.u1 $0x1  }
0x5f: {  	[sflag:s31] =	ssyncpa.u1 $0x1  }
0x60: {  	_ =	strace $0x9000004A  }
0x61: {  	s0 =	sadd.s32 @!p0 $0x100000, s0;
	[bflag:$0x2] =	sbarrier.arrive $0xFFFF  }
0x62: {  	[sflag:s0] =	ssyncadd.tile.s32 @!p0 $0x1;
	s0 =	simm.s32 @!p0 $0x3F  }
0x63: {  	_ =	swait.ge @!p0 [sflag:s0], s1  }
0x64: {  	s1 =	ssub.s32 @!p0 $0x0, s1;
	[sflag:s0] =	ssyncset.done @!p0 $0x0  }
0x65: {  	[sflag:s0] =	ssyncadd.s32 @!p0 s1  }
0x66: {  	[bflag:$0x3] =	sbarrier.arrive $0xFFFF  }
0x67: {  	_ =	shalt  }
.Lfunc_end2:
execute1_lowered:
.L_overlay_start_2:
0x68: {  	(tag) =	ssettag $0x2  }
0x69: {  	s2 =	rddreg [dreg:$0x0]  }
0x6a: {  	s4 =	rddreg [dreg:$0x1];
	_ =	strace $0x8000004D;
	s0 =	simm.s32 $0x1  }
0x6b: {  	s3 =	simm.s32 $0x88;
	v0 =	vimm.s32 $0x0;
	[sflag:s0] =	ssyncpa.u1 $0x0  }
0x6c: {  	s1 =	sadd.s32 $0x1DDA00, s2;
	[tilespmem:s3+$0x30] =	vst v0  }
0x6d: {  	s0 =	sadd.s32 $0xBE00, s2;
	s6 =	sadd.s32 $0x1AF7E00, s2;
	[tilespmem:s3+$0x20] =	vst v0  }
0x6e: {  	s2 =	sadd.s32 $0x1ADEE00, s2;
	s5 =	sand.u32 $0x1, s4;
	s4 =	simm.s32 $0x40;
	[tilespmem:s3+$0x10] =	vst v0  }
.LBB3_1:
0x6f: {  	s4 =	sadd.s32 $0x40, s4  }
0x70: {  	[tilespmem:s3+$0x0] =	vst v0;
	s3 =	sadd.s32 $0x40, s3;
	p0 =	slt.u32 s4, $0x5040  }
.Ltmp7:
0x71: {  	(pc) =	sbr.rel @p0 .LBB3_1-.Ltmp7, $4  }
0x72: {  	_ = 	snop  }
0x73: {  	[tilespmem:s3+$0x30] =	vst v0  }
0x74: {  	[tilespmem:s3+$0x20] =	vst v0  }
0x75: {  	[tilespmem:s3+$0x10] =	vst v0  }
0x76: {  	s28 =	simm.s32 $0x2  }
0x77: {  	s4 =	stileid.u32;
	s29 =	simm.s32 $0x9;
	s30 =	simm.s32 $0xA  }
0x78: {  	s7 =	simm.s32 $0xB;
	[dreg:$0x4] =	wrdreg s5;
	s31 =	smul.u32 $0xC800, s5  }
0x79: {  	s16 =	simm.s32 $0x0;
	p0 =	por $0x1, $0x1;
	s17 =	simm.s32 $0xFF  }
0x7a: {  	p1 =	por $0x0, $0x0;
	s18 =	simm.s32 $0x1;
	s12 =	simm.s32 $0xC  }
0x7b: {  	s23 =	simm.s32 $0x0;
	s21 =	simm.s32 $0x0;
	s9 =	smul.u32 $0x6400, s4  }
.Ltmp8:
0x7c: {  	s20 =	simm.s32 $0x0;
	s0 =	sadd.s32 s31, s0;
	(pc) =	sbr.rel .LBB3_3-.Ltmp8, $4  }
0x7d: {  	[tilespmem:s3+$0x0] =	vst v0;
	v0 =	vimm.s32 $0xFFFFFFFF;
	[sflag:s28] =	ssyncpa.u1 $0x0;
	s15 =	sshll.u32 s4, $0x7;
	[dreg:$0x8] =	wrdreg s0  }
0x7e: {  	[tilespmem:$0xA108] =	vst v0;
	[sflag:s29] =	ssyncpa.u1 $0x0;
	s11 =	sadd.s32 s31, s2;
	[dreg:$0x5] =	wrdreg s9  }
0x7f: {  	[sflag:s30] =	ssyncpa.u1 $0x0;
	s10 =	sadd.s32 $0x6400, s9;
	[dreg:$0x7] =	wrdreg s11  }
0x80: {  	v0 =	vlaneseq.u32;
	s22 =	smov.u32 s9;
	[sflag:s7] =	ssyncpa.u1 $0x0;
	[dreg:$0x6] =	wrdreg s10  }
.LBB3_22:
0x81: {  	s2 =	sshrl.u32 s4, $0x2  }
.LBB3_24:
0x82: {  	_ =	swait.ge [sflag:s12], s2  }
0x83: {  	s31 =	ssub.s32 $0x0, s2;
	v1 =	vmov s26;
	vm0 =	veq.s32 v0, $0x0;
	[sflag:s12] =	ssyncset.done $0x0  }
0x84: {  	vm15 =	veq.s32 v0, $0x2;
	v1 =	vsel vm0, s0, v1;
	[sflag:s12] =	ssyncadd.s32 s31  }
0x85: {  	v1 =	vsel vm15, s23, v1;
	[sflag:s12] =	ssyncpa.u1 $0x1  }
0x86: {  	[tilespmem:$0xA108] =	vst v1  }
.LBB3_25:
0x87: {  	s0 =	sadd.s32 $0x140, s22  }
0x88: {  	s2 =	smov.u32 s9;
	s20 =	sadd.s32 $0x1, s20;
	p2 =	slt.s32 s0, s10  }
0x89: {  	s2 =	smov.u32 @p2 s0;
	p2 =	sne.s32 s20, $0x52  }
.Ltmp9:
0x8a: {  	_ = 	snop;
	(pc) =	sbr.rel @!p2 .LBB3_26-.Ltmp9, $3  }
0x8b: {  	_ =	sdelay $0x1  }
0x8c: {  	s23 =	smov.u32 s21;
	s21 =	smov.u32 s22;
	p0 =	por !p0, !p0  }
0x8d: {  	s17 =	sadd.s32 $0x1, s17;
	p1 =	por !p1, !p1;
	s22 =	smov.u32 s2  }
.LBB3_3:
0x8e: {  	p2 =	sgt.u32 s20, $0x4F  }
0x8f: {  	s0 =	smul.u32 @!p2 $0xAB, s20;
	_ =	sdelay $0x1  }
0x90: {  	s0 =	sshrl.u32 @!p2 s0, $0x9  }
0x91: {  	s2 =	smov.u32 s22;
	p3 =	sgt.s32 @!p2 s22, $0x63EC0;
	s0 =	sand.u32 @!p2 $0x7F, s0  }
0x92: {  	s3 =	sshra.s32 @!p2 s22, $0x1F;
	p3 =	por !p3, p2;
	s0 =	smul.u32 @!p2 $0x3, s0  }
0x93: {  	s3 =	sand.u32 @!p2 s3, s22;
	s2 =	simm.s32 @p3 $0x63EC0  }
0x94: {  	s2 =	ssub.s32 @!p2 s2, s3;
	s0 =	ssub.s32 @!p2 s20, s0  }
0x95: {  	s2 =	sadd.s32 @!p2 $0xFFF9C140, s2;
	s0 =	sand.u32 @!p2 $0xFF, s0  }
0x96: {  	s3 =	sshll.u32 @!p2 s2, $0x2;
	p3 =	sgt.s32 @!p2 s2, $0x13F;
	s0 =	smul.u32 @!p2 $0x500, s0  }
0x97: {  	s4 =	sand.u32 @!p2 $0x7, s22;
	s2 =	ssub.s32 @!p2 $0x500, s3;
	p3 =	por !p3, p2  }
0x98: {  	s3 =	sshrl.u32 @!p2 s22, $0x3;
	s2 =	sshrl.u32 @!p2 s2, $0x2;
	s0 =	sshrl.u32 @!p2 s0, $0x2  }
0x99: {  	s3 =	sadd.s32 @!p2 s3, s11;
	s2 =	simm.s32 @!p3 $0x0;
	s0 =	sadd.s32 @!p2 $0xA948, s0  }
0x9a: {  	[tilespmem:s0], [sflag:$0xA] =	stream.linear.gather @!p2 [hbm4b:s3+s4], s2, $0x38;
	[tilespmem:$0x1EF88] =	vst v63  }
0x9b: {  	s0 =	sadd.s32 $0xFFFFFFFF, s20  }
0x9c: {  	p2 =	sgt.u32 s0, $0x4F  }
.Ltmp10:
0x9d: {  	_ = 	snop;
	(pc) =	sbr.rel @p2 .LBB3_7-.Ltmp10, $1  }
0x9e: {  	_ =	sdelay $0x3  }
0x9f: {  	p2 =	sgt.s32 s21, $0x63EC0;
	s2 =	smov.u32 s21;
	s3 =	sshra.s32 s21, $0x1F  }
0xa0: {  	s4 =	sand.u32 $0xFF, s17;
	s2 =	simm.s32 @!p2 $0x63EC0;
	s3 =	sand.u32 s3, s21  }
0xa1: {  	s31 =	smulhi.u32 $0x55555556, s4;
	s2 =	ssub.s32 s2, s3  }
0xa2: {  	s0 =	sand.u32 $0x1, s0;
	s4 =	smul.u32 $0x500, s4;
	s2 =	sadd.s32 $0xFFF9C140, s2  }
0xa3: {  	s7 =	simm.s32 $0xA;
	s0 =	smul.u32 $0x500, s0;
	s5 =	sshll.u32 s2, $0x2  }
0xa4: {  	s9 =	sshrl.u32 s21, $0x3;
	s3 =	smul.u32 $0xF00, s31;
	s5 =	ssub.s32 $0x500, s5  }
0xa5: {  	s11 =	sand.u32 $0x7, s21;
	p2 =	sgt.s32 s2, $0x13F;
	s2 =	sshrl.u32 s5, $0x2  }
0xa6: {  	s0 =	sshrl.u32 s0, $0x2;
	s3 =	ssub.s32 s4, s3;
	s2 =	simm.s32 @p2 $0x0  }
0xa7: {  	s0 =	sadd.s32 $0xAD08, s0;
	s3 =	sshra.s32 s3, $0x2;
	_ =	swait.ge [sflag:s7], s2  }
0xa8: {  	s8 =	ssub.s32 $0x0, s2;
	[sflag:s7] =	ssyncset.done $0x0;
	s10 =	rddreg [dreg:$0x8]  }
0xa9: {  	s28 =	sadd.s32 $0xA948, s3;
	[sflag:s7] =	ssyncadd.s32 s8;
	s3 =	sadd.s32 s9, s10  }
0xaa: {  	[tilespmem:s0], [sflag:$0xB] =	stream.linear.gather [hbm4b:s3+s11], s2, $0x38;
	[tilespmem:$0x1EF88] =	vst v63  }
0xab: {  	v1 =	vld.msk [tilespmem:s28+$0x0], $0xffff;
	_ =	sdelay $0x4  }
0xac: {  	v1 =	vshll.u32 v1, $0x4  }
0xad: {  	(v2sf) =	vpush v1, $0x0  }
0xae: {  	(v2sf) =	vpush v1, $0x1  }
0xaf: {  	(v2sf) =	vpush v1, $0x2;
	_ =	sdelay $0x1  }
0xb0: {  	(v2sf) =	vpush v1, $0x3;
	_ =	sdelay $0x1  }
0xb1: {  	s0 =	simm.s32 $0x1;
	(v2sf) =	vpush v1, $0x4  }
0xb2: {  	s0 =	simm.s32 @!p0 $0x0  }
0xb3: {  	s0 =	smul.u32 $0x28000, s0;
	(v2sf) =	vpush v1, $0x5;
	_ =	sdelay $0x1  }
0xb4: {  	s0 =	sshrl.u32 s0, $0x2;
	(v2sf) =	vpush v1, $0x6  }
0xb5: {  	s24 =	sadd.s32 $0xB708, s0  }
0xb6: {  	s28 =	sadd.s32 $0x10, s28;
	s0 =	sadd.s32 $0xFFFFFE80, s24;
	s2 =	sadd.s32 $0xFFFFFD00, s24;
	(v2sf) =	vpush v1, $0x7  }
0xb7: {  	s4 =	sadd.s32 $0xFFFFFD80, s24;
	s3 =	sadd.s32 $0xFFFFFE00, s24;
	s5 =	sadd.s32 $0xFFFFFB80, s24  }
0xb8: {  	s26 =	sadd.s32 $0xFFFFFA00, s24;
	s29 =	sadd.s32 $0xFFFFFA80, s24;
	s30 =	sadd.s32 $0xFFFFFB00, s24;
	(v2sf) =	vpush v1, $0x8  }
0xb9: {  	s31 =	sadd.s32 $0xFFFFF900, s24;
	s7 =	sadd.s32 $0xFFFFF980, s24;
	s8 =	spop (v2sf)  }
0xba: {  	s10 =	sadd.s32 $0xFFFFF880, s24;
	(v2sf) =	vpush v1, $0x9;
	s8 =	sand.u32 $0x1FFFFFF0, s8;
	s11 =	spop (v2sf)  }
0xbb: {  	s8 =	sadd.s32 s6, s8;
	s11 =	sand.u32 $0x1FFFFFF0, s11;
	s13 =	spop (v2sf)  }
0xbc: {  	[tilespmem:s10], [sflag:$0x9] =	stream.linear.gather [hbm4b:s8+s16], $0x40, $0x38;
	[tilespmem:$0x1EF88] =	vst v63  }
0xbd: {  	(v2sf) =	vpush v1, $0xA;
	s12 =	sadd.s32 s6, s11;
	s19 =	sand.u32 $0x1FFFFFF0, s13;
	s9 =	spop (v2sf)  }
0xbe: {  	(v2sf) =	vpush v1, $0xB;
	[tilespmem:s31], [sflag:$0x9] =	stream.linear.gather [hbm4b:s12+s16], $0x40, $0x38;
	[tilespmem:$0x1EF88] =	vst v63  }
0xbf: {  	s10 =	sadd.s32 s6, s19;
	s13 =	spop (v2sf);
	s12 =	sand.u32 $0x1FFFFFF0, s9  }
0xc0: {  	(v2sf) =	vpush v1, $0xC;
	[tilespmem:s7], [sflag:$0x9] =	stream.linear.gather [hbm4b:s10+s16], $0x40, $0x38;
	[tilespmem:$0x1EF88] =	vst v63  }
0xc1: {  	s31 =	sand.u32 $0x1FFFFFF0, s13;
	s9 =	spop (v2sf);
	s19 =	sadd.s32 s6, s12  }
0xc2: {  	(v2sf) =	vpush v1, $0xD;
	[tilespmem:s26], [sflag:$0x9] =	stream.linear.gather [hbm4b:s19+s16], $0x40, $0x38;
	[tilespmem:$0x1EF88] =	vst v63  }
0xc3: {  	s11 =	sadd.s32 s6, s31;
	s12 =	sand.u32 $0x1FFFFFF0, s9;
	s13 =	spop (v2sf)  }
0xc4: {  	(v2sf) =	vpush v1, $0xE;
	[tilespmem:s29], [sflag:$0x9] =	stream.linear.gather [hbm4b:s11+s16], $0x40, $0x38;
	[tilespmem:$0x1EF88] =	vst v63  }
0xc5: {  	s19 =	sadd.s32 s6, s12;
	s26 =	sand.u32 $0x1FFFFFF0, s13;
	s29 =	spop (v2sf)  }
0xc6: {  	(v2sf) =	vpush v1, $0xF;
	[tilespmem:s30], [sflag:$0x9] =	stream.linear.gather [hbm4b:s19+s16], $0x40, $0x38;
	[tilespmem:$0x1EF88] =	vst v63  }
0xc7: {  	s14 =	sadd.s32 $0xFFFFFC00, s24;
	s9 =	spop (v2sf);
	s30 =	sadd.s32 s6, s26  }
0xc8: {  	[tilespmem:s5], [sflag:$0x9] =	stream.linear.gather [hbm4b:s30+s16], $0x40, $0x38;
	[tilespmem:$0x1EF88] =	vst v63  }
0xc9: {  	s25 =	sadd.s32 $0xFFFFFC80, s24;
	s31 =	sand.u32 $0x1FFFFFF0, s29;
	s13 =	spop (v2sf)  }
0xca: {  	s11 =	sadd.s32 s6, s31;
	s12 =	sand.u32 $0x1FFFFFF0, s9;
	s19 =	sand.u32 $0x1FFFFFF0, s13  }
0xcb: {  	[tilespmem:s14], [sflag:$0x9] =	stream.linear.gather [hbm4b:s11+s16], $0x40, $0x38;
	[tilespmem:$0x1EF88] =	vst v63  }
0xcc: {  	s26 =	spop (v2sf);
	s14 =	sadd.s32 s6, s12;
	s29 =	sadd.s32 s6, s19  }
0xcd: {  	s30 =	sand.u32 $0x1FFFFFF0, s26;
	s31 =	spop (v2sf);
	s19 =	sadd.s32 $0xFFFFFF00, s24  }
0xce: {  	[tilespmem:s25], [sflag:$0x9] =	stream.linear.gather [hbm4b:s14+s16], $0x40, $0x38;
	[tilespmem:$0x1EF88] =	vst v63  }
0xcf: {  	s5 =	sadd.s32 s6, s30;
	s7 =	sand.u32 $0x1FFFFFF0, s31;
	s8 =	spop (v2sf)  }
0xd0: {  	[tilespmem:s2], [sflag:$0x9] =	stream.linear.gather [hbm4b:s29+s16], $0x40, $0x38;
	[tilespmem:$0x1EF88] =	vst v63  }
0xd1: {  	s31 =	sadd.s32 $0xFFFFFF80, s24;
	s10 =	sand.u32 $0x1FFFFFF0, s8;
	s11 =	spop (v2sf)  }
0xd2: {  	[tilespmem:s4], [sflag:$0x9] =	stream.linear.gather [hbm4b:s5+s16], $0x40, $0x38;
	[tilespmem:$0x1EF88] =	vst v63  }
0xd3: {  	s9 =	sadd.s32 s6, s7;
	s12 =	sadd.s32 s6, s10;
	s14 =	spop (v2sf)  }
0xd4: {  	[tilespmem:s3], [sflag:$0x9] =	stream.linear.gather [hbm4b:s9+s16], $0x40, $0x38;
	[tilespmem:$0x1EF88] =	vst v63  }
0xd5: {  	s13 =	sand.u32 $0x1FFFFFF0, s11;
	s26 =	sand.u32 $0x1FFFFFF0, s14;
	s29 =	spop (v2sf)  }
0xd6: {  	[tilespmem:s0], [sflag:$0x9] =	stream.linear.gather [hbm4b:s12+s16], $0x40, $0x38;
	[tilespmem:$0x1EF88] =	vst v63  }
0xd7: {  	s25 =	sadd.s32 s6, s13;
	s30 =	sadd.s32 s6, s26;
	s0 =	sand.u32 $0x1FFFFFF0, s29  }
0xd8: {  	[tilespmem:s19], [sflag:$0x9] =	stream.linear.gather [hbm4b:s25+s16], $0x40, $0x38;
	[tilespmem:$0x1EF88] =	vst v63  }
0xd9: {  	s26 =	sadd.s32 $0x800, s24;
	s0 =	sadd.s32 s6, s0;
	s25 =	simm.s32 $0x0  }
0xda: {  	[tilespmem:s31], [sflag:$0x9] =	stream.linear.gather [hbm4b:s30+s16], $0x40, $0x38;
	[tilespmem:$0x1EF88] =	vst v63  }
.LBB3_5:
0xdb: {  	[tilespmem:s24], [sflag:$0x9] =	stream.linear.gather [hbm4b:s0+s16], $0x40, $0x38;
	[tilespmem:$0x1EF88] =	vst v63  }
0xdc: {  	s25 =	sadd.s32 $0x10, s25;
	s24 =	smov.u32 s26  }
0xdd: {  	p2 =	slt.u32 s25, $0x130;
	v1 =	vld.msk [tilespmem:s28+$0x0], $0xffff;
	_ =	sdelay $0x4  }
0xde: {  	v1 =	vshll.u32 v1, $0x4  }
0xdf: {  	(v2sf) =	vpush v1, $0x0  }
0xe0: {  	(v2sf) =	vpush v1, $0x1  }
0xe1: {  	(v2sf) =	vpush v1, $0x2;
	_ =	sdelay $0x1  }
0xe2: {  	(v2sf) =	vpush v1, $0x3;
	_ =	sdelay $0x1  }
0xe3: {  	(v2sf) =	vpush v1, $0x4;
	_ =	sdelay $0x1  }
0xe4: {  	(v2sf) =	vpush v1, $0x5;
	_ =	sdelay $0x1  }
0xe5: {  	(v2sf) =	vpush v1, $0x6  }
0xe6: {  	s30 =	sadd.s32 $0xFFFFFE80, s26;
	s29 =	sadd.s32 $0xFFFFFF00, s26  }
0xe7: {  	s4 =	sadd.s32 $0xFFFFFD00, s26;
	s0 =	sadd.s32 $0xFFFFFD80, s26;
	s31 =	sadd.s32 $0xFFFFFE00, s26;
	(v2sf) =	vpush v1, $0x7  }
0xe8: {  	s2 =	sadd.s32 $0xFFFFFB80, s26;
	s3 =	sadd.s32 $0xFFFFFC00, s26;
	s5 =	sadd.s32 $0xFFFFFC80, s26  }
0xe9: {  	s7 =	sadd.s32 $0xFFFFFA00, s26;
	s8 =	sadd.s32 $0xFFFFFA80, s26;
	s10 =	sadd.s32 $0xFFFFFB00, s26;
	(v2sf) =	vpush v1, $0x8  }
0xea: {  	s11 =	sadd.s32 $0xFFFFF900, s26;
	s13 =	sadd.s32 $0xFFFFF980, s26;
	s14 =	spop (v2sf)  }
0xeb: {  	s9 =	sadd.s32 $0xFFFFF880, s26;
	s14 =	sand.u32 $0x1FFFFFF0, s14;
	s19 =	spop (v2sf);
	(v2sf) =	vpush v1, $0x9  }
0xec: {  	s14 =	sadd.s32 s6, s14;
	s19 =	sand.u32 $0x1FFFFFF0, s19;
	s12 =	spop (v2sf)  }
0xed: {  	[tilespmem:s9], [sflag:$0x9] =	stream.linear.gather [hbm4b:s14+s16], $0x40, $0x38;
	(v2sf) =	vpush v1, $0xA;
	[tilespmem:$0x1EF88] =	vst v63  }
0xee: {  	s9 =	sadd.s32 s6, s19;
	s12 =	sand.u32 $0x1FFFFFF0, s12;
	s14 =	spop (v2sf)  }
0xef: {  	[tilespmem:s11], [sflag:$0x9] =	stream.linear.gather [hbm4b:s9+s16], $0x40, $0x38;
	(v2sf) =	vpush v1, $0xB;
	[tilespmem:$0x1EF88] =	vst v63  }
0xf0: {  	s9 =	sadd.s32 s6, s12;
	s11 =	sand.u32 $0x1FFFFFF0, s14;
	s12 =	spop (v2sf)  }
0xf1: {  	[tilespmem:s13], [sflag:$0x9] =	stream.linear.gather [hbm4b:s9+s16], $0x40, $0x38;
	(v2sf) =	vpush v1, $0xC;
	[tilespmem:$0x1EF88] =	vst v63  }
0xf2: {  	s9 =	sadd.s32 s6, s11;
	s11 =	sand.u32 $0x1FFFFFF0, s12;
	s12 =	spop (v2sf)  }
0xf3: {  	[tilespmem:s7], [sflag:$0x9] =	stream.linear.gather [hbm4b:s9+s16], $0x40, $0x38;
	(v2sf) =	vpush v1, $0xD;
	[tilespmem:$0x1EF88] =	vst v63  }
0xf4: {  	s7 =	sadd.s32 s6, s11;
	s9 =	sand.u32 $0x1FFFFFF0, s12;
	s11 =	spop (v2sf)  }
0xf5: {  	[tilespmem:s8], [sflag:$0x9] =	stream.linear.gather [hbm4b:s7+s16], $0x40, $0x38;
	(v2sf) =	vpush v1, $0xE;
	[tilespmem:$0x1EF88] =	vst v63  }
0xf6: {  	s7 =	sadd.s32 s6, s9;
	s8 =	sand.u32 $0x1FFFFFF0, s11;
	s9 =	spop (v2sf)  }
0xf7: {  	[tilespmem:s10], [sflag:$0x9] =	stream.linear.gather [hbm4b:s7+s16], $0x40, $0x38;
	(v2sf) =	vpush v1, $0xF;
	[tilespmem:$0x1EF88] =	vst v63  }
0xf8: {  	s7 =	sadd.s32 s6, s8;
	s8 =	sand.u32 $0x1FFFFFF0, s9;
	s9 =	spop (v2sf)  }
0xf9: {  	[tilespmem:s2], [sflag:$0x9] =	stream.linear.gather [hbm4b:s7+s16], $0x40, $0x38;
	[tilespmem:$0x1EF88] =	vst v63  }
0xfa: {  	s2 =	sadd.s32 s6, s8;
	s7 =	sand.u32 $0x1FFFFFF0, s9;
	s8 =	spop (v2sf)  }
0xfb: {  	[tilespmem:s3], [sflag:$0x9] =	stream.linear.gather [hbm4b:s2+s16], $0x40, $0x38;
	[tilespmem:$0x1EF88] =	vst v63  }
0xfc: {  	s2 =	sadd.s32 s6, s7;
	s3 =	sand.u32 $0x1FFFFFF0, s8;
	s7 =	spop (v2sf)  }
0xfd: {  	[tilespmem:s5], [sflag:$0x9] =	stream.linear.gather [hbm4b:s2+s16], $0x40, $0x38;
	[tilespmem:$0x1EF88] =	vst v63  }
0xfe: {  	s2 =	sadd.s32 s6, s3;
	s3 =	sand.u32 $0x1FFFFFF0, s7;
	s5 =	spop (v2sf)  }
0xff: {  	[tilespmem:s4], [sflag:$0x9] =	stream.linear.gather [hbm4b:s2+s16], $0x40, $0x38;
	[tilespmem:$0x1EF88] =	vst v63  }
0x100: {  	s2 =	sadd.s32 s6, s3;
	s3 =	sand.u32 $0x1FFFFFF0, s5;
	s4 =	spop (v2sf)  }
0x101: {  	[tilespmem:s0], [sflag:$0x9] =	stream.linear.gather [hbm4b:s2+s16], $0x40, $0x38;
	[tilespmem:$0x1EF88] =	vst v63  }
0x102: {  	s0 =	sadd.s32 s6, s3;
	s2 =	sand.u32 $0x1FFFFFF0, s4;
	s3 =	spop (v2sf)  }
0x103: {  	[tilespmem:s31], [sflag:$0x9] =	stream.linear.gather [hbm4b:s0+s16], $0x40, $0x38;
	[tilespmem:$0x1EF88] =	vst v63  }
0x104: {  	s0 =	sadd.s32 s6, s2;
	s2 =	sand.u32 $0x1FFFFFF0, s3;
	s3 =	spop (v2sf)  }
0x105: {  	[tilespmem:s30], [sflag:$0x9] =	stream.linear.gather [hbm4b:s0+s16], $0x40, $0x38;
	[tilespmem:$0x1EF88] =	vst v63  }
0x106: {  	s0 =	sadd.s32 s6, s2  }
.Ltmp11:
0x107: {  	s2 =	sand.u32 $0x1FFFFFF0, s3;
	s3 =	spop (v2sf);
	(pc) =	sbr.rel @p2 .LBB3_5-.Ltmp11, $4  }
0x108: {  	[tilespmem:s29], [sflag:$0x9] =	stream.linear.gather [hbm4b:s0+s16], $0x40, $0x38;
	[tilespmem:$0x1EF88] =	vst v63  }
0x109: {  	s0 =	sadd.s32 s6, s2;
	s2 =	sadd.s32 $0xFFFFFF80, s26;
	s3 =	sand.u32 $0x1FFFFFF0, s3  }
0x10a: {  	[tilespmem:s2], [sflag:$0x9] =	stream.linear.gather [hbm4b:s0+s16], $0x40, $0x38;
	[tilespmem:$0x1EF88] =	vst v63  }
0x10b: {  	s28 =	sadd.s32 $0x10, s28;
	s26 =	sadd.s32 $0x800, s26;
	s0 =	sadd.s32 s6, s3  }
0x10c: {  	[tilespmem:s24], [sflag:$0x9] =	stream.linear.gather [hbm4b:s0+s16], $0x40, $0x38;
	[tilespmem:$0x1EF88] =	vst v63  }
0x10d: {  	s9 =	rddreg [dreg:$0x5]  }
0x10e: {  	s10 =	rddreg [dreg:$0x6]  }
0x10f: {  	s11 =	rddreg [dreg:$0x7];
	s12 =	simm.s32 $0xC  }
.LBB3_7:
0x110: {  	p2 =	slt.u32 s20, $0x2  }
.Ltmp12:
0x111: {  	_ = 	snop;
	(pc) =	sbr.rel @p2 .LBB3_25-.Ltmp12, $1  }
0x112: {  	_ =	sdelay $0x3  }
0x113: {  	p2 =	sgt.s32 s23, $0x63EC0;
	s0 =	smov.u32 s23;
	s2 =	sshra.s32 s23, $0x1F  }
0x114: {  	s0 =	simm.s32 @!p2 $0x63EC0;
	s2 =	sand.u32 s2, s23  }
0x115: {  	s0 =	ssub.s32 s0, s2  }
0x116: {  	s0 =	sadd.s32 $0xFFF9C140, s0  }
0x117: {  	s3 =	simm.s32 $0x9;
	s30 =	sshll.u32 s0, $0x2  }
0x118: {  	_ =	swait.ge [sflag:s3], $0x5000;
	s2 =	ssub.s32 $0x500, s30  }
0x119: {  	[sflag:s3] =	ssyncset.done $0x0;
	p2 =	sgt.s32 s0, $0x13F;
	s0 =	sshrl.u32 s2, $0x2  }
0x11a: {  	s31 =	simm.s32 $0xB;
	[sflag:s3] =	ssyncadd.s32 $0xFFFFB000;
	s0 =	simm.s32 @p2 $0x0  }
0x11b: {  	_ =	swait.ge [sflag:s31], s0  }
0x11c: {  	s0 =	ssub.s32 $0x0, s0;
	[sflag:s31] =	ssyncset.done $0x0  }
0x11d: {  	[sflag:s31] =	ssyncadd.s32 s0  }
0x11e: {  	v1 =	vld [tilespmem:$0xA108];
	_ =	sdelay $0x4  }
0x11f: {  	(v2sf) =	vpush v1, $0x0  }
0x120: {  	(v2sf) =	vpush v1, $0x1  }
0x121: {  	(v2sf) =	vpush v1, $0x2;
	_ =	sdelay $0x3  }
0x122: {  	s2 =	sadd.s32 $0x140, s23  }
0x123: {  	s3 =	ssub.s32 $0xC8000, s23;
	p2 =	slt.s32 s10, s2  }
0x124: {  	s2 =	smov.u32 @p2 s10;
	p2 =	sgt.s32 s3, $0x0  }
0x125: {  	s24 =	ssub.s32 s2, s23;
	s3 =	simm.s32 @!p2 $0x0  }
0x126: {  	p2 =	slt.s32 s3, s24  }
0x127: {  	s24 =	smov.u32 @p2 s3  }
0x128: {  	s0 =	simm.s32 $0x1;
	p2 =	slt.s32 s24, $0x1  }
.Ltmp13:
0x129: {  	s0 =	simm.s32 @!p1 $0x0;
	(pc) =	sbr.rel @p2 .LBB3_12-.Ltmp13, $4  }
0x12a: {  	s4 =	smul.u32 $0x500, s0  }
0x12b: {  	s2 =	spop (v2sf)  }
0x12c: {  	s4 =	sshrl.u32 s4, $0x2;
	s3 =	spop (v2sf)  }
0x12d: {  	s25 =	sadd.s32 $0xAD08, s4;
	s23 =	spop (v2sf)  }
0x12e: {  	s4 =	smin.u32 s24, $0x10  }
0x12f: {  	v1 =	vmov s4  }
0x130: {  	p3 =	sgt.s32 s24, $0x10;
	vm1 =	vgt.u32 v1, v0  }
.Ltmp14:
0x131: {  	_ = 	snop;
	(pc) =	sbr.rel @!p3 .LBB3_11-.Ltmp14, $2  }
0x132: {  	_ =	sdelay $0x2  }
0x133: {  	s5 =	simm.s32 $0x10;
	s26 =	sadd.s32 $0xFFFFFFF0, s24;
	s4 =	smov.u32 s25;
	vm0 =	vmmov vm1  }
.LBB3_10:
0x134: {  	s7 =	smin.u32 s26, $0x10;
	s5 =	sadd.s32 $0x10, s5;
	v1 =	vld.msk [tilespmem:s4+$0x0 ss:$0x1], vm1  }
0x135: {  	v2 =	vmov s7;
	p3 =	slt.s32 s5, s24  }
0x136: {  	vm1 =	vgt.u32 v2, v0  }
.Ltmp15:
0x137: {  	(pc) =	sbr.rel @p3 .LBB3_10-.Ltmp15, $3  }
0x138: {  	_ =	sdelay $0x1  }
0x139: {  	v1 =	vshll.u32 v1, $0x4  }
0x13a: {  	s26 =	sadd.s32 $0xFFFFFFF0, s26;
	[tilespmem:s4+$0x0] =	vst.msk vm0, v1;
	s4 =	sadd.s32 $0x10, s4;
	vm0 =	vmmov vm1  }
.LBB3_11:
0x13b: {  	_ =	sdelay $0x4  }
0x13c: {  	v1 =	vld.msk [tilespmem:s4+$0x0 ss:$0x1], vm1;
	_ =	sdelay $0x4  }
0x13d: {  	v1 =	vshll.u32 v1, $0x4  }
0x13e: {  	[tilespmem:s4+$0x0] =	vst.msk vm0, v1  }
.LBB3_12:
0x13f: {  	s4 =	sand.u32 $0x1, s20  }
0x140: {  	s4 =	smul.u32 $0x140, s4  }
0x141: {  	p3 =	sne.s32 s3, $0xFFFFFFFF  }
0x142: {  	v1 =	vld.msk @!p3 [tilespmem:s4+$0xAD08], $0x1;
	_ =	sdelay $0x4  }
0x143: {  	(v2sf) =	vpush @!p3 v1, $0x0;
	_ =	sdelay $0xc  }
.Ltmp16:
0x144: {  	_ = 	snop;
	(pc) =	sbr.rel @p2 .LBB3_23-.Ltmp16, $4  }
0x145: {  	_ = 	snop  }
0x146: {  	s30 =	spop @!p3 (v2sf)  }
0x147: {  	s23 =	simm.s32 @!p3 $0x0;
	s26 =	smov.u32 s30  }
0x148: {  	[sflag:s12] =	ssyncpa.u1 $0x0;
	s30 =	smov.u32 @p3 s2;
	s26 =	smov.u32 @p3 s3  }
0x149: {  	v1 =	vld.msk [tilespmem:s25+$0x0], $0x1;
	_ =	sdelay $0x4  }
0x14a: {  	(v2sf) =	vpush v1, $0x0;
	_ =	sdelay $0xe  }
0x14b: {  	s0 =	smul.u32 $0x28000, s0;
	s3 =	spop (v2sf)  }
0x14c: {  	p2 =	seq.s32 s30, s3  }
0x14d: {  	s2 =	smov.u32 s30;
	s0 =	sshrl.u32 s0, $0x2;
	p3 =	sgt.s32 @!p2 s30, $0x0  }
0x14e: {  	s28 =	sadd.s32 $0xAFA8, s0;
	s0 =	sadd.s32 $0xFFFFFFFF, s24;
	p3 =	por !p3, p2  }
0x14f: {  	s2 =	simm.s32 @p3 $0x0;
	p3 =	sne.s32 s0, $0x0  }
.Ltmp17:
0x150: {  	_ = 	snop;
	(pc) =	sbr.rel @!p3 .LBB3_15-.Ltmp17, $4  }
0x151: {  	_ = 	snop  }
0x152: {  	s29 =	simm.s32 $0x0;
	s4 =	simm.s32 @!p2 $0x1;
	s2 =	smin.u32 @!p2 s2, $0xC34F8  }
0x153: {  	s5 =	simm.s32 @!p2 $0x50C8;
	s4 =	smov.u32 @p2 s29;
	s7 =	sand.u32 @!p2 $0xFFFF8, s2  }
0x154: {  	s31 =	sand.u32 @!p2 $0x7, s2;
	s2 =	sadd.s32 $0x1, s25;
	s14 =	sadd.s32 @!p2 s1, s7  }
.LBB3_14:
0x155: {  	s7 =	smov.u32 s4  }
0x156: {  	[tilespmem:s5], [sflag:$0x2] =	stream.linear.gather @!p2 [hbm4b:s14+s31], $0x40, $0x38;
	[tilespmem:$0x1EF88] =	vst v63  }
0x157: {  	s0 =	sadd.s32 $0xFFFFFFFF, s0;
	s8 =	smov.u32 s3;
	v1 =	vld.msk [tilespmem:s2+$0x0], $0x1  }
0x158: {  	p3 =	sne.s32 s0, $0x0;
	_ =	sdelay $0x3  }
0x159: {  	(v2sf) =	vpush v1, $0x0;
	_ =	sdelay $0xe  }
0x15a: {  	s3 =	spop (v2sf)  }
0x15b: {  	p2 =	seq.s32 s8, s3  }
0x15c: {  	p4 =	sgt.s32 @!p2 s8, $0x0;
	s5 =	sshll.u32 @!p2 s4, $0x8;
	s4 =	sadd.s32 @!p2 $0x1, s4  }
.Ltmp18:
0x15d: {  	p4 =	por !p4, p2;
	s5 =	sshra.s32 @!p2 s5, $0x2;
	(pc) =	sbr.rel @p3 .LBB3_14-.Ltmp18, $4  }
0x15e: {  	s4 =	smov.u32 @p2 s7;
	s8 =	simm.s32 @p4 $0x0;
	s5 =	sadd.s32 @!p2 $0x50C8, s5  }
0x15f: {  	s7 =	smin.u32 @!p2 s8, $0xC34F8  }
0x160: {  	s8 =	sand.u32 @!p2 $0xFFFF8, s7;
	s31 =	sand.u32 @!p2 $0x7, s7  }
0x161: {  	s2 =	sadd.s32 $0x1, s2;
	s14 =	sadd.s32 @!p2 s1, s8  }
.LBB3_15:
0x162: {  	[tilespmem:s5], [sflag:$0x2] =	stream.linear.gather @!p2 [hbm4b:s14+s31], $0x40, $0x38;
	[tilespmem:$0x1EF88] =	vst v63  }
.Ltmp19:
0x163: {  	s0 =	sshll.u32 s4, $0x6;
	(pc) =	sbr.rel .LBB3_16-.Ltmp19, $4  }
0x164: {  	s2 =	simm.s32 $0x2;
	s0 =	sand.u32 $0x3FFFFFC0, s0  }
0x165: {  	_ =	swait.ge [sflag:s2], s0  }
0x166: {  	s0 =	ssub.s32 $0x0, s0;
	[sflag:s2] =	ssyncset.done $0x0  }
0x167: {  	s4 =	simm.s32 $0x0;
	[sflag:s2] =	ssyncadd.s32 s0  }
.LBB3_17:
0x168: {  	v1 =	vld [tilespmem:s28+$0xFFFFFFE0];
	_ =	sdelay $0x4  }
0x169: {  	[tilespmem:s2+$0x88] =	vst.add.f32.msk $0xffff, v1  }
0x16a: {  	v1 =	vld [tilespmem:s28+$0xFFFFFFF0];
	_ =	sdelay $0x4  }
0x16b: {  	[tilespmem:s2+$0x98] =	vst.add.f32.msk $0xffff, v1  }
0x16c: {  	v1 =	vld [tilespmem:s28+$0x0];
	_ =	sdelay $0x4  }
0x16d: {  	[tilespmem:s2+$0xA8] =	vst.add.f32.msk $0xffff, v1  }
0x16e: {  	v1 =	vld [tilespmem:s28+$0x10];
	_ =	sdelay $0x4  }
0x16f: {  	[tilespmem:s2+$0xB8] =	vst.add.f32.msk $0xffff, v1  }
.LBB3_21:
0x170: {  	s24 =	sadd.s32 $0xFFFFFFFF, s24  }
0x171: {  	p2 =	sne.s32 s24, $0x0  }
.Ltmp20:
0x172: {  	_ = 	snop;
	(pc) =	sbr.rel @!p2 .LBB3_22-.Ltmp20, $2  }
0x173: {  	_ =	sdelay $0x2  }
0x174: {  	s28 =	sadd.s32 $0x80, s28;
	s25 =	sadd.s32 $0x1, s25;
	s30 =	smov.u32 s0  }
.LBB3_16:
0x175: {  	v1 =	vld.msk [tilespmem:s25+$0x0], $0x1;
	_ =	sdelay $0x4  }
0x176: {  	(v2sf) =	vpush v1, $0x0;
	_ =	sdelay $0xe  }
0x177: {  	s0 =	spop (v2sf)  }
0x178: {  	p2 =	sne.s32 s30, s0  }
.Ltmp21:
0x179: {  	_ = 	snop;
	(pc) =	sbr.rel @!p2 .LBB3_17-.Ltmp21, $3  }
0x17a: {  	_ =	sdelay $0x1  }
0x17b: {  	s2 =	sshll.u32 s23, $0x8  }
0x17c: {  	s2 =	sshra.s32 s2, $0x2  }
0x17d: {  	p2 =	seq.s32 s30, s26  }
.Ltmp22:
0x17e: {  	_ = 	snop;
	(pc) =	sbr.rel @!p2 .LBB3_19-.Ltmp22, $1  }
0x17f: {  	_ =	sdelay $0x3  }
.Ltmp23:
0x180: {  	s2 =	sadd.s32 $0x88, s2;
	(pc) =	sbr.rel .LBB3_20-.Ltmp23, $4  }
0x181: {  	[spmem:s15] =	stream.linear.scatter [tilespmem:s2], [sflag:$0x1], $0x40, $0x38;
	[tilespmem:$0x1EF88] =	vst v63  }
0x182: {  	_ =	swait.ge [sflag:s18], $0x40  }
0x183: {  	[sflag:s18] =	ssyncset.done $0x0  }
0x184: {  	[sflag:s18] =	ssyncadd.s32 $0xFFFFFFC0  }
.LBB3_19:
0x185: {  	s3 =	sshll.u32 s29, $0x8  }
0x186: {  	s3 =	sshra.s32 s3, $0x2  }
0x187: {  	v1 =	vld [tilespmem:s3+$0x50C8];
	_ =	sdelay $0x4  }
0x188: {  	[tilespmem:s2+$0x88] =	vst.add.f32.msk $0xffff, v1  }
0x189: {  	v1 =	vld [tilespmem:s3+$0x50D8];
	_ =	sdelay $0x4  }
0x18a: {  	[tilespmem:s2+$0x98] =	vst.add.f32.msk $0xffff, v1  }
0x18b: {  	v1 =	vld [tilespmem:s3+$0x50E8];
	_ =	sdelay $0x4  }
0x18c: {  	[tilespmem:s2+$0xA8] =	vst.add.f32.msk $0xffff, v1  }
0x18d: {  	v1 =	vld [tilespmem:s3+$0x50F8];
	_ =	sdelay $0x2  }
0x18e: {  	p2 =	sgt.u32 s30, $0xC34F8  }
0x18f: {  	s3 =	sand.u32 @!p2 $0xFFFF8, s30  }
0x190: {  	s5 =	sadd.s32 $0x88, s2;
	[tilespmem:s2+$0xB8] =	vst.add.f32.msk $0xffff, v1;
	s2 =	sadd.s32 @!p2 s1, s3;
	s3 =	sand.u32 @!p2 $0x7, s30  }
0x191: {  	[hbm4b:s2+s3] =	stream.linear.scatter @!p2 [tilespmem:s5], [sflag:$0xC], $0x40, $0x38;
	[tilespmem:$0x1EF88] =	vst v63  }
0x192: {  	s2 =	simm.s32 $0x0  }
0x193: {  	s2 =	simm.s32 @!p2 $0x100  }
0x194: {  	s4 =	sadd.s32 s2, s4  }
.LBB3_20:
0x195: {  	s2 =	sadd.s32 $0x1, s23  }
0x196: {  	s3 =	smulhi.u32 $0xCCCCCCCD, s2;
	_ =	sdelay $0x1  }
0x197: {  	v1 =	vld [tilespmem:s28+$0xFFFFFFE0];
	s3 =	sshrl.u32 s3, $0x8  }
0x198: {  	s3 =	smul.u32 $0x140, s3;
	_ =	sdelay $0x1  }
0x199: {  	s23 =	ssub.s32 s2, s3  }
0x19a: {  	s2 =	sshll.u32 s23, $0x6  }
0x19b: {  	[tilespmem:s2+$0x88] =	vst v1  }
0x19c: {  	v1 =	vld [tilespmem:s28+$0xFFFFFFF0];
	_ =	sdelay $0x4  }
0x19d: {  	[tilespmem:s2+$0x98] =	vst v1  }
0x19e: {  	v1 =	vld [tilespmem:s28+$0x0];
	_ =	sdelay $0x4  }
0x19f: {  	[tilespmem:s2+$0xA8] =	vst v1  }
0x1a0: {  	v1 =	vld [tilespmem:s28+$0x10]  }
.Ltmp24:
0x1a1: {  	_ = 	snop;
	(pc) =	sbr.rel .LBB3_21-.Ltmp24, $2  }
0x1a2: {  	_ =	sdelay $0x2  }
0x1a3: {  	s29 =	sadd.s32 $0x1, s29;
	[tilespmem:s2+$0xB8] =	vst v1  }
.LBB3_23:
.Ltmp25:
0x1a4: {  	(pc) =	sbr.rel .LBB3_24-.Ltmp25, $4  }
0x1a5: {  	_ = 	snop  }
0x1a6: {  	s0 =	simm.s32 $0x2  }
0x1a7: {  	_ =	swait.ge [sflag:s0], $0x0  }
0x1a8: {  	s2 =	simm.s32 $0x0;
	[sflag:s0] =	ssyncset.done $0x0;
	s0 =	smov.u32 s30  }
.LBB3_26:
0x1a9: {  	_ =	sfence.sel $0x180000  }
0x1aa: {  	s0 =	simm.s32 $0x9;
	[bflag:$0x0] =	sbarrier.arrive $0xFFFF  }
0x1ab: {  	s24 =	simm.s32 $0xA;
	[sflag:s0] =	ssyncpa.u1 $0x1  }
0x1ac: {  	s25 =	simm.s32 $0xB;
	[sflag:s24] =	ssyncpa.u1 $0x1  }
0x1ad: {  	s26 =	simm.s32 $0x2;
	[sflag:s25] =	ssyncpa.u1 $0x1  }
0x1ae: {  	[sflag:s26] =	ssyncpa.u1 $0x1  }
0x1af: {  	v0 =	vld [tilespmem:$0xA108];
	_ =	sdelay $0x4  }
0x1b0: {  	(v2sf) =	vpush v0, $0x0  }
0x1b1: {  	(v2sf) =	vpush v0, $0x1;
	_ =	sdelay $0x1  }
0x1b2: {  	(v2sf) =	vpush v0, $0x2;
	_ =	sdelay $0xb  }
0x1b3: {  	s0 =	spop (v2sf)  }
0x1b4: {  	s2 =	spop (v2sf)  }
0x1b5: {  	s3 =	smov.u32 s0;
	p0 =	sne.s32 s0, s2  }
0x1b6: {  	s4 =	spop (v2sf);
	s3 =	simm.s32 @!p0 $0xFFFFFFFF  }
0x1b7: {  	v2 =	vimm.s32 $0x1;
	v3 =	vlaneseq.u32;
	p0 =	seq.s32 s4, $0xFFFFFFFF;
	v1 =	vmov s3  }
0x1b8: {  	s14 =	stileid.u32;
	v0 =	vperm.xlane v0, v2;
	p1 =	sne.s32 @!p0 s0, s2;
	v1 =	vperm.xlane v1, v3  }
0x1b9: {  	vm0 =	vcmask $0x3F04;
	s6 =	simm.s32 $0xA108;
	s0 =	simm.s32 @!p0 $0x1;
	p1 =	por !p1, p0  }
0x1ba: {  	s3 =	sshll.u32 s14, $0x1;
	s2 =	sshll.u32 @!p0 s4, $0x8;
	s0 =	simm.s32 @p1 $0x0;
	v0 =	vsel vm0, v1, v0  }
0x1bb: {  	s5 =	sor.u32 $0x800, s3;
	s2 =	sshra.s32 @!p0 s2, $0x2;
	s0 =	sor.u32 @!p0 s0, s3;
	[tilespmem:$0xA108] =	vst v0  }
0x1bc: {  	[spmem:s5] =	stream.linear.scatter [tilespmem:s6], [sflag:$0x1], $0x2, $0x38;
	[tilespmem:$0x1EF88] =	vst v63  }
0x1bd: {  	s2 =	sadd.s32 @!p0 $0x88, s2;
	s0 =	sshll.u32 @!p0 s0, $0x6  }
0x1be: {  	[spmem:s0] =	stream.linear.scatter @!p0 [tilespmem:s2], [sflag:$0x1], $0x40, $0x38;
	[tilespmem:$0x1EF88] =	vst v63  }
0x1bf: {  	s0 =	simm.s32 @!p0 $0x42  }
0x1c0: {  	s28 =	simm.s32 $0x1;
	s0 =	simm.s32 @p0 $0x2  }
0x1c1: {  	_ =	swait.ge [sflag:s28], s0  }
0x1c2: {  	s0 =	ssub.s32 $0x0, s0;
	[sflag:s28] =	ssyncset.done $0x0  }
0x1c3: {  	p0 =	sne.s32 s14, $0x0;
	[sflag:s28] =	ssyncadd.s32 s0  }
.Ltmp26:
0x1c4: {  	_ =	sfence.stream.spmem;
	(pc) =	sbr.rel @p0 .LBB3_43-.Ltmp26, $4  }
0x1c5: {  	s29 =	simm.s32 $0x3;
	[bflag:$0x0] =	sbarrier.arrive $0xFFFF  }
0x1c6: {  	s30 =	simm.s32 $0x4;
	[sflag:s29] =	ssyncpa.u1 $0x1  }
0x1c7: {  	s31 =	simm.s32 $0x3C;
	[sflag:s30] =	ssyncpa.u1 $0x1  }
0x1c8: {  	s13 =	rddreg [dreg:$0x4];
	[sflag:s31] =	ssyncpa.u1 $0x1  }
0x1c9: {  	_ =	sfence.stream.spmem;
	s0 =	simm.s32 $0x5  }
0x1ca: {  	s2 =	simm.s32 $0x800;
	s3 =	simm.s32 $0xA118;
	[sflag:s0] =	ssyncpa.u1 $0x0  }
0x1cb: {  	[tilespmem:s3], [sflag:$0x5] =	stream.linear.gather [spmem:s2], $0x20, $0x38;
	[tilespmem:$0x1EF88] =	vst v63  }
0x1cc: {  	s26 =	simm.s32 $0x0;
	s28 =	simm.s32 $0xA138  }
0x1cd: {  	[tilespmem:s28], [sflag:$0x5] =	stream.linear.gather [spmem:s26], $0x800, $0x38;
	[tilespmem:$0x1EF88] =	vst v63  }
0x1ce: {  	_ =	swait.ge [sflag:s0], $0x820  }
0x1cf: {  	[sflag:s0] =	ssyncset.done $0x0  }
0x1d0: {  	s29 =	simm.s32 $0x0;
	[sflag:s0] =	ssyncadd.s32 $0xFFFFF7E0  }
0x1d1: {  	v0 =	vld.msk [tilespmem:s29+$0xA118], $0x1;
	_ =	sdelay $0x1  }
0x1d2: {  	s30 =	simm.s32 $0x1  }
0x1d3: {  	v1 =	vld.msk [tilespmem:s30+$0xA118], $0x1;
	_ =	sdelay $0x1  }
0x1d4: {  	(v2sf) =	vpush v0, $0x0;
	_ =	sdelay $0x2  }
0x1d5: {  	(v2sf) =	vpush v1, $0x0;
	_ =	sdelay $0x2  }
0x1d6: {  	s31 =	simm.s32 $0x2  }
0x1d7: {  	v0 =	vld.msk [tilespmem:s31+$0xA118], $0x1;
	_ =	sdelay $0x2  }
0x1d8: {  	s2 =	simm.s32 $0xFFFFFFFF;
	s3 =	simm.s32 $0xFFFFFFFF;
	s0 =	simm.s32 $0xC  }
.LBB3_28:
0x1d9: {  	s4 =	smov.u32 s3;
	s5 =	smov.u32 s2  }
0x1da: {  	s2 =	sshra.s32 s0, $0x2;
	p1 =	sne.s32 s0, $0x7C;
	s0 =	sadd.s32 $0x4, s0;
	(v2sf) =	vpush v0, $0x0  }
0x1db: {  	v0 =	vld.msk [tilespmem:s2+$0xA118], $0x1  }
.Ltmp27:
0x1dc: {  	(pc) =	sbr.rel @p1 .LBB3_28-.Ltmp27, $4  }
0x1dd: {  	s3 =	spop (v2sf)  }
0x1de: {  	p2 =	sne.s32 s5, $0xFFFFFFFF;
	s2 =	smov.u32 s3  }
0x1df: {  	p3 =	seq.s32 s3, $0xFFFFFFFF;
	s2 =	smov.u32 @p2 s5  }
0x1e0: {  	s3 =	smov.u32 @p3 s4;
	s2 =	smov.u32 @p3 s5  }
0x1e1: {  	(v2sf) =	vpush v0, $0x0;
	_ =	sdelay $0x8  }
0x1e2: {  	s0 =	spop (v2sf)  }
0x1e3: {  	p1 =	sne.s32 s2, $0xFFFFFFFF;
	s4 =	smov.u32 s0  }
0x1e4: {  	s9 =	simm.s32 $0x6;
	p2 =	seq.s32 s0, $0xFFFFFFFF;
	s4 =	smov.u32 @p1 s2  }
0x1e5: {  	s6 =	simm.s32 $0x0;
	s4 =	smov.u32 @p2 s2;
	s2 =	spop (v2sf)  }
0x1e6: {  	s0 =	smov.u32 @p2 s3;
	p1 =	sne.s32 s4, $0xFFFFFFFF;
	s5 =	smov.u32 s2  }
.Ltmp28:
0x1e7: {  	p2 =	seq.s32 s2, $0xFFFFFFFF;
	s5 =	smov.u32 @p1 s4;
	(pc) =	sbr.rel .LBB3_30-.Ltmp28, $4  }
0x1e8: {  	s10 =	simm.s32 $0xA0C8;
	s5 =	smov.u32 @p2 s4;
	s7 =	spop (v2sf)  }
0x1e9: {  	s11 =	simm.s32 $0x0;
	p1 =	sne.s32 s5, $0xFFFFFFFF;
	s8 =	smov.u32 s7  }
0x1ea: {  	s2 =	smov.u32 @p2 s0;
	p2 =	seq.s32 s7, $0xFFFFFFFF;
	s8 =	smov.u32 @p1 s5  }
0x1eb: {  	[sflag:s9] =	ssyncpa.u1 $0x0;
	s7 =	smov.u32 @p2 s2;
	s8 =	smov.u32 @p2 s5  }
.LBB3_36:
0x1ec: {  	p1 =	sgt.u32 s0, $0xC34F8  }
0x1ed: {  	p2 =	seq.s32 @!p1 s0, s8  }
0x1ee: {  	p1 =	por p1, p2  }
0x1ef: {  	p2 =	sne.s32 @!p1 s0, s7  }
0x1f0: {  	p1 =	por p1, !p2  }
0x1f1: {  	s0 =	sshll.u32 @p1 s11, $0x8  }
0x1f2: {  	s2 =	sand.u32 @!p1 $0xFFFF8, s0  }
0x1f3: {  	s0 =	sand.u32 @!p1 $0x7, s0;
	s2 =	sadd.s32 @!p1 s1, s2  }
0x1f4: {  	[tilespmem:s10], [sflag:$0x6] =	stream.linear.gather @!p1 [hbm4b:s2+s0], $0x40, $0x38;
	[tilespmem:$0x1EF88] =	vst v63  }
0x1f5: {  	_ =	swait.ge @!p1 [sflag:s9], $0x40  }
0x1f6: {  	[sflag:s9] =	ssyncset.done @!p1 $0x0  }
0x1f7: {  	[sflag:s9] =	ssyncadd.s32 @!p1 $0xFFFFFFC0  }
0x1f8: {  	v1 =	vld @!p1 [tilespmem:$0xA0C8];
	_ =	sdelay $0x2  }
0x1f9: {  	s0 =	sshll.u32 @!p1 s11, $0x8  }
0x1fa: {  	s2 =	sshrl.u32 @!p1 s0, $0x2  }
0x1fb: {  	[tilespmem:s2+$0xA138] =	vst.add.f32.msk @!p1 $0xffff, v1  }
0x1fc: {  	v1 =	vld @!p1 [tilespmem:$0xA0D8];
	_ =	sdelay $0x4  }
0x1fd: {  	[tilespmem:s2+$0xA148] =	vst.add.f32.msk @!p1 $0xffff, v1  }
0x1fe: {  	v1 =	vld @!p1 [tilespmem:$0xA0E8];
	_ =	sdelay $0x4  }
0x1ff: {  	[tilespmem:s2+$0xA158] =	vst.add.f32.msk @!p1 $0xffff, v1  }
0x200: {  	v1 =	vld @!p1 [tilespmem:$0xA0F8];
	_ =	sdelay $0x4  }
0x201: {  	[tilespmem:s2+$0xA168] =	vst.add.f32.msk @!p1 $0xffff, v1  }
0x202: {  	s0 =	sshrl.u32 s0, $0x2;
	[tilespmem:s6+$0xA118] =	vst.msk $0x1, v0  }
0x203: {  	v0 =	vld [tilespmem:s0+$0xA138];
	_ =	sdelay $0x2  }
0x204: {  	s31 =	sshll.u32 s6, $0x8  }
0x205: {  	s2 =	sshra.s32 s31, $0x2  }
0x206: {  	[tilespmem:s2+$0xA138] =	vst v0  }
0x207: {  	v0 =	vld [tilespmem:s0+$0xA148];
	_ =	sdelay $0x4  }
0x208: {  	[tilespmem:s2+$0xA148] =	vst v0  }
0x209: {  	v0 =	vld [tilespmem:s0+$0xA158];
	_ =	sdelay $0x4  }
0x20a: {  	[tilespmem:s2+$0xA158] =	vst v0  }
0x20b: {  	v0 =	vld [tilespmem:s0+$0xA168];
	_ =	sdelay $0x4  }
0x20c: {  	s6 =	sadd.s32 $0x1, s6;
	[tilespmem:s2+$0xA168] =	vst v0  }
.LBB3_37:
0x20d: {  	s11 =	sadd.s32 $0x1, s11  }
0x20e: {  	p1 =	sne.s32 s11, $0x20  }
.Ltmp29:
0x20f: {  	_ = 	snop;
	(pc) =	sbr.rel @!p1 .LBB3_38-.Ltmp29, $1  }
0x210: {  	_ =	sdelay $0x3  }
.LBB3_30:
0x211: {  	v0 =	vld.msk [tilespmem:s11+$0xA118], $0x1;
	_ =	sdelay $0x4  }
0x212: {  	(v2sf) =	vpush v0, $0x0;
	_ =	sdelay $0xe  }
0x213: {  	s0 =	spop (v2sf)  }
0x214: {  	p1 =	seq.s32 s0, $0xFFFFFFFF  }
.Ltmp30:
0x215: {  	_ = 	snop;
	(pc) =	sbr.rel @p1 .LBB3_37-.Ltmp30, $1  }
0x216: {  	_ =	sdelay $0x3  }
0x217: {  	p1 =	slt.s32 s6, $0x1  }
.Ltmp31:
0x218: {  	_ = 	snop;
	(pc) =	sbr.rel @p1 .LBB3_36-.Ltmp31, $1  }
0x219: {  	_ =	sdelay $0x3  }
0x21a: {  	s2 =	simm.s32 $0xA118;
	p1 =	por $0x0, $0x0  }
0x21b: {  	v1 =	vld.msk @!p1 [tilespmem:s2+$0x0], $0x1;
	_ =	sdelay $0x4  }
0x21c: {  	(v2sf) =	vpush @!p1 v1, $0x0;
	_ =	sdelay $0xd  }
0x21d: {  	p3 =	sne.s32 s6, $0x1  }
.Ltmp32:
0x21e: {  	s3 =	spop @!p1 (v2sf);
	(pc) =	sbr.rel @!p3 .LBB3_34-.Ltmp32, $4  }
0x21f: {  	p2 =	seq.s32 @!p1 s0, s3  }
0x220: {  	s3 =	simm.s32 $0x0;
	p2 =	por !p2, p1  }
0x221: {  	s5 =	simm.s32 $0xFFFFFFFF;
	s3 =	simm.s32 @p2 $0xFFFFFFFF  }
0x222: {  	s4 =	simm.s32 $0x1;
	s3 =	smov.u32 @p1 s5  }
.LBB3_33:
0x223: {  	s5 =	smov.u32 s3;
	p1 =	sne.s32 s3, $0xFFFFFFFF  }
0x224: {  	s2 =	sadd.s32 $0x1, s2;
	s3 =	smov.u32 s4;
	s4 =	sadd.s32 $0x1, s4  }
0x225: {  	p2 =	sne.s32 s6, s4;
	v1 =	vld.msk @!p1 [tilespmem:s2+$0x0], $0x1;
	_ =	sdelay $0x4  }
0x226: {  	(v2sf) =	vpush @!p1 v1, $0x0;
	_ =	sdelay $0xe  }
.Ltmp33:
0x227: {  	s12 =	spop @!p1 (v2sf);
	(pc) =	sbr.rel @p2 .LBB3_33-.Ltmp33, $4  }
0x228: {  	p3 =	seq.s32 @!p1 s0, s12  }
0x229: {  	p3 =	por !p3, p1  }
0x22a: {  	s3 =	simm.s32 @p3 $0xFFFFFFFF  }
0x22b: {  	s3 =	smov.u32 @p1 s5  }
.LBB3_34:
0x22c: {  	p1 =	seq.s32 s3, $0xFFFFFFFF  }
.Ltmp34:
0x22d: {  	_ = 	snop;
	(pc) =	sbr.rel @p1 .LBB3_36-.Ltmp34, $1  }
0x22e: {  	_ =	sdelay $0x3  }
0x22f: {  	s0 =	sshll.u32 s11, $0x6  }
0x230: {  	s0 =	sand.u32 $0x3FFFFFC0, s0  }
0x231: {  	v0 =	vld [tilespmem:s0+$0xA138];
	_ =	sdelay $0x2  }
0x232: {  	s2 =	sshll.u32 s3, $0x8  }
0x233: {  	s2 =	sshra.s32 s2, $0x2  }
0x234: {  	[tilespmem:s2+$0xA138] =	vst.add.f32.msk $0xffff, v0  }
0x235: {  	v0 =	vld [tilespmem:s0+$0xA148];
	_ =	sdelay $0x4  }
0x236: {  	[tilespmem:s2+$0xA148] =	vst.add.f32.msk $0xffff, v0  }
0x237: {  	v0 =	vld [tilespmem:s0+$0xA158];
	_ =	sdelay $0x4  }
0x238: {  	[tilespmem:s2+$0xA158] =	vst.add.f32.msk $0xffff, v0  }
0x239: {  	v0 =	vld [tilespmem:s0+$0xA168]  }
.Ltmp35:
0x23a: {  	_ = 	snop;
	(pc) =	sbr.rel .LBB3_37-.Ltmp35, $2  }
0x23b: {  	_ =	sdelay $0x2  }
0x23c: {  	[tilespmem:s2+$0xA168] =	vst.add.f32.msk $0xffff, v0  }
.LBB3_38:
0x23d: {  	s0 =	simm.s32 $0x6;
	p1 =	seq.s32 s6, $0x0  }
0x23e: {  	[sflag:s0] =	ssyncpa.u1 $0x1;
	v0 =	vimm.s32 @p1 $0xFFFFFFFF  }
0x23f: {  	s0 =	sadd.s32 $0xFFFFFFFF, s6;
	[tilespmem:$0xA938] =	vst @p1 v0  }
0x240: {  	v0 =	vld.msk @!p1 [tilespmem:s0+$0xA118], $0x1;
	_ =	sdelay $0x1  }
0x241: {  	v1 =	vld.msk @!p1 [tilespmem:$0xA118], $0x1;
	_ =	sdelay $0x2  }
0x242: {  	p2 =	seq.s32 @!p1 s0, $0x0;
	v0 =	vbroadcast @!p1 v0, $0x0  }
0x243: {  	vm0 =	vmmov @!p1 $0x1;
	p2 =	por !p2, p1  }
0x244: {  	v1 =	vnsel @!p1 vm0, $0xFFFFFFFF, v1;
	vm0 =	vcmask @!p1 $0x308;
	v0 =	vpsel !p2, $0xFFFFFFFF, v0  }
0x245: {  	p2 =	sne.s32 @!p1 s8, s7;
	v0 =	vsel @!p1 vm0, v1, v0  }
0x246: {  	s2 =	simm.s32 @!p1 $0xA138;
	s3 =	simm.s32 @!p1 $0x0;
	p3 =	por !p2, p1;
	[tilespmem:$0xA938] =	vst @!p1 v0  }
0x247: {  	[spmem:s3] =	stream.linear.scatter @!p1 [tilespmem:s2], [sflag:$0x1], $0x40, $0x38;
	[tilespmem:$0x1EF88] =	vst v63  }
0x248: {  	s2 =	sshll.u32 @!p3 s0, $0x8  }
0x249: {  	s2 =	sshra.s32 @!p3 s2, $0x2  }
0x24a: {  	s3 =	simm.s32 @!p3 $0x40;
	s2 =	sadd.s32 @!p3 $0xA138, s2  }
0x24b: {  	[spmem:s3] =	stream.linear.scatter @!p3 [tilespmem:s2], [sflag:$0x1], $0x40, $0x38;
	[tilespmem:$0x1EF88] =	vst v63  }
0x24c: {  	s2 =	simm.s32 @!p3 $0x1  }
0x24d: {  	_ =	swait.ge @!p3 [sflag:s2], $0x80  }
0x24e: {  	p1 =	por p2, p1;
	[sflag:s2] =	ssyncset.done @!p3 $0x0  }
0x24f: {  	[sflag:s2] =	ssyncadd.s32 @!p3 $0xFFFFFF80;
	s2 =	simm.s32 @!p1 $0x1  }
0x250: {  	_ =	swait.ge @!p1 [sflag:s2], $0x40  }
0x251: {  	s29 =	simm.s32 $0xA938;
	[sflag:s2] =	ssyncset.done @!p1 $0x0  }
0x252: {  	s30 =	simm.s32 $0x800;
	s31 =	simm.s32 $0x1;
	[sflag:s2] =	ssyncadd.s32 @!p1 $0xFFFFFFC0  }
0x253: {  	[spmem:s30] =	stream.linear.scatter [tilespmem:s29], [sflag:$0x1], $0x10, $0x38;
	[tilespmem:$0x1EF88] =	vst v63  }
0x254: {  	_ =	swait.ge [sflag:s31], $0x10  }
0x255: {  	[sflag:s31] =	ssyncset.done $0x0  }
0x256: {  	p1 =	seq.s32 s13, $0x0;
	s9 =	rddreg [dreg:$0x1];
	[sflag:s31] =	ssyncadd.s32 $0xFFFFFFF0  }
0x257: {  	s3 =	sshll.u32 @p1 s9, $0xE;
	s8 =	rddreg [dreg:$0x2]  }
0x258: {  	s2 =	sadd.s32 @p1 $0x15C3C, s3;
	s3 =	sshll.u32 @p1 s8, $0x11  }
0x259: {  	_ =	sfence.stream.spmem;
	s2 =	sor.u32 @p1 s3, s2  }
0x25a: {  	[sflag:s2] =	ssyncadd.remote.s32 @p1 $0x1;
	s2 =	simm.s32 @p1 $0x4  }
0x25b: {  	s4 =	simm.s32 @!p1 $0x3C;
	s3 =	sand.u32 $0xFFFFFFFE, s9;
	_ =	swait.ge @p1 [sflag:s2], $0x12  }
0x25c: {  	s5 =	simm.s32 @!p1 $0x0;
	s3 =	sadd.s32 @!p1 $0x4, s3;
	[sflag:s2] =	ssyncset.done @p1 $0x0  }
0x25d: {  	s7 =	simm.s32 @!p1 $0x80;
	[sflag:s2] =	ssyncadd.s32 @p1 $0xFFFFFFEE;
	s2 =	sshll.u32 @!p1 s3, $0x1A  }
0x25e: {  	s3 =	sshll.u32 @!p1 s3, $0xD;
	s2 =	sor.u32 @!p1 s2, s8;
	_ =	swait.eq @!p1 [sflag:s4], $0x1  }
0x25f: {  	s3 =	sor.u32 @!p1 $0x1C04, s3;
	s4 =	simm.s32 @!p1 $0x1C03;
	s2 =	sor.u32 @!p1 $0x80004000, s2  }
0x260: {  	[spmem:s7], [sflag:s3] =	dma.general @!p1 [spmem:s5], [sflag:s4], length:$0x10, [dreg:$0x0], stride_count:$0x0, ici_dest:s2, dma_misc:DstOpCode:WRITE  }
0x261: {  	p2 =	slt.s32 s0, $0x2;
	s5 =	simm.s32 @!p1 $0x100;
	s7 =	simm.s32 @!p1 $0x102  }
0x262: {  	[spmem:s7], [sflag:s3] =	dma.general @!p1 [spmem:s5], [sflag:s4], length:$0x2, [dreg:$0x0], stride_count:$0x0, ici_dest:s2, dma_misc:DstOpCode:WRITE  }
.Ltmp36:
0x263: {  	s2 =	simm.s32 @!p1 $0x3;
	(pc) =	sbr.rel @p2 .LBB3_42-.Ltmp36, $4  }
0x264: {  	s3 =	sshll.u32 @!p1 s9, $0xE;
	_ =	swait.ge @!p1 [sflag:s2], $0x12  }
0x265: {  	s4 =	sshll.u32 @!p1 s8, $0x11;
	s3 =	sadd.s32 @!p1 $0x11C3C, s3;
	[sflag:s2] =	ssyncset.done @!p1 $0x0  }
0x266: {  	[sflag:s2] =	ssyncadd.s32 @!p1 $0xFFFFFFEE;
	s2 =	sor.u32 @!p1 s4, s3  }
0x267: {  	s0 =	simm.s32 $0x0;
	[sflag:s2] =	ssyncadd.remote.s32 @!p1 $0xFFFFFFFF  }
0x268: {  	s0 =	simm.s32 $0xA119  }
0x269: {  	v0 =	vld.msk [tilespmem:s0+$0x0], $0x1;
	_ =	sdelay $0x4  }
0x26a: {  	(v2sf) =	vpush v0, $0x0;
	_ =	sdelay $0xc  }
0x26b: {  	s2 =	sadd.s32 $0xFFFFFFFE, s6  }
0x26c: {  	s2 =	sadd.s32 $0xFFFFFFFF, s2  }
0x26d: {  	p2 =	sne.s32 s2, $0x0;
	s3 =	spop (v2sf)  }
.Ltmp37:
0x26e: {  	p1 =	sgt.u32 s3, $0xC34F8;
	(pc) =	sbr.rel @!p2 .LBB3_41-.Ltmp37, $4  }
0x26f: {  	s5 =	simm.s32 $0x0;
	s4 =	sand.u32 @!p1 $0xFFFF8, s3  }
0x270: {  	s0 =	simm.s32 $0xA178;
	s3 =	sand.u32 @!p1 $0x7, s3;
	s4 =	sadd.s32 @!p1 s1, s4  }
0x271: {  	[hbm4b:s4+s3] =	stream.linear.scatter @!p1 [tilespmem:s0], [sflag:$0x5], $0x40, $0x38;
	[tilespmem:$0x1EF88] =	vst v63  }
0x272: {  	s5 =	simm.s32 @!p1 $0x100;
	s3 =	simm.s32 $0x0;
	s4 =	simm.s32 $0xA11A  }
.LBB3_40:
0x273: {  	v0 =	vld.msk [tilespmem:s4+$0x0], $0x1;
	s2 =	sadd.s32 $0xFFFFFFFF, s2;
	s3 =	sadd.s32 s3, s5  }
0x274: {  	p1 =	sne.s32 s2, $0x0;
	_ =	sdelay $0x3  }
0x275: {  	(v2sf) =	vpush v0, $0x0;
	_ =	sdelay $0xe  }
.Ltmp38:
0x276: {  	s6 =	spop (v2sf);
	(pc) =	sbr.rel @p1 .LBB3_40-.Ltmp38, $4  }
0x277: {  	s5 =	simm.s32 $0x0;
	p2 =	sgt.u32 s6, $0xC34F8  }
0x278: {  	s0 =	sadd.s32 $0x40, s0;
	s5 =	simm.s32 @!p2 $0x100;
	s7 =	sand.u32 @!p2 $0xFFFF8, s6  }
0x279: {  	s4 =	sadd.s32 $0x1, s4;
	s6 =	sand.u32 @!p2 $0x7, s6;
	s7 =	sadd.s32 @!p2 s1, s7  }
0x27a: {  	[hbm4b:s7+s6] =	stream.linear.scatter @!p2 [tilespmem:s0], [sflag:$0x5], $0x40, $0x38;
	[tilespmem:$0x1EF88] =	vst v63  }
.LBB3_41:
0x27b: {  	s0 =	sadd.s32 s3, s5  }
0x27c: {  	s0 =	sshrl.u32 s0, $0x2  }
.LBB3_42:
0x27d: {  	s2 =	simm.s32 $0x5  }
0x27e: {  	_ =	swait.ge [sflag:s2], s0  }
0x27f: {  	s31 =	ssub.s32 $0x0, s0;
	[sflag:s2] =	ssyncset.done $0x0  }
0x280: {  	[sflag:s2] =	ssyncadd.s32 s31  }
0x281: {  	[sflag:s2] =	ssyncpa.u1 $0x1  }
.LBB3_43:
0x282: {  	s0 =	sor.u32 s13, s14  }
0x283: {  	p1 =	sne.s32 s0, $0x0  }
.Ltmp39:
0x284: {  	_ = 	snop;
	(pc) =	sbr.rel @p1 .LBB3_58-.Ltmp39, $3  }
0x285: {  	_ =	sdelay $0x1  }
0x286: {  	[bflag:$0x0] =	sbarrier.arrive $0xFFFF  }
0x287: {  	_ =	sfence  }
0x288: {  	s0 =	simm.s32 $0x7  }
0x289: {  	s2 =	simm.s32 $0x800;
	s3 =	simm.s32 $0xA118;
	[sflag:s0] =	ssyncpa.u1 $0x0  }
0x28a: {  	[tilespmem:s3], [sflag:$0x7] =	stream.linear.gather [spmem:s2], $0x20, $0x38;
	[tilespmem:$0x1EF88] =	vst v63  }
0x28b: {  	s30 =	simm.s32 $0xA138;
	s2 =	simm.s32 $0x0  }
0x28c: {  	[tilespmem:s30], [sflag:$0x7] =	stream.linear.gather [spmem:s2], $0x800, $0x38;
	[tilespmem:$0x1EF88] =	vst v63  }
.Ltmp40:
0x28d: {  	_ = 	snop;
	(pc) =	sbr.rel .LBB3_45-.Ltmp40, $4  }
0x28e: {  	_ =	swait.ge [sflag:s0], $0x820  }
0x28f: {  	[sflag:s0] =	ssyncset.done $0x0  }
0x290: {  	s31 =	simm.s32 $0x8;
	[sflag:s0] =	ssyncadd.s32 $0xFFFFF7E0  }
0x291: {  	s3 =	simm.s32 $0x0;
	[sflag:s31] =	ssyncpa.u1 $0x0  }
.LBB3_51:
0x292: {  	p1 =	slt.u32 s0, $0xC34F9  }
0x293: {  	s4 =	sand.u32 @p1 $0xFFFF8, s0  }
0x294: {  	s0 =	sand.u32 @p1 $0x7, s0;
	s5 =	simm.s32 @p1 $0xA0C8;
	s4 =	sadd.s32 @p1 s1, s4  }
0x295: {  	[tilespmem:s5], [sflag:$0x8] =	stream.linear.gather @p1 [hbm4b:s4+s0], $0x40, $0x38;
	[tilespmem:$0x1EF88] =	vst v63  }
0x296: {  	s0 =	simm.s32 @p1 $0x8  }
0x297: {  	_ =	swait.ge @p1 [sflag:s0], $0x40  }
0x298: {  	[sflag:s0] =	ssyncset.done @p1 $0x0  }
0x299: {  	[sflag:s0] =	ssyncadd.s32 @p1 $0xFFFFFFC0  }
0x29a: {  	v1 =	vld @p1 [tilespmem:$0xA0C8];
	_ =	sdelay $0x2  }
0x29b: {  	s0 =	sshll.u32 @p1 s3, $0x8  }
0x29c: {  	s4 =	sshrl.u32 @p1 s0, $0x2  }
0x29d: {  	[tilespmem:s4+$0xA138] =	vst.add.f32.msk @p1 $0xffff, v1  }
0x29e: {  	v1 =	vld @p1 [tilespmem:$0xA0D8];
	_ =	sdelay $0x4  }
0x29f: {  	[tilespmem:s4+$0xA148] =	vst.add.f32.msk @p1 $0xffff, v1  }
0x2a0: {  	v1 =	vld @p1 [tilespmem:$0xA0E8];
	_ =	sdelay $0x4  }
0x2a1: {  	[tilespmem:s4+$0xA158] =	vst.add.f32.msk @p1 $0xffff, v1  }
0x2a2: {  	v1 =	vld @p1 [tilespmem:$0xA0F8];
	_ =	sdelay $0x3  }
0x2a3: {  	s5 =	sshll.u32 @!p1 s3, $0x8  }
0x2a4: {  	s5 =	smov.u32 @p1 s0;
	[tilespmem:s4+$0xA168] =	vst.add.f32.msk @p1 $0xffff, v1  }
0x2a5: {  	s0 =	sshrl.u32 s5, $0x2;
	[tilespmem:s2+$0xA118] =	vst.msk $0x1, v0  }
0x2a6: {  	v0 =	vld [tilespmem:s0+$0xA138];
	_ =	sdelay $0x2  }
0x2a7: {  	s31 =	sshll.u32 s2, $0x8  }
0x2a8: {  	s4 =	sshra.s32 s31, $0x2  }
0x2a9: {  	[tilespmem:s4+$0xA138] =	vst v0  }
0x2aa: {  	v0 =	vld [tilespmem:s0+$0xA148];
	_ =	sdelay $0x4  }
0x2ab: {  	[tilespmem:s4+$0xA148] =	vst v0  }
0x2ac: {  	v0 =	vld [tilespmem:s0+$0xA158];
	_ =	sdelay $0x4  }
0x2ad: {  	[tilespmem:s4+$0xA158] =	vst v0  }
0x2ae: {  	v0 =	vld [tilespmem:s0+$0xA168];
	_ =	sdelay $0x4  }
0x2af: {  	s2 =	sadd.s32 $0x1, s2;
	[tilespmem:s4+$0xA168] =	vst v0  }
.LBB3_52:
0x2b0: {  	s3 =	sadd.s32 $0x1, s3  }
0x2b1: {  	p1 =	sne.s32 s3, $0x20  }
.Ltmp41:
0x2b2: {  	_ = 	snop;
	(pc) =	sbr.rel @!p1 .LBB3_53-.Ltmp41, $1  }
0x2b3: {  	_ =	sdelay $0x3  }
.LBB3_45:
0x2b4: {  	v0 =	vld.msk [tilespmem:s3+$0xA118], $0x1;
	_ =	sdelay $0x4  }
0x2b5: {  	(v2sf) =	vpush v0, $0x0;
	_ =	sdelay $0xe  }
0x2b6: {  	s0 =	spop (v2sf)  }
0x2b7: {  	p1 =	seq.s32 s0, $0xFFFFFFFF  }
.Ltmp42:
0x2b8: {  	_ = 	snop;
	(pc) =	sbr.rel @p1 .LBB3_52-.Ltmp42, $1  }
0x2b9: {  	_ =	sdelay $0x3  }
0x2ba: {  	p1 =	slt.s32 s2, $0x1  }
.Ltmp43:
0x2bb: {  	_ = 	snop;
	(pc) =	sbr.rel @p1 .LBB3_51-.Ltmp43, $1  }
0x2bc: {  	_ =	sdelay $0x3  }
0x2bd: {  	s4 =	simm.s32 $0xA118;
	p1 =	por $0x0, $0x0  }
0x2be: {  	v1 =	vld.msk @!p1 [tilespmem:s4+$0x0], $0x1;
	_ =	sdelay $0x4  }
0x2bf: {  	(v2sf) =	vpush @!p1 v1, $0x0;
	_ =	sdelay $0xd  }
0x2c0: {  	p3 =	sne.s32 s2, $0x1  }
.Ltmp44:
0x2c1: {  	s5 =	spop @!p1 (v2sf);
	(pc) =	sbr.rel @!p3 .LBB3_49-.Ltmp44, $4  }
0x2c2: {  	p2 =	seq.s32 @!p1 s0, s5  }
0x2c3: {  	s5 =	simm.s32 $0x0;
	p2 =	por !p2, p1  }
0x2c4: {  	s7 =	simm.s32 $0xFFFFFFFF;
	s5 =	simm.s32 @p2 $0xFFFFFFFF  }
0x2c5: {  	s6 =	simm.s32 $0x1;
	s5 =	smov.u32 @p1 s7  }
.LBB3_48:
0x2c6: {  	s7 =	smov.u32 s5;
	p1 =	sne.s32 s5, $0xFFFFFFFF  }
0x2c7: {  	s4 =	sadd.s32 $0x1, s4;
	s5 =	smov.u32 s6;
	s6 =	sadd.s32 $0x1, s6  }
0x2c8: {  	p2 =	sne.s32 s2, s6;
	v1 =	vld.msk @!p1 [tilespmem:s4+$0x0], $0x1;
	_ =	sdelay $0x4  }
0x2c9: {  	(v2sf) =	vpush @!p1 v1, $0x0;
	_ =	sdelay $0xe  }
.Ltmp45:
0x2ca: {  	s8 =	spop @!p1 (v2sf);
	(pc) =	sbr.rel @p2 .LBB3_48-.Ltmp45, $4  }
0x2cb: {  	p3 =	seq.s32 @!p1 s0, s8  }
0x2cc: {  	p3 =	por !p3, p1  }
0x2cd: {  	s5 =	simm.s32 @p3 $0xFFFFFFFF  }
0x2ce: {  	s5 =	smov.u32 @p1 s7  }
.LBB3_49:
0x2cf: {  	p1 =	seq.s32 s5, $0xFFFFFFFF  }
.Ltmp46:
0x2d0: {  	_ = 	snop;
	(pc) =	sbr.rel @p1 .LBB3_51-.Ltmp46, $1  }
0x2d1: {  	_ =	sdelay $0x3  }
0x2d2: {  	s0 =	sshll.u32 s3, $0x6  }
0x2d3: {  	s0 =	sand.u32 $0x3FFFFFC0, s0  }
0x2d4: {  	v0 =	vld [tilespmem:s0+$0xA138];
	_ =	sdelay $0x2  }
0x2d5: {  	s4 =	sshll.u32 s5, $0x8  }
0x2d6: {  	s4 =	sshra.s32 s4, $0x2  }
0x2d7: {  	[tilespmem:s4+$0xA138] =	vst.add.f32.msk $0xffff, v0  }
0x2d8: {  	v0 =	vld [tilespmem:s0+$0xA148];
	_ =	sdelay $0x4  }
0x2d9: {  	[tilespmem:s4+$0xA148] =	vst.add.f32.msk $0xffff, v0  }
0x2da: {  	v0 =	vld [tilespmem:s0+$0xA158];
	_ =	sdelay $0x4  }
0x2db: {  	[tilespmem:s4+$0xA158] =	vst.add.f32.msk $0xffff, v0  }
0x2dc: {  	v0 =	vld [tilespmem:s0+$0xA168]  }
.Ltmp47:
0x2dd: {  	_ = 	snop;
	(pc) =	sbr.rel .LBB3_52-.Ltmp47, $2  }
0x2de: {  	_ =	sdelay $0x2  }
0x2df: {  	[tilespmem:s4+$0xA168] =	vst.add.f32.msk $0xffff, v0  }
.LBB3_53:
0x2e0: {  	p1 =	slt.s32 s2, $0x1  }
.Ltmp48:
0x2e1: {  	_ = 	snop;
	(pc) =	sbr.rel @p1 .LBB3_57-.Ltmp48, $3  }
0x2e2: {  	_ =	sdelay $0x1  }
0x2e3: {  	s0 =	simm.s32 $0x8  }
0x2e4: {  	[sflag:s0] =	ssyncpa.u1 $0x1;
	s0 =	simm.s32 $0x0  }
0x2e5: {  	s3 =	simm.s32 $0xA118  }
0x2e6: {  	v0 =	vld.msk [tilespmem:s3+$0x0], $0x1;
	_ =	sdelay $0x4  }
0x2e7: {  	(v2sf) =	vpush v0, $0x0;
	_ =	sdelay $0xe  }
0x2e8: {  	s2 =	sadd.s32 $0xFFFFFFFF, s2;
	s4 =	spop (v2sf)  }
0x2e9: {  	p2 =	sne.s32 s2, $0x0;
	p1 =	sgt.u32 s4, $0xC34F8  }
.Ltmp49:
0x2ea: {  	s5 =	sand.u32 @!p1 $0xFFFF8, s4;
	(pc) =	sbr.rel @!p2 .LBB3_56-.Ltmp49, $4  }
0x2eb: {  	s3 =	simm.s32 $0xA138;
	s4 =	sand.u32 @!p1 $0x7, s4;
	s5 =	sadd.s32 @!p1 s1, s5  }
0x2ec: {  	[hbm4b:s5+s4] =	stream.linear.scatter @!p1 [tilespmem:s3], [sflag:$0x7], $0x40, $0x38;
	[tilespmem:$0x1EF88] =	vst v63  }
0x2ed: {  	s5 =	simm.s32 $0x0  }
0x2ee: {  	s4 =	simm.s32 $0xA119;
	s5 =	simm.s32 @!p1 $0x100  }
.LBB3_55:
0x2ef: {  	v0 =	vld.msk [tilespmem:s4+$0x0], $0x1;
	s2 =	sadd.s32 $0xFFFFFFFF, s2;
	s0 =	sadd.s32 s0, s5  }
0x2f0: {  	p1 =	sne.s32 s2, $0x0;
	_ =	sdelay $0x3  }
0x2f1: {  	(v2sf) =	vpush v0, $0x0;
	_ =	sdelay $0xe  }
.Ltmp50:
0x2f2: {  	s6 =	spop (v2sf);
	(pc) =	sbr.rel @p1 .LBB3_55-.Ltmp50, $4  }
0x2f3: {  	s5 =	simm.s32 $0x0;
	p2 =	sgt.u32 s6, $0xC34F8  }
0x2f4: {  	s3 =	sadd.s32 $0x40, s3;
	s5 =	simm.s32 @!p2 $0x100;
	s7 =	sand.u32 @!p2 $0xFFFF8, s6  }
0x2f5: {  	s4 =	sadd.s32 $0x1, s4;
	s6 =	sand.u32 @!p2 $0x7, s6;
	s7 =	sadd.s32 @!p2 s1, s7  }
0x2f6: {  	[hbm4b:s7+s6] =	stream.linear.scatter @!p2 [tilespmem:s3], [sflag:$0x7], $0x40, $0x38;
	[tilespmem:$0x1EF88] =	vst v63  }
.LBB3_56:
0x2f7: {  	s0 =	sadd.s32 s0, s5  }
0x2f8: {  	s0 =	sshrl.u32 s0, $0x2  }
.LBB3_57:
0x2f9: {  	s1 =	simm.s32 $0x7  }
0x2fa: {  	_ =	swait.ge [sflag:s1], s0  }
0x2fb: {  	s31 =	ssub.s32 $0x0, s0;
	[sflag:s1] =	ssyncset.done $0x0  }
0x2fc: {  	[sflag:s1] =	ssyncadd.s32 s31  }
0x2fd: {  	[sflag:s1] =	ssyncpa.u1 $0x1  }
.LBB3_58:
0x2fe: {  	_ =	sfence;
	s0 =	simm.s32 $0x1  }
0x2ff: {  	[sflag:s0] =	ssyncpa.u1 $0x1  }
0x300: {  	_ =	strace $0x9000004D  }
0x301: {  	[bflag:$0x2] =	sbarrier.arrive $0xFFFF  }
0x302: {  	s0 =	rddreg [dreg:$0x3]  }
0x303: {  	s0 =	sadd.s32 @!p0 $0x100000, s0  }
0x304: {  	[sflag:s0] =	ssyncadd.tile.s32 @!p0 $0x1;
	_ =	shalt  }
.Lfunc_end3:
_tile_overlayer_lowered:
.L_overlay_start_3:
0x305: {  	(tag) =	ssettag $0x3  }
0x306: {  	s0 =	rddreg [dreg:$0x0];
	s2 =	stileid.u32  }
0x307: {  	s1 =	rddreg [dreg:$0x1];
	p0 =	sne.s32 s2, $0x0  }
0x308: {  	s3 =	rddreg [dreg:$0x2];
	[bflag:$0x3] =	sbarrier.arrive $0xFFFF;
	s2 =	simm.s32 @!p0 $0x1C01  }
0x309: {  	[timem:s3], [sflag:s2] =	dma.local @!p0 [hbm:s0], s1  }
0x30a: {  	s0 =	simm.s32 @!p0 $0x1  }
0x30b: {  	_ =	swait.ge @!p0 [sflag:s0], s1  }
0x30c: {  	s1 =	ssub.s32 @!p0 $0x0, s1;
	[sflag:s0] =	ssyncset.done @!p0 $0x0  }
0x30d: {  	[sflag:s0] =	ssyncadd.s32 @!p0 s1  }
0x30e: {  	[bflag:$0x3] =	sbarrier.arrive $0xFFFF  }
0x30f: {  	_ =	shalt  }

</sc_bundles>
